<compile_context>
chip_gen: v7x
topology: tpu7x:2x2x1
jax: 0.10.2.dev20260603
libtpu: 0.0.44.dev20260713+nightly
codegen_flags: <defaults>
</compile_context>

<pallas_src>
import functools
import math

import jax
import jax.numpy as jnp
import numpy as np
from jax import lax
from jax.experimental import pallas as pl
from jax.experimental.pallas import tpu as pltpu
from jax.experimental.pallas import tpu_sc as plsc

H_B, W_B = 512, 512
H_R, W_R = 64, 2048
P = H_B * W_B
B = 2
C = 64
Z_MIN, Z_MAX = -4.0, 2.0
Z_BINS = 30
PHI_MIN, PHI_MAX = -math.pi, math.pi
THETA_MIN, THETA_MAX = math.radians(-25.0), math.radians(3.0)
XMIN, XMAX, YMIN, YMAX = -50.0, 50.0, -50.0, 50.0

NUM_WORKERS = 32
UNIT_COLS = 16
NUM_CU = W_R // UNIT_COLS
CHUNK_PAIRS = 128
CHUNK_PX = CHUNK_PAIRS * 2


def _static_prep():
    y = np.linspace(YMAX, YMIN, H_B)
    x = np.linspace(XMIN, XMAX, W_B)
    yg, xg = np.meshgrid(y, x, indexing="ij")
    phi = np.arctan2(yg, xg)
    col = np.clip(np.round((phi - PHI_MIN) / (PHI_MAX - PHI_MIN) * (W_R - 1)),
                  0, W_R - 1).astype(np.int32).ravel()
    rho = (np.sqrt(xg ** 2 + yg ** 2) + 1e-6).astype(np.float32).ravel()

    order = np.argsort(col, kind="stable")
    sorted_cols = col[order]
    starts = np.searchsorted(sorted_cols, np.arange(W_R))
    ends = np.searchsorted(sorted_cols, np.arange(W_R), side="right")

    plist_parts = []
    coff = np.zeros(NUM_CU, np.int64)
    ccnt = np.zeros(NUM_CU, np.int64)
    pair_col = col.reshape(-1, 2)
    total = 0
    for cu in range(NUM_CU):
        c0 = cu * UNIT_COLS
        px = np.concatenate(
            [order[starts[c]:ends[c]] for c in range(c0, c0 + UNIT_COLS)])
        prs = np.unique(px // 2)
        pc = (c0 + W_R // 2) % W_R
        in_unit = lambda cc: c0 <= cc < c0 + UNIT_COLS
        pad_pr = -1
        for cand in range(P // 2):
            cand_pr = (pc * 64 + cand) % (P // 2)
            cc = pair_col[cand_pr]
            if not in_unit(cc[0]) and not in_unit(cc[1]):
                pad_pr = cand_pr
                break
        n = len(prs)
        nck = max(1, -(-n // CHUNK_PAIRS))
        padded = np.full(nck * CHUNK_PAIRS, pad_pr, np.int64)
        padded[:n] = prs
        plist_parts.append(padded)
        coff[cu] = total
        ccnt[cu] = nck
        total += nck
    maxcc = int(ccnt.max())
    plist_parts.append(np.full(maxcc * CHUNK_PAIRS, plist_parts[-1][-1],
                               np.int64))
    plist = np.concatenate(plist_parts).astype(np.int32)

    units = [(int(ccnt[cu]), b, cu) for b in range(B) for cu in range(NUM_CU)]
    units.sort(reverse=True)
    loads = [0] * NUM_WORKERS
    slots = [[] for _ in range(NUM_WORKERS)]
    for g, b, cu in units:
        w = int(np.argmin(loads))
        loads[w] += g
        slots[w].append((b, cu))
    nslots = max(len(s) for s in slots)
    sched = np.zeros((nslots * NUM_WORKERS, 16), np.int32)
    for w in range(NUM_WORKERS):
        for s in range(nslots):
            r = s * NUM_WORKERS + w
            if s < len(slots[w]):
                b, cu = slots[w][s]
                sched[r, 0] = coff[cu]
                sched[r, 1] = ccnt[cu]
                sched[r, 2] = cu
                sched[r, 3] = b
            else:
                sched[r, 2] = -1
    return col, rho, plist, sched, nslots, maxcc


_COL_NP, _RHO_NP, _PLIST_NP, _SCHED_NP, NSLOTS, MAXCC = _static_prep()



def _idx_body(z_ref, rho_ref, col_ref, o_ref):
    dz = (Z_MAX - Z_MIN) / Z_BINS
    z = z_ref[...].astype(jnp.float32) * dz + (Z_MIN + dz / 2.0)
    theta = jnp.arctan2(z, rho_ref[...])
    sc = (H_R - 1) / (THETA_MAX - THETA_MIN)
    row = jnp.clip(jnp.round((THETA_MAX - theta) * sc), 0, H_R - 1).astype(jnp.int32)
    o_ref[...] = row * W_R + col_ref[...]


def _compute_idx(zflat, rho, colv):
    rows, cols = 16, P // 16
    return pl.pallas_call(
        _idx_body,
        grid=(B,),
        in_specs=[
            pl.BlockSpec((rows, cols), lambda b: (b, 0)),
            pl.BlockSpec((rows, cols), lambda b: (0, 0)),
            pl.BlockSpec((rows, cols), lambda b: (0, 0)),
        ],
        out_specs=pl.BlockSpec((rows, cols), lambda b: (b, 0)),
        out_shape=jax.ShapeDtypeStruct((B * rows, cols), jnp.int32),
    )(zflat.reshape(B * rows, cols), rho.reshape(rows, cols),
      colv.reshape(rows, cols)).reshape(B, P)


def _sc_scatter_max(featT, idxs, plist, sched):
    mesh = plsc.VectorSubcoreMesh(core_axis_name="c", subcore_axis_name="s")
    lanes = 16

    nacc = C * H_R * UNIT_COLS // 128
    nkb = C // lanes
    qwords = H_R * UNIT_COLS * lanes

    @functools.partial(
        pl.kernel,
        mesh=mesh,
        compiler_params=pltpu.CompilerParams(needs_layout_passes=False),
        out_type=jax.ShapeDtypeStruct((B * NUM_CU * nacc * 128,), jnp.float32),
        scratch_types=[
            [pltpu.VMEM((qwords + 128,), jnp.float32) for _ in range(nkb)],
            pltpu.VMEM((MAXCC * CHUNK_PAIRS,), jnp.int32),
            pltpu.VMEM((MAXCC * CHUNK_PAIRS,), jnp.int32),
            [pltpu.VMEM((CHUNK_PX,), jnp.int32)
             for _ in range(2)],
            [pltpu.VMEM((CHUNK_PX,), jnp.int32)
             for _ in range(2)],
            [pltpu.VMEM((CHUNK_PAIRS, 2 * C), jnp.float32)
             for _ in range(2)],
            pltpu.VMEM((lanes,), jnp.int32),
            [pltpu.SemaphoreType.DMA for _ in range(4)],
        ],
    )
    def k(featT_hbm, idx_hbm, plist_hbm, sched_hbm, rv_hbm,
          accs, plbuf, pairbuf, pxbufs, idxbufs, featbufs, schedbuf, sems):
        wid = lax.axis_index("s") * 2 + lax.axis_index("c")
        ninf = jnp.full((lanes,), -jnp.inf, jnp.float32)
        dummy0 = H_R * UNIT_COLS

        chv = jnp.arange(lanes, dtype=jnp.int32)

        def slot_body(s, _):
            pltpu.sync_copy(sched_hbm.at[s * NUM_WORKERS + wid], schedbuf)
            sv = schedbuf[...]
            coff = sv[0]
            ccnt = sv[1]
            cu = sv[2]
            bb = sv[3]
            c0 = cu * UNIT_COLS

            @pl.when(cu >= 0)
            def _():
                def init_body(i, _):
                    for a in accs:
                        for u in range(128 // lanes):
                            a[pl.ds(i * 128 + u * lanes, lanes)] = ninf
                    return 0

                lax.fori_loop(0, qwords // 128 + 1, init_body, 0)

                pltpu.sync_copy(
                    plist_hbm.at[pl.ds(coff * CHUNK_PAIRS,
                                       MAXCC * CHUNK_PAIRS)], plbuf)

                def off_body(j, _):
                    pairbuf[pl.ds(j * lanes, lanes)] = (
                        plbuf[pl.ds(j * lanes, lanes)] + bb * (P // 2))
                    return 0

                lax.fori_loop(0, MAXCC * CHUNK_PAIRS // lanes, off_body, 0)

                halves = jnp.arange(lanes, dtype=jnp.int32) // 2
                parity = jnp.arange(lanes, dtype=jnp.int32) % 2

                def issue(ci, d):
                    for j in range(CHUNK_PX // lanes):
                        pv = plsc.load_gather(
                            pairbuf, [halves + (ci * CHUNK_PAIRS + j * 8)])
                        pxbufs[d][pl.ds(j * lanes, lanes)] = (
                            pv * 2 + parity)
                    pltpu.async_copy(
                        featT_hbm.at[
                            pairbuf.at[pl.ds(ci * CHUNK_PAIRS, CHUNK_PAIRS)]],
                        featbufs[d], sems[d])
                    for h in range(2):
                        pltpu.async_copy(
                            idx_hbm.at[pxbufs[d].at[pl.ds(h * 128, 128)]],
                            idxbufs[d].at[pl.ds(h * 128, 128)], sems[2 + d])

                def wait(d):
                    pltpu.make_async_copy(
                        featT_hbm.at[pairbuf.at[pl.ds(0, CHUNK_PAIRS)]],
                        featbufs[d], sems[d]).wait()
                    pltpu.make_async_copy(idx_hbm.at[pl.ds(0, CHUNK_PX)],
                                          idxbufs[d], sems[2 + d]).wait()

                issue(0, 0)

                def compute(ci, featbuf, idxbuf):
                    def group_body(j, _):
                        iv = idxbuf[pl.ds(j * lanes, lanes)]
                        rowv = lax.shift_right_logical(iv, 11)
                        collv = (iv & (W_R - 1)) - c0
                        validm = (collv >= 0) & (collv < UNIT_COLS)
                        basev = (jnp.where(validm,
                                           rowv * UNIT_COLS + collv,
                                           dummy0) * lanes)
                        for l in range(lanes):
                            o = chv + basev[l]
                            pair = j * (lanes // 2) + l // 2
                            fvs = [featbuf[pair,
                                           pl.ds((l % 2) * C + kb * lanes,
                                                 lanes)]
                                   for kb in range(nkb)]
                            curs = [plsc.load_gather(accs[kb], [o])
                                    for kb in range(nkb)]
                            for kb in range(nkb):
                                plsc.store_scatter(
                                    accs[kb], [o],
                                    jnp.maximum(curs[kb], fvs[kb]))
                        return 0

                    lax.fori_loop(0, CHUNK_PX // lanes, group_body, 0)

                def chunk_pair(ci2, _):
                    ci0 = ci2 * 2

                    @pl.when(ci0 + 1 < ccnt)
                    def _():
                        issue(ci0 + 1, 1)

                    wait(0)
                    compute(ci0, featbufs[0], idxbufs[0])

                    @pl.when(ci0 + 1 < ccnt)
                    def _():
                        @pl.when(ci0 + 2 < ccnt)
                        def _():
                            issue(ci0 + 2, 0)

                        wait(1)
                        compute(ci0 + 1, featbufs[1], idxbufs[1])
                    return 0

                lax.fori_loop(0, (ccnt + 1) // 2, chunk_pair, 0)
                ubase = (bb * NUM_CU + cu) * (nacc * 128)
                for kb in range(nkb):
                    pltpu.sync_copy(
                        accs[kb].at[pl.ds(0, qwords)],
                        rv_hbm.at[pl.ds(ubase + kb * qwords, qwords)])
            return 0

        lax.fori_loop(0, NSLOTS, slot_body, 0)

    return k(featT, idxs, plist, sched)


def _clean_body(r_ref, o_ref):
    v = r_ref[...]
    o_ref[...] = jnp.where(jnp.isneginf(v), jnp.zeros_like(v), v)


def _cleanup(rv):
    blk = 2048
    n = rv.size
    shape = rv.shape
    return pl.pallas_call(
        _clean_body,
        grid=(n // (8 * blk),),
        in_specs=[pl.BlockSpec((8, blk), lambda i: (i, 0))],
        out_specs=pl.BlockSpec((8, blk), lambda i: (i, 0)),
        out_shape=jax.ShapeDtypeStruct((n // blk, blk), jnp.float32),
    )(rv.reshape(n // blk, blk)).reshape(shape)


def _geometry():
    y_lin = jnp.linspace(YMAX, YMIN, H_B)
    x_lin = jnp.linspace(XMIN, XMAX, W_B)
    yg, xg = jnp.meshgrid(y_lin, x_lin, indexing="ij")
    phi = jnp.arctan2(yg, xg)
    colv = jnp.clip(jnp.round((phi - PHI_MIN) / (PHI_MAX - PHI_MIN) * (W_R - 1)),
                    0, W_R - 1).astype(jnp.int32).reshape(-1)
    rho = (jnp.sqrt(xg ** 2 + yg ** 2) + 1e-06).reshape(-1)
    return colv, rho


def kernel(bev_feat, bev_z_bin):
    colv, rho = _geometry()
    zflat = bev_z_bin.reshape(B, P)
    idx = _compute_idx(zflat, rho, colv)

    featT = jnp.swapaxes(bev_feat.reshape(B, C, P), 1, 2).reshape(
        B * P // 2, 2 * C)

    plist = jnp.asarray(_PLIST_NP)
    rvt = _sc_scatter_max(featT, idx.reshape(B * P), plist,
                          jnp.asarray(_SCHED_NP))
    rvt = _cleanup(rvt)
    return (rvt.reshape(B, NUM_CU, C // 16, H_R, UNIT_COLS, 16)
            .transpose(0, 2, 5, 3, 1, 4).reshape(B, C, H_R, W_R))

# --- scband reference (transcript-rebuilt; emitter-appended) ---
"""Pipeline reference for scband-bev2-rv-36996848287966 (READ-ONLY COPY).

The authoritative reference and input builder live on the scoring server;
editing this copy changes nothing except your own understanding.
"""

import jax, jax.numpy as jnp
import numpy as np
import math

H_B, W_B = 512, 512
H_R, W_R = 64, 2048
Z_MIN, Z_MAX = -4.0, 2.0
Z_BINS = 30
PHI_MIN, PHI_MAX = -math.pi, math.pi
THETA_MIN, THETA_MAX = math.radians(-25.0), math.radians(3.0)
XMIN, XMAX, YMIN, YMAX = -50.0, 50.0, -50.0, 50.0


def _buffers():
    y_lin = jnp.linspace(YMAX, YMIN, H_B)
    x_lin = jnp.linspace(XMIN, XMAX, W_B)
    yg, xg = jnp.meshgrid(y_lin, x_lin, indexing='ij')
    phi = jnp.arctan2(yg, xg)
    col_idx = jnp.clip(jnp.round((phi - PHI_MIN) / (PHI_MAX - PHI_MIN) * (W_R - 1)), 0, W_R - 1).astype(jnp.int32)
    rho = jnp.sqrt(xg ** 2 + yg ** 2) + 1e-06
    return col_idx, rho


def setup_inputs(seed: int = 0) -> dict:
    key = jax.random.key(seed)
    k1, k2 = jax.random.split(key)
    bev_feat = jax.random.normal(k1, (2, 64, H_B, W_B), dtype=jnp.float32)
    bev_z_bin = jax.random.randint(k2, (2, 1, H_B, W_B), 0, Z_BINS).astype(jnp.int32)
    return {"bev_feat": bev_feat, "bev_z_bin": bev_z_bin}


def reference(bev_feat, bev_z_bin):
    col_idx, rho = _buffers()
    dz = (Z_MAX - Z_MIN) / Z_BINS
    z_rel = bev_z_bin[:, 0].astype(jnp.float32) * dz + (Z_MIN + dz / 2.0)

    def per_batch(feat_b, z_b):
        C = feat_b.shape[0]
        theta = jnp.arctan2(z_b, rho)
        row = jnp.clip(jnp.round((THETA_MAX - theta) / (THETA_MAX - THETA_MIN) * (H_R - 1)), 0, H_R - 1).astype(jnp.int32)
        idx = (row * W_R + col_idx).reshape(-1)
        src = feat_b.reshape(C, -1)
        rv = jnp.full((C, H_R * W_R), -jnp.inf, dtype=feat_b.dtype)
        rv = rv.at[:, idx].max(src)
        rv = jnp.where(jnp.isneginf(rv), jnp.zeros_like(rv), rv)
        return rv.reshape(C, H_R, W_R)

    return jax.vmap(per_batch)(bev_feat, z_rel)

if __name__ == "__main__":
    import jax
    _d = setup_inputs()
    print(jax.jit(kernel)(*tuple(_d.values())))

</pallas_src>

<mosaic_0001>
#map = affine_map<(d0, d1) -> (0, 0)>
#map1 = affine_map<(d0, d1) -> (0)>
module attributes {stable_mosaic.version = 14 : i64} {
  func.func @k(%arg0: i32, %arg1: i32, %arg2: memref<262144x128xf32, #tpu.memory_space<hbm>>, %arg3: memref<524288xi32, #tpu.memory_space<hbm>>, %arg4: memref<151552xi32, #tpu.memory_space<hbm>>, %arg5: memref<256x16xi32, #tpu.memory_space<hbm>>, %arg6: memref<16777216xf32, #tpu.memory_space<hbm>>, %arg7: memref<16512xf32, #tpu.memory_space<vmem>>, %arg8: memref<16512xf32, #tpu.memory_space<vmem>>, %arg9: memref<16512xf32, #tpu.memory_space<vmem>>, %arg10: memref<16512xf32, #tpu.memory_space<vmem>>, %arg11: memref<1792xi32, #tpu.memory_space<vmem>>, %arg12: memref<1792xi32, #tpu.memory_space<vmem>>, %arg13: memref<256xi32, #tpu.memory_space<vmem>>, %arg14: memref<256xi32, #tpu.memory_space<vmem>>, %arg15: memref<256xi32, #tpu.memory_space<vmem>>, %arg16: memref<256xi32, #tpu.memory_space<vmem>>, %arg17: memref<128x128xf32, #tpu.memory_space<vmem>>, %arg18: memref<128x128xf32, #tpu.memory_space<vmem>>, %arg19: memref<16xi32, #tpu.memory_space<vmem>>, %arg20: memref<!tpu.dma_semaphore, #tpu.memory_space<semaphore_mem>>, %arg21: memref<!tpu.dma_semaphore, #tpu.memory_space<semaphore_mem>>, %arg22: memref<!tpu.dma_semaphore, #tpu.memory_space<semaphore_mem>>, %arg23: memref<!tpu.dma_semaphore, #tpu.memory_space<semaphore_mem>>) attributes {dimension_semantics = [#tpu.dimension_semantics<core_parallel>, #tpu.dimension_semantics<subcore_parallel>], iteration_bounds = array<i64: 2, 16>, scalar_prefetch = 0 : i64, scratch_operands = 17 : i64, tpu.core_type = #tpu.core_type<sc_vector_subcore>, window_params = [{transform_indices = #map}, {transform_indices = #map1}, {transform_indices = #map1}, {transform_indices = #map}, {transform_indices = #map1}]} {
    %mul3A = arith.constant 2 : i32
    %mul3A_0 = arith.muli %arg1, %mul3A : i32
    %add3A = arith.addi %mul3A_0, %arg0 : i32
    %broadcast_in_dim3A = arith.constant 0xFF800000 : f32
    %broadcast_in_dim3A_1 = vector.broadcast %broadcast_in_dim3A : f32 to vector<16xf32>
    %iota3A = tpu.iota {dimensions = array<i32: 0>} : vector<16xi32>
    %scan3A = arith.constant 0 : i32
    %scan3A_2 = arith.constant 0 : i32
    %scan3A_3 = arith.constant 8 : i32
    %scan3A_4 = arith.addi %scan3A_2, %scan3A_3 : i32
    %scan3A_5 = arith.constant 1 : i32
    %scan3A_6 = scf.for %scan3A_8 = %scan3A_2 to %scan3A_4 step %scan3A_5 iter_args(%scan3A_9 = %scan3A) -> (i32)  : i32 {
      %mul3A_10 = arith.constant 32 : i32
      %mul3A_11 = arith.muli %scan3A_8, %mul3A_10 : i32
      %add3A_12 = arith.addi %mul3A_11, %add3A : i32
      "tpu.region"() ({
        %run_scoped3A = tpu.sem_alloc : memref<!tpu.dma_semaphore, #tpu.memory_space<semaphore_mem>>
        %dma_start3A = arith.constant 0 : i32
        %dma_start3A_25 = tpu.memref_slice %arg5[%add3A_12, %dma_start3A] : memref<256x16xi32, #tpu.memory_space<hbm>> -> memref<1x16xi32, #tpu.memory_space<hbm>>
        %dma_start3A_26 = tpu.memref_squeeze %dma_start3A_25 : memref<1x16xi32, #tpu.memory_space<hbm>> -> memref<16xi32, #tpu.memory_space<hbm>>
        %dma_start3A_27 = arith.constant 0 : i32
        %dma_start3A_28 = tpu.memref_slice %arg5[%add3A_12, %dma_start3A_27] : memref<256x16xi32, #tpu.memory_space<hbm>> -> memref<1x16xi32, #tpu.memory_space<hbm>>
        %dma_start3A_29 = tpu.memref_squeeze %dma_start3A_28 : memref<1x16xi32, #tpu.memory_space<hbm>> -> memref<16xi32, #tpu.memory_space<hbm>>
        tpu.enqueue_dma source(%dma_start3A_29 : memref<16xi32, #tpu.memory_space<hbm>>) target(%arg19 : memref<16xi32, #tpu.memory_space<vmem>>) target_semaphore(%run_scoped3A : memref<!tpu.dma_semaphore, #tpu.memory_space<semaphore_mem>>)
        %dma_wait3A = arith.constant 0 : i32
        %dma_wait3A_30 = tpu.memref_slice %arg5[%add3A_12, %dma_wait3A] : memref<256x16xi32, #tpu.memory_space<hbm>> -> memref<1x16xi32, #tpu.memory_space<hbm>>
        %dma_wait3A_31 = tpu.memref_squeeze %dma_wait3A_30 : memref<1x16xi32, #tpu.memory_space<hbm>> -> memref<16xi32, #tpu.memory_space<hbm>>
        %dma_wait3A_32 = arith.constant 0 : i32
        %dma_wait3A_33 = tpu.memref_slice %arg5[%add3A_12, %dma_wait3A_32] : memref<256x16xi32, #tpu.memory_space<hbm>> -> memref<1x16xi32, #tpu.memory_space<hbm>>
        %dma_wait3A_34 = tpu.memref_squeeze %dma_wait3A_33 : memref<1x16xi32, #tpu.memory_space<hbm>> -> memref<16xi32, #tpu.memory_space<hbm>>
        tpu.wait_dma2 semaphore(%run_scoped3A : memref<!tpu.dma_semaphore, #tpu.memory_space<semaphore_mem>>) src(%dma_wait3A_34 : memref<16xi32, #tpu.memory_space<hbm>>) dst(%arg19 : memref<16xi32, #tpu.memory_space<vmem>>)
        tpu.yield
      }) : () -> ()
      %get3A = arith.constant 0 : index
      %get3A_13 = tpu.vector_load %arg19[%get3A] {strides = array<i32>} : memref<16xi32, #tpu.memory_space<vmem>>, vector<16xi32>,
      %slice3A = vector.extract_strided_slice %get3A_13 {offsets = [0], sizes = [1], strides = [1]} : vector<16xi32> to vector<1xi32>
      %squeeze3A = vector.extract %slice3A[0] : i32 from vector<1xi32>
      %slice3A_14 = vector.extract_strided_slice %get3A_13 {offsets = [1], sizes = [1], strides = [1]} : vector<16xi32> to vector<1xi32>
      %squeeze3A_15 = vector.extract %slice3A_14[0] : i32 from vector<1xi32>
      %slice3A_16 = vector.extract_strided_slice %get3A_13 {offsets = [2], sizes = [1], strides = [1]} : vector<16xi32> to vector<1xi32>
      %squeeze3A_17 = vector.extract %slice3A_16[0] : i32 from vector<1xi32>
      %slice3A_18 = vector.extract_strided_slice %get3A_13 {offsets = [3], sizes = [1], strides = [1]} : vector<16xi32> to vector<1xi32>
      %squeeze3A_19 = vector.extract %slice3A_18[0] : i32 from vector<1xi32>
      %mul3A_20 = arith.constant 16 : i32
      %mul3A_21 = arith.muli %squeeze3A_17, %mul3A_20 : i32
      %ge3A = arith.constant 0 : i32
      %ge3A_22 = arith.cmpi sge, %squeeze3A_17, %ge3A : i32
      %convert_element_type3A = arith.extui %ge3A_22 : i1 to i32
      %cond3A = arith.constant 0 : i32
      %cond3A_23 = arith.cmpi ne, %convert_element_type3A, %cond3A : i32
      scf.if %cond3A_23 {
        %scan3A_25 = arith.constant 0 : i32
        %scan3A_26 = arith.constant 0 : i32
        %scan3A_27 = arith.constant 129 : i32
        %scan3A_28 = arith.addi %scan3A_26, %scan3A_27 : i32
        %scan3A_29 = arith.constant 1 : i32
        %scan3A_30 = scf.for %scan3A_310 = %scan3A_26 to %scan3A_28 step %scan3A_29 iter_args(%scan3A_311 = %scan3A_25) -> (i32)  : i32 {
          %mul3A_312 = arith.constant 128 : i32
          %mul3A_313 = arith.muli %scan3A_310, %mul3A_312 : i32
          %add3A_314 = arith.constant 0 : i32
          %add3A_315 = arith.addi %mul3A_313, %add3A_314 : i32
          %swap3A_316 = arith.index_cast %add3A_315 : i32 to index
          %swap3A_317 = tpu.vector_load %arg7[%swap3A_316] {strides = array<i32>} : memref<16512xf32, #tpu.memory_space<vmem>>, vector<16xf32>,
          tpu.vector_store %arg7[%swap3A_316], %broadcast_in_dim3A_1 {strides = array<i32>} : memref<16512xf32, #tpu.memory_space<vmem>>, vector<16xf32>,
          %mul3A_318 = arith.constant 128 : i32
          %mul3A_319 = arith.muli %scan3A_310, %mul3A_318 : i32
          %add3A_320 = arith.constant 16 : i32
          %add3A_321 = arith.addi %mul3A_319, %add3A_320 : i32
          %swap3A_322 = arith.index_cast %add3A_321 : i32 to index
          %swap3A_323 = tpu.vector_load %arg7[%swap3A_322] {strides = array<i32>} : memref<16512xf32, #tpu.memory_space<vmem>>, vector<16xf32>,
          tpu.vector_store %arg7[%swap3A_322], %broadcast_in_dim3A_1 {strides = array<i32>} : memref<16512xf32, #tpu.memory_space<vmem>>, vector<16xf32>,
          %mul3A_324 = arith.constant 128 : i32
          %mul3A_325 = arith.muli %scan3A_310, %mul3A_324 : i32
          %add3A_326 = arith.constant 32 : i32
          %add3A_327 = arith.addi %mul3A_325, %add3A_326 : i32
          %swap3A_328 = arith.index_cast %add3A_327 : i32 to index
          %swap3A_329 = tpu.vector_load %arg7[%swap3A_328] {strides = array<i32>} : memref<16512xf32, #tpu.memory_space<vmem>>, vector<16xf32>,
          tpu.vector_store %arg7[%swap3A_328], %broadcast_in_dim3A_1 {strides = array<i32>} : memref<16512xf32, #tpu.memory_space<vmem>>, vector<16xf32>,
          %mul3A_330 = arith.constant 128 : i32
          %mul3A_331 = arith.muli %scan3A_310, %mul3A_330 : i32
          %add3A_332 = arith.constant 48 : i32
          %add3A_333 = arith.addi %mul3A_331, %add3A_332 : i32
          %swap3A_334 = arith.index_cast %add3A_333 : i32 to index
          %swap3A_335 = tpu.vector_load %arg7[%swap3A_334] {strides = array<i32>} : memref<16512xf32, #tpu.memory_space<vmem>>, vector<16xf32>,
          tpu.vector_store %arg7[%swap3A_334], %broadcast_in_dim3A_1 {strides = array<i32>} : memref<16512xf32, #tpu.memory_space<vmem>>, vector<16xf32>,
          %mul3A_336 = arith.constant 128 : i32
          %mul3A_337 = arith.muli %scan3A_310, %mul3A_336 : i32
          %add3A_338 = arith.constant 64 : i32
          %add3A_339 = arith.addi %mul3A_337, %add3A_338 : i32
          %swap3A_340 = arith.index_cast %add3A_339 : i32 to index
          %swap3A_341 = tpu.vector_load %arg7[%swap3A_340] {strides = array<i32>} : memref<16512xf32, #tpu.memory_space<vmem>>, vector<16xf32>,
          tpu.vector_store %arg7[%swap3A_340], %broadcast_in_dim3A_1 {strides = array<i32>} : memref<16512xf32, #tpu.memory_space<vmem>>, vector<16xf32>,
          %mul3A_342 = arith.constant 128 : i32
          %mul3A_343 = arith.muli %scan3A_310, %mul3A_342 : i32
          %add3A_344 = arith.constant 80 : i32
          %add3A_345 = arith.addi %mul3A_343, %add3A_344 : i32
          %swap3A_346 = arith.index_cast %add3A_345 : i32 to index
          %swap3A_347 = tpu.vector_load %arg7[%swap3A_346] {strides = array<i32>} : memref<16512xf32, #tpu.memory_space<vmem>>, vector<16xf32>,
          tpu.vector_store %arg7[%swap3A_346], %broadcast_in_dim3A_1 {strides = array<i32>} : memref<16512xf32, #tpu.memory_space<vmem>>, vector<16xf32>,
          %mul3A_348 = arith.constant 128 : i32
          %mul3A_349 = arith.muli %scan3A_310, %mul3A_348 : i32
          %add3A_350 = arith.constant 96 : i32
          %add3A_351 = arith.addi %mul3A_349, %add3A_350 : i32
          %swap3A_352 = arith.index_cast %add3A_351 : i32 to index
          %swap3A_353 = tpu.vector_load %arg7[%swap3A_352] {strides = array<i32>} : memref<16512xf32, #tpu.memory_space<vmem>>, vector<16xf32>,
          tpu.vector_store %arg7[%swap3A_352], %broadcast_in_dim3A_1 {strides = array<i32>} : memref<16512xf32, #tpu.memory_space<vmem>>, vector<16xf32>,
          %mul3A_354 = arith.constant 128 : i32
          %mul3A_355 = arith.muli %scan3A_310, %mul3A_354 : i32
          %add3A_356 = arith.constant 112 : i32
          %add3A_357 = arith.addi %mul3A_355, %add3A_356 : i32
          %swap3A_358 = arith.index_cast %add3A_357 : i32 to index
          %swap3A_359 = tpu.vector_load %arg7[%swap3A_358] {strides = array<i32>} : memref<16512xf32, #tpu.memory_space<vmem>>, vector<16xf32>,
          tpu.vector_store %arg7[%swap3A_358], %broadcast_in_dim3A_1 {strides = array<i32>} : memref<16512xf32, #tpu.memory_space<vmem>>, vector<16xf32>,
          %mul3A_360 = arith.constant 128 : i32
          %mul3A_361 = arith.muli %scan3A_310, %mul3A_360 : i32
          %add3A_362 = arith.constant 0 : i32
          %add3A_363 = arith.addi %mul3A_361, %add3A_362 : i32
          %swap3A_364 = arith.index_cast %add3A_363 : i32 to index
          %swap3A_365 = tpu.vector_load %arg8[%swap3A_364] {strides = array<i32>} : memref<16512xf32, #tpu.memory_space<vmem>>, vector<16xf32>,
          tpu.vector_store %arg8[%swap3A_364], %broadcast_in_dim3A_1 {strides = array<i32>} : memref<16512xf32, #tpu.memory_space<vmem>>, vector<16xf32>,
          %mul3A_366 = arith.constant 128 : i32
          %mul3A_367 = arith.muli %scan3A_310, %mul3A_366 : i32
          %add3A_368 = arith.constant 16 : i32
          %add3A_369 = arith.addi %mul3A_367, %add3A_368 : i32
          %swap3A_370 = arith.index_cast %add3A_369 : i32 to index
          %swap3A_371 = tpu.vector_load %arg8[%swap3A_370] {strides = array<i32>} : memref<16512xf32, #tpu.memory_space<vmem>>, vector<16xf32>,
          tpu.vector_store %arg8[%swap3A_370], %broadcast_in_dim3A_1 {strides = array<i32>} : memref<16512xf32, #tpu.memory_space<vmem>>, vector<16xf32>,
          %mul3A_372 = arith.constant 128 : i32
          %mul3A_373 = arith.muli %scan3A_310, %mul3A_372 : i32
          %add3A_374 = arith.constant 32 : i32
          %add3A_375 = arith.addi %mul3A_373, %add3A_374 : i32
          %swap3A_376 = arith.index_cast %add3A_375 : i32 to index
          %swap3A_377 = tpu.vector_load %arg8[%swap3A_376] {strides = array<i32>} : memref<16512xf32, #tpu.memory_space<vmem>>, vector<16xf32>,
          tpu.vector_store %arg8[%swap3A_376], %broadcast_in_dim3A_1 {strides = array<i32>} : memref<16512xf32, #tpu.memory_space<vmem>>, vector<16xf32>,
          %mul3A_378 = arith.constant 128 : i32
          %mul3A_379 = arith.muli %scan3A_310, %mul3A_378 : i32
          %add3A_380 = arith.constant 48 : i32
          %add3A_381 = arith.addi %mul3A_379, %add3A_380 : i32
          %swap3A_382 = arith.index_cast %add3A_381 : i32 to index
          %swap3A_383 = tpu.vector_load %arg8[%swap3A_382] {strides = array<i32>} : memref<16512xf32, #tpu.memory_space<vmem>>, vector<16xf32>,
          tpu.vector_store %arg8[%swap3A_382], %broadcast_in_dim3A_1 {strides = array<i32>} : memref<16512xf32, #tpu.memory_space<vmem>>, vector<16xf32>,
          %mul3A_384 = arith.constant 128 : i32
          %mul3A_385 = arith.muli %scan3A_310, %mul3A_384 : i32
          %add3A_386 = arith.constant 64 : i32
          %add3A_387 = arith.addi %mul3A_385, %add3A_386 : i32
          %swap3A_388 = arith.index_cast %add3A_387 : i32 to index
          %swap3A_389 = tpu.vector_load %arg8[%swap3A_388] {strides = array<i32>} : memref<16512xf32, #tpu.memory_space<vmem>>, vector<16xf32>,
          tpu.vector_store %arg8[%swap3A_388], %broadcast_in_dim3A_1 {strides = array<i32>} : memref<16512xf32, #tpu.memory_space<vmem>>, vector<16xf32>,
          %mul3A_390 = arith.constant 128 : i32
          %mul3A_391 = arith.muli %scan3A_310, %mul3A_390 : i32
          %add3A_392 = arith.constant 80 : i32
          %add3A_393 = arith.addi %mul3A_391, %add3A_392 : i32
          %swap3A_394 = arith.index_cast %add3A_393 : i32 to index
          %swap3A_395 = tpu.vector_load %arg8[%swap3A_394] {strides = array<i32>} : memref<16512xf32, #tpu.memory_space<vmem>>, vector<16xf32>,
          tpu.vector_store %arg8[%swap3A_394], %broadcast_in_dim3A_1 {strides = array<i32>} : memref<16512xf32, #tpu.memory_space<vmem>>, vector<16xf32>,
          %mul3A_396 = arith.constant 128 : i32
          %mul3A_397 = arith.muli %scan3A_310, %mul3A_396 : i32
          %add3A_398 = arith.constant 96 : i32
          %add3A_399 = arith.addi %mul3A_397, %add3A_398 : i32
          %swap3A_400 = arith.index_cast %add3A_399 : i32 to index
          %swap3A_401 = tpu.vector_load %arg8[%swap3A_400] {strides = array<i32>} : memref<16512xf32, #tpu.memory_space<vmem>>, vector<16xf32>,
          tpu.vector_store %arg8[%swap3A_400], %broadcast_in_dim3A_1 {strides = array<i32>} : memref<16512xf32, #tpu.memory_space<vmem>>, vector<16xf32>,
          %mul3A_402 = arith.constant 128 : i32
          %mul3A_403 = arith.muli %scan3A_310, %mul3A_402 : i32
          %add3A_404 = arith.constant 112 : i32
          %add3A_405 = arith.addi %mul3A_403, %add3A_404 : i32
          %swap3A_406 = arith.index_cast %add3A_405 : i32 to index
          %swap3A_407 = tpu.vector_load %arg8[%swap3A_406] {strides = array<i32>} : memref<16512xf32, #tpu.memory_space<vmem>>, vector<16xf32>,
          tpu.vector_store %arg8[%swap3A_406], %broadcast_in_dim3A_1 {strides = array<i32>} : memref<16512xf32, #tpu.memory_space<vmem>>, vector<16xf32>,
          %mul3A_408 = arith.constant 128 : i32
          %mul3A_409 = arith.muli %scan3A_310, %mul3A_408 : i32
          %add3A_410 = arith.constant 0 : i32
          %add3A_411 = arith.addi %mul3A_409, %add3A_410 : i32
          %swap3A_412 = arith.index_cast %add3A_411 : i32 to index
          %swap3A_413 = tpu.vector_load %arg9[%swap3A_412] {strides = array<i32>} : memref<16512xf32, #tpu.memory_space<vmem>>, vector<16xf32>,
          tpu.vector_store %arg9[%swap3A_412], %broadcast_in_dim3A_1 {strides = array<i32>} : memref<16512xf32, #tpu.memory_space<vmem>>, vector<16xf32>,
          %mul3A_414 = arith.constant 128 : i32
          %mul3A_415 = arith.muli %scan3A_310, %mul3A_414 : i32
          %add3A_416 = arith.constant 16 : i32
          %add3A_417 = arith.addi %mul3A_415, %add3A_416 : i32
          %swap3A_418 = arith.index_cast %add3A_417 : i32 to index
          %swap3A_419 = tpu.vector_load %arg9[%swap3A_418] {strides = array<i32>} : memref<16512xf32, #tpu.memory_space<vmem>>, vector<16xf32>,
          tpu.vector_store %arg9[%swap3A_418], %broadcast_in_dim3A_1 {strides = array<i32>} : memref<16512xf32, #tpu.memory_space<vmem>>, vector<16xf32>,
          %mul3A_420 = arith.constant 128 : i32
          %mul3A_421 = arith.muli %scan3A_310, %mul3A_420 : i32
          %add3A_422 = arith.constant 32 : i32
          %add3A_423 = arith.addi %mul3A_421, %add3A_422 : i32
          %swap3A_424 = arith.index_cast %add3A_423 : i32 to index
          %swap3A_425 = tpu.vector_load %arg9[%swap3A_424] {strides = array<i32>} : memref<16512xf32, #tpu.memory_space<vmem>>, vector<16xf32>,
          tpu.vector_store %arg9[%swap3A_424], %broadcast_in_dim3A_1 {strides = array<i32>} : memref<16512xf32, #tpu.memory_space<vmem>>, vector<16xf32>,
          %mul3A_426 = arith.constant 128 : i32
          %mul3A_427 = arith.muli %scan3A_310, %mul3A_426 : i32
          %add3A_428 = arith.constant 48 : i32
          %add3A_429 = arith.addi %mul3A_427, %add3A_428 : i32
          %swap3A_430 = arith.index_cast %add3A_429 : i32 to index
          %swap3A_431 = tpu.vector_load %arg9[%swap3A_430] {strides = array<i32>} : memref<16512xf32, #tpu.memory_space<vmem>>, vector<16xf32>,
          tpu.vector_store %arg9[%swap3A_430], %broadcast_in_dim3A_1 {strides = array<i32>} : memref<16512xf32, #tpu.memory_space<vmem>>, vector<16xf32>,
          %mul3A_432 = arith.constant 128 : i32
          %mul3A_433 = arith.muli %scan3A_310, %mul3A_432 : i32
          %add3A_434 = arith.constant 64 : i32
          %add3A_435 = arith.addi %mul3A_433, %add3A_434 : i32
          %swap3A_436 = arith.index_cast %add3A_435 : i32 to index
          %swap3A_437 = tpu.vector_load %arg9[%swap3A_436] {strides = array<i32>} : memref<16512xf32, #tpu.memory_space<vmem>>, vector<16xf32>,
          tpu.vector_store %arg9[%swap3A_436], %broadcast_in_dim3A_1 {strides = array<i32>} : memref<16512xf32, #tpu.memory_space<vmem>>, vector<16xf32>,
          %mul3A_438 = arith.constant 128 : i32
          %mul3A_439 = arith.muli %scan3A_310, %mul3A_438 : i32
          %add3A_440 = arith.constant 80 : i32
          %add3A_441 = arith.addi %mul3A_439, %add3A_440 : i32
          %swap3A_442 = arith.index_cast %add3A_441 : i32 to index
          %swap3A_443 = tpu.vector_load %arg9[%swap3A_442] {strides = array<i32>} : memref<16512xf32, #tpu.memory_space<vmem>>, vector<16xf32>,
          tpu.vector_store %arg9[%swap3A_442], %broadcast_in_dim3A_1 {strides = array<i32>} : memref<16512xf32, #tpu.memory_space<vmem>>, vector<16xf32>,
          %mul3A_444 = arith.constant 128 : i32
          %mul3A_445 = arith.muli %scan3A_310, %mul3A_444 : i32
          %add3A_446 = arith.constant 96 : i32
          %add3A_447 = arith.addi %mul3A_445, %add3A_446 : i32
          %swap3A_448 = arith.index_cast %add3A_447 : i32 to index
          %swap3A_449 = tpu.vector_load %arg9[%swap3A_448] {strides = array<i32>} : memref<16512xf32, #tpu.memory_space<vmem>>, vector<16xf32>,
          tpu.vector_store %arg9[%swap3A_448], %broadcast_in_dim3A_1 {strides = array<i32>} : memref<16512xf32, #tpu.memory_space<vmem>>, vector<16xf32>,
          %mul3A_450 = arith.constant 128 : i32
          %mul3A_451 = arith.muli %scan3A_310, %mul3A_450 : i32
          %add3A_452 = arith.constant 112 : i32
          %add3A_453 = arith.addi %mul3A_451, %add3A_452 : i32
          %swap3A_454 = arith.index_cast %add3A_453 : i32 to index
          %swap3A_455 = tpu.vector_load %arg9[%swap3A_454] {strides = array<i32>} : memref<16512xf32, #tpu.memory_space<vmem>>, vector<16xf32>,
          tpu.vector_store %arg9[%swap3A_454], %broadcast_in_dim3A_1 {strides = array<i32>} : memref<16512xf32, #tpu.memory_space<vmem>>, vector<16xf32>,
          %mul3A_456 = arith.constant 128 : i32
          %mul3A_457 = arith.muli %scan3A_310, %mul3A_456 : i32
          %add3A_458 = arith.constant 0 : i32
          %add3A_459 = arith.addi %mul3A_457, %add3A_458 : i32
          %swap3A_460 = arith.index_cast %add3A_459 : i32 to index
          %swap3A_461 = tpu.vector_load %arg10[%swap3A_460] {strides = array<i32>} : memref<16512xf32, #tpu.memory_space<vmem>>, vector<16xf32>,
          tpu.vector_store %arg10[%swap3A_460], %broadcast_in_dim3A_1 {strides = array<i32>} : memref<16512xf32, #tpu.memory_space<vmem>>, vector<16xf32>,
          %mul3A_462 = arith.constant 128 : i32
          %mul3A_463 = arith.muli %scan3A_310, %mul3A_462 : i32
          %add3A_464 = arith.constant 16 : i32
          %add3A_465 = arith.addi %mul3A_463, %add3A_464 : i32
          %swap3A_466 = arith.index_cast %add3A_465 : i32 to index
          %swap3A_467 = tpu.vector_load %arg10[%swap3A_466] {strides = array<i32>} : memref<16512xf32, #tpu.memory_space<vmem>>, vector<16xf32>,
          tpu.vector_store %arg10[%swap3A_466], %broadcast_in_dim3A_1 {strides = array<i32>} : memref<16512xf32, #tpu.memory_space<vmem>>, vector<16xf32>,
          %mul3A_468 = arith.constant 128 : i32
          %mul3A_469 = arith.muli %scan3A_310, %mul3A_468 : i32
          %add3A_470 = arith.constant 32 : i32
          %add3A_471 = arith.addi %mul3A_469, %add3A_470 : i32
          %swap3A_472 = arith.index_cast %add3A_471 : i32 to index
          %swap3A_473 = tpu.vector_load %arg10[%swap3A_472] {strides = array<i32>} : memref<16512xf32, #tpu.memory_space<vmem>>, vector<16xf32>,
          tpu.vector_store %arg10[%swap3A_472], %broadcast_in_dim3A_1 {strides = array<i32>} : memref<16512xf32, #tpu.memory_space<vmem>>, vector<16xf32>,
          %mul3A_474 = arith.constant 128 : i32
          %mul3A_475 = arith.muli %scan3A_310, %mul3A_474 : i32
          %add3A_476 = arith.constant 48 : i32
          %add3A_477 = arith.addi %mul3A_475, %add3A_476 : i32
          %swap3A_478 = arith.index_cast %add3A_477 : i32 to index
          %swap3A_479 = tpu.vector_load %arg10[%swap3A_478] {strides = array<i32>} : memref<16512xf32, #tpu.memory_space<vmem>>, vector<16xf32>,
          tpu.vector_store %arg10[%swap3A_478], %broadcast_in_dim3A_1 {strides = array<i32>} : memref<16512xf32, #tpu.memory_space<vmem>>, vector<16xf32>,
          %mul3A_480 = arith.constant 128 : i32
          %mul3A_481 = arith.muli %scan3A_310, %mul3A_480 : i32
          %add3A_482 = arith.constant 64 : i32
          %add3A_483 = arith.addi %mul3A_481, %add3A_482 : i32
          %swap3A_484 = arith.index_cast %add3A_483 : i32 to index
          %swap3A_485 = tpu.vector_load %arg10[%swap3A_484] {strides = array<i32>} : memref<16512xf32, #tpu.memory_space<vmem>>, vector<16xf32>,
          tpu.vector_store %arg10[%swap3A_484], %broadcast_in_dim3A_1 {strides = array<i32>} : memref<16512xf32, #tpu.memory_space<vmem>>, vector<16xf32>,
          %mul3A_486 = arith.constant 128 : i32
          %mul3A_487 = arith.muli %scan3A_310, %mul3A_486 : i32
          %add3A_488 = arith.constant 80 : i32
          %add3A_489 = arith.addi %mul3A_487, %add3A_488 : i32
          %swap3A_490 = arith.index_cast %add3A_489 : i32 to index
          %swap3A_491 = tpu.vector_load %arg10[%swap3A_490] {strides = array<i32>} : memref<16512xf32, #tpu.memory_space<vmem>>, vector<16xf32>,
          tpu.vector_store %arg10[%swap3A_490], %broadcast_in_dim3A_1 {strides = array<i32>} : memref<16512xf32, #tpu.memory_space<vmem>>, vector<16xf32>,
          %mul3A_492 = arith.constant 128 : i32
          %mul3A_493 = arith.muli %scan3A_310, %mul3A_492 : i32
          %add3A_494 = arith.constant 96 : i32
          %add3A_495 = arith.addi %mul3A_493, %add3A_494 : i32
          %swap3A_496 = arith.index_cast %add3A_495 : i32 to index
          %swap3A_497 = tpu.vector_load %arg10[%swap3A_496] {strides = array<i32>} : memref<16512xf32, #tpu.memory_space<vmem>>, vector<16xf32>,
          tpu.vector_store %arg10[%swap3A_496], %broadcast_in_dim3A_1 {strides = array<i32>} : memref<16512xf32, #tpu.memory_space<vmem>>, vector<16xf32>,
          %mul3A_498 = arith.constant 128 : i32
          %mul3A_499 = arith.muli %scan3A_310, %mul3A_498 : i32
          %add3A_500 = arith.constant 112 : i32
          %add3A_501 = arith.addi %mul3A_499, %add3A_500 : i32
          %swap3A_502 = arith.index_cast %add3A_501 : i32 to index
          %swap3A_503 = tpu.vector_load %arg10[%swap3A_502] {strides = array<i32>} : memref<16512xf32, #tpu.memory_space<vmem>>, vector<16xf32>,
          tpu.vector_store %arg10[%swap3A_502], %broadcast_in_dim3A_1 {strides = array<i32>} : memref<16512xf32, #tpu.memory_space<vmem>>, vector<16xf32>,
          %scan3A_504 = arith.constant 0 : i32
          scf.yield %scan3A_504 : i32
        }
        %scan3A_31 = arith.constant 129 : i32
        %mul3A_32 = arith.constant 128 : i32
        %mul3A_33 = arith.muli %squeeze3A, %mul3A_32 : i32
        "tpu.region"() ({
          %run_scoped3A = tpu.sem_alloc : memref<!tpu.dma_semaphore, #tpu.memory_space<semaphore_mem>>
          %dma_start3A_310 = tpu.memref_slice %arg4[%mul3A_33] : memref<151552xi32, #tpu.memory_space<hbm>> -> memref<1792xi32, #tpu.memory_space<hbm>>
          %dma_start3A_311 = tpu.memref_slice %arg4[%mul3A_33] : memref<151552xi32, #tpu.memory_space<hbm>> -> memref<1792xi32, #tpu.memory_space<hbm>>
          tpu.enqueue_dma source(%dma_start3A_311 : memref<1792xi32, #tpu.memory_space<hbm>>) target(%arg11 : memref<1792xi32, #tpu.memory_space<vmem>>) target_semaphore(%run_scoped3A : memref<!tpu.dma_semaphore, #tpu.memory_space<semaphore_mem>>)
          %dma_wait3A = tpu.memref_slice %arg4[%mul3A_33] : memref<151552xi32, #tpu.memory_space<hbm>> -> memref<1792xi32, #tpu.memory_space<hbm>>
          %dma_wait3A_312 = tpu.memref_slice %arg4[%mul3A_33] : memref<151552xi32, #tpu.memory_space<hbm>> -> memref<1792xi32, #tpu.memory_space<hbm>>
          tpu.wait_dma2 semaphore(%run_scoped3A : memref<!tpu.dma_semaphore, #tpu.memory_space<semaphore_mem>>) src(%dma_wait3A_312 : memref<1792xi32, #tpu.memory_space<hbm>>) dst(%arg11 : memref<1792xi32, #tpu.memory_space<vmem>>)
          tpu.yield
        }) : () -> ()
        %scan3A_34 = arith.constant 0 : i32
        %scan3A_35 = arith.constant 0 : i32
        %scan3A_36 = arith.constant 112 : i32
        %scan3A_37 = arith.addi %scan3A_35, %scan3A_36 : i32
        %scan3A_38 = arith.constant 1 : i32
        %scan3A_39 = scf.for %scan3A_310 = %scan3A_35 to %scan3A_37 step %scan3A_38 iter_args(%scan3A_311 = %scan3A_34) -> (i32)  : i32 {
          %mul3A_312 = arith.constant 16 : i32
          %mul3A_313 = arith.muli %scan3A_310, %mul3A_312 : i32
          %get3A_314 = arith.index_cast %mul3A_313 : i32 to index
          %get3A_315 = tpu.vector_load %arg11[%get3A_314] {strides = array<i32>} : memref<1792xi32, #tpu.memory_space<vmem>>, vector<16xi32>,
          %mul3A_316 = arith.constant 131072 : i32
          %mul3A_317 = arith.muli %squeeze3A_19, %mul3A_316 : i32
          %add3A_318 = vector.broadcast %mul3A_317 : i32 to vector<16xi32>
          %add3A_319 = arith.addi %get3A_315, %add3A_318 : vector<16xi32>
          %mul3A_320 = arith.constant 16 : i32
          %mul3A_321 = arith.muli %scan3A_310, %mul3A_320 : i32
          %swap3A_322 = arith.index_cast %mul3A_321 : i32 to index
          %swap3A_323 = tpu.vector_load %arg12[%swap3A_322] {strides = array<i32>} : memref<1792xi32, #tpu.memory_space<vmem>>, vector<16xi32>,
          tpu.vector_store %arg12[%swap3A_322], %add3A_319 {strides = array<i32>} : memref<1792xi32, #tpu.memory_space<vmem>>, vector<16xi32>,
          %scan3A_324 = arith.constant 0 : i32
          scf.yield %scan3A_324 : i32
        }
        %scan3A_40 = arith.constant 112 : i32
        %iota3A_41 = tpu.iota {dimensions = array<i32: 0>} : vector<16xi32>
        %jit3A = arith.constant 2 : i32
        %div3A = vector.broadcast %jit3A : i32 to vector<16xi32>
        %div3A_42 = arith.divsi %iota3A_41, %div3A : vector<16xi32>
        %sign3A = arith.constant 0 : i32
        %sign3A_43 = vector.broadcast %sign3A : i32 to vector<16xi32>
        %sign3A_44 = arith.cmpi sgt, %iota3A_41, %sign3A_43 : vector<16xi32>
        %sign3A_45 = arith.extui %sign3A_44 : vector<16xi1> to vector<16xi32>
        %sign3A_46 = arith.constant 0 : i32
        %sign3A_47 = vector.broadcast %sign3A_46 : i32 to vector<16xi32>
        %sign3A_48 = arith.cmpi slt, %iota3A_41, %sign3A_47 : vector<16xi32>
        %sign3A_49 = arith.extui %sign3A_48 : vector<16xi1> to vector<16xi32>
        %sign3A_50 = arith.subi %sign3A_45, %sign3A_49 : vector<16xi32>
        %sign3A_51 = arith.constant 0 : i32
        %sign3A_52 = arith.cmpi sgt, %jit3A, %sign3A_51 : i32
        %sign3A_53 = arith.extui %sign3A_52 : i1 to i32
        %sign3A_54 = arith.constant 0 : i32
        %sign3A_55 = arith.cmpi slt, %jit3A, %sign3A_54 : i32
        %sign3A_56 = arith.extui %sign3A_55 : i1 to i32
        %sign3A_57 = arith.subi %sign3A_53, %sign3A_56 : i32
        %ne3A = vector.broadcast %sign3A_57 : i32 to vector<16xi32>
        %ne3A_58 = arith.cmpi ne, %sign3A_50, %ne3A : vector<16xi32>
        %rem3A = vector.broadcast %jit3A : i32 to vector<16xi32>
        %rem3A_59 = arith.remsi %iota3A_41, %rem3A : vector<16xi32>
        %ne3A_60 = arith.constant 0 : i32
        %ne3A_61 = vector.broadcast %ne3A_60 : i32 to vector<16xi32>
        %ne3A_62 = arith.cmpi ne, %rem3A_59, %ne3A_61 : vector<16xi32>
        %and3A = arith.andi %ne3A_58, %ne3A_62 : vector<16xi1>
        %sub3A = arith.constant 1 : i32
        %sub3A_63 = vector.broadcast %sub3A : i32 to vector<16xi32>
        %sub3A_64 = arith.subi %div3A_42, %sub3A_63 : vector<16xi32>
        %select_n3A = arith.select %and3A, %sub3A_64, %div3A_42 : vector<16xi1>, vector<16xi32>
        %iota3A_65 = tpu.iota {dimensions = array<i32: 0>} : vector<16xi32>
        %jit3A_66 = arith.constant 2 : i32
        %eq3A = arith.constant 0 : i32
        %eq3A_67 = arith.cmpi eq, %jit3A_66, %eq3A : i32
        %jit3A_68 = arith.constant 1 : i32
        %select_n3A_69 = arith.select %eq3A_67, %jit3A_68, %jit3A_66 : i32
        %rem3A_70 = vector.broadcast %select_n3A_69 : i32 to vector<16xi32>
        %rem3A_71 = arith.remsi %iota3A_65, %rem3A_70 : vector<16xi32>
        %ne3A_72 = arith.constant 0 : i32
        %ne3A_73 = vector.broadcast %ne3A_72 : i32 to vector<16xi32>
        %ne3A_74 = arith.cmpi ne, %rem3A_71, %ne3A_73 : vector<16xi32>
        %lt3A = arith.constant 0 : i32
        %lt3A_75 = vector.broadcast %lt3A : i32 to vector<16xi32>
        %lt3A_76 = arith.cmpi slt, %rem3A_71, %lt3A_75 : vector<16xi32>
        %lt3A_77 = arith.constant 0 : i32
        %lt3A_78 = arith.cmpi slt, %select_n3A_69, %lt3A_77 : i32
        %ne3A_79 = vector.broadcast %lt3A_78 : i1 to vector<16xi1>
        %ne3A_80 = vector.broadcast %ne3A_79 : vector<16xi1> to vector<16xi1>
        %ne3A_81 = arith.xori %lt3A_76, %ne3A_80 : vector<16xi1>
        %and3A_82 = arith.andi %ne3A_81, %ne3A_74 : vector<16xi1>
        %add3A_83 = vector.broadcast %select_n3A_69 : i32 to vector<16xi32>
        %add3A_84 = arith.addi %rem3A_71, %add3A_83 : vector<16xi32>
        %select_n3A_85 = arith.select %and3A_82, %add3A_84, %rem3A_71 : vector<16xi1>, vector<16xi32>
        %add3A_86 = arith.constant 0 : i32
        %add3A_87 = vector.broadcast %add3A_86 : i32 to vector<16xi32>
        %add3A_88 = arith.addi %select_n3A, %add3A_87 : vector<16xi32>
        %gather3A = tpu.vector_load_idx %arg12[%add3A_88] : memref<1792xi32, #tpu.memory_space<vmem>>[vector<16xi32>], vector<16xi32>,
        %mul3A_89 = arith.constant 2 : i32
        %mul3A_90 = vector.broadcast %mul3A_89 : i32 to vector<16xi32>
        %mul3A_91 = arith.muli %gather3A, %mul3A_90 : vector<16xi32>
        %add3A_92 = arith.addi %mul3A_91, %select_n3A_85 : vector<16xi32>
        %swap3A = arith.constant 0 : index
        %swap3A_93 = tpu.vector_load %arg13[%swap3A] {strides = array<i32>} : memref<256xi32, #tpu.memory_space<vmem>>, vector<16xi32>,
        tpu.vector_store %arg13[%swap3A], %add3A_92 {strides = array<i32>} : memref<256xi32, #tpu.memory_space<vmem>>, vector<16xi32>,
        %add3A_94 = arith.constant 8 : i32
        %add3A_95 = vector.broadcast %add3A_94 : i32 to vector<16xi32>
        %add3A_96 = arith.addi %select_n3A, %add3A_95 : vector<16xi32>
        %gather3A_97 = tpu.vector_load_idx %arg12[%add3A_96] : memref<1792xi32, #tpu.memory_space<vmem>>[vector<16xi32>], vector<16xi32>,
        %mul3A_98 = arith.constant 2 : i32
        %mul3A_99 = vector.broadcast %mul3A_98 : i32 to vector<16xi32>
        %mul3A_100 = arith.muli %gather3A_97, %mul3A_99 : vector<16xi32>
        %add3A_101 = arith.addi %mul3A_100, %select_n3A_85 : vector<16xi32>
        %swap3A_102 = arith.constant 16 : index
        %swap3A_103 = tpu.vector_load %arg13[%swap3A_102] {strides = array<i32>} : memref<256xi32, #tpu.memory_space<vmem>>, vector<16xi32>,
        tpu.vector_store %arg13[%swap3A_102], %add3A_101 {strides = array<i32>} : memref<256xi32, #tpu.memory_space<vmem>>, vector<16xi32>,
        %add3A_104 = arith.constant 16 : i32
        %add3A_105 = vector.broadcast %add3A_104 : i32 to vector<16xi32>
        %add3A_106 = arith.addi %select_n3A, %add3A_105 : vector<16xi32>
        %gather3A_107 = tpu.vector_load_idx %arg12[%add3A_106] : memref<1792xi32, #tpu.memory_space<vmem>>[vector<16xi32>], vector<16xi32>,
        %mul3A_108 = arith.constant 2 : i32
        %mul3A_109 = vector.broadcast %mul3A_108 : i32 to vector<16xi32>
        %mul3A_110 = arith.muli %gather3A_107, %mul3A_109 : vector<16xi32>
        %add3A_111 = arith.addi %mul3A_110, %select_n3A_85 : vector<16xi32>
        %swap3A_112 = arith.constant 32 : index
        %swap3A_113 = tpu.vector_load %arg13[%swap3A_112] {strides = array<i32>} : memref<256xi32, #tpu.memory_space<vmem>>, vector<16xi32>,
        tpu.vector_store %arg13[%swap3A_112], %add3A_111 {strides = array<i32>} : memref<256xi32, #tpu.memory_space<vmem>>, vector<16xi32>,
        %add3A_114 = arith.constant 24 : i32
        %add3A_115 = vector.broadcast %add3A_114 : i32 to vector<16xi32>
        %add3A_116 = arith.addi %select_n3A, %add3A_115 : vector<16xi32>
        %gather3A_117 = tpu.vector_load_idx %arg12[%add3A_116] : memref<1792xi32, #tpu.memory_space<vmem>>[vector<16xi32>], vector<16xi32>,
        %mul3A_118 = arith.constant 2 : i32
        %mul3A_119 = vector.broadcast %mul3A_118 : i32 to vector<16xi32>
        %mul3A_120 = arith.muli %gather3A_117, %mul3A_119 : vector<16xi32>
        %add3A_121 = arith.addi %mul3A_120, %select_n3A_85 : vector<16xi32>
        %swap3A_122 = arith.constant 48 : index
        %swap3A_123 = tpu.vector_load %arg13[%swap3A_122] {strides = array<i32>} : memref<256xi32, #tpu.memory_space<vmem>>, vector<16xi32>,
        tpu.vector_store %arg13[%swap3A_122], %add3A_121 {strides = array<i32>} : memref<256xi32, #tpu.memory_space<vmem>>, vector<16xi32>,
        %add3A_124 = arith.constant 32 : i32
        %add3A_125 = vector.broadcast %add3A_124 : i32 to vector<16xi32>
        %add3A_126 = arith.addi %select_n3A, %add3A_125 : vector<16xi32>
        %gather3A_127 = tpu.vector_load_idx %arg12[%add3A_126] : memref<1792xi32, #tpu.memory_space<vmem>>[vector<16xi32>], vector<16xi32>,
        %mul3A_128 = arith.constant 2 : i32
        %mul3A_129 = vector.broadcast %mul3A_128 : i32 to vector<16xi32>
        %mul3A_130 = arith.muli %gather3A_127, %mul3A_129 : vector<16xi32>
        %add3A_131 = arith.addi %mul3A_130, %select_n3A_85 : vector<16xi32>
        %swap3A_132 = arith.constant 64 : index
        %swap3A_133 = tpu.vector_load %arg13[%swap3A_132] {strides = array<i32>} : memref<256xi32, #tpu.memory_space<vmem>>, vector<16xi32>,
        tpu.vector_store %arg13[%swap3A_132], %add3A_131 {strides = array<i32>} : memref<256xi32, #tpu.memory_space<vmem>>, vector<16xi32>,
        %add3A_134 = arith.constant 40 : i32
        %add3A_135 = vector.broadcast %add3A_134 : i32 to vector<16xi32>
        %add3A_136 = arith.addi %select_n3A, %add3A_135 : vector<16xi32>
        %gather3A_137 = tpu.vector_load_idx %arg12[%add3A_136] : memref<1792xi32, #tpu.memory_space<vmem>>[vector<16xi32>], vector<16xi32>,
        %mul3A_138 = arith.constant 2 : i32
        %mul3A_139 = vector.broadcast %mul3A_138 : i32 to vector<16xi32>
        %mul3A_140 = arith.muli %gather3A_137, %mul3A_139 : vector<16xi32>
        %add3A_141 = arith.addi %mul3A_140, %select_n3A_85 : vector<16xi32>
        %swap3A_142 = arith.constant 80 : index
        %swap3A_143 = tpu.vector_load %arg13[%swap3A_142] {strides = array<i32>} : memref<256xi32, #tpu.memory_space<vmem>>, vector<16xi32>,
        tpu.vector_store %arg13[%swap3A_142], %add3A_141 {strides = array<i32>} : memref<256xi32, #tpu.memory_space<vmem>>, vector<16xi32>,
        %add3A_144 = arith.constant 48 : i32
        %add3A_145 = vector.broadcast %add3A_144 : i32 to vector<16xi32>
        %add3A_146 = arith.addi %select_n3A, %add3A_145 : vector<16xi32>
        %gather3A_147 = tpu.vector_load_idx %arg12[%add3A_146] : memref<1792xi32, #tpu.memory_space<vmem>>[vector<16xi32>], vector<16xi32>,
        %mul3A_148 = arith.constant 2 : i32
        %mul3A_149 = vector.broadcast %mul3A_148 : i32 to vector<16xi32>
        %mul3A_150 = arith.muli %gather3A_147, %mul3A_149 : vector<16xi32>
        %add3A_151 = arith.addi %mul3A_150, %select_n3A_85 : vector<16xi32>
        %swap3A_152 = arith.constant 96 : index
        %swap3A_153 = tpu.vector_load %arg13[%swap3A_152] {strides = array<i32>} : memref<256xi32, #tpu.memory_space<vmem>>, vector<16xi32>,
        tpu.vector_store %arg13[%swap3A_152], %add3A_151 {strides = array<i32>} : memref<256xi32, #tpu.memory_space<vmem>>, vector<16xi32>,
        %add3A_154 = arith.constant 56 : i32
        %add3A_155 = vector.broadcast %add3A_154 : i32 to vector<16xi32>
        %add3A_156 = arith.addi %select_n3A, %add3A_155 : vector<16xi32>
        %gather3A_157 = tpu.vector_load_idx %arg12[%add3A_156] : memref<1792xi32, #tpu.memory_space<vmem>>[vector<16xi32>], vector<16xi32>,
        %mul3A_158 = arith.constant 2 : i32
        %mul3A_159 = vector.broadcast %mul3A_158 : i32 to vector<16xi32>
        %mul3A_160 = arith.muli %gather3A_157, %mul3A_159 : vector<16xi32>
        %add3A_161 = arith.addi %mul3A_160, %select_n3A_85 : vector<16xi32>
        %swap3A_162 = arith.constant 112 : index
        %swap3A_163 = tpu.vector_load %arg13[%swap3A_162] {strides = array<i32>} : memref<256xi32, #tpu.memory_space<vmem>>, vector<16xi32>,
        tpu.vector_store %arg13[%swap3A_162], %add3A_161 {strides = array<i32>} : memref<256xi32, #tpu.memory_space<vmem>>, vector<16xi32>,
        %add3A_164 = arith.constant 64 : i32
        %add3A_165 = vector.broadcast %add3A_164 : i32 to vector<16xi32>
        %add3A_166 = arith.addi %select_n3A, %add3A_165 : vector<16xi32>
        %gather3A_167 = tpu.vector_load_idx %arg12[%add3A_166] : memref<1792xi32, #tpu.memory_space<vmem>>[vector<16xi32>], vector<16xi32>,
        %mul3A_168 = arith.constant 2 : i32
        %mul3A_169 = vector.broadcast %mul3A_168 : i32 to vector<16xi32>
        %mul3A_170 = arith.muli %gather3A_167, %mul3A_169 : vector<16xi32>
        %add3A_171 = arith.addi %mul3A_170, %select_n3A_85 : vector<16xi32>
        %swap3A_172 = arith.constant 128 : index
        %swap3A_173 = tpu.vector_load %arg13[%swap3A_172] {strides = array<i32>} : memref<256xi32, #tpu.memory_space<vmem>>, vector<16xi32>,
        tpu.vector_store %arg13[%swap3A_172], %add3A_171 {strides = array<i32>} : memref<256xi32, #tpu.memory_space<vmem>>, vector<16xi32>,
        %add3A_174 = arith.constant 72 : i32
        %add3A_175 = vector.broadcast %add3A_174 : i32 to vector<16xi32>
        %add3A_176 = arith.addi %select_n3A, %add3A_175 : vector<16xi32>
        %gather3A_177 = tpu.vector_load_idx %arg12[%add3A_176] : memref<1792xi32, #tpu.memory_space<vmem>>[vector<16xi32>], vector<16xi32>,
        %mul3A_178 = arith.constant 2 : i32
        %mul3A_179 = vector.broadcast %mul3A_178 : i32 to vector<16xi32>
        %mul3A_180 = arith.muli %gather3A_177, %mul3A_179 : vector<16xi32>
        %add3A_181 = arith.addi %mul3A_180, %select_n3A_85 : vector<16xi32>
        %swap3A_182 = arith.constant 144 : index
        %swap3A_183 = tpu.vector_load %arg13[%swap3A_182] {strides = array<i32>} : memref<256xi32, #tpu.memory_space<vmem>>, vector<16xi32>,
        tpu.vector_store %arg13[%swap3A_182], %add3A_181 {strides = array<i32>} : memref<256xi32, #tpu.memory_space<vmem>>, vector<16xi32>,
        %add3A_184 = arith.constant 80 : i32
        %add3A_185 = vector.broadcast %add3A_184 : i32 to vector<16xi32>
        %add3A_186 = arith.addi %select_n3A, %add3A_185 : vector<16xi32>
        %gather3A_187 = tpu.vector_load_idx %arg12[%add3A_186] : memref<1792xi32, #tpu.memory_space<vmem>>[vector<16xi32>], vector<16xi32>,
        %mul3A_188 = arith.constant 2 : i32
        %mul3A_189 = vector.broadcast %mul3A_188 : i32 to vector<16xi32>
        %mul3A_190 = arith.muli %gather3A_187, %mul3A_189 : vector<16xi32>
        %add3A_191 = arith.addi %mul3A_190, %select_n3A_85 : vector<16xi32>
        %swap3A_192 = arith.constant 160 : index
        %swap3A_193 = tpu.vector_load %arg13[%swap3A_192] {strides = array<i32>} : memref<256xi32, #tpu.memory_space<vmem>>, vector<16xi32>,
        tpu.vector_store %arg13[%swap3A_192], %add3A_191 {strides = array<i32>} : memref<256xi32, #tpu.memory_space<vmem>>, vector<16xi32>,
        %add3A_194 = arith.constant 88 : i32
        %add3A_195 = vector.broadcast %add3A_194 : i32 to vector<16xi32>
        %add3A_196 = arith.addi %select_n3A, %add3A_195 : vector<16xi32>
        %gather3A_197 = tpu.vector_load_idx %arg12[%add3A_196] : memref<1792xi32, #tpu.memory_space<vmem>>[vector<16xi32>], vector<16xi32>,
        %mul3A_198 = arith.constant 2 : i32
        %mul3A_199 = vector.broadcast %mul3A_198 : i32 to vector<16xi32>
        %mul3A_200 = arith.muli %gather3A_197, %mul3A_199 : vector<16xi32>
        %add3A_201 = arith.addi %mul3A_200, %select_n3A_85 : vector<16xi32>
        %swap3A_202 = arith.constant 176 : index
        %swap3A_203 = tpu.vector_load %arg13[%swap3A_202] {strides = array<i32>} : memref<256xi32, #tpu.memory_space<vmem>>, vector<16xi32>,
        tpu.vector_store %arg13[%swap3A_202], %add3A_201 {strides = array<i32>} : memref<256xi32, #tpu.memory_space<vmem>>, vector<16xi32>,
        %add3A_204 = arith.constant 96 : i32
        %add3A_205 = vector.broadcast %add3A_204 : i32 to vector<16xi32>
        %add3A_206 = arith.addi %select_n3A, %add3A_205 : vector<16xi32>
        %gather3A_207 = tpu.vector_load_idx %arg12[%add3A_206] : memref<1792xi32, #tpu.memory_space<vmem>>[vector<16xi32>], vector<16xi32>,
        %mul3A_208 = arith.constant 2 : i32
        %mul3A_209 = vector.broadcast %mul3A_208 : i32 to vector<16xi32>
        %mul3A_210 = arith.muli %gather3A_207, %mul3A_209 : vector<16xi32>
        %add3A_211 = arith.addi %mul3A_210, %select_n3A_85 : vector<16xi32>
        %swap3A_212 = arith.constant 192 : index
        %swap3A_213 = tpu.vector_load %arg13[%swap3A_212] {strides = array<i32>} : memref<256xi32, #tpu.memory_space<vmem>>, vector<16xi32>,
        tpu.vector_store %arg13[%swap3A_212], %add3A_211 {strides = array<i32>} : memref<256xi32, #tpu.memory_space<vmem>>, vector<16xi32>,
        %add3A_214 = arith.constant 104 : i32
        %add3A_215 = vector.broadcast %add3A_214 : i32 to vector<16xi32>
        %add3A_216 = arith.addi %select_n3A, %add3A_215 : vector<16xi32>
        %gather3A_217 = tpu.vector_load_idx %arg12[%add3A_216] : memref<1792xi32, #tpu.memory_space<vmem>>[vector<16xi32>], vector<16xi32>,
        %mul3A_218 = arith.constant 2 : i32
        %mul3A_219 = vector.broadcast %mul3A_218 : i32 to vector<16xi32>
        %mul3A_220 = arith.muli %gather3A_217, %mul3A_219 : vector<16xi32>
        %add3A_221 = arith.addi %mul3A_220, %select_n3A_85 : vector<16xi32>
        %swap3A_222 = arith.constant 208 : index
        %swap3A_223 = tpu.vector_load %arg13[%swap3A_222] {strides = array<i32>} : memref<256xi32, #tpu.memory_space<vmem>>, vector<16xi32>,
        tpu.vector_store %arg13[%swap3A_222], %add3A_221 {strides = array<i32>} : memref<256xi32, #tpu.memory_space<vmem>>, vector<16xi32>,
        %add3A_224 = arith.constant 112 : i32
        %add3A_225 = vector.broadcast %add3A_224 : i32 to vector<16xi32>
        %add3A_226 = arith.addi %select_n3A, %add3A_225 : vector<16xi32>
        %gather3A_227 = tpu.vector_load_idx %arg12[%add3A_226] : memref<1792xi32, #tpu.memory_space<vmem>>[vector<16xi32>], vector<16xi32>,
        %mul3A_228 = arith.constant 2 : i32
        %mul3A_229 = vector.broadcast %mul3A_228 : i32 to vector<16xi32>
        %mul3A_230 = arith.muli %gather3A_227, %mul3A_229 : vector<16xi32>
        %add3A_231 = arith.addi %mul3A_230, %select_n3A_85 : vector<16xi32>
        %swap3A_232 = arith.constant 224 : index
        %swap3A_233 = tpu.vector_load %arg13[%swap3A_232] {strides = array<i32>} : memref<256xi32, #tpu.memory_space<vmem>>, vector<16xi32>,
        tpu.vector_store %arg13[%swap3A_232], %add3A_231 {strides = array<i32>} : memref<256xi32, #tpu.memory_space<vmem>>, vector<16xi32>,
        %add3A_234 = arith.constant 120 : i32
        %add3A_235 = vector.broadcast %add3A_234 : i32 to vector<16xi32>
        %add3A_236 = arith.addi %select_n3A, %add3A_235 : vector<16xi32>
        %gather3A_237 = tpu.vector_load_idx %arg12[%add3A_236] : memref<1792xi32, #tpu.memory_space<vmem>>[vector<16xi32>], vector<16xi32>,
        %mul3A_238 = arith.constant 2 : i32
        %mul3A_239 = vector.broadcast %mul3A_238 : i32 to vector<16xi32>
        %mul3A_240 = arith.muli %gather3A_237, %mul3A_239 : vector<16xi32>
        %add3A_241 = arith.addi %mul3A_240, %select_n3A_85 : vector<16xi32>
        %swap3A_242 = arith.constant 240 : index
        %swap3A_243 = tpu.vector_load %arg13[%swap3A_242] {strides = array<i32>} : memref<256xi32, #tpu.memory_space<vmem>>, vector<16xi32>,
        tpu.vector_store %arg13[%swap3A_242], %add3A_241 {strides = array<i32>} : memref<256xi32, #tpu.memory_space<vmem>>, vector<16xi32>,
        %dma_start3A = arith.constant 0 : i32
        %dma_start3A_244 = tpu.memref_slice %arg12[%dma_start3A] : memref<1792xi32, #tpu.memory_space<vmem>> -> memref<128xi32, #tpu.memory_space<vmem>>
        %dma_start3A_245 = arith.constant 0 : i32
        %dma_start3A_246 = arith.constant 0 : i32
        %dma_start3A_247 = tpu.memref_slice %arg2[%dma_start3A_245, %dma_start3A_246] : memref<262144x128xf32, #tpu.memory_space<hbm>> -> memref<262144x128xf32, #tpu.memory_space<hbm>>
        tpu.enqueue_indirect_dma source(%dma_start3A_247 : memref<262144x128xf32, #tpu.memory_space<hbm>>) target(%arg17 : memref<128x128xf32, #tpu.memory_space<vmem>>) offsets(%dma_start3A_244 : memref<128xi32, #tpu.memory_space<vmem>>) semaphore(%arg20 : memref<!tpu.dma_semaphore, #tpu.memory_space<semaphore_mem>>)
        %dma_start3A_248 = arith.constant 0 : i32
        %dma_start3A_249 = tpu.memref_slice %arg15[%dma_start3A_248] : memref<256xi32, #tpu.memory_space<vmem>> -> memref<128xi32, #tpu.memory_space<vmem>>
        %dma_start3A_250 = arith.constant 0 : i32
        %dma_start3A_251 = tpu.memref_slice %arg13[%dma_start3A_250] : memref<256xi32, #tpu.memory_space<vmem>> -> memref<128xi32, #tpu.memory_space<vmem>>
        %dma_start3A_252 = arith.constant 0 : i32
        %dma_start3A_253 = tpu.memref_slice %arg3[%dma_start3A_252] : memref<524288xi32, #tpu.memory_space<hbm>> -> memref<524288xi32, #tpu.memory_space<hbm>>
        tpu.enqueue_indirect_dma source(%dma_start3A_253 : memref<524288xi32, #tpu.memory_space<hbm>>) target(%dma_start3A_249 : memref<128xi32, #tpu.memory_space<vmem>>) offsets(%dma_start3A_251 : memref<128xi32, #tpu.memory_space<vmem>>) semaphore(%arg22 : memref<!tpu.dma_semaphore, #tpu.memory_space<semaphore_mem>>)
        %dma_start3A_254 = arith.constant 128 : i32
        %dma_start3A_255 = tpu.memref_slice %arg15[%dma_start3A_254] : memref<256xi32, #tpu.memory_space<vmem>> -> memref<128xi32, #tpu.memory_space<vmem>>
        %dma_start3A_256 = arith.constant 128 : i32
        %dma_start3A_257 = tpu.memref_slice %arg13[%dma_start3A_256] : memref<256xi32, #tpu.memory_space<vmem>> -> memref<128xi32, #tpu.memory_space<vmem>>
        %dma_start3A_258 = arith.constant 0 : i32
        %dma_start3A_259 = tpu.memref_slice %arg3[%dma_start3A_258] : memref<524288xi32, #tpu.memory_space<hbm>> -> memref<524288xi32, #tpu.memory_space<hbm>>
        tpu.enqueue_indirect_dma source(%dma_start3A_259 : memref<524288xi32, #tpu.memory_space<hbm>>) target(%dma_start3A_255 : memref<128xi32, #tpu.memory_space<vmem>>) offsets(%dma_start3A_257 : memref<128xi32, #tpu.memory_space<vmem>>) semaphore(%arg22 : memref<!tpu.dma_semaphore, #tpu.memory_space<semaphore_mem>>)
        %add3A_260 = arith.constant 1 : i32
        %add3A_261 = arith.addi %squeeze3A_15, %add3A_260 : i32
        %jit3A_262 = arith.constant 2 : i32
        %div3A_263 = arith.divsi %add3A_261, %jit3A_262 : i32
        %sign3A_264 = arith.constant 0 : i32
        %sign3A_265 = arith.cmpi sgt, %add3A_261, %sign3A_264 : i32
        %sign3A_266 = arith.extui %sign3A_265 : i1 to i32
        %sign3A_267 = arith.constant 0 : i32
        %sign3A_268 = arith.cmpi slt, %add3A_261, %sign3A_267 : i32
        %sign3A_269 = arith.extui %sign3A_268 : i1 to i32
        %sign3A_270 = arith.subi %sign3A_266, %sign3A_269 : i32
        %sign3A_271 = arith.constant 0 : i32
        %sign3A_272 = arith.cmpi sgt, %jit3A_262, %sign3A_271 : i32
        %sign3A_273 = arith.extui %sign3A_272 : i1 to i32
        %sign3A_274 = arith.constant 0 : i32
        %sign3A_275 = arith.cmpi slt, %jit3A_262, %sign3A_274 : i32
        %sign3A_276 = arith.extui %sign3A_275 : i1 to i32
        %sign3A_277 = arith.subi %sign3A_273, %sign3A_276 : i32
        %ne3A_278 = arith.cmpi ne, %sign3A_270, %sign3A_277 : i32
        %rem3A_279 = arith.remsi %add3A_261, %jit3A_262 : i32
        %ne3A_280 = arith.constant 0 : i32
        %ne3A_281 = arith.cmpi ne, %rem3A_279, %ne3A_280 : i32
        %and3A_282 = arith.andi %ne3A_278, %ne3A_281 : i1
        %sub3A_283 = arith.constant 1 : i32
        %sub3A_284 = arith.subi %div3A_263, %sub3A_283 : i32
        %select_n3A_285 = arith.select %and3A_282, %sub3A_284, %div3A_263 : i32
        %while3A = arith.constant 0 : i32
        %while3A_286 = arith.constant 0 : i32
        %while3A_287 = arith.subi %select_n3A_285, %while3A : i32
        %while3A_288 = arith.addi %while3A, %while3A_287 : i32
        %while3A_289 = arith.constant 1 : i32
        %while3A_290 = arith.divsi %while3A_287, %while3A_289 : i32
        %while3A_291 = arith.muli %while3A_290, %while3A_289 : i32
        %while3A_292 = arith.addi %while3A, %while3A_291 : i32
        %while3A_293 = arith.constant 1 : i32
        %while3A_294 = scf.for %while3A_310 = %while3A to %while3A_292 step %while3A_293 iter_args(%while3A_311 = %while3A_286) -> (i32)  : i32 {
          %mul3A_312 = arith.constant 2 : i32
          %mul3A_313 = arith.muli %while3A_310, %mul3A_312 : i32
          %add3A_314 = arith.constant 1 : i32
          %add3A_315 = arith.addi %mul3A_313, %add3A_314 : i32
          %lt3A_316 = arith.cmpi slt, %add3A_315, %squeeze3A_15 : i32
          %convert_element_type3A_317 = arith.extui %lt3A_316 : i1 to i32
          %cond3A_318 = arith.constant 0 : i32
          %cond3A_319 = arith.cmpi ne, %convert_element_type3A_317, %cond3A_318 : i32
          scf.if %cond3A_319 {
            %add3A_342 = arith.constant 1 : i32
            %add3A_343 = arith.addi %mul3A_313, %add3A_342 : i32
            %mul3A_344 = arith.constant 128 : i32
            %mul3A_345 = arith.muli %add3A_343, %mul3A_344 : i32
            %add3A_346 = arith.constant 0 : i32
            %add3A_347 = arith.addi %mul3A_345, %add3A_346 : i32
            %add3A_348 = vector.broadcast %add3A_347 : i32 to vector<16xi32>
            %add3A_349 = arith.addi %select_n3A, %add3A_348 : vector<16xi32>
            %gather3A_350 = tpu.vector_load_idx %arg12[%add3A_349] : memref<1792xi32, #tpu.memory_space<vmem>>[vector<16xi32>], vector<16xi32>,
            %mul3A_351 = arith.constant 2 : i32
            %mul3A_352 = vector.broadcast %mul3A_351 : i32 to vector<16xi32>
            %mul3A_353 = arith.muli %gather3A_350, %mul3A_352 : vector<16xi32>
            %add3A_354 = arith.addi %mul3A_353, %select_n3A_85 : vector<16xi32>
            %swap3A_355 = arith.constant 0 : index
            %swap3A_356 = tpu.vector_load %arg14[%swap3A_355] {strides = array<i32>} : memref<256xi32, #tpu.memory_space<vmem>>, vector<16xi32>,
            tpu.vector_store %arg14[%swap3A_355], %add3A_354 {strides = array<i32>} : memref<256xi32, #tpu.memory_space<vmem>>, vector<16xi32>,
            %mul3A_357 = arith.constant 128 : i32
            %mul3A_358 = arith.muli %add3A_343, %mul3A_357 : i32
            %add3A_359 = arith.constant 8 : i32
            %add3A_360 = arith.addi %mul3A_358, %add3A_359 : i32
            %add3A_361 = vector.broadcast %add3A_360 : i32 to vector<16xi32>
            %add3A_362 = arith.addi %select_n3A, %add3A_361 : vector<16xi32>
            %gather3A_363 = tpu.vector_load_idx %arg12[%add3A_362] : memref<1792xi32, #tpu.memory_space<vmem>>[vector<16xi32>], vector<16xi32>,
            %mul3A_364 = arith.constant 2 : i32
            %mul3A_365 = vector.broadcast %mul3A_364 : i32 to vector<16xi32>
            %mul3A_366 = arith.muli %gather3A_363, %mul3A_365 : vector<16xi32>
            %add3A_367 = arith.addi %mul3A_366, %select_n3A_85 : vector<16xi32>
            %swap3A_368 = arith.constant 16 : index
            %swap3A_369 = tpu.vector_load %arg14[%swap3A_368] {strides = array<i32>} : memref<256xi32, #tpu.memory_space<vmem>>, vector<16xi32>,
            tpu.vector_store %arg14[%swap3A_368], %add3A_367 {strides = array<i32>} : memref<256xi32, #tpu.memory_space<vmem>>, vector<16xi32>,
            %mul3A_370 = arith.constant 128 : i32
            %mul3A_371 = arith.muli %add3A_343, %mul3A_370 : i32
            %add3A_372 = arith.constant 16 : i32
            %add3A_373 = arith.addi %mul3A_371, %add3A_372 : i32
            %add3A_374 = vector.broadcast %add3A_373 : i32 to vector<16xi32>
            %add3A_375 = arith.addi %select_n3A, %add3A_374 : vector<16xi32>
            %gather3A_376 = tpu.vector_load_idx %arg12[%add3A_375] : memref<1792xi32, #tpu.memory_space<vmem>>[vector<16xi32>], vector<16xi32>,
            %mul3A_377 = arith.constant 2 : i32
            %mul3A_378 = vector.broadcast %mul3A_377 : i32 to vector<16xi32>
            %mul3A_379 = arith.muli %gather3A_376, %mul3A_378 : vector<16xi32>
            %add3A_380 = arith.addi %mul3A_379, %select_n3A_85 : vector<16xi32>
            %swap3A_381 = arith.constant 32 : index
            %swap3A_382 = tpu.vector_load %arg14[%swap3A_381] {strides = array<i32>} : memref<256xi32, #tpu.memory_space<vmem>>, vector<16xi32>,
            tpu.vector_store %arg14[%swap3A_381], %add3A_380 {strides = array<i32>} : memref<256xi32, #tpu.memory_space<vmem>>, vector<16xi32>,
            %mul3A_383 = arith.constant 128 : i32
            %mul3A_384 = arith.muli %add3A_343, %mul3A_383 : i32
            %add3A_385 = arith.constant 24 : i32
            %add3A_386 = arith.addi %mul3A_384, %add3A_385 : i32
            %add3A_387 = vector.broadcast %add3A_386 : i32 to vector<16xi32>
            %add3A_388 = arith.addi %select_n3A, %add3A_387 : vector<16xi32>
            %gather3A_389 = tpu.vector_load_idx %arg12[%add3A_388] : memref<1792xi32, #tpu.memory_space<vmem>>[vector<16xi32>], vector<16xi32>,
            %mul3A_390 = arith.constant 2 : i32
            %mul3A_391 = vector.broadcast %mul3A_390 : i32 to vector<16xi32>
            %mul3A_392 = arith.muli %gather3A_389, %mul3A_391 : vector<16xi32>
            %add3A_393 = arith.addi %mul3A_392, %select_n3A_85 : vector<16xi32>
            %swap3A_394 = arith.constant 48 : index
            %swap3A_395 = tpu.vector_load %arg14[%swap3A_394] {strides = array<i32>} : memref<256xi32, #tpu.memory_space<vmem>>, vector<16xi32>,
            tpu.vector_store %arg14[%swap3A_394], %add3A_393 {strides = array<i32>} : memref<256xi32, #tpu.memory_space<vmem>>, vector<16xi32>,
            %mul3A_396 = arith.constant 128 : i32
            %mul3A_397 = arith.muli %add3A_343, %mul3A_396 : i32
            %add3A_398 = arith.constant 32 : i32
            %add3A_399 = arith.addi %mul3A_397, %add3A_398 : i32
            %add3A_400 = vector.broadcast %add3A_399 : i32 to vector<16xi32>
            %add3A_401 = arith.addi %select_n3A, %add3A_400 : vector<16xi32>
            %gather3A_402 = tpu.vector_load_idx %arg12[%add3A_401] : memref<1792xi32, #tpu.memory_space<vmem>>[vector<16xi32>], vector<16xi32>,
            %mul3A_403 = arith.constant 2 : i32
            %mul3A_404 = vector.broadcast %mul3A_403 : i32 to vector<16xi32>
            %mul3A_405 = arith.muli %gather3A_402, %mul3A_404 : vector<16xi32>
            %add3A_406 = arith.addi %mul3A_405, %select_n3A_85 : vector<16xi32>
            %swap3A_407 = arith.constant 64 : index
            %swap3A_408 = tpu.vector_load %arg14[%swap3A_407] {strides = array<i32>} : memref<256xi32, #tpu.memory_space<vmem>>, vector<16xi32>,
            tpu.vector_store %arg14[%swap3A_407], %add3A_406 {strides = array<i32>} : memref<256xi32, #tpu.memory_space<vmem>>, vector<16xi32>,
            %mul3A_409 = arith.constant 128 : i32
            %mul3A_410 = arith.muli %add3A_343, %mul3A_409 : i32
            %add3A_411 = arith.constant 40 : i32
            %add3A_412 = arith.addi %mul3A_410, %add3A_411 : i32
            %add3A_413 = vector.broadcast %add3A_412 : i32 to vector<16xi32>
            %add3A_414 = arith.addi %select_n3A, %add3A_413 : vector<16xi32>
            %gather3A_415 = tpu.vector_load_idx %arg12[%add3A_414] : memref<1792xi32, #tpu.memory_space<vmem>>[vector<16xi32>], vector<16xi32>,
            %mul3A_416 = arith.constant 2 : i32
            %mul3A_417 = vector.broadcast %mul3A_416 : i32 to vector<16xi32>
            %mul3A_418 = arith.muli %gather3A_415, %mul3A_417 : vector<16xi32>
            %add3A_419 = arith.addi %mul3A_418, %select_n3A_85 : vector<16xi32>
            %swap3A_420 = arith.constant 80 : index
            %swap3A_421 = tpu.vector_load %arg14[%swap3A_420] {strides = array<i32>} : memref<256xi32, #tpu.memory_space<vmem>>, vector<16xi32>,
            tpu.vector_store %arg14[%swap3A_420], %add3A_419 {strides = array<i32>} : memref<256xi32, #tpu.memory_space<vmem>>, vector<16xi32>,
            %mul3A_422 = arith.constant 128 : i32
            %mul3A_423 = arith.muli %add3A_343, %mul3A_422 : i32
            %add3A_424 = arith.constant 48 : i32
            %add3A_425 = arith.addi %mul3A_423, %add3A_424 : i32
            %add3A_426 = vector.broadcast %add3A_425 : i32 to vector<16xi32>
            %add3A_427 = arith.addi %select_n3A, %add3A_426 : vector<16xi32>
            %gather3A_428 = tpu.vector_load_idx %arg12[%add3A_427] : memref<1792xi32, #tpu.memory_space<vmem>>[vector<16xi32>], vector<16xi32>,
            %mul3A_429 = arith.constant 2 : i32
            %mul3A_430 = vector.broadcast %mul3A_429 : i32 to vector<16xi32>
            %mul3A_431 = arith.muli %gather3A_428, %mul3A_430 : vector<16xi32>
            %add3A_432 = arith.addi %mul3A_431, %select_n3A_85 : vector<16xi32>
            %swap3A_433 = arith.constant 96 : index
            %swap3A_434 = tpu.vector_load %arg14[%swap3A_433] {strides = array<i32>} : memref<256xi32, #tpu.memory_space<vmem>>, vector<16xi32>,
            tpu.vector_store %arg14[%swap3A_433], %add3A_432 {strides = array<i32>} : memref<256xi32, #tpu.memory_space<vmem>>, vector<16xi32>,
            %mul3A_435 = arith.constant 128 : i32
            %mul3A_436 = arith.muli %add3A_343, %mul3A_435 : i32
            %add3A_437 = arith.constant 56 : i32
            %add3A_438 = arith.addi %mul3A_436, %add3A_437 : i32
            %add3A_439 = vector.broadcast %add3A_438 : i32 to vector<16xi32>
            %add3A_440 = arith.addi %select_n3A, %add3A_439 : vector<16xi32>
            %gather3A_441 = tpu.vector_load_idx %arg12[%add3A_440] : memref<1792xi32, #tpu.memory_space<vmem>>[vector<16xi32>], vector<16xi32>,
            %mul3A_442 = arith.constant 2 : i32
            %mul3A_443 = vector.broadcast %mul3A_442 : i32 to vector<16xi32>
            %mul3A_444 = arith.muli %gather3A_441, %mul3A_443 : vector<16xi32>
            %add3A_445 = arith.addi %mul3A_444, %select_n3A_85 : vector<16xi32>
            %swap3A_446 = arith.constant 112 : index
            %swap3A_447 = tpu.vector_load %arg14[%swap3A_446] {strides = array<i32>} : memref<256xi32, #tpu.memory_space<vmem>>, vector<16xi32>,
            tpu.vector_store %arg14[%swap3A_446], %add3A_445 {strides = array<i32>} : memref<256xi32, #tpu.memory_space<vmem>>, vector<16xi32>,
            %mul3A_448 = arith.constant 128 : i32
            %mul3A_449 = arith.muli %add3A_343, %mul3A_448 : i32
            %add3A_450 = arith.constant 64 : i32
            %add3A_451 = arith.addi %mul3A_449, %add3A_450 : i32
            %add3A_452 = vector.broadcast %add3A_451 : i32 to vector<16xi32>
            %add3A_453 = arith.addi %select_n3A, %add3A_452 : vector<16xi32>
            %gather3A_454 = tpu.vector_load_idx %arg12[%add3A_453] : memref<1792xi32, #tpu.memory_space<vmem>>[vector<16xi32>], vector<16xi32>,
            %mul3A_455 = arith.constant 2 : i32
            %mul3A_456 = vector.broadcast %mul3A_455 : i32 to vector<16xi32>
            %mul3A_457 = arith.muli %gather3A_454, %mul3A_456 : vector<16xi32>
            %add3A_458 = arith.addi %mul3A_457, %select_n3A_85 : vector<16xi32>
            %swap3A_459 = arith.constant 128 : index
            %swap3A_460 = tpu.vector_load %arg14[%swap3A_459] {strides = array<i32>} : memref<256xi32, #tpu.memory_space<vmem>>, vector<16xi32>,
            tpu.vector_store %arg14[%swap3A_459], %add3A_458 {strides = array<i32>} : memref<256xi32, #tpu.memory_space<vmem>>, vector<16xi32>,
            %mul3A_461 = arith.constant 128 : i32
            %mul3A_462 = arith.muli %add3A_343, %mul3A_461 : i32
            %add3A_463 = arith.constant 72 : i32
            %add3A_464 = arith.addi %mul3A_462, %add3A_463 : i32
            %add3A_465 = vector.broadcast %add3A_464 : i32 to vector<16xi32>
            %add3A_466 = arith.addi %select_n3A, %add3A_465 : vector<16xi32>
            %gather3A_467 = tpu.vector_load_idx %arg12[%add3A_466] : memref<1792xi32, #tpu.memory_space<vmem>>[vector<16xi32>], vector<16xi32>,
            %mul3A_468 = arith.constant 2 : i32
            %mul3A_469 = vector.broadcast %mul3A_468 : i32 to vector<16xi32>
            %mul3A_470 = arith.muli %gather3A_467, %mul3A_469 : vector<16xi32>
            %add3A_471 = arith.addi %mul3A_470, %select_n3A_85 : vector<16xi32>
            %swap3A_472 = arith.constant 144 : index
            %swap3A_473 = tpu.vector_load %arg14[%swap3A_472] {strides = array<i32>} : memref<256xi32, #tpu.memory_space<vmem>>, vector<16xi32>,
            tpu.vector_store %arg14[%swap3A_472], %add3A_471 {strides = array<i32>} : memref<256xi32, #tpu.memory_space<vmem>>, vector<16xi32>,
            %mul3A_474 = arith.constant 128 : i32
            %mul3A_475 = arith.muli %add3A_343, %mul3A_474 : i32
            %add3A_476 = arith.constant 80 : i32
            %add3A_477 = arith.addi %mul3A_475, %add3A_476 : i32
            %add3A_478 = vector.broadcast %add3A_477 : i32 to vector<16xi32>
            %add3A_479 = arith.addi %select_n3A, %add3A_478 : vector<16xi32>
            %gather3A_480 = tpu.vector_load_idx %arg12[%add3A_479] : memref<1792xi32, #tpu.memory_space<vmem>>[vector<16xi32>], vector<16xi32>,
            %mul3A_481 = arith.constant 2 : i32
            %mul3A_482 = vector.broadcast %mul3A_481 : i32 to vector<16xi32>
            %mul3A_483 = arith.muli %gather3A_480, %mul3A_482 : vector<16xi32>
            %add3A_484 = arith.addi %mul3A_483, %select_n3A_85 : vector<16xi32>
            %swap3A_485 = arith.constant 160 : index
            %swap3A_486 = tpu.vector_load %arg14[%swap3A_485] {strides = array<i32>} : memref<256xi32, #tpu.memory_space<vmem>>, vector<16xi32>,
            tpu.vector_store %arg14[%swap3A_485], %add3A_484 {strides = array<i32>} : memref<256xi32, #tpu.memory_space<vmem>>, vector<16xi32>,
            %mul3A_487 = arith.constant 128 : i32
            %mul3A_488 = arith.muli %add3A_343, %mul3A_487 : i32
            %add3A_489 = arith.constant 88 : i32
            %add3A_490 = arith.addi %mul3A_488, %add3A_489 : i32
            %add3A_491 = vector.broadcast %add3A_490 : i32 to vector<16xi32>
            %add3A_492 = arith.addi %select_n3A, %add3A_491 : vector<16xi32>
            %gather3A_493 = tpu.vector_load_idx %arg12[%add3A_492] : memref<1792xi32, #tpu.memory_space<vmem>>[vector<16xi32>], vector<16xi32>,
            %mul3A_494 = arith.constant 2 : i32
            %mul3A_495 = vector.broadcast %mul3A_494 : i32 to vector<16xi32>
            %mul3A_496 = arith.muli %gather3A_493, %mul3A_495 : vector<16xi32>
            %add3A_497 = arith.addi %mul3A_496, %select_n3A_85 : vector<16xi32>
            %swap3A_498 = arith.constant 176 : index
            %swap3A_499 = tpu.vector_load %arg14[%swap3A_498] {strides = array<i32>} : memref<256xi32, #tpu.memory_space<vmem>>, vector<16xi32>,
            tpu.vector_store %arg14[%swap3A_498], %add3A_497 {strides = array<i32>} : memref<256xi32, #tpu.memory_space<vmem>>, vector<16xi32>,
            %mul3A_500 = arith.constant 128 : i32
            %mul3A_501 = arith.muli %add3A_343, %mul3A_500 : i32
            %add3A_502 = arith.constant 96 : i32
            %add3A_503 = arith.addi %mul3A_501, %add3A_502 : i32
            %add3A_504 = vector.broadcast %add3A_503 : i32 to vector<16xi32>
            %add3A_505 = arith.addi %select_n3A, %add3A_504 : vector<16xi32>
            %gather3A_506 = tpu.vector_load_idx %arg12[%add3A_505] : memref<1792xi32, #tpu.memory_space<vmem>>[vector<16xi32>], vector<16xi32>,
            %mul3A_507 = arith.constant 2 : i32
            %mul3A_508 = vector.broadcast %mul3A_507 : i32 to vector<16xi32>
            %mul3A_509 = arith.muli %gather3A_506, %mul3A_508 : vector<16xi32>
            %add3A_510 = arith.addi %mul3A_509, %select_n3A_85 : vector<16xi32>
            %swap3A_511 = arith.constant 192 : index
            %swap3A_512 = tpu.vector_load %arg14[%swap3A_511] {strides = array<i32>} : memref<256xi32, #tpu.memory_space<vmem>>, vector<16xi32>,
            tpu.vector_store %arg14[%swap3A_511], %add3A_510 {strides = array<i32>} : memref<256xi32, #tpu.memory_space<vmem>>, vector<16xi32>,
            %mul3A_513 = arith.constant 128 : i32
            %mul3A_514 = arith.muli %add3A_343, %mul3A_513 : i32
            %add3A_515 = arith.constant 104 : i32
            %add3A_516 = arith.addi %mul3A_514, %add3A_515 : i32
            %add3A_517 = vector.broadcast %add3A_516 : i32 to vector<16xi32>
            %add3A_518 = arith.addi %select_n3A, %add3A_517 : vector<16xi32>
            %gather3A_519 = tpu.vector_load_idx %arg12[%add3A_518] : memref<1792xi32, #tpu.memory_space<vmem>>[vector<16xi32>], vector<16xi32>,
            %mul3A_520 = arith.constant 2 : i32
            %mul3A_521 = vector.broadcast %mul3A_520 : i32 to vector<16xi32>
            %mul3A_522 = arith.muli %gather3A_519, %mul3A_521 : vector<16xi32>
            %add3A_523 = arith.addi %mul3A_522, %select_n3A_85 : vector<16xi32>
            %swap3A_524 = arith.constant 208 : index
            %swap3A_525 = tpu.vector_load %arg14[%swap3A_524] {strides = array<i32>} : memref<256xi32, #tpu.memory_space<vmem>>, vector<16xi32>,
            tpu.vector_store %arg14[%swap3A_524], %add3A_523 {strides = array<i32>} : memref<256xi32, #tpu.memory_space<vmem>>, vector<16xi32>,
            %mul3A_526 = arith.constant 128 : i32
            %mul3A_527 = arith.muli %add3A_343, %mul3A_526 : i32
            %add3A_528 = arith.constant 112 : i32
            %add3A_529 = arith.addi %mul3A_527, %add3A_528 : i32
            %add3A_530 = vector.broadcast %add3A_529 : i32 to vector<16xi32>
            %add3A_531 = arith.addi %select_n3A, %add3A_530 : vector<16xi32>
            %gather3A_532 = tpu.vector_load_idx %arg12[%add3A_531] : memref<1792xi32, #tpu.memory_space<vmem>>[vector<16xi32>], vector<16xi32>,
            %mul3A_533 = arith.constant 2 : i32
            %mul3A_534 = vector.broadcast %mul3A_533 : i32 to vector<16xi32>
            %mul3A_535 = arith.muli %gather3A_532, %mul3A_534 : vector<16xi32>
            %add3A_536 = arith.addi %mul3A_535, %select_n3A_85 : vector<16xi32>
            %swap3A_537 = arith.constant 224 : index
            %swap3A_538 = tpu.vector_load %arg14[%swap3A_537] {strides = array<i32>} : memref<256xi32, #tpu.memory_space<vmem>>, vector<16xi32>,
            tpu.vector_store %arg14[%swap3A_537], %add3A_536 {strides = array<i32>} : memref<256xi32, #tpu.memory_space<vmem>>, vector<16xi32>,
            %mul3A_539 = arith.constant 128 : i32
            %mul3A_540 = arith.muli %add3A_343, %mul3A_539 : i32
            %add3A_541 = arith.constant 120 : i32
            %add3A_542 = arith.addi %mul3A_540, %add3A_541 : i32
            %add3A_543 = vector.broadcast %add3A_542 : i32 to vector<16xi32>
            %add3A_544 = arith.addi %select_n3A, %add3A_543 : vector<16xi32>
            %gather3A_545 = tpu.vector_load_idx %arg12[%add3A_544] : memref<1792xi32, #tpu.memory_space<vmem>>[vector<16xi32>], vector<16xi32>,
            %mul3A_546 = arith.constant 2 : i32
            %mul3A_547 = vector.broadcast %mul3A_546 : i32 to vector<16xi32>
            %mul3A_548 = arith.muli %gather3A_545, %mul3A_547 : vector<16xi32>
            %add3A_549 = arith.addi %mul3A_548, %select_n3A_85 : vector<16xi32>
            %swap3A_550 = arith.constant 240 : index
            %swap3A_551 = tpu.vector_load %arg14[%swap3A_550] {strides = array<i32>} : memref<256xi32, #tpu.memory_space<vmem>>, vector<16xi32>,
            tpu.vector_store %arg14[%swap3A_550], %add3A_549 {strides = array<i32>} : memref<256xi32, #tpu.memory_space<vmem>>, vector<16xi32>,
            %mul3A_552 = arith.constant 128 : i32
            %mul3A_553 = arith.muli %add3A_343, %mul3A_552 : i32
            %dma_start3A_554 = tpu.memref_slice %arg12[%mul3A_553] : memref<1792xi32, #tpu.memory_space<vmem>> -> memref<128xi32, #tpu.memory_space<vmem>>
            %dma_start3A_555 = arith.constant 0 : i32
            %dma_start3A_556 = arith.constant 0 : i32
            %dma_start3A_557 = tpu.memref_slice %arg2[%dma_start3A_555, %dma_start3A_556] : memref<262144x128xf32, #tpu.memory_space<hbm>> -> memref<262144x128xf32, #tpu.memory_space<hbm>>
            tpu.enqueue_indirect_dma source(%dma_start3A_557 : memref<262144x128xf32, #tpu.memory_space<hbm>>) target(%arg18 : memref<128x128xf32, #tpu.memory_space<vmem>>) offsets(%dma_start3A_554 : memref<128xi32, #tpu.memory_space<vmem>>) semaphore(%arg21 : memref<!tpu.dma_semaphore, #tpu.memory_space<semaphore_mem>>)
            %dma_start3A_558 = arith.constant 0 : i32
            %dma_start3A_559 = tpu.memref_slice %arg16[%dma_start3A_558] : memref<256xi32, #tpu.memory_space<vmem>> -> memref<128xi32, #tpu.memory_space<vmem>>
            %dma_start3A_560 = arith.constant 0 : i32
            %dma_start3A_561 = tpu.memref_slice %arg14[%dma_start3A_560] : memref<256xi32, #tpu.memory_space<vmem>> -> memref<128xi32, #tpu.memory_space<vmem>>
            %dma_start3A_562 = arith.constant 0 : i32
            %dma_start3A_563 = tpu.memref_slice %arg3[%dma_start3A_562] : memref<524288xi32, #tpu.memory_space<hbm>> -> memref<524288xi32, #tpu.memory_space<hbm>>
            tpu.enqueue_indirect_dma source(%dma_start3A_563 : memref<524288xi32, #tpu.memory_space<hbm>>) target(%dma_start3A_559 : memref<128xi32, #tpu.memory_space<vmem>>) offsets(%dma_start3A_561 : memref<128xi32, #tpu.memory_space<vmem>>) semaphore(%arg23 : memref<!tpu.dma_semaphore, #tpu.memory_space<semaphore_mem>>)
            %dma_start3A_564 = arith.constant 128 : i32
            %dma_start3A_565 = tpu.memref_slice %arg16[%dma_start3A_564] : memref<256xi32, #tpu.memory_space<vmem>> -> memref<128xi32, #tpu.memory_space<vmem>>
            %dma_start3A_566 = arith.constant 128 : i32
            %dma_start3A_567 = tpu.memref_slice %arg14[%dma_start3A_566] : memref<256xi32, #tpu.memory_space<vmem>> -> memref<128xi32, #tpu.memory_space<vmem>>
            %dma_start3A_568 = arith.constant 0 : i32
            %dma_start3A_569 = tpu.memref_slice %arg3[%dma_start3A_568] : memref<524288xi32, #tpu.memory_space<hbm>> -> memref<524288xi32, #tpu.memory_space<hbm>>
            tpu.enqueue_indirect_dma source(%dma_start3A_569 : memref<524288xi32, #tpu.memory_space<hbm>>) target(%dma_start3A_565 : memref<128xi32, #tpu.memory_space<vmem>>) offsets(%dma_start3A_567 : memref<128xi32, #tpu.memory_space<vmem>>) semaphore(%arg23 : memref<!tpu.dma_semaphore, #tpu.memory_space<semaphore_mem>>)
          } else {
          }
          %dma_wait3A = arith.constant 0 : i32
          %dma_wait3A_320 = tpu.memref_slice %arg12[%dma_wait3A] : memref<1792xi32, #tpu.memory_space<vmem>> -> memref<128xi32, #tpu.memory_space<vmem>>
          %dma_wait3A_321 = arith.constant 0 : i32
          %dma_wait3A_322 = arith.constant 0 : i32
          %dma_wait3A_323 = tpu.memref_slice %arg2[%dma_wait3A_321, %dma_wait3A_322] : memref<262144x128xf32, #tpu.memory_space<hbm>> -> memref<262144x128xf32, #tpu.memory_space<hbm>>
          tpu.wait_indirect_dma semaphore(%arg20 : memref<!tpu.dma_semaphore, #tpu.memory_space<semaphore_mem>>) src(%dma_wait3A_323 : memref<262144x128xf32, #tpu.memory_space<hbm>>) dst(%arg17 : memref<128x128xf32, #tpu.memory_space<vmem>>)
          %dma_wait3A_324 = arith.constant 0 : i32
          %dma_wait3A_325 = tpu.memref_slice %arg3[%dma_wait3A_324] : memref<524288xi32, #tpu.memory_space<hbm>> -> memref<256xi32, #tpu.memory_space<hbm>>
          %dma_wait3A_326 = arith.constant 0 : i32
          %dma_wait3A_327 = tpu.memref_slice %arg3[%dma_wait3A_326] : memref<524288xi32, #tpu.memory_space<hbm>> -> memref<256xi32, #tpu.memory_space<hbm>>
          tpu.wait_dma2 semaphore(%arg22 : memref<!tpu.dma_semaphore, #tpu.memory_space<semaphore_mem>>) src(%dma_wait3A_327 : memref<256xi32, #tpu.memory_space<hbm>>) dst(%arg15 : memref<256xi32, #tpu.memory_space<vmem>>)
          %scan3A_328 = arith.constant 0 : i32
          %scan3A_329 = arith.constant 0 : i32
          %scan3A_330 = arith.constant 16 : i32
          %scan3A_331 = arith.addi %scan3A_329, %scan3A_330 : i32
          %scan3A_332 = arith.constant 1 : i32
          %scan3A_333 = scf.for %scan3A_342 = %scan3A_329 to %scan3A_331 step %scan3A_332 iter_args(%scan3A_343 = %scan3A_328) -> (i32)  : i32 {
            %mul3A_344 = arith.constant 16 : i32
            %mul3A_345 = arith.muli %scan3A_342, %mul3A_344 : i32
            %get3A_346 = arith.index_cast %mul3A_345 : i32 to index
            %get3A_347 = tpu.vector_load %arg15[%get3A_346] {strides = array<i32>} : memref<256xi32, #tpu.memory_space<vmem>>, vector<16xi32>,
            %shift_right_logical3A = arith.constant 11 : i32
            %shift_right_logical3A_348 = vector.broadcast %shift_right_logical3A : i32 to vector<16xi32>
            %shift_right_logical3A_349 = arith.shrui %get3A_347, %shift_right_logical3A_348 : vector<16xi32>
            %and3A_350 = arith.constant 2047 : i32
            %and3A_351 = vector.broadcast %and3A_350 : i32 to vector<16xi32>
            %and3A_352 = arith.andi %get3A_347, %and3A_351 : vector<16xi32>
            %sub3A_353 = vector.broadcast %mul3A_21 : i32 to vector<16xi32>
            %sub3A_354 = arith.subi %and3A_352, %sub3A_353 : vector<16xi32>
            %ge3A_355 = arith.constant 0 : i32
            %ge3A_356 = vector.broadcast %ge3A_355 : i32 to vector<16xi32>
            %ge3A_357 = arith.cmpi sge, %sub3A_354, %ge3A_356 : vector<16xi32>
            %lt3A_358 = arith.constant 16 : i32
            %lt3A_359 = vector.broadcast %lt3A_358 : i32 to vector<16xi32>
            %lt3A_360 = arith.cmpi slt, %sub3A_354, %lt3A_359 : vector<16xi32>
            %and3A_361 = arith.andi %ge3A_357, %lt3A_360 : vector<16xi1>
            %mul3A_362 = arith.constant 16 : i32
            %mul3A_363 = vector.broadcast %mul3A_362 : i32 to vector<16xi32>
            %mul3A_364 = arith.muli %shift_right_logical3A_349, %mul3A_363 : vector<16xi32>
            %add3A_365 = arith.addi %mul3A_364, %sub3A_354 : vector<16xi32>
            %jit3A_366 = arith.constant 1024 : i32
            %broadcast_in_dim3A_367 = vector.broadcast %jit3A_366 : i32 to vector<16xi32>
            %select_n3A_368 = arith.select %and3A_361, %add3A_365, %broadcast_in_dim3A_367 : vector<16xi1>, vector<16xi32>
            %mul3A_369 = arith.constant 16 : i32
            %mul3A_370 = vector.broadcast %mul3A_369 : i32 to vector<16xi32>
            %mul3A_371 = arith.muli %select_n3A_368, %mul3A_370 : vector<16xi32>
            %slice3A_372 = vector.extract_strided_slice %mul3A_371 {offsets = [0], sizes = [1], strides = [1]} : vector<16xi32> to vector<1xi32>
            %squeeze3A_373 = vector.extract %slice3A_372[0] : i32 from vector<1xi32>
            %add3A_374 = vector.broadcast %squeeze3A_373 : i32 to vector<16xi32>
            %add3A_375 = arith.addi %iota3A, %add3A_374 : vector<16xi32>
            %mul3A_376 = arith.constant 8 : i32
            %mul3A_377 = arith.muli %scan3A_342, %mul3A_376 : i32
            %add3A_378 = arith.constant 0 : i32
            %add3A_379 = arith.addi %mul3A_377, %add3A_378 : i32
            %get3A_380 = arith.index_cast %add3A_379 : i32 to index
            %get3A_381 = arith.constant 0 : index
            %get3A_382 = tpu.vector_load %arg17[%get3A_380, %get3A_381] {strides = array<i32>} : memref<128x128xf32, #tpu.memory_space<vmem>>, vector<16xf32>,
            %get3A_383 = arith.index_cast %add3A_379 : i32 to index
            %get3A_384 = arith.constant 16 : index
            %get3A_385 = tpu.vector_load %arg17[%get3A_383, %get3A_384] {strides = array<i32>} : memref<128x128xf32, #tpu.memory_space<vmem>>, vector<16xf32>,
            %get3A_386 = arith.index_cast %add3A_379 : i32 to index
            %get3A_387 = arith.constant 32 : index
            %get3A_388 = tpu.vector_load %arg17[%get3A_386, %get3A_387] {strides = array<i32>} : memref<128x128xf32, #tpu.memory_space<vmem>>, vector<16xf32>,
            %get3A_389 = arith.index_cast %add3A_379 : i32 to index
            %get3A_390 = arith.constant 48 : index
            %get3A_391 = tpu.vector_load %arg17[%get3A_389, %get3A_390] {strides = array<i32>} : memref<128x128xf32, #tpu.memory_space<vmem>>, vector<16xf32>,
            %gather3A_392 = tpu.vector_load_idx %arg7[%add3A_375] : memref<16512xf32, #tpu.memory_space<vmem>>[vector<16xi32>], vector<16xf32>,
            %gather3A_393 = tpu.vector_load_idx %arg8[%add3A_375] : memref<16512xf32, #tpu.memory_space<vmem>>[vector<16xi32>], vector<16xf32>,
            %gather3A_394 = tpu.vector_load_idx %arg9[%add3A_375] : memref<16512xf32, #tpu.memory_space<vmem>>[vector<16xi32>], vector<16xf32>,
            %gather3A_395 = tpu.vector_load_idx %arg10[%add3A_375] : memref<16512xf32, #tpu.memory_space<vmem>>[vector<16xi32>], vector<16xf32>,
            %max3A = arith.maximumf %gather3A_392, %get3A_382 : vector<16xf32>
            tpu.vector_store_idx %arg7[%add3A_375], %max3A : memref<16512xf32, #tpu.memory_space<vmem>>[vector<16xi32>], vector<16xf32>,
            %max3A_396 = arith.maximumf %gather3A_393, %get3A_385 : vector<16xf32>
            tpu.vector_store_idx %arg8[%add3A_375], %max3A_396 : memref<16512xf32, #tpu.memory_space<vmem>>[vector<16xi32>], vector<16xf32>,
            %max3A_397 = arith.maximumf %gather3A_394, %get3A_388 : vector<16xf32>
            tpu.vector_store_idx %arg9[%add3A_375], %max3A_397 : memref<16512xf32, #tpu.memory_space<vmem>>[vector<16xi32>], vector<16xf32>,
            %max3A_398 = arith.maximumf %gather3A_395, %get3A_391 : vector<16xf32>
            tpu.vector_store_idx %arg10[%add3A_375], %max3A_398 : memref<16512xf32, #tpu.memory_space<vmem>>[vector<16xi32>], vector<16xf32>,
            %slice3A_399 = vector.extract_strided_slice %mul3A_371 {offsets = [1], sizes = [1], strides = [1]} : vector<16xi32> to vector<1xi32>
            %squeeze3A_400 = vector.extract %slice3A_399[0] : i32 from vector<1xi32>
            %add3A_401 = vector.broadcast %squeeze3A_400 : i32 to vector<16xi32>
            %add3A_402 = arith.addi %iota3A, %add3A_401 : vector<16xi32>
            %mul3A_403 = arith.constant 8 : i32
            %mul3A_404 = arith.muli %scan3A_342, %mul3A_403 : i32
            %add3A_405 = arith.constant 0 : i32
            %add3A_406 = arith.addi %mul3A_404, %add3A_405 : i32
            %get3A_407 = arith.index_cast %add3A_406 : i32 to index
            %get3A_408 = arith.constant 64 : index
            %get3A_409 = tpu.vector_load %arg17[%get3A_407, %get3A_408] {strides = array<i32>} : memref<128x128xf32, #tpu.memory_space<vmem>>, vector<16xf32>,
            %get3A_410 = arith.index_cast %add3A_406 : i32 to index
            %get3A_411 = arith.constant 80 : index
            %get3A_412 = tpu.vector_load %arg17[%get3A_410, %get3A_411] {strides = array<i32>} : memref<128x128xf32, #tpu.memory_space<vmem>>, vector<16xf32>,
            %get3A_413 = arith.index_cast %add3A_406 : i32 to index
            %get3A_414 = arith.constant 96 : index
            %get3A_415 = tpu.vector_load %arg17[%get3A_413, %get3A_414] {strides = array<i32>} : memref<128x128xf32, #tpu.memory_space<vmem>>, vector<16xf32>,
            %get3A_416 = arith.index_cast %add3A_406 : i32 to index
            %get3A_417 = arith.constant 112 : index
            %get3A_418 = tpu.vector_load %arg17[%get3A_416, %get3A_417] {strides = array<i32>} : memref<128x128xf32, #tpu.memory_space<vmem>>, vector<16xf32>,
            %gather3A_419 = tpu.vector_load_idx %arg7[%add3A_402] : memref<16512xf32, #tpu.memory_space<vmem>>[vector<16xi32>], vector<16xf32>,
            %gather3A_420 = tpu.vector_load_idx %arg8[%add3A_402] : memref<16512xf32, #tpu.memory_space<vmem>>[vector<16xi32>], vector<16xf32>,
            %gather3A_421 = tpu.vector_load_idx %arg9[%add3A_402] : memref<16512xf32, #tpu.memory_space<vmem>>[vector<16xi32>], vector<16xf32>,
            %gather3A_422 = tpu.vector_load_idx %arg10[%add3A_402] : memref<16512xf32, #tpu.memory_space<vmem>>[vector<16xi32>], vector<16xf32>,
            %max3A_423 = arith.maximumf %gather3A_419, %get3A_409 : vector<16xf32>
            tpu.vector_store_idx %arg7[%add3A_402], %max3A_423 : memref<16512xf32, #tpu.memory_space<vmem>>[vector<16xi32>], vector<16xf32>,
            %max3A_424 = arith.maximumf %gather3A_420, %get3A_412 : vector<16xf32>
            tpu.vector_store_idx %arg8[%add3A_402], %max3A_424 : memref<16512xf32, #tpu.memory_space<vmem>>[vector<16xi32>], vector<16xf32>,
            %max3A_425 = arith.maximumf %gather3A_421, %get3A_415 : vector<16xf32>
            tpu.vector_store_idx %arg9[%add3A_402], %max3A_425 : memref<16512xf32, #tpu.memory_space<vmem>>[vector<16xi32>], vector<16xf32>,
            %max3A_426 = arith.maximumf %gather3A_422, %get3A_418 : vector<16xf32>
            tpu.vector_store_idx %arg10[%add3A_402], %max3A_426 : memref<16512xf32, #tpu.memory_space<vmem>>[vector<16xi32>], vector<16xf32>,
            %slice3A_427 = vector.extract_strided_slice %mul3A_371 {offsets = [2], sizes = [1], strides = [1]} : vector<16xi32> to vector<1xi32>
            %squeeze3A_428 = vector.extract %slice3A_427[0] : i32 from vector<1xi32>
            %add3A_429 = vector.broadcast %squeeze3A_428 : i32 to vector<16xi32>
            %add3A_430 = arith.addi %iota3A, %add3A_429 : vector<16xi32>
            %mul3A_431 = arith.constant 8 : i32
            %mul3A_432 = arith.muli %scan3A_342, %mul3A_431 : i32
            %add3A_433 = arith.constant 1 : i32
            %add3A_434 = arith.addi %mul3A_432, %add3A_433 : i32
            %get3A_435 = arith.index_cast %add3A_434 : i32 to index
            %get3A_436 = arith.constant 0 : index
            %get3A_437 = tpu.vector_load %arg17[%get3A_435, %get3A_436] {strides = array<i32>} : memref<128x128xf32, #tpu.memory_space<vmem>>, vector<16xf32>,
            %get3A_438 = arith.index_cast %add3A_434 : i32 to index
            %get3A_439 = arith.constant 16 : index
            %get3A_440 = tpu.vector_load %arg17[%get3A_438, %get3A_439] {strides = array<i32>} : memref<128x128xf32, #tpu.memory_space<vmem>>, vector<16xf32>,
            %get3A_441 = arith.index_cast %add3A_434 : i32 to index
            %get3A_442 = arith.constant 32 : index
            %get3A_443 = tpu.vector_load %arg17[%get3A_441, %get3A_442] {strides = array<i32>} : memref<128x128xf32, #tpu.memory_space<vmem>>, vector<16xf32>,
            %get3A_444 = arith.index_cast %add3A_434 : i32 to index
            %get3A_445 = arith.constant 48 : index
            %get3A_446 = tpu.vector_load %arg17[%get3A_444, %get3A_445] {strides = array<i32>} : memref<128x128xf32, #tpu.memory_space<vmem>>, vector<16xf32>,
            %gather3A_447 = tpu.vector_load_idx %arg7[%add3A_430] : memref<16512xf32, #tpu.memory_space<vmem>>[vector<16xi32>], vector<16xf32>,
            %gather3A_448 = tpu.vector_load_idx %arg8[%add3A_430] : memref<16512xf32, #tpu.memory_space<vmem>>[vector<16xi32>], vector<16xf32>,
            %gather3A_449 = tpu.vector_load_idx %arg9[%add3A_430] : memref<16512xf32, #tpu.memory_space<vmem>>[vector<16xi32>], vector<16xf32>,
            %gather3A_450 = tpu.vector_load_idx %arg10[%add3A_430] : memref<16512xf32, #tpu.memory_space<vmem>>[vector<16xi32>], vector<16xf32>,
            %max3A_451 = arith.maximumf %gather3A_447, %get3A_437 : vector<16xf32>
            tpu.vector_store_idx %arg7[%add3A_430], %max3A_451 : memref<16512xf32, #tpu.memory_space<vmem>>[vector<16xi32>], vector<16xf32>,
            %max3A_452 = arith.maximumf %gather3A_448, %get3A_440 : vector<16xf32>
            tpu.vector_store_idx %arg8[%add3A_430], %max3A_452 : memref<16512xf32, #tpu.memory_space<vmem>>[vector<16xi32>], vector<16xf32>,
            %max3A_453 = arith.maximumf %gather3A_449, %get3A_443 : vector<16xf32>
            tpu.vector_store_idx %arg9[%add3A_430], %max3A_453 : memref<16512xf32, #tpu.memory_space<vmem>>[vector<16xi32>], vector<16xf32>,
            %max3A_454 = arith.maximumf %gather3A_450, %get3A_446 : vector<16xf32>
            tpu.vector_store_idx %arg10[%add3A_430], %max3A_454 : memref<16512xf32, #tpu.memory_space<vmem>>[vector<16xi32>], vector<16xf32>,
            %slice3A_455 = vector.extract_strided_slice %mul3A_371 {offsets = [3], sizes = [1], strides = [1]} : vector<16xi32> to vector<1xi32>
            %squeeze3A_456 = vector.extract %slice3A_455[0] : i32 from vector<1xi32>
            %add3A_457 = vector.broadcast %squeeze3A_456 : i32 to vector<16xi32>
            %add3A_458 = arith.addi %iota3A, %add3A_457 : vector<16xi32>
            %mul3A_459 = arith.constant 8 : i32
            %mul3A_460 = arith.muli %scan3A_342, %mul3A_459 : i32
            %add3A_461 = arith.constant 1 : i32
            %add3A_462 = arith.addi %mul3A_460, %add3A_461 : i32
            %get3A_463 = arith.index_cast %add3A_462 : i32 to index
            %get3A_464 = arith.constant 64 : index
            %get3A_465 = tpu.vector_load %arg17[%get3A_463, %get3A_464] {strides = array<i32>} : memref<128x128xf32, #tpu.memory_space<vmem>>, vector<16xf32>,
            %get3A_466 = arith.index_cast %add3A_462 : i32 to index
            %get3A_467 = arith.constant 80 : index
            %get3A_468 = tpu.vector_load %arg17[%get3A_466, %get3A_467] {strides = array<i32>} : memref<128x128xf32, #tpu.memory_space<vmem>>, vector<16xf32>,
            %get3A_469 = arith.index_cast %add3A_462 : i32 to index
            %get3A_470 = arith.constant 96 : index
            %get3A_471 = tpu.vector_load %arg17[%get3A_469, %get3A_470] {strides = array<i32>} : memref<128x128xf32, #tpu.memory_space<vmem>>, vector<16xf32>,
            %get3A_472 = arith.index_cast %add3A_462 : i32 to index
            %get3A_473 = arith.constant 112 : index
            %get3A_474 = tpu.vector_load %arg17[%get3A_472, %get3A_473] {strides = array<i32>} : memref<128x128xf32, #tpu.memory_space<vmem>>, vector<16xf32>,
            %gather3A_475 = tpu.vector_load_idx %arg7[%add3A_458] : memref<16512xf32, #tpu.memory_space<vmem>>[vector<16xi32>], vector<16xf32>,
            %gather3A_476 = tpu.vector_load_idx %arg8[%add3A_458] : memref<16512xf32, #tpu.memory_space<vmem>>[vector<16xi32>], vector<16xf32>,
            %gather3A_477 = tpu.vector_load_idx %arg9[%add3A_458] : memref<16512xf32, #tpu.memory_space<vmem>>[vector<16xi32>], vector<16xf32>,
            %gather3A_478 = tpu.vector_load_idx %arg10[%add3A_458] : memref<16512xf32, #tpu.memory_space<vmem>>[vector<16xi32>], vector<16xf32>,
            %max3A_479 = arith.maximumf %gather3A_475, %get3A_465 : vector<16xf32>
            tpu.vector_store_idx %arg7[%add3A_458], %max3A_479 : memref<16512xf32, #tpu.memory_space<vmem>>[vector<16xi32>], vector<16xf32>,
            %max3A_480 = arith.maximumf %gather3A_476, %get3A_468 : vector<16xf32>
            tpu.vector_store_idx %arg8[%add3A_458], %max3A_480 : memref<16512xf32, #tpu.memory_space<vmem>>[vector<16xi32>], vector<16xf32>,
            %max3A_481 = arith.maximumf %gather3A_477, %get3A_471 : vector<16xf32>
            tpu.vector_store_idx %arg9[%add3A_458], %max3A_481 : memref<16512xf32, #tpu.memory_space<vmem>>[vector<16xi32>], vector<16xf32>,
            %max3A_482 = arith.maximumf %gather3A_478, %get3A_474 : vector<16xf32>
            tpu.vector_store_idx %arg10[%add3A_458], %max3A_482 : memref<16512xf32, #tpu.memory_space<vmem>>[vector<16xi32>], vector<16xf32>,
            %slice3A_483 = vector.extract_strided_slice %mul3A_371 {offsets = [4], sizes = [1], strides = [1]} : vector<16xi32> to vector<1xi32>
            %squeeze3A_484 = vector.extract %slice3A_483[0] : i32 from vector<1xi32>
            %add3A_485 = vector.broadcast %squeeze3A_484 : i32 to vector<16xi32>
            %add3A_486 = arith.addi %iota3A, %add3A_485 : vector<16xi32>
            %mul3A_487 = arith.constant 8 : i32
            %mul3A_488 = arith.muli %scan3A_342, %mul3A_487 : i32
            %add3A_489 = arith.constant 2 : i32
            %add3A_490 = arith.addi %mul3A_488, %add3A_489 : i32
            %get3A_491 = arith.index_cast %add3A_490 : i32 to index
            %get3A_492 = arith.constant 0 : index
            %get3A_493 = tpu.vector_load %arg17[%get3A_491, %get3A_492] {strides = array<i32>} : memref<128x128xf32, #tpu.memory_space<vmem>>, vector<16xf32>,
            %get3A_494 = arith.index_cast %add3A_490 : i32 to index
            %get3A_495 = arith.constant 16 : index
            %get3A_496 = tpu.vector_load %arg17[%get3A_494, %get3A_495] {strides = array<i32>} : memref<128x128xf32, #tpu.memory_space<vmem>>, vector<16xf32>,
            %get3A_497 = arith.index_cast %add3A_490 : i32 to index
            %get3A_498 = arith.constant 32 : index
            %get3A_499 = tpu.vector_load %arg17[%get3A_497, %get3A_498] {strides = array<i32>} : memref<128x128xf32, #tpu.memory_space<vmem>>, vector<16xf32>,
            %get3A_500 = arith.index_cast %add3A_490 : i32 to index
            %get3A_501 = arith.constant 48 : index
            %get3A_502 = tpu.vector_load %arg17[%get3A_500, %get3A_501] {strides = array<i32>} : memref<128x128xf32, #tpu.memory_space<vmem>>, vector<16xf32>,
            %gather3A_503 = tpu.vector_load_idx %arg7[%add3A_486] : memref<16512xf32, #tpu.memory_space<vmem>>[vector<16xi32>], vector<16xf32>,
            %gather3A_504 = tpu.vector_load_idx %arg8[%add3A_486] : memref<16512xf32, #tpu.memory_space<vmem>>[vector<16xi32>], vector<16xf32>,
            %gather3A_505 = tpu.vector_load_idx %arg9[%add3A_486] : memref<16512xf32, #tpu.memory_space<vmem>>[vector<16xi32>], vector<16xf32>,
            %gather3A_506 = tpu.vector_load_idx %arg10[%add3A_486] : memref<16512xf32, #tpu.memory_space<vmem>>[vector<16xi32>], vector<16xf32>,
            %max3A_507 = arith.maximumf %gather3A_503, %get3A_493 : vector<16xf32>
            tpu.vector_store_idx %arg7[%add3A_486], %max3A_507 : memref<16512xf32, #tpu.memory_space<vmem>>[vector<16xi32>], vector<16xf32>,
            %max3A_508 = arith.maximumf %gather3A_504, %get3A_496 : vector<16xf32>
            tpu.vector_store_idx %arg8[%add3A_486], %max3A_508 : memref<16512xf32, #tpu.memory_space<vmem>>[vector<16xi32>], vector<16xf32>,
            %max3A_509 = arith.maximumf %gather3A_505, %get3A_499 : vector<16xf32>
            tpu.vector_store_idx %arg9[%add3A_486], %max3A_509 : memref<16512xf32, #tpu.memory_space<vmem>>[vector<16xi32>], vector<16xf32>,
            %max3A_510 = arith.maximumf %gather3A_506, %get3A_502 : vector<16xf32>
            tpu.vector_store_idx %arg10[%add3A_486], %max3A_510 : memref<16512xf32, #tpu.memory_space<vmem>>[vector<16xi32>], vector<16xf32>,
            %slice3A_511 = vector.extract_strided_slice %mul3A_371 {offsets = [5], sizes = [1], strides = [1]} : vector<16xi32> to vector<1xi32>
            %squeeze3A_512 = vector.extract %slice3A_511[0] : i32 from vector<1xi32>
            %add3A_513 = vector.broadcast %squeeze3A_512 : i32 to vector<16xi32>
            %add3A_514 = arith.addi %iota3A, %add3A_513 : vector<16xi32>
            %mul3A_515 = arith.constant 8 : i32
            %mul3A_516 = arith.muli %scan3A_342, %mul3A_515 : i32
            %add3A_517 = arith.constant 2 : i32
            %add3A_518 = arith.addi %mul3A_516, %add3A_517 : i32
            %get3A_519 = arith.index_cast %add3A_518 : i32 to index
            %get3A_520 = arith.constant 64 : index
            %get3A_521 = tpu.vector_load %arg17[%get3A_519, %get3A_520] {strides = array<i32>} : memref<128x128xf32, #tpu.memory_space<vmem>>, vector<16xf32>,
            %get3A_522 = arith.index_cast %add3A_518 : i32 to index
            %get3A_523 = arith.constant 80 : index
            %get3A_524 = tpu.vector_load %arg17[%get3A_522, %get3A_523] {strides = array<i32>} : memref<128x128xf32, #tpu.memory_space<vmem>>, vector<16xf32>,
            %get3A_525 = arith.index_cast %add3A_518 : i32 to index
            %get3A_526 = arith.constant 96 : index
            %get3A_527 = tpu.vector_load %arg17[%get3A_525, %get3A_526] {strides = array<i32>} : memref<128x128xf32, #tpu.memory_space<vmem>>, vector<16xf32>,
            %get3A_528 = arith.index_cast %add3A_518 : i32 to index
            %get3A_529 = arith.constant 112 : index
            %get3A_530 = tpu.vector_load %arg17[%get3A_528, %get3A_529] {strides = array<i32>} : memref<128x128xf32, #tpu.memory_space<vmem>>, vector<16xf32>,
            %gather3A_531 = tpu.vector_load_idx %arg7[%add3A_514] : memref<16512xf32, #tpu.memory_space<vmem>>[vector<16xi32>], vector<16xf32>,
            %gather3A_532 = tpu.vector_load_idx %arg8[%add3A_514] : memref<16512xf32, #tpu.memory_space<vmem>>[vector<16xi32>], vector<16xf32>,
            %gather3A_533 = tpu.vector_load_idx %arg9[%add3A_514] : memref<16512xf32, #tpu.memory_space<vmem>>[vector<16xi32>], vector<16xf32>,
            %gather3A_534 = tpu.vector_load_idx %arg10[%add3A_514] : memref<16512xf32, #tpu.memory_space<vmem>>[vector<16xi32>], vector<16xf32>,
            %max3A_535 = arith.maximumf %gather3A_531, %get3A_521 : vector<16xf32>
            tpu.vector_store_idx %arg7[%add3A_514], %max3A_535 : memref<16512xf32, #tpu.memory_space<vmem>>[vector<16xi32>], vector<16xf32>,
            %max3A_536 = arith.maximumf %gather3A_532, %get3A_524 : vector<16xf32>
            tpu.vector_store_idx %arg8[%add3A_514], %max3A_536 : memref<16512xf32, #tpu.memory_space<vmem>>[vector<16xi32>], vector<16xf32>,
            %max3A_537 = arith.maximumf %gather3A_533, %get3A_527 : vector<16xf32>
            tpu.vector_store_idx %arg9[%add3A_514], %max3A_537 : memref<16512xf32, #tpu.memory_space<vmem>>[vector<16xi32>], vector<16xf32>,
            %max3A_538 = arith.maximumf %gather3A_534, %get3A_530 : vector<16xf32>
            tpu.vector_store_idx %arg10[%add3A_514], %max3A_538 : memref<16512xf32, #tpu.memory_space<vmem>>[vector<16xi32>], vector<16xf32>,
            %slice3A_539 = vector.extract_strided_slice %mul3A_371 {offsets = [6], sizes = [1], strides = [1]} : vector<16xi32> to vector<1xi32>
            %squeeze3A_540 = vector.extract %slice3A_539[0] : i32 from vector<1xi32>
            %add3A_541 = vector.broadcast %squeeze3A_540 : i32 to vector<16xi32>
            %add3A_542 = arith.addi %iota3A, %add3A_541 : vector<16xi32>
            %mul3A_543 = arith.constant 8 : i32
            %mul3A_544 = arith.muli %scan3A_342, %mul3A_543 : i32
            %add3A_545 = arith.constant 3 : i32
            %add3A_546 = arith.addi %mul3A_544, %add3A_545 : i32
            %get3A_547 = arith.index_cast %add3A_546 : i32 to index
            %get3A_548 = arith.constant 0 : index
            %get3A_549 = tpu.vector_load %arg17[%get3A_547, %get3A_548] {strides = array<i32>} : memref<128x128xf32, #tpu.memory_space<vmem>>, vector<16xf32>,
            %get3A_550 = arith.index_cast %add3A_546 : i32 to index
            %get3A_551 = arith.constant 16 : index
            %get3A_552 = tpu.vector_load %arg17[%get3A_550, %get3A_551] {strides = array<i32>} : memref<128x128xf32, #tpu.memory_space<vmem>>, vector<16xf32>,
            %get3A_553 = arith.index_cast %add3A_546 : i32 to index
            %get3A_554 = arith.constant 32 : index
            %get3A_555 = tpu.vector_load %arg17[%get3A_553, %get3A_554] {strides = array<i32>} : memref<128x128xf32, #tpu.memory_space<vmem>>, vector<16xf32>,
            %get3A_556 = arith.index_cast %add3A_546 : i32 to index
            %get3A_557 = arith.constant 48 : index
            %get3A_558 = tpu.vector_load %arg17[%get3A_556, %get3A_557] {strides = array<i32>} : memref<128x128xf32, #tpu.memory_space<vmem>>, vector<16xf32>,
            %gather3A_559 = tpu.vector_load_idx %arg7[%add3A_542] : memref<16512xf32, #tpu.memory_space<vmem>>[vector<16xi32>], vector<16xf32>,
            %gather3A_560 = tpu.vector_load_idx %arg8[%add3A_542] : memref<16512xf32, #tpu.memory_space<vmem>>[vector<16xi32>], vector<16xf32>,
            %gather3A_561 = tpu.vector_load_idx %arg9[%add3A_542] : memref<16512xf32, #tpu.memory_space<vmem>>[vector<16xi32>], vector<16xf32>,
            %gather3A_562 = tpu.vector_load_idx %arg10[%add3A_542] : memref<16512xf32, #tpu.memory_space<vmem>>[vector<16xi32>], vector<16xf32>,
            %max3A_563 = arith.maximumf %gather3A_559, %get3A_549 : vector<16xf32>
            tpu.vector_store_idx %arg7[%add3A_542], %max3A_563 : memref<16512xf32, #tpu.memory_space<vmem>>[vector<16xi32>], vector<16xf32>,
            %max3A_564 = arith.maximumf %gather3A_560, %get3A_552 : vector<16xf32>
            tpu.vector_store_idx %arg8[%add3A_542], %max3A_564 : memref<16512xf32, #tpu.memory_space<vmem>>[vector<16xi32>], vector<16xf32>,
            %max3A_565 = arith.maximumf %gather3A_561, %get3A_555 : vector<16xf32>
            tpu.vector_store_idx %arg9[%add3A_542], %max3A_565 : memref<16512xf32, #tpu.memory_space<vmem>>[vector<16xi32>], vector<16xf32>,
            %max3A_566 = arith.maximumf %gather3A_562, %get3A_558 : vector<16xf32>
            tpu.vector_store_idx %arg10[%add3A_542], %max3A_566 : memref<16512xf32, #tpu.memory_space<vmem>>[vector<16xi32>], vector<16xf32>,
            %slice3A_567 = vector.extract_strided_slice %mul3A_371 {offsets = [7], sizes = [1], strides = [1]} : vector<16xi32> to vector<1xi32>
            %squeeze3A_568 = vector.extract %slice3A_567[0] : i32 from vector<1xi32>
            %add3A_569 = vector.broadcast %squeeze3A_568 : i32 to vector<16xi32>
            %add3A_570 = arith.addi %iota3A, %add3A_569 : vector<16xi32>
            %mul3A_571 = arith.constant 8 : i32
            %mul3A_572 = arith.muli %scan3A_342, %mul3A_571 : i32
            %add3A_573 = arith.constant 3 : i32
            %add3A_574 = arith.addi %mul3A_572, %add3A_573 : i32
            %get3A_575 = arith.index_cast %add3A_574 : i32 to index
            %get3A_576 = arith.constant 64 : index
            %get3A_577 = tpu.vector_load %arg17[%get3A_575, %get3A_576] {strides = array<i32>} : memref<128x128xf32, #tpu.memory_space<vmem>>, vector<16xf32>,
            %get3A_578 = arith.index_cast %add3A_574 : i32 to index
            %get3A_579 = arith.constant 80 : index
            %get3A_580 = tpu.vector_load %arg17[%get3A_578, %get3A_579] {strides = array<i32>} : memref<128x128xf32, #tpu.memory_space<vmem>>, vector<16xf32>,
            %get3A_581 = arith.index_cast %add3A_574 : i32 to index
            %get3A_582 = arith.constant 96 : index
            %get3A_583 = tpu.vector_load %arg17[%get3A_581, %get3A_582] {strides = array<i32>} : memref<128x128xf32, #tpu.memory_space<vmem>>, vector<16xf32>,
            %get3A_584 = arith.index_cast %add3A_574 : i32 to index
            %get3A_585 = arith.constant 112 : index
            %get3A_586 = tpu.vector_load %arg17[%get3A_584, %get3A_585] {strides = array<i32>} : memref<128x128xf32, #tpu.memory_space<vmem>>, vector<16xf32>,
            %gather3A_587 = tpu.vector_load_idx %arg7[%add3A_570] : memref<16512xf32, #tpu.memory_space<vmem>>[vector<16xi32>], vector<16xf32>,
            %gather3A_588 = tpu.vector_load_idx %arg8[%add3A_570] : memref<16512xf32, #tpu.memory_space<vmem>>[vector<16xi32>], vector<16xf32>,
            %gather3A_589 = tpu.vector_load_idx %arg9[%add3A_570] : memref<16512xf32, #tpu.memory_space<vmem>>[vector<16xi32>], vector<16xf32>,
            %gather3A_590 = tpu.vector_load_idx %arg10[%add3A_570] : memref<16512xf32, #tpu.memory_space<vmem>>[vector<16xi32>], vector<16xf32>,
            %max3A_591 = arith.maximumf %gather3A_587, %get3A_577 : vector<16xf32>
            tpu.vector_store_idx %arg7[%add3A_570], %max3A_591 : memref<16512xf32, #tpu.memory_space<vmem>>[vector<16xi32>], vector<16xf32>,
            %max3A_592 = arith.maximumf %gather3A_588, %get3A_580 : vector<16xf32>
            tpu.vector_store_idx %arg8[%add3A_570], %max3A_592 : memref<16512xf32, #tpu.memory_space<vmem>>[vector<16xi32>], vector<16xf32>,
            %max3A_593 = arith.maximumf %gather3A_589, %get3A_583 : vector<16xf32>
            tpu.vector_store_idx %arg9[%add3A_570], %max3A_593 : memref<16512xf32, #tpu.memory_space<vmem>>[vector<16xi32>], vector<16xf32>,
            %max3A_594 = arith.maximumf %gather3A_590, %get3A_586 : vector<16xf32>
            tpu.vector_store_idx %arg10[%add3A_570], %max3A_594 : memref<16512xf32, #tpu.memory_space<vmem>>[vector<16xi32>], vector<16xf32>,
            %slice3A_595 = vector.extract_strided_slice %mul3A_371 {offsets = [8], sizes = [1], strides = [1]} : vector<16xi32> to vector<1xi32>
            %squeeze3A_596 = vector.extract %slice3A_595[0] : i32 from vector<1xi32>
            %add3A_597 = vector.broadcast %squeeze3A_596 : i32 to vector<16xi32>
            %add3A_598 = arith.addi %iota3A, %add3A_597 : vector<16xi32>
            %mul3A_599 = arith.constant 8 : i32
            %mul3A_600 = arith.muli %scan3A_342, %mul3A_599 : i32
            %add3A_601 = arith.constant 4 : i32
            %add3A_602 = arith.addi %mul3A_600, %add3A_601 : i32
            %get3A_603 = arith.index_cast %add3A_602 : i32 to index
            %get3A_604 = arith.constant 0 : index
            %get3A_605 = tpu.vector_load %arg17[%get3A_603, %get3A_604] {strides = array<i32>} : memref<128x128xf32, #tpu.memory_space<vmem>>, vector<16xf32>,
            %get3A_606 = arith.index_cast %add3A_602 : i32 to index
            %get3A_607 = arith.constant 16 : index
            %get3A_608 = tpu.vector_load %arg17[%get3A_606, %get3A_607] {strides = array<i32>} : memref<128x128xf32, #tpu.memory_space<vmem>>, vector<16xf32>,
            %get3A_609 = arith.index_cast %add3A_602 : i32 to index
            %get3A_610 = arith.constant 32 : index
            %get3A_611 = tpu.vector_load %arg17[%get3A_609, %get3A_610] {strides = array<i32>} : memref<128x128xf32, #tpu.memory_space<vmem>>, vector<16xf32>,
            %get3A_612 = arith.index_cast %add3A_602 : i32 to index
            %get3A_613 = arith.constant 48 : index
            %get3A_614 = tpu.vector_load %arg17[%get3A_612, %get3A_613] {strides = array<i32>} : memref<128x128xf32, #tpu.memory_space<vmem>>, vector<16xf32>,
            %gather3A_615 = tpu.vector_load_idx %arg7[%add3A_598] : memref<16512xf32, #tpu.memory_space<vmem>>[vector<16xi32>], vector<16xf32>,
            %gather3A_616 = tpu.vector_load_idx %arg8[%add3A_598] : memref<16512xf32, #tpu.memory_space<vmem>>[vector<16xi32>], vector<16xf32>,
            %gather3A_617 = tpu.vector_load_idx %arg9[%add3A_598] : memref<16512xf32, #tpu.memory_space<vmem>>[vector<16xi32>], vector<16xf32>,
            %gather3A_618 = tpu.vector_load_idx %arg10[%add3A_598] : memref<16512xf32, #tpu.memory_space<vmem>>[vector<16xi32>], vector<16xf32>,
            %max3A_619 = arith.maximumf %gather3A_615, %get3A_605 : vector<16xf32>
            tpu.vector_store_idx %arg7[%add3A_598], %max3A_619 : memref<16512xf32, #tpu.memory_space<vmem>>[vector<16xi32>], vector<16xf32>,
            %max3A_620 = arith.maximumf %gather3A_616, %get3A_608 : vector<16xf32>
            tpu.vector_store_idx %arg8[%add3A_598], %max3A_620 : memref<16512xf32, #tpu.memory_space<vmem>>[vector<16xi32>], vector<16xf32>,
            %max3A_621 = arith.maximumf %gather3A_617, %get3A_611 : vector<16xf32>
            tpu.vector_store_idx %arg9[%add3A_598], %max3A_621 : memref<16512xf32, #tpu.memory_space<vmem>>[vector<16xi32>], vector<16xf32>,
            %max3A_622 = arith.maximumf %gather3A_618, %get3A_614 : vector<16xf32>
            tpu.vector_store_idx %arg10[%add3A_598], %max3A_622 : memref<16512xf32, #tpu.memory_space<vmem>>[vector<16xi32>], vector<16xf32>,
            %slice3A_623 = vector.extract_strided_slice %mul3A_371 {offsets = [9], sizes = [1], strides = [1]} : vector<16xi32> to vector<1xi32>
            %squeeze3A_624 = vector.extract %slice3A_623[0] : i32 from vector<1xi32>
            %add3A_625 = vector.broadcast %squeeze3A_624 : i32 to vector<16xi32>
            %add3A_626 = arith.addi %iota3A, %add3A_625 : vector<16xi32>
            %mul3A_627 = arith.constant 8 : i32
            %mul3A_628 = arith.muli %scan3A_342, %mul3A_627 : i32
            %add3A_629 = arith.constant 4 : i32
            %add3A_630 = arith.addi %mul3A_628, %add3A_629 : i32
            %get3A_631 = arith.index_cast %add3A_630 : i32 to index
            %get3A_632 = arith.constant 64 : index
            %get3A_633 = tpu.vector_load %arg17[%get3A_631, %get3A_632] {strides = array<i32>} : memref<128x128xf32, #tpu.memory_space<vmem>>, vector<16xf32>,
            %get3A_634 = arith.index_cast %add3A_630 : i32 to index
            %get3A_635 = arith.constant 80 : index
            %get3A_636 = tpu.vector_load %arg17[%get3A_634, %get3A_635] {strides = array<i32>} : memref<128x128xf32, #tpu.memory_space<vmem>>, vector<16xf32>,
            %get3A_637 = arith.index_cast %add3A_630 : i32 to index
            %get3A_638 = arith.constant 96 : index
            %get3A_639 = tpu.vector_load %arg17[%get3A_637, %get3A_638] {strides = array<i32>} : memref<128x128xf32, #tpu.memory_space<vmem>>, vector<16xf32>,
            %get3A_640 = arith.index_cast %add3A_630 : i32 to index
            %get3A_641 = arith.constant 112 : index
            %get3A_642 = tpu.vector_load %arg17[%get3A_640, %get3A_641] {strides = array<i32>} : memref<128x128xf32, #tpu.memory_space<vmem>>, vector<16xf32>,
            %gather3A_643 = tpu.vector_load_idx %arg7[%add3A_626] : memref<16512xf32, #tpu.memory_space<vmem>>[vector<16xi32>], vector<16xf32>,
            %gather3A_644 = tpu.vector_load_idx %arg8[%add3A_626] : memref<16512xf32, #tpu.memory_space<vmem>>[vector<16xi32>], vector<16xf32>,
            %gather3A_645 = tpu.vector_load_idx %arg9[%add3A_626] : memref<16512xf32, #tpu.memory_space<vmem>>[vector<16xi32>], vector<16xf32>,
            %gather3A_646 = tpu.vector_load_idx %arg10[%add3A_626] : memref<16512xf32, #tpu.memory_space<vmem>>[vector<16xi32>], vector<16xf32>,
            %max3A_647 = arith.maximumf %gather3A_643, %get3A_633 : vector<16xf32>
            tpu.vector_store_idx %arg7[%add3A_626], %max3A_647 : memref<16512xf32, #tpu.memory_space<vmem>>[vector<16xi32>], vector<16xf32>,
            %max3A_648 = arith.maximumf %gather3A_644, %get3A_636 : vector<16xf32>
            tpu.vector_store_idx %arg8[%add3A_626], %max3A_648 : memref<16512xf32, #tpu.memory_space<vmem>>[vector<16xi32>], vector<16xf32>,
            %max3A_649 = arith.maximumf %gather3A_645, %get3A_639 : vector<16xf32>
            tpu.vector_store_idx %arg9[%add3A_626], %max3A_649 : memref<16512xf32, #tpu.memory_space<vmem>>[vector<16xi32>], vector<16xf32>,
            %max3A_650 = arith.maximumf %gather3A_646, %get3A_642 : vector<16xf32>
            tpu.vector_store_idx %arg10[%add3A_626], %max3A_650 : memref<16512xf32, #tpu.memory_space<vmem>>[vector<16xi32>], vector<16xf32>,
            %slice3A_651 = vector.extract_strided_slice %mul3A_371 {offsets = [10], sizes = [1], strides = [1]} : vector<16xi32> to vector<1xi32>
            %squeeze3A_652 = vector.extract %slice3A_651[0] : i32 from vector<1xi32>
            %add3A_653 = vector.broadcast %squeeze3A_652 : i32 to vector<16xi32>
            %add3A_654 = arith.addi %iota3A, %add3A_653 : vector<16xi32>
            %mul3A_655 = arith.constant 8 : i32
            %mul3A_656 = arith.muli %scan3A_342, %mul3A_655 : i32
            %add3A_657 = arith.constant 5 : i32
            %add3A_658 = arith.addi %mul3A_656, %add3A_657 : i32
            %get3A_659 = arith.index_cast %add3A_658 : i32 to index
            %get3A_660 = arith.constant 0 : index
            %get3A_661 = tpu.vector_load %arg17[%get3A_659, %get3A_660] {strides = array<i32>} : memref<128x128xf32, #tpu.memory_space<vmem>>, vector<16xf32>,
            %get3A_662 = arith.index_cast %add3A_658 : i32 to index
            %get3A_663 = arith.constant 16 : index
            %get3A_664 = tpu.vector_load %arg17[%get3A_662, %get3A_663] {strides = array<i32>} : memref<128x128xf32, #tpu.memory_space<vmem>>, vector<16xf32>,
            %get3A_665 = arith.index_cast %add3A_658 : i32 to index
            %get3A_666 = arith.constant 32 : index
            %get3A_667 = tpu.vector_load %arg17[%get3A_665, %get3A_666] {strides = array<i32>} : memref<128x128xf32, #tpu.memory_space<vmem>>, vector<16xf32>,
            %get3A_668 = arith.index_cast %add3A_658 : i32 to index
            %get3A_669 = arith.constant 48 : index
            %get3A_670 = tpu.vector_load %arg17[%get3A_668, %get3A_669] {strides = array<i32>} : memref<128x128xf32, #tpu.memory_space<vmem>>, vector<16xf32>,
            %gather3A_671 = tpu.vector_load_idx %arg7[%add3A_654] : memref<16512xf32, #tpu.memory_space<vmem>>[vector<16xi32>], vector<16xf32>,
            %gather3A_672 = tpu.vector_load_idx %arg8[%add3A_654] : memref<16512xf32, #tpu.memory_space<vmem>>[vector<16xi32>], vector<16xf32>,
            %gather3A_673 = tpu.vector_load_idx %arg9[%add3A_654] : memref<16512xf32, #tpu.memory_space<vmem>>[vector<16xi32>], vector<16xf32>,
            %gather3A_674 = tpu.vector_load_idx %arg10[%add3A_654] : memref<16512xf32, #tpu.memory_space<vmem>>[vector<16xi32>], vector<16xf32>,
            %max3A_675 = arith.maximumf %gather3A_671, %get3A_661 : vector<16xf32>
            tpu.vector_store_idx %arg7[%add3A_654], %max3A_675 : memref<16512xf32, #tpu.memory_space<vmem>>[vector<16xi32>], vector<16xf32>,
            %max3A_676 = arith.maximumf %gather3A_672, %get3A_664 : vector<16xf32>
            tpu.vector_store_idx %arg8[%add3A_654], %max3A_676 : memref<16512xf32, #tpu.memory_space<vmem>>[vector<16xi32>], vector<16xf32>,
            %max3A_677 = arith.maximumf %gather3A_673, %get3A_667 : vector<16xf32>
            tpu.vector_store_idx %arg9[%add3A_654], %max3A_677 : memref<16512xf32, #tpu.memory_space<vmem>>[vector<16xi32>], vector<16xf32>,
            %max3A_678 = arith.maximumf %gather3A_674, %get3A_670 : vector<16xf32>
            tpu.vector_store_idx %arg10[%add3A_654], %max3A_678 : memref<16512xf32, #tpu.memory_space<vmem>>[vector<16xi32>], vector<16xf32>,
            %slice3A_679 = vector.extract_strided_slice %mul3A_371 {offsets = [11], sizes = [1], strides = [1]} : vector<16xi32> to vector<1xi32>
            %squeeze3A_680 = vector.extract %slice3A_679[0] : i32 from vector<1xi32>
            %add3A_681 = vector.broadcast %squeeze3A_680 : i32 to vector<16xi32>
            %add3A_682 = arith.addi %iota3A, %add3A_681 : vector<16xi32>
            %mul3A_683 = arith.constant 8 : i32
            %mul3A_684 = arith.muli %scan3A_342, %mul3A_683 : i32
            %add3A_685 = arith.constant 5 : i32
            %add3A_686 = arith.addi %mul3A_684, %add3A_685 : i32
            %get3A_687 = arith.index_cast %add3A_686 : i32 to index
            %get3A_688 = arith.constant 64 : index
            %get3A_689 = tpu.vector_load %arg17[%get3A_687, %get3A_688] {strides = array<i32>} : memref<128x128xf32, #tpu.memory_space<vmem>>, vector<16xf32>,
            %get3A_690 = arith.index_cast %add3A_686 : i32 to index
            %get3A_691 = arith.constant 80 : index
            %get3A_692 = tpu.vector_load %arg17[%get3A_690, %get3A_691] {strides = array<i32>} : memref<128x128xf32, #tpu.memory_space<vmem>>, vector<16xf32>,
            %get3A_693 = arith.index_cast %add3A_686 : i32 to index
            %get3A_694 = arith.constant 96 : index
            %get3A_695 = tpu.vector_load %arg17[%get3A_693, %get3A_694] {strides = array<i32>} : memref<128x128xf32, #tpu.memory_space<vmem>>, vector<16xf32>,
            %get3A_696 = arith.index_cast %add3A_686 : i32 to index
            %get3A_697 = arith.constant 112 : index
            %get3A_698 = tpu.vector_load %arg17[%get3A_696, %get3A_697] {strides = array<i32>} : memref<128x128xf32, #tpu.memory_space<vmem>>, vector<16xf32>,
            %gather3A_699 = tpu.vector_load_idx %arg7[%add3A_682] : memref<16512xf32, #tpu.memory_space<vmem>>[vector<16xi32>], vector<16xf32>,
            %gather3A_700 = tpu.vector_load_idx %arg8[%add3A_682] : memref<16512xf32, #tpu.memory_space<vmem>>[vector<16xi32>], vector<16xf32>,
            %gather3A_701 = tpu.vector_load_idx %arg9[%add3A_682] : memref<16512xf32, #tpu.memory_space<vmem>>[vector<16xi32>], vector<16xf32>,
            %gather3A_702 = tpu.vector_load_idx %arg10[%add3A_682] : memref<16512xf32, #tpu.memory_space<vmem>>[vector<16xi32>], vector<16xf32>,
            %max3A_703 = arith.maximumf %gather3A_699, %get3A_689 : vector<16xf32>
            tpu.vector_store_idx %arg7[%add3A_682], %max3A_703 : memref<16512xf32, #tpu.memory_space<vmem>>[vector<16xi32>], vector<16xf32>,
            %max3A_704 = arith.maximumf %gather3A_700, %get3A_692 : vector<16xf32>
            tpu.vector_store_idx %arg8[%add3A_682], %max3A_704 : memref<16512xf32, #tpu.memory_space<vmem>>[vector<16xi32>], vector<16xf32>,
            %max3A_705 = arith.maximumf %gather3A_701, %get3A_695 : vector<16xf32>
            tpu.vector_store_idx %arg9[%add3A_682], %max3A_705 : memref<16512xf32, #tpu.memory_space<vmem>>[vector<16xi32>], vector<16xf32>,
            %max3A_706 = arith.maximumf %gather3A_702, %get3A_698 : vector<16xf32>
            tpu.vector_store_idx %arg10[%add3A_682], %max3A_706 : memref<16512xf32, #tpu.memory_space<vmem>>[vector<16xi32>], vector<16xf32>,
            %slice3A_707 = vector.extract_strided_slice %mul3A_371 {offsets = [12], sizes = [1], strides = [1]} : vector<16xi32> to vector<1xi32>
            %squeeze3A_708 = vector.extract %slice3A_707[0] : i32 from vector<1xi32>
            %add3A_709 = vector.broadcast %squeeze3A_708 : i32 to vector<16xi32>
            %add3A_710 = arith.addi %iota3A, %add3A_709 : vector<16xi32>
            %mul3A_711 = arith.constant 8 : i32
            %mul3A_712 = arith.muli %scan3A_342, %mul3A_711 : i32
            %add3A_713 = arith.constant 6 : i32
            %add3A_714 = arith.addi %mul3A_712, %add3A_713 : i32
            %get3A_715 = arith.index_cast %add3A_714 : i32 to index
            %get3A_716 = arith.constant 0 : index
            %get3A_717 = tpu.vector_load %arg17[%get3A_715, %get3A_716] {strides = array<i32>} : memref<128x128xf32, #tpu.memory_space<vmem>>, vector<16xf32>,
            %get3A_718 = arith.index_cast %add3A_714 : i32 to index
            %get3A_719 = arith.constant 16 : index
            %get3A_720 = tpu.vector_load %arg17[%get3A_718, %get3A_719] {strides = array<i32>} : memref<128x128xf32, #tpu.memory_space<vmem>>, vector<16xf32>,
            %get3A_721 = arith.index_cast %add3A_714 : i32 to index
            %get3A_722 = arith.constant 32 : index
            %get3A_723 = tpu.vector_load %arg17[%get3A_721, %get3A_722] {strides = array<i32>} : memref<128x128xf32, #tpu.memory_space<vmem>>, vector<16xf32>,
            %get3A_724 = arith.index_cast %add3A_714 : i32 to index
            %get3A_725 = arith.constant 48 : index
            %get3A_726 = tpu.vector_load %arg17[%get3A_724, %get3A_725] {strides = array<i32>} : memref<128x128xf32, #tpu.memory_space<vmem>>, vector<16xf32>,
            %gather3A_727 = tpu.vector_load_idx %arg7[%add3A_710] : memref<16512xf32, #tpu.memory_space<vmem>>[vector<16xi32>], vector<16xf32>,
            %gather3A_728 = tpu.vector_load_idx %arg8[%add3A_710] : memref<16512xf32, #tpu.memory_space<vmem>>[vector<16xi32>], vector<16xf32>,
            %gather3A_729 = tpu.vector_load_idx %arg9[%add3A_710] : memref<16512xf32, #tpu.memory_space<vmem>>[vector<16xi32>], vector<16xf32>,
            %gather3A_730 = tpu.vector_load_idx %arg10[%add3A_710] : memref<16512xf32, #tpu.memory_space<vmem>>[vector<16xi32>], vector<16xf32>,
            %max3A_731 = arith.maximumf %gather3A_727, %get3A_717 : vector<16xf32>
            tpu.vector_store_idx %arg7[%add3A_710], %max3A_731 : memref<16512xf32, #tpu.memory_space<vmem>>[vector<16xi32>], vector<16xf32>,
            %max3A_732 = arith.maximumf %gather3A_728, %get3A_720 : vector<16xf32>
            tpu.vector_store_idx %arg8[%add3A_710], %max3A_732 : memref<16512xf32, #tpu.memory_space<vmem>>[vector<16xi32>], vector<16xf32>,
            %max3A_733 = arith.maximumf %gather3A_729, %get3A_723 : vector<16xf32>
            tpu.vector_store_idx %arg9[%add3A_710], %max3A_733 : memref<16512xf32, #tpu.memory_space<vmem>>[vector<16xi32>], vector<16xf32>,
            %max3A_734 = arith.maximumf %gather3A_730, %get3A_726 : vector<16xf32>
            tpu.vector_store_idx %arg10[%add3A_710], %max3A_734 : memref<16512xf32, #tpu.memory_space<vmem>>[vector<16xi32>], vector<16xf32>,
            %slice3A_735 = vector.extract_strided_slice %mul3A_371 {offsets = [13], sizes = [1], strides = [1]} : vector<16xi32> to vector<1xi32>
            %squeeze3A_736 = vector.extract %slice3A_735[0] : i32 from vector<1xi32>
            %add3A_737 = vector.broadcast %squeeze3A_736 : i32 to vector<16xi32>
            %add3A_738 = arith.addi %iota3A, %add3A_737 : vector<16xi32>
            %mul3A_739 = arith.constant 8 : i32
            %mul3A_740 = arith.muli %scan3A_342, %mul3A_739 : i32
            %add3A_741 = arith.constant 6 : i32
            %add3A_742 = arith.addi %mul3A_740, %add3A_741 : i32
            %get3A_743 = arith.index_cast %add3A_742 : i32 to index
            %get3A_744 = arith.constant 64 : index
            %get3A_745 = tpu.vector_load %arg17[%get3A_743, %get3A_744] {strides = array<i32>} : memref<128x128xf32, #tpu.memory_space<vmem>>, vector<16xf32>,
            %get3A_746 = arith.index_cast %add3A_742 : i32 to index
            %get3A_747 = arith.constant 80 : index
            %get3A_748 = tpu.vector_load %arg17[%get3A_746, %get3A_747] {strides = array<i32>} : memref<128x128xf32, #tpu.memory_space<vmem>>, vector<16xf32>,
            %get3A_749 = arith.index_cast %add3A_742 : i32 to index
            %get3A_750 = arith.constant 96 : index
            %get3A_751 = tpu.vector_load %arg17[%get3A_749, %get3A_750] {strides = array<i32>} : memref<128x128xf32, #tpu.memory_space<vmem>>, vector<16xf32>,
            %get3A_752 = arith.index_cast %add3A_742 : i32 to index
            %get3A_753 = arith.constant 112 : index
            %get3A_754 = tpu.vector_load %arg17[%get3A_752, %get3A_753] {strides = array<i32>} : memref<128x128xf32, #tpu.memory_space<vmem>>, vector<16xf32>,
            %gather3A_755 = tpu.vector_load_idx %arg7[%add3A_738] : memref<16512xf32, #tpu.memory_space<vmem>>[vector<16xi32>], vector<16xf32>,
            %gather3A_756 = tpu.vector_load_idx %arg8[%add3A_738] : memref<16512xf32, #tpu.memory_space<vmem>>[vector<16xi32>], vector<16xf32>,
            %gather3A_757 = tpu.vector_load_idx %arg9[%add3A_738] : memref<16512xf32, #tpu.memory_space<vmem>>[vector<16xi32>], vector<16xf32>,
            %gather3A_758 = tpu.vector_load_idx %arg10[%add3A_738] : memref<16512xf32, #tpu.memory_space<vmem>>[vector<16xi32>], vector<16xf32>,
            %max3A_759 = arith.maximumf %gather3A_755, %get3A_745 : vector<16xf32>
            tpu.vector_store_idx %arg7[%add3A_738], %max3A_759 : memref<16512xf32, #tpu.memory_space<vmem>>[vector<16xi32>], vector<16xf32>,
            %max3A_760 = arith.maximumf %gather3A_756, %get3A_748 : vector<16xf32>
            tpu.vector_store_idx %arg8[%add3A_738], %max3A_760 : memref<16512xf32, #tpu.memory_space<vmem>>[vector<16xi32>], vector<16xf32>,
            %max3A_761 = arith.maximumf %gather3A_757, %get3A_751 : vector<16xf32>
            tpu.vector_store_idx %arg9[%add3A_738], %max3A_761 : memref<16512xf32, #tpu.memory_space<vmem>>[vector<16xi32>], vector<16xf32>,
            %max3A_762 = arith.maximumf %gather3A_758, %get3A_754 : vector<16xf32>
            tpu.vector_store_idx %arg10[%add3A_738], %max3A_762 : memref<16512xf32, #tpu.memory_space<vmem>>[vector<16xi32>], vector<16xf32>,
            %slice3A_763 = vector.extract_strided_slice %mul3A_371 {offsets = [14], sizes = [1], strides = [1]} : vector<16xi32> to vector<1xi32>
            %squeeze3A_764 = vector.extract %slice3A_763[0] : i32 from vector<1xi32>
            %add3A_765 = vector.broadcast %squeeze3A_764 : i32 to vector<16xi32>
            %add3A_766 = arith.addi %iota3A, %add3A_765 : vector<16xi32>
            %mul3A_767 = arith.constant 8 : i32
            %mul3A_768 = arith.muli %scan3A_342, %mul3A_767 : i32
            %add3A_769 = arith.constant 7 : i32
            %add3A_770 = arith.addi %mul3A_768, %add3A_769 : i32
            %get3A_771 = arith.index_cast %add3A_770 : i32 to index
            %get3A_772 = arith.constant 0 : index
            %get3A_773 = tpu.vector_load %arg17[%get3A_771, %get3A_772] {strides = array<i32>} : memref<128x128xf32, #tpu.memory_space<vmem>>, vector<16xf32>,
            %get3A_774 = arith.index_cast %add3A_770 : i32 to index
            %get3A_775 = arith.constant 16 : index
            %get3A_776 = tpu.vector_load %arg17[%get3A_774, %get3A_775] {strides = array<i32>} : memref<128x128xf32, #tpu.memory_space<vmem>>, vector<16xf32>,
            %get3A_777 = arith.index_cast %add3A_770 : i32 to index
            %get3A_778 = arith.constant 32 : index
            %get3A_779 = tpu.vector_load %arg17[%get3A_777, %get3A_778] {strides = array<i32>} : memref<128x128xf32, #tpu.memory_space<vmem>>, vector<16xf32>,
            %get3A_780 = arith.index_cast %add3A_770 : i32 to index
            %get3A_781 = arith.constant 48 : index
            %get3A_782 = tpu.vector_load %arg17[%get3A_780, %get3A_781] {strides = array<i32>} : memref<128x128xf32, #tpu.memory_space<vmem>>, vector<16xf32>,
            %gather3A_783 = tpu.vector_load_idx %arg7[%add3A_766] : memref<16512xf32, #tpu.memory_space<vmem>>[vector<16xi32>], vector<16xf32>,
            %gather3A_784 = tpu.vector_load_idx %arg8[%add3A_766] : memref<16512xf32, #tpu.memory_space<vmem>>[vector<16xi32>], vector<16xf32>,
            %gather3A_785 = tpu.vector_load_idx %arg9[%add3A_766] : memref<16512xf32, #tpu.memory_space<vmem>>[vector<16xi32>], vector<16xf32>,
            %gather3A_786 = tpu.vector_load_idx %arg10[%add3A_766] : memref<16512xf32, #tpu.memory_space<vmem>>[vector<16xi32>], vector<16xf32>,
            %max3A_787 = arith.maximumf %gather3A_783, %get3A_773 : vector<16xf32>
            tpu.vector_store_idx %arg7[%add3A_766], %max3A_787 : memref<16512xf32, #tpu.memory_space<vmem>>[vector<16xi32>], vector<16xf32>,
            %max3A_788 = arith.maximumf %gather3A_784, %get3A_776 : vector<16xf32>
            tpu.vector_store_idx %arg8[%add3A_766], %max3A_788 : memref<16512xf32, #tpu.memory_space<vmem>>[vector<16xi32>], vector<16xf32>,
            %max3A_789 = arith.maximumf %gather3A_785, %get3A_779 : vector<16xf32>
            tpu.vector_store_idx %arg9[%add3A_766], %max3A_789 : memref<16512xf32, #tpu.memory_space<vmem>>[vector<16xi32>], vector<16xf32>,
            %max3A_790 = arith.maximumf %gather3A_786, %get3A_782 : vector<16xf32>
            tpu.vector_store_idx %arg10[%add3A_766], %max3A_790 : memref<16512xf32, #tpu.memory_space<vmem>>[vector<16xi32>], vector<16xf32>,
            %slice3A_791 = vector.extract_strided_slice %mul3A_371 {offsets = [15], sizes = [1], strides = [1]} : vector<16xi32> to vector<1xi32>
            %squeeze3A_792 = vector.extract %slice3A_791[0] : i32 from vector<1xi32>
            %add3A_793 = vector.broadcast %squeeze3A_792 : i32 to vector<16xi32>
            %add3A_794 = arith.addi %iota3A, %add3A_793 : vector<16xi32>
            %mul3A_795 = arith.constant 8 : i32
            %mul3A_796 = arith.muli %scan3A_342, %mul3A_795 : i32
            %add3A_797 = arith.constant 7 : i32
            %add3A_798 = arith.addi %mul3A_796, %add3A_797 : i32
            %get3A_799 = arith.index_cast %add3A_798 : i32 to index
            %get3A_800 = arith.constant 64 : index
            %get3A_801 = tpu.vector_load %arg17[%get3A_799, %get3A_800] {strides = array<i32>} : memref<128x128xf32, #tpu.memory_space<vmem>>, vector<16xf32>,
            %get3A_802 = arith.index_cast %add3A_798 : i32 to index
            %get3A_803 = arith.constant 80 : index
            %get3A_804 = tpu.vector_load %arg17[%get3A_802, %get3A_803] {strides = array<i32>} : memref<128x128xf32, #tpu.memory_space<vmem>>, vector<16xf32>,
            %get3A_805 = arith.index_cast %add3A_798 : i32 to index
            %get3A_806 = arith.constant 96 : index
            %get3A_807 = tpu.vector_load %arg17[%get3A_805, %get3A_806] {strides = array<i32>} : memref<128x128xf32, #tpu.memory_space<vmem>>, vector<16xf32>,
            %get3A_808 = arith.index_cast %add3A_798 : i32 to index
            %get3A_809 = arith.constant 112 : index
            %get3A_810 = tpu.vector_load %arg17[%get3A_808, %get3A_809] {strides = array<i32>} : memref<128x128xf32, #tpu.memory_space<vmem>>, vector<16xf32>,
            %gather3A_811 = tpu.vector_load_idx %arg7[%add3A_794] : memref<16512xf32, #tpu.memory_space<vmem>>[vector<16xi32>], vector<16xf32>,
            %gather3A_812 = tpu.vector_load_idx %arg8[%add3A_794] : memref<16512xf32, #tpu.memory_space<vmem>>[vector<16xi32>], vector<16xf32>,
            %gather3A_813 = tpu.vector_load_idx %arg9[%add3A_794] : memref<16512xf32, #tpu.memory_space<vmem>>[vector<16xi32>], vector<16xf32>,
            %gather3A_814 = tpu.vector_load_idx %arg10[%add3A_794] : memref<16512xf32, #tpu.memory_space<vmem>>[vector<16xi32>], vector<16xf32>,
            %max3A_815 = arith.maximumf %gather3A_811, %get3A_801 : vector<16xf32>
            tpu.vector_store_idx %arg7[%add3A_794], %max3A_815 : memref<16512xf32, #tpu.memory_space<vmem>>[vector<16xi32>], vector<16xf32>,
            %max3A_816 = arith.maximumf %gather3A_812, %get3A_804 : vector<16xf32>
            tpu.vector_store_idx %arg8[%add3A_794], %max3A_816 : memref<16512xf32, #tpu.memory_space<vmem>>[vector<16xi32>], vector<16xf32>,
            %max3A_817 = arith.maximumf %gather3A_813, %get3A_807 : vector<16xf32>
            tpu.vector_store_idx %arg9[%add3A_794], %max3A_817 : memref<16512xf32, #tpu.memory_space<vmem>>[vector<16xi32>], vector<16xf32>,
            %max3A_818 = arith.maximumf %gather3A_814, %get3A_810 : vector<16xf32>
            tpu.vector_store_idx %arg10[%add3A_794], %max3A_818 : memref<16512xf32, #tpu.memory_space<vmem>>[vector<16xi32>], vector<16xf32>,
            %scan3A_819 = arith.constant 0 : i32
            scf.yield %scan3A_819 : i32
          }
          %scan3A_334 = arith.constant 16 : i32
          %add3A_335 = arith.constant 1 : i32
          %add3A_336 = arith.addi %mul3A_313, %add3A_335 : i32
          %lt3A_337 = arith.cmpi slt, %add3A_336, %squeeze3A_15 : i32
          %convert_element_type3A_338 = arith.extui %lt3A_337 : i1 to i32
          %cond3A_339 = arith.constant 0 : i32
          %cond3A_340 = arith.cmpi ne, %convert_element_type3A_338, %cond3A_339 : i32
          scf.if %cond3A_340 {
            %add3A_342 = arith.constant 2 : i32
            %add3A_343 = arith.addi %mul3A_313, %add3A_342 : i32
            %lt3A_344 = arith.cmpi slt, %add3A_343, %squeeze3A_15 : i32
            %convert_element_type3A_345 = arith.extui %lt3A_344 : i1 to i32
            %cond3A_346 = arith.constant 0 : i32
            %cond3A_347 = arith.cmpi ne, %convert_element_type3A_345, %cond3A_346 : i32
            scf.if %cond3A_347 {
              %add3A_366 = arith.constant 2 : i32
              %add3A_367 = arith.addi %mul3A_313, %add3A_366 : i32
              %mul3A_368 = arith.constant 128 : i32
              %mul3A_369 = arith.muli %add3A_367, %mul3A_368 : i32
              %add3A_370 = arith.constant 0 : i32
              %add3A_371 = arith.addi %mul3A_369, %add3A_370 : i32
              %add3A_372 = vector.broadcast %add3A_371 : i32 to vector<16xi32>
              %add3A_373 = arith.addi %select_n3A, %add3A_372 : vector<16xi32>
              %gather3A_374 = tpu.vector_load_idx %arg12[%add3A_373] : memref<1792xi32, #tpu.memory_space<vmem>>[vector<16xi32>], vector<16xi32>,
              %mul3A_375 = arith.constant 2 : i32
              %mul3A_376 = vector.broadcast %mul3A_375 : i32 to vector<16xi32>
              %mul3A_377 = arith.muli %gather3A_374, %mul3A_376 : vector<16xi32>
              %add3A_378 = arith.addi %mul3A_377, %select_n3A_85 : vector<16xi32>
              %swap3A_379 = arith.constant 0 : index
              %swap3A_380 = tpu.vector_load %arg13[%swap3A_379] {strides = array<i32>} : memref<256xi32, #tpu.memory_space<vmem>>, vector<16xi32>,
              tpu.vector_store %arg13[%swap3A_379], %add3A_378 {strides = array<i32>} : memref<256xi32, #tpu.memory_space<vmem>>, vector<16xi32>,
              %mul3A_381 = arith.constant 128 : i32
              %mul3A_382 = arith.muli %add3A_367, %mul3A_381 : i32
              %add3A_383 = arith.constant 8 : i32
              %add3A_384 = arith.addi %mul3A_382, %add3A_383 : i32
              %add3A_385 = vector.broadcast %add3A_384 : i32 to vector<16xi32>
              %add3A_386 = arith.addi %select_n3A, %add3A_385 : vector<16xi32>
              %gather3A_387 = tpu.vector_load_idx %arg12[%add3A_386] : memref<1792xi32, #tpu.memory_space<vmem>>[vector<16xi32>], vector<16xi32>,
              %mul3A_388 = arith.constant 2 : i32
              %mul3A_389 = vector.broadcast %mul3A_388 : i32 to vector<16xi32>
              %mul3A_390 = arith.muli %gather3A_387, %mul3A_389 : vector<16xi32>
              %add3A_391 = arith.addi %mul3A_390, %select_n3A_85 : vector<16xi32>
              %swap3A_392 = arith.constant 16 : index
              %swap3A_393 = tpu.vector_load %arg13[%swap3A_392] {strides = array<i32>} : memref<256xi32, #tpu.memory_space<vmem>>, vector<16xi32>,
              tpu.vector_store %arg13[%swap3A_392], %add3A_391 {strides = array<i32>} : memref<256xi32, #tpu.memory_space<vmem>>, vector<16xi32>,
              %mul3A_394 = arith.constant 128 : i32
              %mul3A_395 = arith.muli %add3A_367, %mul3A_394 : i32
              %add3A_396 = arith.constant 16 : i32
              %add3A_397 = arith.addi %mul3A_395, %add3A_396 : i32
              %add3A_398 = vector.broadcast %add3A_397 : i32 to vector<16xi32>
              %add3A_399 = arith.addi %select_n3A, %add3A_398 : vector<16xi32>
              %gather3A_400 = tpu.vector_load_idx %arg12[%add3A_399] : memref<1792xi32, #tpu.memory_space<vmem>>[vector<16xi32>], vector<16xi32>,
              %mul3A_401 = arith.constant 2 : i32
              %mul3A_402 = vector.broadcast %mul3A_401 : i32 to vector<16xi32>
              %mul3A_403 = arith.muli %gather3A_400, %mul3A_402 : vector<16xi32>
              %add3A_404 = arith.addi %mul3A_403, %select_n3A_85 : vector<16xi32>
              %swap3A_405 = arith.constant 32 : index
              %swap3A_406 = tpu.vector_load %arg13[%swap3A_405] {strides = array<i32>} : memref<256xi32, #tpu.memory_space<vmem>>, vector<16xi32>,
              tpu.vector_store %arg13[%swap3A_405], %add3A_404 {strides = array<i32>} : memref<256xi32, #tpu.memory_space<vmem>>, vector<16xi32>,
              %mul3A_407 = arith.constant 128 : i32
              %mul3A_408 = arith.muli %add3A_367, %mul3A_407 : i32
              %add3A_409 = arith.constant 24 : i32
              %add3A_410 = arith.addi %mul3A_408, %add3A_409 : i32
              %add3A_411 = vector.broadcast %add3A_410 : i32 to vector<16xi32>
              %add3A_412 = arith.addi %select_n3A, %add3A_411 : vector<16xi32>
              %gather3A_413 = tpu.vector_load_idx %arg12[%add3A_412] : memref<1792xi32, #tpu.memory_space<vmem>>[vector<16xi32>], vector<16xi32>,
              %mul3A_414 = arith.constant 2 : i32
              %mul3A_415 = vector.broadcast %mul3A_414 : i32 to vector<16xi32>
              %mul3A_416 = arith.muli %gather3A_413, %mul3A_415 : vector<16xi32>
              %add3A_417 = arith.addi %mul3A_416, %select_n3A_85 : vector<16xi32>
              %swap3A_418 = arith.constant 48 : index
              %swap3A_419 = tpu.vector_load %arg13[%swap3A_418] {strides = array<i32>} : memref<256xi32, #tpu.memory_space<vmem>>, vector<16xi32>,
              tpu.vector_store %arg13[%swap3A_418], %add3A_417 {strides = array<i32>} : memref<256xi32, #tpu.memory_space<vmem>>, vector<16xi32>,
              %mul3A_420 = arith.constant 128 : i32
              %mul3A_421 = arith.muli %add3A_367, %mul3A_420 : i32
              %add3A_422 = arith.constant 32 : i32
              %add3A_423 = arith.addi %mul3A_421, %add3A_422 : i32
              %add3A_424 = vector.broadcast %add3A_423 : i32 to vector<16xi32>
              %add3A_425 = arith.addi %select_n3A, %add3A_424 : vector<16xi32>
              %gather3A_426 = tpu.vector_load_idx %arg12[%add3A_425] : memref<1792xi32, #tpu.memory_space<vmem>>[vector<16xi32>], vector<16xi32>,
              %mul3A_427 = arith.constant 2 : i32
              %mul3A_428 = vector.broadcast %mul3A_427 : i32 to vector<16xi32>
              %mul3A_429 = arith.muli %gather3A_426, %mul3A_428 : vector<16xi32>
              %add3A_430 = arith.addi %mul3A_429, %select_n3A_85 : vector<16xi32>
              %swap3A_431 = arith.constant 64 : index
              %swap3A_432 = tpu.vector_load %arg13[%swap3A_431] {strides = array<i32>} : memref<256xi32, #tpu.memory_space<vmem>>, vector<16xi32>,
              tpu.vector_store %arg13[%swap3A_431], %add3A_430 {strides = array<i32>} : memref<256xi32, #tpu.memory_space<vmem>>, vector<16xi32>,
              %mul3A_433 = arith.constant 128 : i32
              %mul3A_434 = arith.muli %add3A_367, %mul3A_433 : i32
              %add3A_435 = arith.constant 40 : i32
              %add3A_436 = arith.addi %mul3A_434, %add3A_435 : i32
              %add3A_437 = vector.broadcast %add3A_436 : i32 to vector<16xi32>
              %add3A_438 = arith.addi %select_n3A, %add3A_437 : vector<16xi32>
              %gather3A_439 = tpu.vector_load_idx %arg12[%add3A_438] : memref<1792xi32, #tpu.memory_space<vmem>>[vector<16xi32>], vector<16xi32>,
              %mul3A_440 = arith.constant 2 : i32
              %mul3A_441 = vector.broadcast %mul3A_440 : i32 to vector<16xi32>
              %mul3A_442 = arith.muli %gather3A_439, %mul3A_441 : vector<16xi32>
              %add3A_443 = arith.addi %mul3A_442, %select_n3A_85 : vector<16xi32>
              %swap3A_444 = arith.constant 80 : index
              %swap3A_445 = tpu.vector_load %arg13[%swap3A_444] {strides = array<i32>} : memref<256xi32, #tpu.memory_space<vmem>>, vector<16xi32>,
              tpu.vector_store %arg13[%swap3A_444], %add3A_443 {strides = array<i32>} : memref<256xi32, #tpu.memory_space<vmem>>, vector<16xi32>,
              %mul3A_446 = arith.constant 128 : i32
              %mul3A_447 = arith.muli %add3A_367, %mul3A_446 : i32
              %add3A_448 = arith.constant 48 : i32
              %add3A_449 = arith.addi %mul3A_447, %add3A_448 : i32
              %add3A_450 = vector.broadcast %add3A_449 : i32 to vector<16xi32>
              %add3A_451 = arith.addi %select_n3A, %add3A_450 : vector<16xi32>
              %gather3A_452 = tpu.vector_load_idx %arg12[%add3A_451] : memref<1792xi32, #tpu.memory_space<vmem>>[vector<16xi32>], vector<16xi32>,
              %mul3A_453 = arith.constant 2 : i32
              %mul3A_454 = vector.broadcast %mul3A_453 : i32 to vector<16xi32>
              %mul3A_455 = arith.muli %gather3A_452, %mul3A_454 : vector<16xi32>
              %add3A_456 = arith.addi %mul3A_455, %select_n3A_85 : vector<16xi32>
              %swap3A_457 = arith.constant 96 : index
              %swap3A_458 = tpu.vector_load %arg13[%swap3A_457] {strides = array<i32>} : memref<256xi32, #tpu.memory_space<vmem>>, vector<16xi32>,
              tpu.vector_store %arg13[%swap3A_457], %add3A_456 {strides = array<i32>} : memref<256xi32, #tpu.memory_space<vmem>>, vector<16xi32>,
              %mul3A_459 = arith.constant 128 : i32
              %mul3A_460 = arith.muli %add3A_367, %mul3A_459 : i32
              %add3A_461 = arith.constant 56 : i32
              %add3A_462 = arith.addi %mul3A_460, %add3A_461 : i32
              %add3A_463 = vector.broadcast %add3A_462 : i32 to vector<16xi32>
              %add3A_464 = arith.addi %select_n3A, %add3A_463 : vector<16xi32>
              %gather3A_465 = tpu.vector_load_idx %arg12[%add3A_464] : memref<1792xi32, #tpu.memory_space<vmem>>[vector<16xi32>], vector<16xi32>,
              %mul3A_466 = arith.constant 2 : i32
              %mul3A_467 = vector.broadcast %mul3A_466 : i32 to vector<16xi32>
              %mul3A_468 = arith.muli %gather3A_465, %mul3A_467 : vector<16xi32>
              %add3A_469 = arith.addi %mul3A_468, %select_n3A_85 : vector<16xi32>
              %swap3A_470 = arith.constant 112 : index
              %swap3A_471 = tpu.vector_load %arg13[%swap3A_470] {strides = array<i32>} : memref<256xi32, #tpu.memory_space<vmem>>, vector<16xi32>,
              tpu.vector_store %arg13[%swap3A_470], %add3A_469 {strides = array<i32>} : memref<256xi32, #tpu.memory_space<vmem>>, vector<16xi32>,
              %mul3A_472 = arith.constant 128 : i32
              %mul3A_473 = arith.muli %add3A_367, %mul3A_472 : i32
              %add3A_474 = arith.constant 64 : i32
              %add3A_475 = arith.addi %mul3A_473, %add3A_474 : i32
              %add3A_476 = vector.broadcast %add3A_475 : i32 to vector<16xi32>
              %add3A_477 = arith.addi %select_n3A, %add3A_476 : vector<16xi32>
              %gather3A_478 = tpu.vector_load_idx %arg12[%add3A_477] : memref<1792xi32, #tpu.memory_space<vmem>>[vector<16xi32>], vector<16xi32>,
              %mul3A_479 = arith.constant 2 : i32
              %mul3A_480 = vector.broadcast %mul3A_479 : i32 to vector<16xi32>
              %mul3A_481 = arith.muli %gather3A_478, %mul3A_480 : vector<16xi32>
              %add3A_482 = arith.addi %mul3A_481, %select_n3A_85 : vector<16xi32>
              %swap3A_483 = arith.constant 128 : index
              %swap3A_484 = tpu.vector_load %arg13[%swap3A_483] {strides = array<i32>} : memref<256xi32, #tpu.memory_space<vmem>>, vector<16xi32>,
              tpu.vector_store %arg13[%swap3A_483], %add3A_482 {strides = array<i32>} : memref<256xi32, #tpu.memory_space<vmem>>, vector<16xi32>,
              %mul3A_485 = arith.constant 128 : i32
              %mul3A_486 = arith.muli %add3A_367, %mul3A_485 : i32
              %add3A_487 = arith.constant 72 : i32
              %add3A_488 = arith.addi %mul3A_486, %add3A_487 : i32
              %add3A_489 = vector.broadcast %add3A_488 : i32 to vector<16xi32>
              %add3A_490 = arith.addi %select_n3A, %add3A_489 : vector<16xi32>
              %gather3A_491 = tpu.vector_load_idx %arg12[%add3A_490] : memref<1792xi32, #tpu.memory_space<vmem>>[vector<16xi32>], vector<16xi32>,
              %mul3A_492 = arith.constant 2 : i32
              %mul3A_493 = vector.broadcast %mul3A_492 : i32 to vector<16xi32>
              %mul3A_494 = arith.muli %gather3A_491, %mul3A_493 : vector<16xi32>
              %add3A_495 = arith.addi %mul3A_494, %select_n3A_85 : vector<16xi32>
              %swap3A_496 = arith.constant 144 : index
              %swap3A_497 = tpu.vector_load %arg13[%swap3A_496] {strides = array<i32>} : memref<256xi32, #tpu.memory_space<vmem>>, vector<16xi32>,
              tpu.vector_store %arg13[%swap3A_496], %add3A_495 {strides = array<i32>} : memref<256xi32, #tpu.memory_space<vmem>>, vector<16xi32>,
              %mul3A_498 = arith.constant 128 : i32
              %mul3A_499 = arith.muli %add3A_367, %mul3A_498 : i32
              %add3A_500 = arith.constant 80 : i32
              %add3A_501 = arith.addi %mul3A_499, %add3A_500 : i32
              %add3A_502 = vector.broadcast %add3A_501 : i32 to vector<16xi32>
              %add3A_503 = arith.addi %select_n3A, %add3A_502 : vector<16xi32>
              %gather3A_504 = tpu.vector_load_idx %arg12[%add3A_503] : memref<1792xi32, #tpu.memory_space<vmem>>[vector<16xi32>], vector<16xi32>,
              %mul3A_505 = arith.constant 2 : i32
              %mul3A_506 = vector.broadcast %mul3A_505 : i32 to vector<16xi32>
              %mul3A_507 = arith.muli %gather3A_504, %mul3A_506 : vector<16xi32>
              %add3A_508 = arith.addi %mul3A_507, %select_n3A_85 : vector<16xi32>
              %swap3A_509 = arith.constant 160 : index
              %swap3A_510 = tpu.vector_load %arg13[%swap3A_509] {strides = array<i32>} : memref<256xi32, #tpu.memory_space<vmem>>, vector<16xi32>,
              tpu.vector_store %arg13[%swap3A_509], %add3A_508 {strides = array<i32>} : memref<256xi32, #tpu.memory_space<vmem>>, vector<16xi32>,
              %mul3A_511 = arith.constant 128 : i32
              %mul3A_512 = arith.muli %add3A_367, %mul3A_511 : i32
              %add3A_513 = arith.constant 88 : i32
              %add3A_514 = arith.addi %mul3A_512, %add3A_513 : i32
              %add3A_515 = vector.broadcast %add3A_514 : i32 to vector<16xi32>
              %add3A_516 = arith.addi %select_n3A, %add3A_515 : vector<16xi32>
              %gather3A_517 = tpu.vector_load_idx %arg12[%add3A_516] : memref<1792xi32, #tpu.memory_space<vmem>>[vector<16xi32>], vector<16xi32>,
              %mul3A_518 = arith.constant 2 : i32
              %mul3A_519 = vector.broadcast %mul3A_518 : i32 to vector<16xi32>
              %mul3A_520 = arith.muli %gather3A_517, %mul3A_519 : vector<16xi32>
              %add3A_521 = arith.addi %mul3A_520, %select_n3A_85 : vector<16xi32>
              %swap3A_522 = arith.constant 176 : index
              %swap3A_523 = tpu.vector_load %arg13[%swap3A_522] {strides = array<i32>} : memref<256xi32, #tpu.memory_space<vmem>>, vector<16xi32>,
              tpu.vector_store %arg13[%swap3A_522], %add3A_521 {strides = array<i32>} : memref<256xi32, #tpu.memory_space<vmem>>, vector<16xi32>,
              %mul3A_524 = arith.constant 128 : i32
              %mul3A_525 = arith.muli %add3A_367, %mul3A_524 : i32
              %add3A_526 = arith.constant 96 : i32
              %add3A_527 = arith.addi %mul3A_525, %add3A_526 : i32
              %add3A_528 = vector.broadcast %add3A_527 : i32 to vector<16xi32>
              %add3A_529 = arith.addi %select_n3A, %add3A_528 : vector<16xi32>
              %gather3A_530 = tpu.vector_load_idx %arg12[%add3A_529] : memref<1792xi32, #tpu.memory_space<vmem>>[vector<16xi32>], vector<16xi32>,
              %mul3A_531 = arith.constant 2 : i32
              %mul3A_532 = vector.broadcast %mul3A_531 : i32 to vector<16xi32>
              %mul3A_533 = arith.muli %gather3A_530, %mul3A_532 : vector<16xi32>
              %add3A_534 = arith.addi %mul3A_533, %select_n3A_85 : vector<16xi32>
              %swap3A_535 = arith.constant 192 : index
              %swap3A_536 = tpu.vector_load %arg13[%swap3A_535] {strides = array<i32>} : memref<256xi32, #tpu.memory_space<vmem>>, vector<16xi32>,
              tpu.vector_store %arg13[%swap3A_535], %add3A_534 {strides = array<i32>} : memref<256xi32, #tpu.memory_space<vmem>>, vector<16xi32>,
              %mul3A_537 = arith.constant 128 : i32
              %mul3A_538 = arith.muli %add3A_367, %mul3A_537 : i32
              %add3A_539 = arith.constant 104 : i32
              %add3A_540 = arith.addi %mul3A_538, %add3A_539 : i32
              %add3A_541 = vector.broadcast %add3A_540 : i32 to vector<16xi32>
              %add3A_542 = arith.addi %select_n3A, %add3A_541 : vector<16xi32>
              %gather3A_543 = tpu.vector_load_idx %arg12[%add3A_542] : memref<1792xi32, #tpu.memory_space<vmem>>[vector<16xi32>], vector<16xi32>,
              %mul3A_544 = arith.constant 2 : i32
              %mul3A_545 = vector.broadcast %mul3A_544 : i32 to vector<16xi32>
              %mul3A_546 = arith.muli %gather3A_543, %mul3A_545 : vector<16xi32>
              %add3A_547 = arith.addi %mul3A_546, %select_n3A_85 : vector<16xi32>
              %swap3A_548 = arith.constant 208 : index
              %swap3A_549 = tpu.vector_load %arg13[%swap3A_548] {strides = array<i32>} : memref<256xi32, #tpu.memory_space<vmem>>, vector<16xi32>,
              tpu.vector_store %arg13[%swap3A_548], %add3A_547 {strides = array<i32>} : memref<256xi32, #tpu.memory_space<vmem>>, vector<16xi32>,
              %mul3A_550 = arith.constant 128 : i32
              %mul3A_551 = arith.muli %add3A_367, %mul3A_550 : i32
              %add3A_552 = arith.constant 112 : i32
              %add3A_553 = arith.addi %mul3A_551, %add3A_552 : i32
              %add3A_554 = vector.broadcast %add3A_553 : i32 to vector<16xi32>
              %add3A_555 = arith.addi %select_n3A, %add3A_554 : vector<16xi32>
              %gather3A_556 = tpu.vector_load_idx %arg12[%add3A_555] : memref<1792xi32, #tpu.memory_space<vmem>>[vector<16xi32>], vector<16xi32>,
              %mul3A_557 = arith.constant 2 : i32
              %mul3A_558 = vector.broadcast %mul3A_557 : i32 to vector<16xi32>
              %mul3A_559 = arith.muli %gather3A_556, %mul3A_558 : vector<16xi32>
              %add3A_560 = arith.addi %mul3A_559, %select_n3A_85 : vector<16xi32>
              %swap3A_561 = arith.constant 224 : index
              %swap3A_562 = tpu.vector_load %arg13[%swap3A_561] {strides = array<i32>} : memref<256xi32, #tpu.memory_space<vmem>>, vector<16xi32>,
              tpu.vector_store %arg13[%swap3A_561], %add3A_560 {strides = array<i32>} : memref<256xi32, #tpu.memory_space<vmem>>, vector<16xi32>,
              %mul3A_563 = arith.constant 128 : i32
              %mul3A_564 = arith.muli %add3A_367, %mul3A_563 : i32
              %add3A_565 = arith.constant 120 : i32
              %add3A_566 = arith.addi %mul3A_564, %add3A_565 : i32
              %add3A_567 = vector.broadcast %add3A_566 : i32 to vector<16xi32>
              %add3A_568 = arith.addi %select_n3A, %add3A_567 : vector<16xi32>
              %gather3A_569 = tpu.vector_load_idx %arg12[%add3A_568] : memref<1792xi32, #tpu.memory_space<vmem>>[vector<16xi32>], vector<16xi32>,
              %mul3A_570 = arith.constant 2 : i32
              %mul3A_571 = vector.broadcast %mul3A_570 : i32 to vector<16xi32>
              %mul3A_572 = arith.muli %gather3A_569, %mul3A_571 : vector<16xi32>
              %add3A_573 = arith.addi %mul3A_572, %select_n3A_85 : vector<16xi32>
              %swap3A_574 = arith.constant 240 : index
              %swap3A_575 = tpu.vector_load %arg13[%swap3A_574] {strides = array<i32>} : memref<256xi32, #tpu.memory_space<vmem>>, vector<16xi32>,
              tpu.vector_store %arg13[%swap3A_574], %add3A_573 {strides = array<i32>} : memref<256xi32, #tpu.memory_space<vmem>>, vector<16xi32>,
              %mul3A_576 = arith.constant 128 : i32
              %mul3A_577 = arith.muli %add3A_367, %mul3A_576 : i32
              %dma_start3A_578 = tpu.memref_slice %arg12[%mul3A_577] : memref<1792xi32, #tpu.memory_space<vmem>> -> memref<128xi32, #tpu.memory_space<vmem>>
              %dma_start3A_579 = arith.constant 0 : i32
              %dma_start3A_580 = arith.constant 0 : i32
              %dma_start3A_581 = tpu.memref_slice %arg2[%dma_start3A_579, %dma_start3A_580] : memref<262144x128xf32, #tpu.memory_space<hbm>> -> memref<262144x128xf32, #tpu.memory_space<hbm>>
              tpu.enqueue_indirect_dma source(%dma_start3A_581 : memref<262144x128xf32, #tpu.memory_space<hbm>>) target(%arg17 : memref<128x128xf32, #tpu.memory_space<vmem>>) offsets(%dma_start3A_578 : memref<128xi32, #tpu.memory_space<vmem>>) semaphore(%arg20 : memref<!tpu.dma_semaphore, #tpu.memory_space<semaphore_mem>>)
              %dma_start3A_582 = arith.constant 0 : i32
              %dma_start3A_583 = tpu.memref_slice %arg15[%dma_start3A_582] : memref<256xi32, #tpu.memory_space<vmem>> -> memref<128xi32, #tpu.memory_space<vmem>>
              %dma_start3A_584 = arith.constant 0 : i32
              %dma_start3A_585 = tpu.memref_slice %arg13[%dma_start3A_584] : memref<256xi32, #tpu.memory_space<vmem>> -> memref<128xi32, #tpu.memory_space<vmem>>
              %dma_start3A_586 = arith.constant 0 : i32
              %dma_start3A_587 = tpu.memref_slice %arg3[%dma_start3A_586] : memref<524288xi32, #tpu.memory_space<hbm>> -> memref<524288xi32, #tpu.memory_space<hbm>>
              tpu.enqueue_indirect_dma source(%dma_start3A_587 : memref<524288xi32, #tpu.memory_space<hbm>>) target(%dma_start3A_583 : memref<128xi32, #tpu.memory_space<vmem>>) offsets(%dma_start3A_585 : memref<128xi32, #tpu.memory_space<vmem>>) semaphore(%arg22 : memref<!tpu.dma_semaphore, #tpu.memory_space<semaphore_mem>>)
              %dma_start3A_588 = arith.constant 128 : i32
              %dma_start3A_589 = tpu.memref_slice %arg15[%dma_start3A_588] : memref<256xi32, #tpu.memory_space<vmem>> -> memref<128xi32, #tpu.memory_space<vmem>>
              %dma_start3A_590 = arith.constant 128 : i32
              %dma_start3A_591 = tpu.memref_slice %arg13[%dma_start3A_590] : memref<256xi32, #tpu.memory_space<vmem>> -> memref<128xi32, #tpu.memory_space<vmem>>
              %dma_start3A_592 = arith.constant 0 : i32
              %dma_start3A_593 = tpu.memref_slice %arg3[%dma_start3A_592] : memref<524288xi32, #tpu.memory_space<hbm>> -> memref<524288xi32, #tpu.memory_space<hbm>>
              tpu.enqueue_indirect_dma source(%dma_start3A_593 : memref<524288xi32, #tpu.memory_space<hbm>>) target(%dma_start3A_589 : memref<128xi32, #tpu.memory_space<vmem>>) offsets(%dma_start3A_591 : memref<128xi32, #tpu.memory_space<vmem>>) semaphore(%arg22 : memref<!tpu.dma_semaphore, #tpu.memory_space<semaphore_mem>>)
            } else {
            }
            %dma_wait3A_348 = arith.constant 0 : i32
            %dma_wait3A_349 = tpu.memref_slice %arg12[%dma_wait3A_348] : memref<1792xi32, #tpu.memory_space<vmem>> -> memref<128xi32, #tpu.memory_space<vmem>>
            %dma_wait3A_350 = arith.constant 0 : i32
            %dma_wait3A_351 = arith.constant 0 : i32
            %dma_wait3A_352 = tpu.memref_slice %arg2[%dma_wait3A_350, %dma_wait3A_351] : memref<262144x128xf32, #tpu.memory_space<hbm>> -> memref<262144x128xf32, #tpu.memory_space<hbm>>
            tpu.wait_indirect_dma semaphore(%arg21 : memref<!tpu.dma_semaphore, #tpu.memory_space<semaphore_mem>>) src(%dma_wait3A_352 : memref<262144x128xf32, #tpu.memory_space<hbm>>) dst(%arg18 : memref<128x128xf32, #tpu.memory_space<vmem>>)
            %dma_wait3A_353 = arith.constant 0 : i32
            %dma_wait3A_354 = tpu.memref_slice %arg3[%dma_wait3A_353] : memref<524288xi32, #tpu.memory_space<hbm>> -> memref<256xi32, #tpu.memory_space<hbm>>
            %dma_wait3A_355 = arith.constant 0 : i32
            %dma_wait3A_356 = tpu.memref_slice %arg3[%dma_wait3A_355] : memref<524288xi32, #tpu.memory_space<hbm>> -> memref<256xi32, #tpu.memory_space<hbm>>
            tpu.wait_dma2 semaphore(%arg23 : memref<!tpu.dma_semaphore, #tpu.memory_space<semaphore_mem>>) src(%dma_wait3A_356 : memref<256xi32, #tpu.memory_space<hbm>>) dst(%arg16 : memref<256xi32, #tpu.memory_space<vmem>>)
            %add3A_357 = arith.constant 1 : i32
            %add3A_358 = arith.addi %mul3A_313, %add3A_357 : i32
            %scan3A_359 = arith.constant 0 : i32
            %scan3A_360 = arith.constant 0 : i32
            %scan3A_361 = arith.constant 16 : i32
            %scan3A_362 = arith.addi %scan3A_360, %scan3A_361 : i32
            %scan3A_363 = arith.constant 1 : i32
            %scan3A_364 = scf.for %scan3A_366 = %scan3A_360 to %scan3A_362 step %scan3A_363 iter_args(%scan3A_367 = %scan3A_359) -> (i32)  : i32 {
              %mul3A_368 = arith.constant 16 : i32
              %mul3A_369 = arith.muli %scan3A_366, %mul3A_368 : i32
              %get3A_370 = arith.index_cast %mul3A_369 : i32 to index
              %get3A_371 = tpu.vector_load %arg16[%get3A_370] {strides = array<i32>} : memref<256xi32, #tpu.memory_space<vmem>>, vector<16xi32>,
              %shift_right_logical3A = arith.constant 11 : i32
              %shift_right_logical3A_372 = vector.broadcast %shift_right_logical3A : i32 to vector<16xi32>
              %shift_right_logical3A_373 = arith.shrui %get3A_371, %shift_right_logical3A_372 : vector<16xi32>
              %and3A_374 = arith.constant 2047 : i32
              %and3A_375 = vector.broadcast %and3A_374 : i32 to vector<16xi32>
              %and3A_376 = arith.andi %get3A_371, %and3A_375 : vector<16xi32>
              %sub3A_377 = vector.broadcast %mul3A_21 : i32 to vector<16xi32>
              %sub3A_378 = arith.subi %and3A_376, %sub3A_377 : vector<16xi32>
              %ge3A_379 = arith.constant 0 : i32
              %ge3A_380 = vector.broadcast %ge3A_379 : i32 to vector<16xi32>
              %ge3A_381 = arith.cmpi sge, %sub3A_378, %ge3A_380 : vector<16xi32>
              %lt3A_382 = arith.constant 16 : i32
              %lt3A_383 = vector.broadcast %lt3A_382 : i32 to vector<16xi32>
              %lt3A_384 = arith.cmpi slt, %sub3A_378, %lt3A_383 : vector<16xi32>
              %and3A_385 = arith.andi %ge3A_381, %lt3A_384 : vector<16xi1>
              %mul3A_386 = arith.constant 16 : i32
              %mul3A_387 = vector.broadcast %mul3A_386 : i32 to vector<16xi32>
              %mul3A_388 = arith.muli %shift_right_logical3A_373, %mul3A_387 : vector<16xi32>
              %add3A_389 = arith.addi %mul3A_388, %sub3A_378 : vector<16xi32>
              %jit3A_390 = arith.constant 1024 : i32
              %broadcast_in_dim3A_391 = vector.broadcast %jit3A_390 : i32 to vector<16xi32>
              %select_n3A_392 = arith.select %and3A_385, %add3A_389, %broadcast_in_dim3A_391 : vector<16xi1>, vector<16xi32>
              %mul3A_393 = arith.constant 16 : i32
              %mul3A_394 = vector.broadcast %mul3A_393 : i32 to vector<16xi32>
              %mul3A_395 = arith.muli %select_n3A_392, %mul3A_394 : vector<16xi32>
              %slice3A_396 = vector.extract_strided_slice %mul3A_395 {offsets = [0], sizes = [1], strides = [1]} : vector<16xi32> to vector<1xi32>
              %squeeze3A_397 = vector.extract %slice3A_396[0] : i32 from vector<1xi32>
              %add3A_398 = vector.broadcast %squeeze3A_397 : i32 to vector<16xi32>
              %add3A_399 = arith.addi %iota3A, %add3A_398 : vector<16xi32>
              %mul3A_400 = arith.constant 8 : i32
              %mul3A_401 = arith.muli %scan3A_366, %mul3A_400 : i32
              %add3A_402 = arith.constant 0 : i32
              %add3A_403 = arith.addi %mul3A_401, %add3A_402 : i32
              %get3A_404 = arith.index_cast %add3A_403 : i32 to index
              %get3A_405 = arith.constant 0 : index
              %get3A_406 = tpu.vector_load %arg18[%get3A_404, %get3A_405] {strides = array<i32>} : memref<128x128xf32, #tpu.memory_space<vmem>>, vector<16xf32>,
              %get3A_407 = arith.index_cast %add3A_403 : i32 to index
              %get3A_408 = arith.constant 16 : index
              %get3A_409 = tpu.vector_load %arg18[%get3A_407, %get3A_408] {strides = array<i32>} : memref<128x128xf32, #tpu.memory_space<vmem>>, vector<16xf32>,
              %get3A_410 = arith.index_cast %add3A_403 : i32 to index
              %get3A_411 = arith.constant 32 : index
              %get3A_412 = tpu.vector_load %arg18[%get3A_410, %get3A_411] {strides = array<i32>} : memref<128x128xf32, #tpu.memory_space<vmem>>, vector<16xf32>,
              %get3A_413 = arith.index_cast %add3A_403 : i32 to index
              %get3A_414 = arith.constant 48 : index
              %get3A_415 = tpu.vector_load %arg18[%get3A_413, %get3A_414] {strides = array<i32>} : memref<128x128xf32, #tpu.memory_space<vmem>>, vector<16xf32>,
              %gather3A_416 = tpu.vector_load_idx %arg7[%add3A_399] : memref<16512xf32, #tpu.memory_space<vmem>>[vector<16xi32>], vector<16xf32>,
              %gather3A_417 = tpu.vector_load_idx %arg8[%add3A_399] : memref<16512xf32, #tpu.memory_space<vmem>>[vector<16xi32>], vector<16xf32>,
              %gather3A_418 = tpu.vector_load_idx %arg9[%add3A_399] : memref<16512xf32, #tpu.memory_space<vmem>>[vector<16xi32>], vector<16xf32>,
              %gather3A_419 = tpu.vector_load_idx %arg10[%add3A_399] : memref<16512xf32, #tpu.memory_space<vmem>>[vector<16xi32>], vector<16xf32>,
              %max3A = arith.maximumf %gather3A_416, %get3A_406 : vector<16xf32>
              tpu.vector_store_idx %arg7[%add3A_399], %max3A : memref<16512xf32, #tpu.memory_space<vmem>>[vector<16xi32>], vector<16xf32>,
              %max3A_420 = arith.maximumf %gather3A_417, %get3A_409 : vector<16xf32>
              tpu.vector_store_idx %arg8[%add3A_399], %max3A_420 : memref<16512xf32, #tpu.memory_space<vmem>>[vector<16xi32>], vector<16xf32>,
              %max3A_421 = arith.maximumf %gather3A_418, %get3A_412 : vector<16xf32>
              tpu.vector_store_idx %arg9[%add3A_399], %max3A_421 : memref<16512xf32, #tpu.memory_space<vmem>>[vector<16xi32>], vector<16xf32>,
              %max3A_422 = arith.maximumf %gather3A_419, %get3A_415 : vector<16xf32>
              tpu.vector_store_idx %arg10[%add3A_399], %max3A_422 : memref<16512xf32, #tpu.memory_space<vmem>>[vector<16xi32>], vector<16xf32>,
              %slice3A_423 = vector.extract_strided_slice %mul3A_395 {offsets = [1], sizes = [1], strides = [1]} : vector<16xi32> to vector<1xi32>
              %squeeze3A_424 = vector.extract %slice3A_423[0] : i32 from vector<1xi32>
              %add3A_425 = vector.broadcast %squeeze3A_424 : i32 to vector<16xi32>
              %add3A_426 = arith.addi %iota3A, %add3A_425 : vector<16xi32>
              %mul3A_427 = arith.constant 8 : i32
              %mul3A_428 = arith.muli %scan3A_366, %mul3A_427 : i32
              %add3A_429 = arith.constant 0 : i32
              %add3A_430 = arith.addi %mul3A_428, %add3A_429 : i32
              %get3A_431 = arith.index_cast %add3A_430 : i32 to index
              %get3A_432 = arith.constant 64 : index
              %get3A_433 = tpu.vector_load %arg18[%get3A_431, %get3A_432] {strides = array<i32>} : memref<128x128xf32, #tpu.memory_space<vmem>>, vector<16xf32>,
              %get3A_434 = arith.index_cast %add3A_430 : i32 to index
              %get3A_435 = arith.constant 80 : index
              %get3A_436 = tpu.vector_load %arg18[%get3A_434, %get3A_435] {strides = array<i32>} : memref<128x128xf32, #tpu.memory_space<vmem>>, vector<16xf32>,
              %get3A_437 = arith.index_cast %add3A_430 : i32 to index
              %get3A_438 = arith.constant 96 : index
              %get3A_439 = tpu.vector_load %arg18[%get3A_437, %get3A_438] {strides = array<i32>} : memref<128x128xf32, #tpu.memory_space<vmem>>, vector<16xf32>,
              %get3A_440 = arith.index_cast %add3A_430 : i32 to index
              %get3A_441 = arith.constant 112 : index
              %get3A_442 = tpu.vector_load %arg18[%get3A_440, %get3A_441] {strides = array<i32>} : memref<128x128xf32, #tpu.memory_space<vmem>>, vector<16xf32>,
              %gather3A_443 = tpu.vector_load_idx %arg7[%add3A_426] : memref<16512xf32, #tpu.memory_space<vmem>>[vector<16xi32>], vector<16xf32>,
              %gather3A_444 = tpu.vector_load_idx %arg8[%add3A_426] : memref<16512xf32, #tpu.memory_space<vmem>>[vector<16xi32>], vector<16xf32>,
              %gather3A_445 = tpu.vector_load_idx %arg9[%add3A_426] : memref<16512xf32, #tpu.memory_space<vmem>>[vector<16xi32>], vector<16xf32>,
              %gather3A_446 = tpu.vector_load_idx %arg10[%add3A_426] : memref<16512xf32, #tpu.memory_space<vmem>>[vector<16xi32>], vector<16xf32>,
              %max3A_447 = arith.maximumf %gather3A_443, %get3A_433 : vector<16xf32>
              tpu.vector_store_idx %arg7[%add3A_426], %max3A_447 : memref<16512xf32, #tpu.memory_space<vmem>>[vector<16xi32>], vector<16xf32>,
              %max3A_448 = arith.maximumf %gather3A_444, %get3A_436 : vector<16xf32>
              tpu.vector_store_idx %arg8[%add3A_426], %max3A_448 : memref<16512xf32, #tpu.memory_space<vmem>>[vector<16xi32>], vector<16xf32>,
              %max3A_449 = arith.maximumf %gather3A_445, %get3A_439 : vector<16xf32>
              tpu.vector_store_idx %arg9[%add3A_426], %max3A_449 : memref<16512xf32, #tpu.memory_space<vmem>>[vector<16xi32>], vector<16xf32>,
              %max3A_450 = arith.maximumf %gather3A_446, %get3A_442 : vector<16xf32>
              tpu.vector_store_idx %arg10[%add3A_426], %max3A_450 : memref<16512xf32, #tpu.memory_space<vmem>>[vector<16xi32>], vector<16xf32>,
              %slice3A_451 = vector.extract_strided_slice %mul3A_395 {offsets = [2], sizes = [1], strides = [1]} : vector<16xi32> to vector<1xi32>
              %squeeze3A_452 = vector.extract %slice3A_451[0] : i32 from vector<1xi32>
              %add3A_453 = vector.broadcast %squeeze3A_452 : i32 to vector<16xi32>
              %add3A_454 = arith.addi %iota3A, %add3A_453 : vector<16xi32>
              %mul3A_455 = arith.constant 8 : i32
              %mul3A_456 = arith.muli %scan3A_366, %mul3A_455 : i32
              %add3A_457 = arith.constant 1 : i32
              %add3A_458 = arith.addi %mul3A_456, %add3A_457 : i32
              %get3A_459 = arith.index_cast %add3A_458 : i32 to index
              %get3A_460 = arith.constant 0 : index
              %get3A_461 = tpu.vector_load %arg18[%get3A_459, %get3A_460] {strides = array<i32>} : memref<128x128xf32, #tpu.memory_space<vmem>>, vector<16xf32>,
              %get3A_462 = arith.index_cast %add3A_458 : i32 to index
              %get3A_463 = arith.constant 16 : index
              %get3A_464 = tpu.vector_load %arg18[%get3A_462, %get3A_463] {strides = array<i32>} : memref<128x128xf32, #tpu.memory_space<vmem>>, vector<16xf32>,
              %get3A_465 = arith.index_cast %add3A_458 : i32 to index
              %get3A_466 = arith.constant 32 : index
              %get3A_467 = tpu.vector_load %arg18[%get3A_465, %get3A_466] {strides = array<i32>} : memref<128x128xf32, #tpu.memory_space<vmem>>, vector<16xf32>,
              %get3A_468 = arith.index_cast %add3A_458 : i32 to index
              %get3A_469 = arith.constant 48 : index
              %get3A_470 = tpu.vector_load %arg18[%get3A_468, %get3A_469] {strides = array<i32>} : memref<128x128xf32, #tpu.memory_space<vmem>>, vector<16xf32>,
              %gather3A_471 = tpu.vector_load_idx %arg7[%add3A_454] : memref<16512xf32, #tpu.memory_space<vmem>>[vector<16xi32>], vector<16xf32>,
              %gather3A_472 = tpu.vector_load_idx %arg8[%add3A_454] : memref<16512xf32, #tpu.memory_space<vmem>>[vector<16xi32>], vector<16xf32>,
              %gather3A_473 = tpu.vector_load_idx %arg9[%add3A_454] : memref<16512xf32, #tpu.memory_space<vmem>>[vector<16xi32>], vector<16xf32>,
              %gather3A_474 = tpu.vector_load_idx %arg10[%add3A_454] : memref<16512xf32, #tpu.memory_space<vmem>>[vector<16xi32>], vector<16xf32>,
              %max3A_475 = arith.maximumf %gather3A_471, %get3A_461 : vector<16xf32>
              tpu.vector_store_idx %arg7[%add3A_454], %max3A_475 : memref<16512xf32, #tpu.memory_space<vmem>>[vector<16xi32>], vector<16xf32>,
              %max3A_476 = arith.maximumf %gather3A_472, %get3A_464 : vector<16xf32>
              tpu.vector_store_idx %arg8[%add3A_454], %max3A_476 : memref<16512xf32, #tpu.memory_space<vmem>>[vector<16xi32>], vector<16xf32>,
              %max3A_477 = arith.maximumf %gather3A_473, %get3A_467 : vector<16xf32>
              tpu.vector_store_idx %arg9[%add3A_454], %max3A_477 : memref<16512xf32, #tpu.memory_space<vmem>>[vector<16xi32>], vector<16xf32>,
              %max3A_478 = arith.maximumf %gather3A_474, %get3A_470 : vector<16xf32>
              tpu.vector_store_idx %arg10[%add3A_454], %max3A_478 : memref<16512xf32, #tpu.memory_space<vmem>>[vector<16xi32>], vector<16xf32>,
              %slice3A_479 = vector.extract_strided_slice %mul3A_395 {offsets = [3], sizes = [1], strides = [1]} : vector<16xi32> to vector<1xi32>
              %squeeze3A_480 = vector.extract %slice3A_479[0] : i32 from vector<1xi32>
              %add3A_481 = vector.broadcast %squeeze3A_480 : i32 to vector<16xi32>
              %add3A_482 = arith.addi %iota3A, %add3A_481 : vector<16xi32>
              %mul3A_483 = arith.constant 8 : i32
              %mul3A_484 = arith.muli %scan3A_366, %mul3A_483 : i32
              %add3A_485 = arith.constant 1 : i32
              %add3A_486 = arith.addi %mul3A_484, %add3A_485 : i32
              %get3A_487 = arith.index_cast %add3A_486 : i32 to index
              %get3A_488 = arith.constant 64 : index
              %get3A_489 = tpu.vector_load %arg18[%get3A_487, %get3A_488] {strides = array<i32>} : memref<128x128xf32, #tpu.memory_space<vmem>>, vector<16xf32>,
              %get3A_490 = arith.index_cast %add3A_486 : i32 to index
              %get3A_491 = arith.constant 80 : index
              %get3A_492 = tpu.vector_load %arg18[%get3A_490, %get3A_491] {strides = array<i32>} : memref<128x128xf32, #tpu.memory_space<vmem>>, vector<16xf32>,
              %get3A_493 = arith.index_cast %add3A_486 : i32 to index
              %get3A_494 = arith.constant 96 : index
              %get3A_495 = tpu.vector_load %arg18[%get3A_493, %get3A_494] {strides = array<i32>} : memref<128x128xf32, #tpu.memory_space<vmem>>, vector<16xf32>,
              %get3A_496 = arith.index_cast %add3A_486 : i32 to index
              %get3A_497 = arith.constant 112 : index
              %get3A_498 = tpu.vector_load %arg18[%get3A_496, %get3A_497] {strides = array<i32>} : memref<128x128xf32, #tpu.memory_space<vmem>>, vector<16xf32>,
              %gather3A_499 = tpu.vector_load_idx %arg7[%add3A_482] : memref<16512xf32, #tpu.memory_space<vmem>>[vector<16xi32>], vector<16xf32>,
              %gather3A_500 = tpu.vector_load_idx %arg8[%add3A_482] : memref<16512xf32, #tpu.memory_space<vmem>>[vector<16xi32>], vector<16xf32>,
              %gather3A_501 = tpu.vector_load_idx %arg9[%add3A_482] : memref<16512xf32, #tpu.memory_space<vmem>>[vector<16xi32>], vector<16xf32>,
              %gather3A_502 = tpu.vector_load_idx %arg10[%add3A_482] : memref<16512xf32, #tpu.memory_space<vmem>>[vector<16xi32>], vector<16xf32>,
              %max3A_503 = arith.maximumf %gather3A_499, %get3A_489 : vector<16xf32>
              tpu.vector_store_idx %arg7[%add3A_482], %max3A_503 : memref<16512xf32, #tpu.memory_space<vmem>>[vector<16xi32>], vector<16xf32>,
              %max3A_504 = arith.maximumf %gather3A_500, %get3A_492 : vector<16xf32>
              tpu.vector_store_idx %arg8[%add3A_482], %max3A_504 : memref<16512xf32, #tpu.memory_space<vmem>>[vector<16xi32>], vector<16xf32>,
              %max3A_505 = arith.maximumf %gather3A_501, %get3A_495 : vector<16xf32>
              tpu.vector_store_idx %arg9[%add3A_482], %max3A_505 : memref<16512xf32, #tpu.memory_space<vmem>>[vector<16xi32>], vector<16xf32>,
              %max3A_506 = arith.maximumf %gather3A_502, %get3A_498 : vector<16xf32>
              tpu.vector_store_idx %arg10[%add3A_482], %max3A_506 : memref<16512xf32, #tpu.memory_space<vmem>>[vector<16xi32>], vector<16xf32>,
              %slice3A_507 = vector.extract_strided_slice %mul3A_395 {offsets = [4], sizes = [1], strides = [1]} : vector<16xi32> to vector<1xi32>
              %squeeze3A_508 = vector.extract %slice3A_507[0] : i32 from vector<1xi32>
              %add3A_509 = vector.broadcast %squeeze3A_508 : i32 to vector<16xi32>
              %add3A_510 = arith.addi %iota3A, %add3A_509 : vector<16xi32>
              %mul3A_511 = arith.constant 8 : i32
              %mul3A_512 = arith.muli %scan3A_366, %mul3A_511 : i32
              %add3A_513 = arith.constant 2 : i32
              %add3A_514 = arith.addi %mul3A_512, %add3A_513 : i32
              %get3A_515 = arith.index_cast %add3A_514 : i32 to index
              %get3A_516 = arith.constant 0 : index
              %get3A_517 = tpu.vector_load %arg18[%get3A_515, %get3A_516] {strides = array<i32>} : memref<128x128xf32, #tpu.memory_space<vmem>>, vector<16xf32>,
              %get3A_518 = arith.index_cast %add3A_514 : i32 to index
              %get3A_519 = arith.constant 16 : index
              %get3A_520 = tpu.vector_load %arg18[%get3A_518, %get3A_519] {strides = array<i32>} : memref<128x128xf32, #tpu.memory_space<vmem>>, vector<16xf32>,
              %get3A_521 = arith.index_cast %add3A_514 : i32 to index
              %get3A_522 = arith.constant 32 : index
              %get3A_523 = tpu.vector_load %arg18[%get3A_521, %get3A_522] {strides = array<i32>} : memref<128x128xf32, #tpu.memory_space<vmem>>, vector<16xf32>,
              %get3A_524 = arith.index_cast %add3A_514 : i32 to index
              %get3A_525 = arith.constant 48 : index
              %get3A_526 = tpu.vector_load %arg18[%get3A_524, %get3A_525] {strides = array<i32>} : memref<128x128xf32, #tpu.memory_space<vmem>>, vector<16xf32>,
              %gather3A_527 = tpu.vector_load_idx %arg7[%add3A_510] : memref<16512xf32, #tpu.memory_space<vmem>>[vector<16xi32>], vector<16xf32>,
              %gather3A_528 = tpu.vector_load_idx %arg8[%add3A_510] : memref<16512xf32, #tpu.memory_space<vmem>>[vector<16xi32>], vector<16xf32>,
              %gather3A_529 = tpu.vector_load_idx %arg9[%add3A_510] : memref<16512xf32, #tpu.memory_space<vmem>>[vector<16xi32>], vector<16xf32>,
              %gather3A_530 = tpu.vector_load_idx %arg10[%add3A_510] : memref<16512xf32, #tpu.memory_space<vmem>>[vector<16xi32>], vector<16xf32>,
              %max3A_531 = arith.maximumf %gather3A_527, %get3A_517 : vector<16xf32>
              tpu.vector_store_idx %arg7[%add3A_510], %max3A_531 : memref<16512xf32, #tpu.memory_space<vmem>>[vector<16xi32>], vector<16xf32>,
              %max3A_532 = arith.maximumf %gather3A_528, %get3A_520 : vector<16xf32>
              tpu.vector_store_idx %arg8[%add3A_510], %max3A_532 : memref<16512xf32, #tpu.memory_space<vmem>>[vector<16xi32>], vector<16xf32>,
              %max3A_533 = arith.maximumf %gather3A_529, %get3A_523 : vector<16xf32>
              tpu.vector_store_idx %arg9[%add3A_510], %max3A_533 : memref<16512xf32, #tpu.memory_space<vmem>>[vector<16xi32>], vector<16xf32>,
              %max3A_534 = arith.maximumf %gather3A_530, %get3A_526 : vector<16xf32>
              tpu.vector_store_idx %arg10[%add3A_510], %max3A_534 : memref<16512xf32, #tpu.memory_space<vmem>>[vector<16xi32>], vector<16xf32>,
              %slice3A_535 = vector.extract_strided_slice %mul3A_395 {offsets = [5], sizes = [1], strides = [1]} : vector<16xi32> to vector<1xi32>
              %squeeze3A_536 = vector.extract %slice3A_535[0] : i32 from vector<1xi32>
              %add3A_537 = vector.broadcast %squeeze3A_536 : i32 to vector<16xi32>
              %add3A_538 = arith.addi %iota3A, %add3A_537 : vector<16xi32>
              %mul3A_539 = arith.constant 8 : i32
              %mul3A_540 = arith.muli %scan3A_366, %mul3A_539 : i32
              %add3A_541 = arith.constant 2 : i32
              %add3A_542 = arith.addi %mul3A_540, %add3A_541 : i32
              %get3A_543 = arith.index_cast %add3A_542 : i32 to index
              %get3A_544 = arith.constant 64 : index
              %get3A_545 = tpu.vector_load %arg18[%get3A_543, %get3A_544] {strides = array<i32>} : memref<128x128xf32, #tpu.memory_space<vmem>>, vector<16xf32>,
              %get3A_546 = arith.index_cast %add3A_542 : i32 to index
              %get3A_547 = arith.constant 80 : index
              %get3A_548 = tpu.vector_load %arg18[%get3A_546, %get3A_547] {strides = array<i32>} : memref<128x128xf32, #tpu.memory_space<vmem>>, vector<16xf32>,
              %get3A_549 = arith.index_cast %add3A_542 : i32 to index
              %get3A_550 = arith.constant 96 : index
              %get3A_551 = tpu.vector_load %arg18[%get3A_549, %get3A_550] {strides = array<i32>} : memref<128x128xf32, #tpu.memory_space<vmem>>, vector<16xf32>,
              %get3A_552 = arith.index_cast %add3A_542 : i32 to index
              %get3A_553 = arith.constant 112 : index
              %get3A_554 = tpu.vector_load %arg18[%get3A_552, %get3A_553] {strides = array<i32>} : memref<128x128xf32, #tpu.memory_space<vmem>>, vector<16xf32>,
              %gather3A_555 = tpu.vector_load_idx %arg7[%add3A_538] : memref<16512xf32, #tpu.memory_space<vmem>>[vector<16xi32>], vector<16xf32>,
              %gather3A_556 = tpu.vector_load_idx %arg8[%add3A_538] : memref<16512xf32, #tpu.memory_space<vmem>>[vector<16xi32>], vector<16xf32>,
              %gather3A_557 = tpu.vector_load_idx %arg9[%add3A_538] : memref<16512xf32, #tpu.memory_space<vmem>>[vector<16xi32>], vector<16xf32>,
              %gather3A_558 = tpu.vector_load_idx %arg10[%add3A_538] : memref<16512xf32, #tpu.memory_space<vmem>>[vector<16xi32>], vector<16xf32>,
              %max3A_559 = arith.maximumf %gather3A_555, %get3A_545 : vector<16xf32>
              tpu.vector_store_idx %arg7[%add3A_538], %max3A_559 : memref<16512xf32, #tpu.memory_space<vmem>>[vector<16xi32>], vector<16xf32>,
              %max3A_560 = arith.maximumf %gather3A_556, %get3A_548 : vector<16xf32>
              tpu.vector_store_idx %arg8[%add3A_538], %max3A_560 : memref<16512xf32, #tpu.memory_space<vmem>>[vector<16xi32>], vector<16xf32>,
              %max3A_561 = arith.maximumf %gather3A_557, %get3A_551 : vector<16xf32>
              tpu.vector_store_idx %arg9[%add3A_538], %max3A_561 : memref<16512xf32, #tpu.memory_space<vmem>>[vector<16xi32>], vector<16xf32>,
              %max3A_562 = arith.maximumf %gather3A_558, %get3A_554 : vector<16xf32>
              tpu.vector_store_idx %arg10[%add3A_538], %max3A_562 : memref<16512xf32, #tpu.memory_space<vmem>>[vector<16xi32>], vector<16xf32>,
              %slice3A_563 = vector.extract_strided_slice %mul3A_395 {offsets = [6], sizes = [1], strides = [1]} : vector<16xi32> to vector<1xi32>
              %squeeze3A_564 = vector.extract %slice3A_563[0] : i32 from vector<1xi32>
              %add3A_565 = vector.broadcast %squeeze3A_564 : i32 to vector<16xi32>
              %add3A_566 = arith.addi %iota3A, %add3A_565 : vector<16xi32>
              %mul3A_567 = arith.constant 8 : i32
              %mul3A_568 = arith.muli %scan3A_366, %mul3A_567 : i32
              %add3A_569 = arith.constant 3 : i32
              %add3A_570 = arith.addi %mul3A_568, %add3A_569 : i32
              %get3A_571 = arith.index_cast %add3A_570 : i32 to index
              %get3A_572 = arith.constant 0 : index
              %get3A_573 = tpu.vector_load %arg18[%get3A_571, %get3A_572] {strides = array<i32>} : memref<128x128xf32, #tpu.memory_space<vmem>>, vector<16xf32>,
              %get3A_574 = arith.index_cast %add3A_570 : i32 to index
              %get3A_575 = arith.constant 16 : index
              %get3A_576 = tpu.vector_load %arg18[%get3A_574, %get3A_575] {strides = array<i32>} : memref<128x128xf32, #tpu.memory_space<vmem>>, vector<16xf32>,
              %get3A_577 = arith.index_cast %add3A_570 : i32 to index
              %get3A_578 = arith.constant 32 : index
              %get3A_579 = tpu.vector_load %arg18[%get3A_577, %get3A_578] {strides = array<i32>} : memref<128x128xf32, #tpu.memory_space<vmem>>, vector<16xf32>,
              %get3A_580 = arith.index_cast %add3A_570 : i32 to index
              %get3A_581 = arith.constant 48 : index
              %get3A_582 = tpu.vector_load %arg18[%get3A_580, %get3A_581] {strides = array<i32>} : memref<128x128xf32, #tpu.memory_space<vmem>>, vector<16xf32>,
              %gather3A_583 = tpu.vector_load_idx %arg7[%add3A_566] : memref<16512xf32, #tpu.memory_space<vmem>>[vector<16xi32>], vector<16xf32>,
              %gather3A_584 = tpu.vector_load_idx %arg8[%add3A_566] : memref<16512xf32, #tpu.memory_space<vmem>>[vector<16xi32>], vector<16xf32>,
              %gather3A_585 = tpu.vector_load_idx %arg9[%add3A_566] : memref<16512xf32, #tpu.memory_space<vmem>>[vector<16xi32>], vector<16xf32>,
              %gather3A_586 = tpu.vector_load_idx %arg10[%add3A_566] : memref<16512xf32, #tpu.memory_space<vmem>>[vector<16xi32>], vector<16xf32>,
              %max3A_587 = arith.maximumf %gather3A_583, %get3A_573 : vector<16xf32>
              tpu.vector_store_idx %arg7[%add3A_566], %max3A_587 : memref<16512xf32, #tpu.memory_space<vmem>>[vector<16xi32>], vector<16xf32>,
              %max3A_588 = arith.maximumf %gather3A_584, %get3A_576 : vector<16xf32>
              tpu.vector_store_idx %arg8[%add3A_566], %max3A_588 : memref<16512xf32, #tpu.memory_space<vmem>>[vector<16xi32>], vector<16xf32>,
              %max3A_589 = arith.maximumf %gather3A_585, %get3A_579 : vector<16xf32>
              tpu.vector_store_idx %arg9[%add3A_566], %max3A_589 : memref<16512xf32, #tpu.memory_space<vmem>>[vector<16xi32>], vector<16xf32>,
              %max3A_590 = arith.maximumf %gather3A_586, %get3A_582 : vector<16xf32>
              tpu.vector_store_idx %arg10[%add3A_566], %max3A_590 : memref<16512xf32, #tpu.memory_space<vmem>>[vector<16xi32>], vector<16xf32>,
              %slice3A_591 = vector.extract_strided_slice %mul3A_395 {offsets = [7], sizes = [1], strides = [1]} : vector<16xi32> to vector<1xi32>
              %squeeze3A_592 = vector.extract %slice3A_591[0] : i32 from vector<1xi32>
              %add3A_593 = vector.broadcast %squeeze3A_592 : i32 to vector<16xi32>
              %add3A_594 = arith.addi %iota3A, %add3A_593 : vector<16xi32>
              %mul3A_595 = arith.constant 8 : i32
              %mul3A_596 = arith.muli %scan3A_366, %mul3A_595 : i32
              %add3A_597 = arith.constant 3 : i32
              %add3A_598 = arith.addi %mul3A_596, %add3A_597 : i32
              %get3A_599 = arith.index_cast %add3A_598 : i32 to index
              %get3A_600 = arith.constant 64 : index
              %get3A_601 = tpu.vector_load %arg18[%get3A_599, %get3A_600] {strides = array<i32>} : memref<128x128xf32, #tpu.memory_space<vmem>>, vector<16xf32>,
              %get3A_602 = arith.index_cast %add3A_598 : i32 to index
              %get3A_603 = arith.constant 80 : index
              %get3A_604 = tpu.vector_load %arg18[%get3A_602, %get3A_603] {strides = array<i32>} : memref<128x128xf32, #tpu.memory_space<vmem>>, vector<16xf32>,
              %get3A_605 = arith.index_cast %add3A_598 : i32 to index
              %get3A_606 = arith.constant 96 : index
              %get3A_607 = tpu.vector_load %arg18[%get3A_605, %get3A_606] {strides = array<i32>} : memref<128x128xf32, #tpu.memory_space<vmem>>, vector<16xf32>,
              %get3A_608 = arith.index_cast %add3A_598 : i32 to index
              %get3A_609 = arith.constant 112 : index
              %get3A_610 = tpu.vector_load %arg18[%get3A_608, %get3A_609] {strides = array<i32>} : memref<128x128xf32, #tpu.memory_space<vmem>>, vector<16xf32>,
              %gather3A_611 = tpu.vector_load_idx %arg7[%add3A_594] : memref<16512xf32, #tpu.memory_space<vmem>>[vector<16xi32>], vector<16xf32>,
              %gather3A_612 = tpu.vector_load_idx %arg8[%add3A_594] : memref<16512xf32, #tpu.memory_space<vmem>>[vector<16xi32>], vector<16xf32>,
              %gather3A_613 = tpu.vector_load_idx %arg9[%add3A_594] : memref<16512xf32, #tpu.memory_space<vmem>>[vector<16xi32>], vector<16xf32>,
              %gather3A_614 = tpu.vector_load_idx %arg10[%add3A_594] : memref<16512xf32, #tpu.memory_space<vmem>>[vector<16xi32>], vector<16xf32>,
              %max3A_615 = arith.maximumf %gather3A_611, %get3A_601 : vector<16xf32>
              tpu.vector_store_idx %arg7[%add3A_594], %max3A_615 : memref<16512xf32, #tpu.memory_space<vmem>>[vector<16xi32>], vector<16xf32>,
              %max3A_616 = arith.maximumf %gather3A_612, %get3A_604 : vector<16xf32>
              tpu.vector_store_idx %arg8[%add3A_594], %max3A_616 : memref<16512xf32, #tpu.memory_space<vmem>>[vector<16xi32>], vector<16xf32>,
              %max3A_617 = arith.maximumf %gather3A_613, %get3A_607 : vector<16xf32>
              tpu.vector_store_idx %arg9[%add3A_594], %max3A_617 : memref<16512xf32, #tpu.memory_space<vmem>>[vector<16xi32>], vector<16xf32>,
              %max3A_618 = arith.maximumf %gather3A_614, %get3A_610 : vector<16xf32>
              tpu.vector_store_idx %arg10[%add3A_594], %max3A_618 : memref<16512xf32, #tpu.memory_space<vmem>>[vector<16xi32>], vector<16xf32>,
              %slice3A_619 = vector.extract_strided_slice %mul3A_395 {offsets = [8], sizes = [1], strides = [1]} : vector<16xi32> to vector<1xi32>
              %squeeze3A_620 = vector.extract %slice3A_619[0] : i32 from vector<1xi32>
              %add3A_621 = vector.broadcast %squeeze3A_620 : i32 to vector<16xi32>
              %add3A_622 = arith.addi %iota3A, %add3A_621 : vector<16xi32>
              %mul3A_623 = arith.constant 8 : i32
              %mul3A_624 = arith.muli %scan3A_366, %mul3A_623 : i32
              %add3A_625 = arith.constant 4 : i32
              %add3A_626 = arith.addi %mul3A_624, %add3A_625 : i32
              %get3A_627 = arith.index_cast %add3A_626 : i32 to index
              %get3A_628 = arith.constant 0 : index
              %get3A_629 = tpu.vector_load %arg18[%get3A_627, %get3A_628] {strides = array<i32>} : memref<128x128xf32, #tpu.memory_space<vmem>>, vector<16xf32>,
              %get3A_630 = arith.index_cast %add3A_626 : i32 to index
              %get3A_631 = arith.constant 16 : index
              %get3A_632 = tpu.vector_load %arg18[%get3A_630, %get3A_631] {strides = array<i32>} : memref<128x128xf32, #tpu.memory_space<vmem>>, vector<16xf32>,
              %get3A_633 = arith.index_cast %add3A_626 : i32 to index
              %get3A_634 = arith.constant 32 : index
              %get3A_635 = tpu.vector_load %arg18[%get3A_633, %get3A_634] {strides = array<i32>} : memref<128x128xf32, #tpu.memory_space<vmem>>, vector<16xf32>,
              %get3A_636 = arith.index_cast %add3A_626 : i32 to index
              %get3A_637 = arith.constant 48 : index
              %get3A_638 = tpu.vector_load %arg18[%get3A_636, %get3A_637] {strides = array<i32>} : memref<128x128xf32, #tpu.memory_space<vmem>>, vector<16xf32>,
              %gather3A_639 = tpu.vector_load_idx %arg7[%add3A_622] : memref<16512xf32, #tpu.memory_space<vmem>>[vector<16xi32>], vector<16xf32>,
              %gather3A_640 = tpu.vector_load_idx %arg8[%add3A_622] : memref<16512xf32, #tpu.memory_space<vmem>>[vector<16xi32>], vector<16xf32>,
              %gather3A_641 = tpu.vector_load_idx %arg9[%add3A_622] : memref<16512xf32, #tpu.memory_space<vmem>>[vector<16xi32>], vector<16xf32>,
              %gather3A_642 = tpu.vector_load_idx %arg10[%add3A_622] : memref<16512xf32, #tpu.memory_space<vmem>>[vector<16xi32>], vector<16xf32>,
              %max3A_643 = arith.maximumf %gather3A_639, %get3A_629 : vector<16xf32>
              tpu.vector_store_idx %arg7[%add3A_622], %max3A_643 : memref<16512xf32, #tpu.memory_space<vmem>>[vector<16xi32>], vector<16xf32>,
              %max3A_644 = arith.maximumf %gather3A_640, %get3A_632 : vector<16xf32>
              tpu.vector_store_idx %arg8[%add3A_622], %max3A_644 : memref<16512xf32, #tpu.memory_space<vmem>>[vector<16xi32>], vector<16xf32>,
              %max3A_645 = arith.maximumf %gather3A_641, %get3A_635 : vector<16xf32>
              tpu.vector_store_idx %arg9[%add3A_622], %max3A_645 : memref<16512xf32, #tpu.memory_space<vmem>>[vector<16xi32>], vector<16xf32>,
              %max3A_646 = arith.maximumf %gather3A_642, %get3A_638 : vector<16xf32>
              tpu.vector_store_idx %arg10[%add3A_622], %max3A_646 : memref<16512xf32, #tpu.memory_space<vmem>>[vector<16xi32>], vector<16xf32>,
              %slice3A_647 = vector.extract_strided_slice %mul3A_395 {offsets = [9], sizes = [1], strides = [1]} : vector<16xi32> to vector<1xi32>
              %squeeze3A_648 = vector.extract %slice3A_647[0] : i32 from vector<1xi32>
              %add3A_649 = vector.broadcast %squeeze3A_648 : i32 to vector<16xi32>
              %add3A_650 = arith.addi %iota3A, %add3A_649 : vector<16xi32>
              %mul3A_651 = arith.constant 8 : i32
              %mul3A_652 = arith.muli %scan3A_366, %mul3A_651 : i32
              %add3A_653 = arith.constant 4 : i32
              %add3A_654 = arith.addi %mul3A_652, %add3A_653 : i32
              %get3A_655 = arith.index_cast %add3A_654 : i32 to index
              %get3A_656 = arith.constant 64 : index
              %get3A_657 = tpu.vector_load %arg18[%get3A_655, %get3A_656] {strides = array<i32>} : memref<128x128xf32, #tpu.memory_space<vmem>>, vector<16xf32>,
              %get3A_658 = arith.index_cast %add3A_654 : i32 to index
              %get3A_659 = arith.constant 80 : index
              %get3A_660 = tpu.vector_load %arg18[%get3A_658, %get3A_659] {strides = array<i32>} : memref<128x128xf32, #tpu.memory_space<vmem>>, vector<16xf32>,
              %get3A_661 = arith.index_cast %add3A_654 : i32 to index
              %get3A_662 = arith.constant 96 : index
              %get3A_663 = tpu.vector_load %arg18[%get3A_661, %get3A_662] {strides = array<i32>} : memref<128x128xf32, #tpu.memory_space<vmem>>, vector<16xf32>,
              %get3A_664 = arith.index_cast %add3A_654 : i32 to index
              %get3A_665 = arith.constant 112 : index
              %get3A_666 = tpu.vector_load %arg18[%get3A_664, %get3A_665] {strides = array<i32>} : memref<128x128xf32, #tpu.memory_space<vmem>>, vector<16xf32>,
              %gather3A_667 = tpu.vector_load_idx %arg7[%add3A_650] : memref<16512xf32, #tpu.memory_space<vmem>>[vector<16xi32>], vector<16xf32>,
              %gather3A_668 = tpu.vector_load_idx %arg8[%add3A_650] : memref<16512xf32, #tpu.memory_space<vmem>>[vector<16xi32>], vector<16xf32>,
              %gather3A_669 = tpu.vector_load_idx %arg9[%add3A_650] : memref<16512xf32, #tpu.memory_space<vmem>>[vector<16xi32>], vector<16xf32>,
              %gather3A_670 = tpu.vector_load_idx %arg10[%add3A_650] : memref<16512xf32, #tpu.memory_space<vmem>>[vector<16xi32>], vector<16xf32>,
              %max3A_671 = arith.maximumf %gather3A_667, %get3A_657 : vector<16xf32>
              tpu.vector_store_idx %arg7[%add3A_650], %max3A_671 : memref<16512xf32, #tpu.memory_space<vmem>>[vector<16xi32>], vector<16xf32>,
              %max3A_672 = arith.maximumf %gather3A_668, %get3A_660 : vector<16xf32>
              tpu.vector_store_idx %arg8[%add3A_650], %max3A_672 : memref<16512xf32, #tpu.memory_space<vmem>>[vector<16xi32>], vector<16xf32>,
              %max3A_673 = arith.maximumf %gather3A_669, %get3A_663 : vector<16xf32>
              tpu.vector_store_idx %arg9[%add3A_650], %max3A_673 : memref<16512xf32, #tpu.memory_space<vmem>>[vector<16xi32>], vector<16xf32>,
              %max3A_674 = arith.maximumf %gather3A_670, %get3A_666 : vector<16xf32>
              tpu.vector_store_idx %arg10[%add3A_650], %max3A_674 : memref<16512xf32, #tpu.memory_space<vmem>>[vector<16xi32>], vector<16xf32>,
              %slice3A_675 = vector.extract_strided_slice %mul3A_395 {offsets = [10], sizes = [1], strides = [1]} : vector<16xi32> to vector<1xi32>
              %squeeze3A_676 = vector.extract %slice3A_675[0] : i32 from vector<1xi32>
              %add3A_677 = vector.broadcast %squeeze3A_676 : i32 to vector<16xi32>
              %add3A_678 = arith.addi %iota3A, %add3A_677 : vector<16xi32>
              %mul3A_679 = arith.constant 8 : i32
              %mul3A_680 = arith.muli %scan3A_366, %mul3A_679 : i32
              %add3A_681 = arith.constant 5 : i32
              %add3A_682 = arith.addi %mul3A_680, %add3A_681 : i32
              %get3A_683 = arith.index_cast %add3A_682 : i32 to index
              %get3A_684 = arith.constant 0 : index
              %get3A_685 = tpu.vector_load %arg18[%get3A_683, %get3A_684] {strides = array<i32>} : memref<128x128xf32, #tpu.memory_space<vmem>>, vector<16xf32>,
              %get3A_686 = arith.index_cast %add3A_682 : i32 to index
              %get3A_687 = arith.constant 16 : index
              %get3A_688 = tpu.vector_load %arg18[%get3A_686, %get3A_687] {strides = array<i32>} : memref<128x128xf32, #tpu.memory_space<vmem>>, vector<16xf32>,
              %get3A_689 = arith.index_cast %add3A_682 : i32 to index
              %get3A_690 = arith.constant 32 : index
              %get3A_691 = tpu.vector_load %arg18[%get3A_689, %get3A_690] {strides = array<i32>} : memref<128x128xf32, #tpu.memory_space<vmem>>, vector<16xf32>,
              %get3A_692 = arith.index_cast %add3A_682 : i32 to index
              %get3A_693 = arith.constant 48 : index
              %get3A_694 = tpu.vector_load %arg18[%get3A_692, %get3A_693] {strides = array<i32>} : memref<128x128xf32, #tpu.memory_space<vmem>>, vector<16xf32>,
              %gather3A_695 = tpu.vector_load_idx %arg7[%add3A_678] : memref<16512xf32, #tpu.memory_space<vmem>>[vector<16xi32>], vector<16xf32>,
              %gather3A_696 = tpu.vector_load_idx %arg8[%add3A_678] : memref<16512xf32, #tpu.memory_space<vmem>>[vector<16xi32>], vector<16xf32>,
              %gather3A_697 = tpu.vector_load_idx %arg9[%add3A_678] : memref<16512xf32, #tpu.memory_space<vmem>>[vector<16xi32>], vector<16xf32>,
              %gather3A_698 = tpu.vector_load_idx %arg10[%add3A_678] : memref<16512xf32, #tpu.memory_space<vmem>>[vector<16xi32>], vector<16xf32>,
              %max3A_699 = arith.maximumf %gather3A_695, %get3A_685 : vector<16xf32>
              tpu.vector_store_idx %arg7[%add3A_678], %max3A_699 : memref<16512xf32, #tpu.memory_space<vmem>>[vector<16xi32>], vector<16xf32>,
              %max3A_700 = arith.maximumf %gather3A_696, %get3A_688 : vector<16xf32>
              tpu.vector_store_idx %arg8[%add3A_678], %max3A_700 : memref<16512xf32, #tpu.memory_space<vmem>>[vector<16xi32>], vector<16xf32>,
              %max3A_701 = arith.maximumf %gather3A_697, %get3A_691 : vector<16xf32>
              tpu.vector_store_idx %arg9[%add3A_678], %max3A_701 : memref<16512xf32, #tpu.memory_space<vmem>>[vector<16xi32>], vector<16xf32>,
              %max3A_702 = arith.maximumf %gather3A_698, %get3A_694 : vector<16xf32>
              tpu.vector_store_idx %arg10[%add3A_678], %max3A_702 : memref<16512xf32, #tpu.memory_space<vmem>>[vector<16xi32>], vector<16xf32>,
              %slice3A_703 = vector.extract_strided_slice %mul3A_395 {offsets = [11], sizes = [1], strides = [1]} : vector<16xi32> to vector<1xi32>
              %squeeze3A_704 = vector.extract %slice3A_703[0] : i32 from vector<1xi32>
              %add3A_705 = vector.broadcast %squeeze3A_704 : i32 to vector<16xi32>
              %add3A_706 = arith.addi %iota3A, %add3A_705 : vector<16xi32>
              %mul3A_707 = arith.constant 8 : i32
              %mul3A_708 = arith.muli %scan3A_366, %mul3A_707 : i32
              %add3A_709 = arith.constant 5 : i32
              %add3A_710 = arith.addi %mul3A_708, %add3A_709 : i32
              %get3A_711 = arith.index_cast %add3A_710 : i32 to index
              %get3A_712 = arith.constant 64 : index
              %get3A_713 = tpu.vector_load %arg18[%get3A_711, %get3A_712] {strides = array<i32>} : memref<128x128xf32, #tpu.memory_space<vmem>>, vector<16xf32>,
              %get3A_714 = arith.index_cast %add3A_710 : i32 to index
              %get3A_715 = arith.constant 80 : index
              %get3A_716 = tpu.vector_load %arg18[%get3A_714, %get3A_715] {strides = array<i32>} : memref<128x128xf32, #tpu.memory_space<vmem>>, vector<16xf32>,
              %get3A_717 = arith.index_cast %add3A_710 : i32 to index
              %get3A_718 = arith.constant 96 : index
              %get3A_719 = tpu.vector_load %arg18[%get3A_717, %get3A_718] {strides = array<i32>} : memref<128x128xf32, #tpu.memory_space<vmem>>, vector<16xf32>,
              %get3A_720 = arith.index_cast %add3A_710 : i32 to index
              %get3A_721 = arith.constant 112 : index
              %get3A_722 = tpu.vector_load %arg18[%get3A_720, %get3A_721] {strides = array<i32>} : memref<128x128xf32, #tpu.memory_space<vmem>>, vector<16xf32>,
              %gather3A_723 = tpu.vector_load_idx %arg7[%add3A_706] : memref<16512xf32, #tpu.memory_space<vmem>>[vector<16xi32>], vector<16xf32>,
              %gather3A_724 = tpu.vector_load_idx %arg8[%add3A_706] : memref<16512xf32, #tpu.memory_space<vmem>>[vector<16xi32>], vector<16xf32>,
              %gather3A_725 = tpu.vector_load_idx %arg9[%add3A_706] : memref<16512xf32, #tpu.memory_space<vmem>>[vector<16xi32>], vector<16xf32>,
              %gather3A_726 = tpu.vector_load_idx %arg10[%add3A_706] : memref<16512xf32, #tpu.memory_space<vmem>>[vector<16xi32>], vector<16xf32>,
              %max3A_727 = arith.maximumf %gather3A_723, %get3A_713 : vector<16xf32>
              tpu.vector_store_idx %arg7[%add3A_706], %max3A_727 : memref<16512xf32, #tpu.memory_space<vmem>>[vector<16xi32>], vector<16xf32>,
              %max3A_728 = arith.maximumf %gather3A_724, %get3A_716 : vector<16xf32>
              tpu.vector_store_idx %arg8[%add3A_706], %max3A_728 : memref<16512xf32, #tpu.memory_space<vmem>>[vector<16xi32>], vector<16xf32>,
              %max3A_729 = arith.maximumf %gather3A_725, %get3A_719 : vector<16xf32>
              tpu.vector_store_idx %arg9[%add3A_706], %max3A_729 : memref<16512xf32, #tpu.memory_space<vmem>>[vector<16xi32>], vector<16xf32>,
              %max3A_730 = arith.maximumf %gather3A_726, %get3A_722 : vector<16xf32>
              tpu.vector_store_idx %arg10[%add3A_706], %max3A_730 : memref<16512xf32, #tpu.memory_space<vmem>>[vector<16xi32>], vector<16xf32>,
              %slice3A_731 = vector.extract_strided_slice %mul3A_395 {offsets = [12], sizes = [1], strides = [1]} : vector<16xi32> to vector<1xi32>
              %squeeze3A_732 = vector.extract %slice3A_731[0] : i32 from vector<1xi32>
              %add3A_733 = vector.broadcast %squeeze3A_732 : i32 to vector<16xi32>
              %add3A_734 = arith.addi %iota3A, %add3A_733 : vector<16xi32>
              %mul3A_735 = arith.constant 8 : i32
              %mul3A_736 = arith.muli %scan3A_366, %mul3A_735 : i32
              %add3A_737 = arith.constant 6 : i32
              %add3A_738 = arith.addi %mul3A_736, %add3A_737 : i32
              %get3A_739 = arith.index_cast %add3A_738 : i32 to index
              %get3A_740 = arith.constant 0 : index
              %get3A_741 = tpu.vector_load %arg18[%get3A_739, %get3A_740] {strides = array<i32>} : memref<128x128xf32, #tpu.memory_space<vmem>>, vector<16xf32>,
              %get3A_742 = arith.index_cast %add3A_738 : i32 to index
              %get3A_743 = arith.constant 16 : index
              %get3A_744 = tpu.vector_load %arg18[%get3A_742, %get3A_743] {strides = array<i32>} : memref<128x128xf32, #tpu.memory_space<vmem>>, vector<16xf32>,
              %get3A_745 = arith.index_cast %add3A_738 : i32 to index
              %get3A_746 = arith.constant 32 : index
              %get3A_747 = tpu.vector_load %arg18[%get3A_745, %get3A_746] {strides = array<i32>} : memref<128x128xf32, #tpu.memory_space<vmem>>, vector<16xf32>,
              %get3A_748 = arith.index_cast %add3A_738 : i32 to index
              %get3A_749 = arith.constant 48 : index
              %get3A_750 = tpu.vector_load %arg18[%get3A_748, %get3A_749] {strides = array<i32>} : memref<128x128xf32, #tpu.memory_space<vmem>>, vector<16xf32>,
              %gather3A_751 = tpu.vector_load_idx %arg7[%add3A_734] : memref<16512xf32, #tpu.memory_space<vmem>>[vector<16xi32>], vector<16xf32>,
              %gather3A_752 = tpu.vector_load_idx %arg8[%add3A_734] : memref<16512xf32, #tpu.memory_space<vmem>>[vector<16xi32>], vector<16xf32>,
              %gather3A_753 = tpu.vector_load_idx %arg9[%add3A_734] : memref<16512xf32, #tpu.memory_space<vmem>>[vector<16xi32>], vector<16xf32>,
              %gather3A_754 = tpu.vector_load_idx %arg10[%add3A_734] : memref<16512xf32, #tpu.memory_space<vmem>>[vector<16xi32>], vector<16xf32>,
              %max3A_755 = arith.maximumf %gather3A_751, %get3A_741 : vector<16xf32>
              tpu.vector_store_idx %arg7[%add3A_734], %max3A_755 : memref<16512xf32, #tpu.memory_space<vmem>>[vector<16xi32>], vector<16xf32>,
              %max3A_756 = arith.maximumf %gather3A_752, %get3A_744 : vector<16xf32>
              tpu.vector_store_idx %arg8[%add3A_734], %max3A_756 : memref<16512xf32, #tpu.memory_space<vmem>>[vector<16xi32>], vector<16xf32>,
              %max3A_757 = arith.maximumf %gather3A_753, %get3A_747 : vector<16xf32>
              tpu.vector_store_idx %arg9[%add3A_734], %max3A_757 : memref<16512xf32, #tpu.memory_space<vmem>>[vector<16xi32>], vector<16xf32>,
              %max3A_758 = arith.maximumf %gather3A_754, %get3A_750 : vector<16xf32>
              tpu.vector_store_idx %arg10[%add3A_734], %max3A_758 : memref<16512xf32, #tpu.memory_space<vmem>>[vector<16xi32>], vector<16xf32>,
              %slice3A_759 = vector.extract_strided_slice %mul3A_395 {offsets = [13], sizes = [1], strides = [1]} : vector<16xi32> to vector<1xi32>
              %squeeze3A_760 = vector.extract %slice3A_759[0] : i32 from vector<1xi32>
              %add3A_761 = vector.broadcast %squeeze3A_760 : i32 to vector<16xi32>
              %add3A_762 = arith.addi %iota3A, %add3A_761 : vector<16xi32>
              %mul3A_763 = arith.constant 8 : i32
              %mul3A_764 = arith.muli %scan3A_366, %mul3A_763 : i32
              %add3A_765 = arith.constant 6 : i32
              %add3A_766 = arith.addi %mul3A_764, %add3A_765 : i32
              %get3A_767 = arith.index_cast %add3A_766 : i32 to index
              %get3A_768 = arith.constant 64 : index
              %get3A_769 = tpu.vector_load %arg18[%get3A_767, %get3A_768] {strides = array<i32>} : memref<128x128xf32, #tpu.memory_space<vmem>>, vector<16xf32>,
              %get3A_770 = arith.index_cast %add3A_766 : i32 to index
              %get3A_771 = arith.constant 80 : index
              %get3A_772 = tpu.vector_load %arg18[%get3A_770, %get3A_771] {strides = array<i32>} : memref<128x128xf32, #tpu.memory_space<vmem>>, vector<16xf32>,
              %get3A_773 = arith.index_cast %add3A_766 : i32 to index
              %get3A_774 = arith.constant 96 : index
              %get3A_775 = tpu.vector_load %arg18[%get3A_773, %get3A_774] {strides = array<i32>} : memref<128x128xf32, #tpu.memory_space<vmem>>, vector<16xf32>,
              %get3A_776 = arith.index_cast %add3A_766 : i32 to index
              %get3A_777 = arith.constant 112 : index
              %get3A_778 = tpu.vector_load %arg18[%get3A_776, %get3A_777] {strides = array<i32>} : memref<128x128xf32, #tpu.memory_space<vmem>>, vector<16xf32>,
              %gather3A_779 = tpu.vector_load_idx %arg7[%add3A_762] : memref<16512xf32, #tpu.memory_space<vmem>>[vector<16xi32>], vector<16xf32>,
              %gather3A_780 = tpu.vector_load_idx %arg8[%add3A_762] : memref<16512xf32, #tpu.memory_space<vmem>>[vector<16xi32>], vector<16xf32>,
              %gather3A_781 = tpu.vector_load_idx %arg9[%add3A_762] : memref<16512xf32, #tpu.memory_space<vmem>>[vector<16xi32>], vector<16xf32>,
              %gather3A_782 = tpu.vector_load_idx %arg10[%add3A_762] : memref<16512xf32, #tpu.memory_space<vmem>>[vector<16xi32>], vector<16xf32>,
              %max3A_783 = arith.maximumf %gather3A_779, %get3A_769 : vector<16xf32>
              tpu.vector_store_idx %arg7[%add3A_762], %max3A_783 : memref<16512xf32, #tpu.memory_space<vmem>>[vector<16xi32>], vector<16xf32>,
              %max3A_784 = arith.maximumf %gather3A_780, %get3A_772 : vector<16xf32>
              tpu.vector_store_idx %arg8[%add3A_762], %max3A_784 : memref<16512xf32, #tpu.memory_space<vmem>>[vector<16xi32>], vector<16xf32>,
              %max3A_785 = arith.maximumf %gather3A_781, %get3A_775 : vector<16xf32>
              tpu.vector_store_idx %arg9[%add3A_762], %max3A_785 : memref<16512xf32, #tpu.memory_space<vmem>>[vector<16xi32>], vector<16xf32>,
              %max3A_786 = arith.maximumf %gather3A_782, %get3A_778 : vector<16xf32>
              tpu.vector_store_idx %arg10[%add3A_762], %max3A_786 : memref<16512xf32, #tpu.memory_space<vmem>>[vector<16xi32>], vector<16xf32>,
              %slice3A_787 = vector.extract_strided_slice %mul3A_395 {offsets = [14], sizes = [1], strides = [1]} : vector<16xi32> to vector<1xi32>
              %squeeze3A_788 = vector.extract %slice3A_787[0] : i32 from vector<1xi32>
              %add3A_789 = vector.broadcast %squeeze3A_788 : i32 to vector<16xi32>
              %add3A_790 = arith.addi %iota3A, %add3A_789 : vector<16xi32>
              %mul3A_791 = arith.constant 8 : i32
              %mul3A_792 = arith.muli %scan3A_366, %mul3A_791 : i32
              %add3A_793 = arith.constant 7 : i32
              %add3A_794 = arith.addi %mul3A_792, %add3A_793 : i32
              %get3A_795 = arith.index_cast %add3A_794 : i32 to index
              %get3A_796 = arith.constant 0 : index
              %get3A_797 = tpu.vector_load %arg18[%get3A_795, %get3A_796] {strides = array<i32>} : memref<128x128xf32, #tpu.memory_space<vmem>>, vector<16xf32>,
              %get3A_798 = arith.index_cast %add3A_794 : i32 to index
              %get3A_799 = arith.constant 16 : index
              %get3A_800 = tpu.vector_load %arg18[%get3A_798, %get3A_799] {strides = array<i32>} : memref<128x128xf32, #tpu.memory_space<vmem>>, vector<16xf32>,
              %get3A_801 = arith.index_cast %add3A_794 : i32 to index
              %get3A_802 = arith.constant 32 : index
              %get3A_803 = tpu.vector_load %arg18[%get3A_801, %get3A_802] {strides = array<i32>} : memref<128x128xf32, #tpu.memory_space<vmem>>, vector<16xf32>,
              %get3A_804 = arith.index_cast %add3A_794 : i32 to index
              %get3A_805 = arith.constant 48 : index
              %get3A_806 = tpu.vector_load %arg18[%get3A_804, %get3A_805] {strides = array<i32>} : memref<128x128xf32, #tpu.memory_space<vmem>>, vector<16xf32>,
              %gather3A_807 = tpu.vector_load_idx %arg7[%add3A_790] : memref<16512xf32, #tpu.memory_space<vmem>>[vector<16xi32>], vector<16xf32>,
              %gather3A_808 = tpu.vector_load_idx %arg8[%add3A_790] : memref<16512xf32, #tpu.memory_space<vmem>>[vector<16xi32>], vector<16xf32>,
              %gather3A_809 = tpu.vector_load_idx %arg9[%add3A_790] : memref<16512xf32, #tpu.memory_space<vmem>>[vector<16xi32>], vector<16xf32>,
              %gather3A_810 = tpu.vector_load_idx %arg10[%add3A_790] : memref<16512xf32, #tpu.memory_space<vmem>>[vector<16xi32>], vector<16xf32>,
              %max3A_811 = arith.maximumf %gather3A_807, %get3A_797 : vector<16xf32>
              tpu.vector_store_idx %arg7[%add3A_790], %max3A_811 : memref<16512xf32, #tpu.memory_space<vmem>>[vector<16xi32>], vector<16xf32>,
              %max3A_812 = arith.maximumf %gather3A_808, %get3A_800 : vector<16xf32>
              tpu.vector_store_idx %arg8[%add3A_790], %max3A_812 : memref<16512xf32, #tpu.memory_space<vmem>>[vector<16xi32>], vector<16xf32>,
              %max3A_813 = arith.maximumf %gather3A_809, %get3A_803 : vector<16xf32>
              tpu.vector_store_idx %arg9[%add3A_790], %max3A_813 : memref<16512xf32, #tpu.memory_space<vmem>>[vector<16xi32>], vector<16xf32>,
              %max3A_814 = arith.maximumf %gather3A_810, %get3A_806 : vector<16xf32>
              tpu.vector_store_idx %arg10[%add3A_790], %max3A_814 : memref<16512xf32, #tpu.memory_space<vmem>>[vector<16xi32>], vector<16xf32>,
              %slice3A_815 = vector.extract_strided_slice %mul3A_395 {offsets = [15], sizes = [1], strides = [1]} : vector<16xi32> to vector<1xi32>
              %squeeze3A_816 = vector.extract %slice3A_815[0] : i32 from vector<1xi32>
              %add3A_817 = vector.broadcast %squeeze3A_816 : i32 to vector<16xi32>
              %add3A_818 = arith.addi %iota3A, %add3A_817 : vector<16xi32>
              %mul3A_819 = arith.constant 8 : i32
              %mul3A_820 = arith.muli %scan3A_366, %mul3A_819 : i32
              %add3A_821 = arith.constant 7 : i32
              %add3A_822 = arith.addi %mul3A_820, %add3A_821 : i32
              %get3A_823 = arith.index_cast %add3A_822 : i32 to index
              %get3A_824 = arith.constant 64 : index
              %get3A_825 = tpu.vector_load %arg18[%get3A_823, %get3A_824] {strides = array<i32>} : memref<128x128xf32, #tpu.memory_space<vmem>>, vector<16xf32>,
              %get3A_826 = arith.index_cast %add3A_822 : i32 to index
              %get3A_827 = arith.constant 80 : index
              %get3A_828 = tpu.vector_load %arg18[%get3A_826, %get3A_827] {strides = array<i32>} : memref<128x128xf32, #tpu.memory_space<vmem>>, vector<16xf32>,
              %get3A_829 = arith.index_cast %add3A_822 : i32 to index
              %get3A_830 = arith.constant 96 : index
              %get3A_831 = tpu.vector_load %arg18[%get3A_829, %get3A_830] {strides = array<i32>} : memref<128x128xf32, #tpu.memory_space<vmem>>, vector<16xf32>,
              %get3A_832 = arith.index_cast %add3A_822 : i32 to index
              %get3A_833 = arith.constant 112 : index
              %get3A_834 = tpu.vector_load %arg18[%get3A_832, %get3A_833] {strides = array<i32>} : memref<128x128xf32, #tpu.memory_space<vmem>>, vector<16xf32>,
              %gather3A_835 = tpu.vector_load_idx %arg7[%add3A_818] : memref<16512xf32, #tpu.memory_space<vmem>>[vector<16xi32>], vector<16xf32>,
              %gather3A_836 = tpu.vector_load_idx %arg8[%add3A_818] : memref<16512xf32, #tpu.memory_space<vmem>>[vector<16xi32>], vector<16xf32>,
              %gather3A_837 = tpu.vector_load_idx %arg9[%add3A_818] : memref<16512xf32, #tpu.memory_space<vmem>>[vector<16xi32>], vector<16xf32>,
              %gather3A_838 = tpu.vector_load_idx %arg10[%add3A_818] : memref<16512xf32, #tpu.memory_space<vmem>>[vector<16xi32>], vector<16xf32>,
              %max3A_839 = arith.maximumf %gather3A_835, %get3A_825 : vector<16xf32>
              tpu.vector_store_idx %arg7[%add3A_818], %max3A_839 : memref<16512xf32, #tpu.memory_space<vmem>>[vector<16xi32>], vector<16xf32>,
              %max3A_840 = arith.maximumf %gather3A_836, %get3A_828 : vector<16xf32>
              tpu.vector_store_idx %arg8[%add3A_818], %max3A_840 : memref<16512xf32, #tpu.memory_space<vmem>>[vector<16xi32>], vector<16xf32>,
              %max3A_841 = arith.maximumf %gather3A_837, %get3A_831 : vector<16xf32>
              tpu.vector_store_idx %arg9[%add3A_818], %max3A_841 : memref<16512xf32, #tpu.memory_space<vmem>>[vector<16xi32>], vector<16xf32>,
              %max3A_842 = arith.maximumf %gather3A_838, %get3A_834 : vector<16xf32>
              tpu.vector_store_idx %arg10[%add3A_818], %max3A_842 : memref<16512xf32, #tpu.memory_space<vmem>>[vector<16xi32>], vector<16xf32>,
              %scan3A_843 = arith.constant 0 : i32
              scf.yield %scan3A_843 : i32
            }
            %scan3A_365 = arith.constant 16 : i32
          } else {
          }
          %while3A_341 = arith.constant 0 : i32
          scf.yield %while3A_341 : i32
        }
        %while3A_295 = arith.constant 1 : i32
        %while3A_296 = scf.for %while3A_310 = %while3A_292 to %while3A_288 step %while3A_295 iter_args(%while3A_311 = %while3A_294) -> (i32)  : i32 {
          %mul3A_312 = arith.constant 2 : i32
          %mul3A_313 = arith.muli %while3A_310, %mul3A_312 : i32
          %add3A_314 = arith.constant 1 : i32
          %add3A_315 = arith.addi %mul3A_313, %add3A_314 : i32
          %lt3A_316 = arith.cmpi slt, %add3A_315, %squeeze3A_15 : i32
          %convert_element_type3A_317 = arith.extui %lt3A_316 : i1 to i32
          %cond3A_318 = arith.constant 0 : i32
          %cond3A_319 = arith.cmpi ne, %convert_element_type3A_317, %cond3A_318 : i32
          scf.if %cond3A_319 {
            %add3A_342 = arith.constant 1 : i32
            %add3A_343 = arith.addi %mul3A_313, %add3A_342 : i32
            %mul3A_344 = arith.constant 128 : i32
            %mul3A_345 = arith.muli %add3A_343, %mul3A_344 : i32
            %add3A_346 = arith.constant 0 : i32
            %add3A_347 = arith.addi %mul3A_345, %add3A_346 : i32
            %add3A_348 = vector.broadcast %add3A_347 : i32 to vector<16xi32>
            %add3A_349 = arith.addi %select_n3A, %add3A_348 : vector<16xi32>
            %gather3A_350 = tpu.vector_load_idx %arg12[%add3A_349] : memref<1792xi32, #tpu.memory_space<vmem>>[vector<16xi32>], vector<16xi32>,
            %mul3A_351 = arith.constant 2 : i32
            %mul3A_352 = vector.broadcast %mul3A_351 : i32 to vector<16xi32>
            %mul3A_353 = arith.muli %gather3A_350, %mul3A_352 : vector<16xi32>
            %add3A_354 = arith.addi %mul3A_353, %select_n3A_85 : vector<16xi32>
            %swap3A_355 = arith.constant 0 : index
            %swap3A_356 = tpu.vector_load %arg14[%swap3A_355] {strides = array<i32>} : memref<256xi32, #tpu.memory_space<vmem>>, vector<16xi32>,
            tpu.vector_store %arg14[%swap3A_355], %add3A_354 {strides = array<i32>} : memref<256xi32, #tpu.memory_space<vmem>>, vector<16xi32>,
            %mul3A_357 = arith.constant 128 : i32
            %mul3A_358 = arith.muli %add3A_343, %mul3A_357 : i32
            %add3A_359 = arith.constant 8 : i32
            %add3A_360 = arith.addi %mul3A_358, %add3A_359 : i32
            %add3A_361 = vector.broadcast %add3A_360 : i32 to vector<16xi32>
            %add3A_362 = arith.addi %select_n3A, %add3A_361 : vector<16xi32>
            %gather3A_363 = tpu.vector_load_idx %arg12[%add3A_362] : memref<1792xi32, #tpu.memory_space<vmem>>[vector<16xi32>], vector<16xi32>,
            %mul3A_364 = arith.constant 2 : i32
            %mul3A_365 = vector.broadcast %mul3A_364 : i32 to vector<16xi32>
            %mul3A_366 = arith.muli %gather3A_363, %mul3A_365 : vector<16xi32>
            %add3A_367 = arith.addi %mul3A_366, %select_n3A_85 : vector<16xi32>
            %swap3A_368 = arith.constant 16 : index
            %swap3A_369 = tpu.vector_load %arg14[%swap3A_368] {strides = array<i32>} : memref<256xi32, #tpu.memory_space<vmem>>, vector<16xi32>,
            tpu.vector_store %arg14[%swap3A_368], %add3A_367 {strides = array<i32>} : memref<256xi32, #tpu.memory_space<vmem>>, vector<16xi32>,
            %mul3A_370 = arith.constant 128 : i32
            %mul3A_371 = arith.muli %add3A_343, %mul3A_370 : i32
            %add3A_372 = arith.constant 16 : i32
            %add3A_373 = arith.addi %mul3A_371, %add3A_372 : i32
            %add3A_374 = vector.broadcast %add3A_373 : i32 to vector<16xi32>
            %add3A_375 = arith.addi %select_n3A, %add3A_374 : vector<16xi32>
            %gather3A_376 = tpu.vector_load_idx %arg12[%add3A_375] : memref<1792xi32, #tpu.memory_space<vmem>>[vector<16xi32>], vector<16xi32>,
            %mul3A_377 = arith.constant 2 : i32
            %mul3A_378 = vector.broadcast %mul3A_377 : i32 to vector<16xi32>
            %mul3A_379 = arith.muli %gather3A_376, %mul3A_378 : vector<16xi32>
            %add3A_380 = arith.addi %mul3A_379, %select_n3A_85 : vector<16xi32>
            %swap3A_381 = arith.constant 32 : index
            %swap3A_382 = tpu.vector_load %arg14[%swap3A_381] {strides = array<i32>} : memref<256xi32, #tpu.memory_space<vmem>>, vector<16xi32>,
            tpu.vector_store %arg14[%swap3A_381], %add3A_380 {strides = array<i32>} : memref<256xi32, #tpu.memory_space<vmem>>, vector<16xi32>,
            %mul3A_383 = arith.constant 128 : i32
            %mul3A_384 = arith.muli %add3A_343, %mul3A_383 : i32
            %add3A_385 = arith.constant 24 : i32
            %add3A_386 = arith.addi %mul3A_384, %add3A_385 : i32
            %add3A_387 = vector.broadcast %add3A_386 : i32 to vector<16xi32>
            %add3A_388 = arith.addi %select_n3A, %add3A_387 : vector<16xi32>
            %gather3A_389 = tpu.vector_load_idx %arg12[%add3A_388] : memref<1792xi32, #tpu.memory_space<vmem>>[vector<16xi32>], vector<16xi32>,
            %mul3A_390 = arith.constant 2 : i32
            %mul3A_391 = vector.broadcast %mul3A_390 : i32 to vector<16xi32>
            %mul3A_392 = arith.muli %gather3A_389, %mul3A_391 : vector<16xi32>
            %add3A_393 = arith.addi %mul3A_392, %select_n3A_85 : vector<16xi32>
            %swap3A_394 = arith.constant 48 : index
            %swap3A_395 = tpu.vector_load %arg14[%swap3A_394] {strides = array<i32>} : memref<256xi32, #tpu.memory_space<vmem>>, vector<16xi32>,
            tpu.vector_store %arg14[%swap3A_394], %add3A_393 {strides = array<i32>} : memref<256xi32, #tpu.memory_space<vmem>>, vector<16xi32>,
            %mul3A_396 = arith.constant 128 : i32
            %mul3A_397 = arith.muli %add3A_343, %mul3A_396 : i32
            %add3A_398 = arith.constant 32 : i32
            %add3A_399 = arith.addi %mul3A_397, %add3A_398 : i32
            %add3A_400 = vector.broadcast %add3A_399 : i32 to vector<16xi32>
            %add3A_401 = arith.addi %select_n3A, %add3A_400 : vector<16xi32>
            %gather3A_402 = tpu.vector_load_idx %arg12[%add3A_401] : memref<1792xi32, #tpu.memory_space<vmem>>[vector<16xi32>], vector<16xi32>,
            %mul3A_403 = arith.constant 2 : i32
            %mul3A_404 = vector.broadcast %mul3A_403 : i32 to vector<16xi32>
            %mul3A_405 = arith.muli %gather3A_402, %mul3A_404 : vector<16xi32>
            %add3A_406 = arith.addi %mul3A_405, %select_n3A_85 : vector<16xi32>
            %swap3A_407 = arith.constant 64 : index
            %swap3A_408 = tpu.vector_load %arg14[%swap3A_407] {strides = array<i32>} : memref<256xi32, #tpu.memory_space<vmem>>, vector<16xi32>,
            tpu.vector_store %arg14[%swap3A_407], %add3A_406 {strides = array<i32>} : memref<256xi32, #tpu.memory_space<vmem>>, vector<16xi32>,
            %mul3A_409 = arith.constant 128 : i32
            %mul3A_410 = arith.muli %add3A_343, %mul3A_409 : i32
            %add3A_411 = arith.constant 40 : i32
            %add3A_412 = arith.addi %mul3A_410, %add3A_411 : i32
            %add3A_413 = vector.broadcast %add3A_412 : i32 to vector<16xi32>
            %add3A_414 = arith.addi %select_n3A, %add3A_413 : vector<16xi32>
            %gather3A_415 = tpu.vector_load_idx %arg12[%add3A_414] : memref<1792xi32, #tpu.memory_space<vmem>>[vector<16xi32>], vector<16xi32>,
            %mul3A_416 = arith.constant 2 : i32
            %mul3A_417 = vector.broadcast %mul3A_416 : i32 to vector<16xi32>
            %mul3A_418 = arith.muli %gather3A_415, %mul3A_417 : vector<16xi32>
            %add3A_419 = arith.addi %mul3A_418, %select_n3A_85 : vector<16xi32>
            %swap3A_420 = arith.constant 80 : index
            %swap3A_421 = tpu.vector_load %arg14[%swap3A_420] {strides = array<i32>} : memref<256xi32, #tpu.memory_space<vmem>>, vector<16xi32>,
            tpu.vector_store %arg14[%swap3A_420], %add3A_419 {strides = array<i32>} : memref<256xi32, #tpu.memory_space<vmem>>, vector<16xi32>,
            %mul3A_422 = arith.constant 128 : i32
            %mul3A_423 = arith.muli %add3A_343, %mul3A_422 : i32
            %add3A_424 = arith.constant 48 : i32
            %add3A_425 = arith.addi %mul3A_423, %add3A_424 : i32
            %add3A_426 = vector.broadcast %add3A_425 : i32 to vector<16xi32>
            %add3A_427 = arith.addi %select_n3A, %add3A_426 : vector<16xi32>
            %gather3A_428 = tpu.vector_load_idx %arg12[%add3A_427] : memref<1792xi32, #tpu.memory_space<vmem>>[vector<16xi32>], vector<16xi32>,
            %mul3A_429 = arith.constant 2 : i32
            %mul3A_430 = vector.broadcast %mul3A_429 : i32 to vector<16xi32>
            %mul3A_431 = arith.muli %gather3A_428, %mul3A_430 : vector<16xi32>
            %add3A_432 = arith.addi %mul3A_431, %select_n3A_85 : vector<16xi32>
            %swap3A_433 = arith.constant 96 : index
            %swap3A_434 = tpu.vector_load %arg14[%swap3A_433] {strides = array<i32>} : memref<256xi32, #tpu.memory_space<vmem>>, vector<16xi32>,
            tpu.vector_store %arg14[%swap3A_433], %add3A_432 {strides = array<i32>} : memref<256xi32, #tpu.memory_space<vmem>>, vector<16xi32>,
            %mul3A_435 = arith.constant 128 : i32
            %mul3A_436 = arith.muli %add3A_343, %mul3A_435 : i32
            %add3A_437 = arith.constant 56 : i32
            %add3A_438 = arith.addi %mul3A_436, %add3A_437 : i32
            %add3A_439 = vector.broadcast %add3A_438 : i32 to vector<16xi32>
            %add3A_440 = arith.addi %select_n3A, %add3A_439 : vector<16xi32>
            %gather3A_441 = tpu.vector_load_idx %arg12[%add3A_440] : memref<1792xi32, #tpu.memory_space<vmem>>[vector<16xi32>], vector<16xi32>,
            %mul3A_442 = arith.constant 2 : i32
            %mul3A_443 = vector.broadcast %mul3A_442 : i32 to vector<16xi32>
            %mul3A_444 = arith.muli %gather3A_441, %mul3A_443 : vector<16xi32>
            %add3A_445 = arith.addi %mul3A_444, %select_n3A_85 : vector<16xi32>
            %swap3A_446 = arith.constant 112 : index
            %swap3A_447 = tpu.vector_load %arg14[%swap3A_446] {strides = array<i32>} : memref<256xi32, #tpu.memory_space<vmem>>, vector<16xi32>,
            tpu.vector_store %arg14[%swap3A_446], %add3A_445 {strides = array<i32>} : memref<256xi32, #tpu.memory_space<vmem>>, vector<16xi32>,
            %mul3A_448 = arith.constant 128 : i32
            %mul3A_449 = arith.muli %add3A_343, %mul3A_448 : i32
            %add3A_450 = arith.constant 64 : i32
            %add3A_451 = arith.addi %mul3A_449, %add3A_450 : i32
            %add3A_452 = vector.broadcast %add3A_451 : i32 to vector<16xi32>
            %add3A_453 = arith.addi %select_n3A, %add3A_452 : vector<16xi32>
            %gather3A_454 = tpu.vector_load_idx %arg12[%add3A_453] : memref<1792xi32, #tpu.memory_space<vmem>>[vector<16xi32>], vector<16xi32>,
            %mul3A_455 = arith.constant 2 : i32
            %mul3A_456 = vector.broadcast %mul3A_455 : i32 to vector<16xi32>
            %mul3A_457 = arith.muli %gather3A_454, %mul3A_456 : vector<16xi32>
            %add3A_458 = arith.addi %mul3A_457, %select_n3A_85 : vector<16xi32>
            %swap3A_459 = arith.constant 128 : index
            %swap3A_460 = tpu.vector_load %arg14[%swap3A_459] {strides = array<i32>} : memref<256xi32, #tpu.memory_space<vmem>>, vector<16xi32>,
            tpu.vector_store %arg14[%swap3A_459], %add3A_458 {strides = array<i32>} : memref<256xi32, #tpu.memory_space<vmem>>, vector<16xi32>,
            %mul3A_461 = arith.constant 128 : i32
            %mul3A_462 = arith.muli %add3A_343, %mul3A_461 : i32
            %add3A_463 = arith.constant 72 : i32
            %add3A_464 = arith.addi %mul3A_462, %add3A_463 : i32
            %add3A_465 = vector.broadcast %add3A_464 : i32 to vector<16xi32>
            %add3A_466 = arith.addi %select_n3A, %add3A_465 : vector<16xi32>
            %gather3A_467 = tpu.vector_load_idx %arg12[%add3A_466] : memref<1792xi32, #tpu.memory_space<vmem>>[vector<16xi32>], vector<16xi32>,
            %mul3A_468 = arith.constant 2 : i32
            %mul3A_469 = vector.broadcast %mul3A_468 : i32 to vector<16xi32>
            %mul3A_470 = arith.muli %gather3A_467, %mul3A_469 : vector<16xi32>
            %add3A_471 = arith.addi %mul3A_470, %select_n3A_85 : vector<16xi32>
            %swap3A_472 = arith.constant 144 : index
            %swap3A_473 = tpu.vector_load %arg14[%swap3A_472] {strides = array<i32>} : memref<256xi32, #tpu.memory_space<vmem>>, vector<16xi32>,
            tpu.vector_store %arg14[%swap3A_472], %add3A_471 {strides = array<i32>} : memref<256xi32, #tpu.memory_space<vmem>>, vector<16xi32>,
            %mul3A_474 = arith.constant 128 : i32
            %mul3A_475 = arith.muli %add3A_343, %mul3A_474 : i32
            %add3A_476 = arith.constant 80 : i32
            %add3A_477 = arith.addi %mul3A_475, %add3A_476 : i32
            %add3A_478 = vector.broadcast %add3A_477 : i32 to vector<16xi32>
            %add3A_479 = arith.addi %select_n3A, %add3A_478 : vector<16xi32>
            %gather3A_480 = tpu.vector_load_idx %arg12[%add3A_479] : memref<1792xi32, #tpu.memory_space<vmem>>[vector<16xi32>], vector<16xi32>,
            %mul3A_481 = arith.constant 2 : i32
            %mul3A_482 = vector.broadcast %mul3A_481 : i32 to vector<16xi32>
            %mul3A_483 = arith.muli %gather3A_480, %mul3A_482 : vector<16xi32>
            %add3A_484 = arith.addi %mul3A_483, %select_n3A_85 : vector<16xi32>
            %swap3A_485 = arith.constant 160 : index
            %swap3A_486 = tpu.vector_load %arg14[%swap3A_485] {strides = array<i32>} : memref<256xi32, #tpu.memory_space<vmem>>, vector<16xi32>,
            tpu.vector_store %arg14[%swap3A_485], %add3A_484 {strides = array<i32>} : memref<256xi32, #tpu.memory_space<vmem>>, vector<16xi32>,
            %mul3A_487 = arith.constant 128 : i32
            %mul3A_488 = arith.muli %add3A_343, %mul3A_487 : i32
            %add3A_489 = arith.constant 88 : i32
            %add3A_490 = arith.addi %mul3A_488, %add3A_489 : i32
            %add3A_491 = vector.broadcast %add3A_490 : i32 to vector<16xi32>
            %add3A_492 = arith.addi %select_n3A, %add3A_491 : vector<16xi32>
            %gather3A_493 = tpu.vector_load_idx %arg12[%add3A_492] : memref<1792xi32, #tpu.memory_space<vmem>>[vector<16xi32>], vector<16xi32>,
            %mul3A_494 = arith.constant 2 : i32
            %mul3A_495 = vector.broadcast %mul3A_494 : i32 to vector<16xi32>
            %mul3A_496 = arith.muli %gather3A_493, %mul3A_495 : vector<16xi32>
            %add3A_497 = arith.addi %mul3A_496, %select_n3A_85 : vector<16xi32>
            %swap3A_498 = arith.constant 176 : index
            %swap3A_499 = tpu.vector_load %arg14[%swap3A_498] {strides = array<i32>} : memref<256xi32, #tpu.memory_space<vmem>>, vector<16xi32>,
            tpu.vector_store %arg14[%swap3A_498], %add3A_497 {strides = array<i32>} : memref<256xi32, #tpu.memory_space<vmem>>, vector<16xi32>,
            %mul3A_500 = arith.constant 128 : i32
            %mul3A_501 = arith.muli %add3A_343, %mul3A_500 : i32
            %add3A_502 = arith.constant 96 : i32
            %add3A_503 = arith.addi %mul3A_501, %add3A_502 : i32
            %add3A_504 = vector.broadcast %add3A_503 : i32 to vector<16xi32>
            %add3A_505 = arith.addi %select_n3A, %add3A_504 : vector<16xi32>
            %gather3A_506 = tpu.vector_load_idx %arg12[%add3A_505] : memref<1792xi32, #tpu.memory_space<vmem>>[vector<16xi32>], vector<16xi32>,
            %mul3A_507 = arith.constant 2 : i32
            %mul3A_508 = vector.broadcast %mul3A_507 : i32 to vector<16xi32>
            %mul3A_509 = arith.muli %gather3A_506, %mul3A_508 : vector<16xi32>
            %add3A_510 = arith.addi %mul3A_509, %select_n3A_85 : vector<16xi32>
            %swap3A_511 = arith.constant 192 : index
            %swap3A_512 = tpu.vector_load %arg14[%swap3A_511] {strides = array<i32>} : memref<256xi32, #tpu.memory_space<vmem>>, vector<16xi32>,
            tpu.vector_store %arg14[%swap3A_511], %add3A_510 {strides = array<i32>} : memref<256xi32, #tpu.memory_space<vmem>>, vector<16xi32>,
            %mul3A_513 = arith.constant 128 : i32
            %mul3A_514 = arith.muli %add3A_343, %mul3A_513 : i32
            %add3A_515 = arith.constant 104 : i32
            %add3A_516 = arith.addi %mul3A_514, %add3A_515 : i32
            %add3A_517 = vector.broadcast %add3A_516 : i32 to vector<16xi32>
            %add3A_518 = arith.addi %select_n3A, %add3A_517 : vector<16xi32>
            %gather3A_519 = tpu.vector_load_idx %arg12[%add3A_518] : memref<1792xi32, #tpu.memory_space<vmem>>[vector<16xi32>], vector<16xi32>,
            %mul3A_520 = arith.constant 2 : i32
            %mul3A_521 = vector.broadcast %mul3A_520 : i32 to vector<16xi32>
            %mul3A_522 = arith.muli %gather3A_519, %mul3A_521 : vector<16xi32>
            %add3A_523 = arith.addi %mul3A_522, %select_n3A_85 : vector<16xi32>
            %swap3A_524 = arith.constant 208 : index
            %swap3A_525 = tpu.vector_load %arg14[%swap3A_524] {strides = array<i32>} : memref<256xi32, #tpu.memory_space<vmem>>, vector<16xi32>,
            tpu.vector_store %arg14[%swap3A_524], %add3A_523 {strides = array<i32>} : memref<256xi32, #tpu.memory_space<vmem>>, vector<16xi32>,
            %mul3A_526 = arith.constant 128 : i32
            %mul3A_527 = arith.muli %add3A_343, %mul3A_526 : i32
            %add3A_528 = arith.constant 112 : i32
            %add3A_529 = arith.addi %mul3A_527, %add3A_528 : i32
            %add3A_530 = vector.broadcast %add3A_529 : i32 to vector<16xi32>
            %add3A_531 = arith.addi %select_n3A, %add3A_530 : vector<16xi32>
            %gather3A_532 = tpu.vector_load_idx %arg12[%add3A_531] : memref<1792xi32, #tpu.memory_space<vmem>>[vector<16xi32>], vector<16xi32>,
            %mul3A_533 = arith.constant 2 : i32
            %mul3A_534 = vector.broadcast %mul3A_533 : i32 to vector<16xi32>
            %mul3A_535 = arith.muli %gather3A_532, %mul3A_534 : vector<16xi32>
            %add3A_536 = arith.addi %mul3A_535, %select_n3A_85 : vector<16xi32>
            %swap3A_537 = arith.constant 224 : index
            %swap3A_538 = tpu.vector_load %arg14[%swap3A_537] {strides = array<i32>} : memref<256xi32, #tpu.memory_space<vmem>>, vector<16xi32>,
            tpu.vector_store %arg14[%swap3A_537], %add3A_536 {strides = array<i32>} : memref<256xi32, #tpu.memory_space<vmem>>, vector<16xi32>,
            %mul3A_539 = arith.constant 128 : i32
            %mul3A_540 = arith.muli %add3A_343, %mul3A_539 : i32
            %add3A_541 = arith.constant 120 : i32
            %add3A_542 = arith.addi %mul3A_540, %add3A_541 : i32
            %add3A_543 = vector.broadcast %add3A_542 : i32 to vector<16xi32>
            %add3A_544 = arith.addi %select_n3A, %add3A_543 : vector<16xi32>
            %gather3A_545 = tpu.vector_load_idx %arg12[%add3A_544] : memref<1792xi32, #tpu.memory_space<vmem>>[vector<16xi32>], vector<16xi32>,
            %mul3A_546 = arith.constant 2 : i32
            %mul3A_547 = vector.broadcast %mul3A_546 : i32 to vector<16xi32>
            %mul3A_548 = arith.muli %gather3A_545, %mul3A_547 : vector<16xi32>
            %add3A_549 = arith.addi %mul3A_548, %select_n3A_85 : vector<16xi32>
            %swap3A_550 = arith.constant 240 : index
            %swap3A_551 = tpu.vector_load %arg14[%swap3A_550] {strides = array<i32>} : memref<256xi32, #tpu.memory_space<vmem>>, vector<16xi32>,
            tpu.vector_store %arg14[%swap3A_550], %add3A_549 {strides = array<i32>} : memref<256xi32, #tpu.memory_space<vmem>>, vector<16xi32>,
            %mul3A_552 = arith.constant 128 : i32
            %mul3A_553 = arith.muli %add3A_343, %mul3A_552 : i32
            %dma_start3A_554 = tpu.memref_slice %arg12[%mul3A_553] : memref<1792xi32, #tpu.memory_space<vmem>> -> memref<128xi32, #tpu.memory_space<vmem>>
            %dma_start3A_555 = arith.constant 0 : i32
            %dma_start3A_556 = arith.constant 0 : i32
            %dma_start3A_557 = tpu.memref_slice %arg2[%dma_start3A_555, %dma_start3A_556] : memref<262144x128xf32, #tpu.memory_space<hbm>> -> memref<262144x128xf32, #tpu.memory_space<hbm>>
            tpu.enqueue_indirect_dma source(%dma_start3A_557 : memref<262144x128xf32, #tpu.memory_space<hbm>>) target(%arg18 : memref<128x128xf32, #tpu.memory_space<vmem>>) offsets(%dma_start3A_554 : memref<128xi32, #tpu.memory_space<vmem>>) semaphore(%arg21 : memref<!tpu.dma_semaphore, #tpu.memory_space<semaphore_mem>>)
            %dma_start3A_558 = arith.constant 0 : i32
            %dma_start3A_559 = tpu.memref_slice %arg16[%dma_start3A_558] : memref<256xi32, #tpu.memory_space<vmem>> -> memref<128xi32, #tpu.memory_space<vmem>>
            %dma_start3A_560 = arith.constant 0 : i32
            %dma_start3A_561 = tpu.memref_slice %arg14[%dma_start3A_560] : memref<256xi32, #tpu.memory_space<vmem>> -> memref<128xi32, #tpu.memory_space<vmem>>
            %dma_start3A_562 = arith.constant 0 : i32
            %dma_start3A_563 = tpu.memref_slice %arg3[%dma_start3A_562] : memref<524288xi32, #tpu.memory_space<hbm>> -> memref<524288xi32, #tpu.memory_space<hbm>>
            tpu.enqueue_indirect_dma source(%dma_start3A_563 : memref<524288xi32, #tpu.memory_space<hbm>>) target(%dma_start3A_559 : memref<128xi32, #tpu.memory_space<vmem>>) offsets(%dma_start3A_561 : memref<128xi32, #tpu.memory_space<vmem>>) semaphore(%arg23 : memref<!tpu.dma_semaphore, #tpu.memory_space<semaphore_mem>>)
            %dma_start3A_564 = arith.constant 128 : i32
            %dma_start3A_565 = tpu.memref_slice %arg16[%dma_start3A_564] : memref<256xi32, #tpu.memory_space<vmem>> -> memref<128xi32, #tpu.memory_space<vmem>>
            %dma_start3A_566 = arith.constant 128 : i32
            %dma_start3A_567 = tpu.memref_slice %arg14[%dma_start3A_566] : memref<256xi32, #tpu.memory_space<vmem>> -> memref<128xi32, #tpu.memory_space<vmem>>
            %dma_start3A_568 = arith.constant 0 : i32
            %dma_start3A_569 = tpu.memref_slice %arg3[%dma_start3A_568] : memref<524288xi32, #tpu.memory_space<hbm>> -> memref<524288xi32, #tpu.memory_space<hbm>>
            tpu.enqueue_indirect_dma source(%dma_start3A_569 : memref<524288xi32, #tpu.memory_space<hbm>>) target(%dma_start3A_565 : memref<128xi32, #tpu.memory_space<vmem>>) offsets(%dma_start3A_567 : memref<128xi32, #tpu.memory_space<vmem>>) semaphore(%arg23 : memref<!tpu.dma_semaphore, #tpu.memory_space<semaphore_mem>>)
          } else {
          }
          %dma_wait3A = arith.constant 0 : i32
          %dma_wait3A_320 = tpu.memref_slice %arg12[%dma_wait3A] : memref<1792xi32, #tpu.memory_space<vmem>> -> memref<128xi32, #tpu.memory_space<vmem>>
          %dma_wait3A_321 = arith.constant 0 : i32
          %dma_wait3A_322 = arith.constant 0 : i32
          %dma_wait3A_323 = tpu.memref_slice %arg2[%dma_wait3A_321, %dma_wait3A_322] : memref<262144x128xf32, #tpu.memory_space<hbm>> -> memref<262144x128xf32, #tpu.memory_space<hbm>>
          tpu.wait_indirect_dma semaphore(%arg20 : memref<!tpu.dma_semaphore, #tpu.memory_space<semaphore_mem>>) src(%dma_wait3A_323 : memref<262144x128xf32, #tpu.memory_space<hbm>>) dst(%arg17 : memref<128x128xf32, #tpu.memory_space<vmem>>)
          %dma_wait3A_324 = arith.constant 0 : i32
          %dma_wait3A_325 = tpu.memref_slice %arg3[%dma_wait3A_324] : memref<524288xi32, #tpu.memory_space<hbm>> -> memref<256xi32, #tpu.memory_space<hbm>>
          %dma_wait3A_326 = arith.constant 0 : i32
          %dma_wait3A_327 = tpu.memref_slice %arg3[%dma_wait3A_326] : memref<524288xi32, #tpu.memory_space<hbm>> -> memref<256xi32, #tpu.memory_space<hbm>>
          tpu.wait_dma2 semaphore(%arg22 : memref<!tpu.dma_semaphore, #tpu.memory_space<semaphore_mem>>) src(%dma_wait3A_327 : memref<256xi32, #tpu.memory_space<hbm>>) dst(%arg15 : memref<256xi32, #tpu.memory_space<vmem>>)
          %scan3A_328 = arith.constant 0 : i32
          %scan3A_329 = arith.constant 0 : i32
          %scan3A_330 = arith.constant 16 : i32
          %scan3A_331 = arith.addi %scan3A_329, %scan3A_330 : i32
          %scan3A_332 = arith.constant 1 : i32
          %scan3A_333 = scf.for %scan3A_342 = %scan3A_329 to %scan3A_331 step %scan3A_332 iter_args(%scan3A_343 = %scan3A_328) -> (i32)  : i32 {
            %mul3A_344 = arith.constant 16 : i32
            %mul3A_345 = arith.muli %scan3A_342, %mul3A_344 : i32
            %get3A_346 = arith.index_cast %mul3A_345 : i32 to index
            %get3A_347 = tpu.vector_load %arg15[%get3A_346] {strides = array<i32>} : memref<256xi32, #tpu.memory_space<vmem>>, vector<16xi32>,
            %shift_right_logical3A = arith.constant 11 : i32
            %shift_right_logical3A_348 = vector.broadcast %shift_right_logical3A : i32 to vector<16xi32>
            %shift_right_logical3A_349 = arith.shrui %get3A_347, %shift_right_logical3A_348 : vector<16xi32>
            %and3A_350 = arith.constant 2047 : i32
            %and3A_351 = vector.broadcast %and3A_350 : i32 to vector<16xi32>
            %and3A_352 = arith.andi %get3A_347, %and3A_351 : vector<16xi32>
            %sub3A_353 = vector.broadcast %mul3A_21 : i32 to vector<16xi32>
            %sub3A_354 = arith.subi %and3A_352, %sub3A_353 : vector<16xi32>
            %ge3A_355 = arith.constant 0 : i32
            %ge3A_356 = vector.broadcast %ge3A_355 : i32 to vector<16xi32>
            %ge3A_357 = arith.cmpi sge, %sub3A_354, %ge3A_356 : vector<16xi32>
            %lt3A_358 = arith.constant 16 : i32
            %lt3A_359 = vector.broadcast %lt3A_358 : i32 to vector<16xi32>
            %lt3A_360 = arith.cmpi slt, %sub3A_354, %lt3A_359 : vector<16xi32>
            %and3A_361 = arith.andi %ge3A_357, %lt3A_360 : vector<16xi1>
            %mul3A_362 = arith.constant 16 : i32
            %mul3A_363 = vector.broadcast %mul3A_362 : i32 to vector<16xi32>
            %mul3A_364 = arith.muli %shift_right_logical3A_349, %mul3A_363 : vector<16xi32>
            %add3A_365 = arith.addi %mul3A_364, %sub3A_354 : vector<16xi32>
            %jit3A_366 = arith.constant 1024 : i32
            %broadcast_in_dim3A_367 = vector.broadcast %jit3A_366 : i32 to vector<16xi32>
            %select_n3A_368 = arith.select %and3A_361, %add3A_365, %broadcast_in_dim3A_367 : vector<16xi1>, vector<16xi32>
            %mul3A_369 = arith.constant 16 : i32
            %mul3A_370 = vector.broadcast %mul3A_369 : i32 to vector<16xi32>
            %mul3A_371 = arith.muli %select_n3A_368, %mul3A_370 : vector<16xi32>
            %slice3A_372 = vector.extract_strided_slice %mul3A_371 {offsets = [0], sizes = [1], strides = [1]} : vector<16xi32> to vector<1xi32>
            %squeeze3A_373 = vector.extract %slice3A_372[0] : i32 from vector<1xi32>
            %add3A_374 = vector.broadcast %squeeze3A_373 : i32 to vector<16xi32>
            %add3A_375 = arith.addi %iota3A, %add3A_374 : vector<16xi32>
            %mul3A_376 = arith.constant 8 : i32
            %mul3A_377 = arith.muli %scan3A_342, %mul3A_376 : i32
            %add3A_378 = arith.constant 0 : i32
            %add3A_379 = arith.addi %mul3A_377, %add3A_378 : i32
            %get3A_380 = arith.index_cast %add3A_379 : i32 to index
            %get3A_381 = arith.constant 0 : index
            %get3A_382 = tpu.vector_load %arg17[%get3A_380, %get3A_381] {strides = array<i32>} : memref<128x128xf32, #tpu.memory_space<vmem>>, vector<16xf32>,
            %get3A_383 = arith.index_cast %add3A_379 : i32 to index
            %get3A_384 = arith.constant 16 : index
            %get3A_385 = tpu.vector_load %arg17[%get3A_383, %get3A_384] {strides = array<i32>} : memref<128x128xf32, #tpu.memory_space<vmem>>, vector<16xf32>,
            %get3A_386 = arith.index_cast %add3A_379 : i32 to index
            %get3A_387 = arith.constant 32 : index
            %get3A_388 = tpu.vector_load %arg17[%get3A_386, %get3A_387] {strides = array<i32>} : memref<128x128xf32, #tpu.memory_space<vmem>>, vector<16xf32>,
            %get3A_389 = arith.index_cast %add3A_379 : i32 to index
            %get3A_390 = arith.constant 48 : index
            %get3A_391 = tpu.vector_load %arg17[%get3A_389, %get3A_390] {strides = array<i32>} : memref<128x128xf32, #tpu.memory_space<vmem>>, vector<16xf32>,
            %gather3A_392 = tpu.vector_load_idx %arg7[%add3A_375] : memref<16512xf32, #tpu.memory_space<vmem>>[vector<16xi32>], vector<16xf32>,
            %gather3A_393 = tpu.vector_load_idx %arg8[%add3A_375] : memref<16512xf32, #tpu.memory_space<vmem>>[vector<16xi32>], vector<16xf32>,
            %gather3A_394 = tpu.vector_load_idx %arg9[%add3A_375] : memref<16512xf32, #tpu.memory_space<vmem>>[vector<16xi32>], vector<16xf32>,
            %gather3A_395 = tpu.vector_load_idx %arg10[%add3A_375] : memref<16512xf32, #tpu.memory_space<vmem>>[vector<16xi32>], vector<16xf32>,
            %max3A = arith.maximumf %gather3A_392, %get3A_382 : vector<16xf32>
            tpu.vector_store_idx %arg7[%add3A_375], %max3A : memref<16512xf32, #tpu.memory_space<vmem>>[vector<16xi32>], vector<16xf32>,
            %max3A_396 = arith.maximumf %gather3A_393, %get3A_385 : vector<16xf32>
            tpu.vector_store_idx %arg8[%add3A_375], %max3A_396 : memref<16512xf32, #tpu.memory_space<vmem>>[vector<16xi32>], vector<16xf32>,
            %max3A_397 = arith.maximumf %gather3A_394, %get3A_388 : vector<16xf32>
            tpu.vector_store_idx %arg9[%add3A_375], %max3A_397 : memref<16512xf32, #tpu.memory_space<vmem>>[vector<16xi32>], vector<16xf32>,
            %max3A_398 = arith.maximumf %gather3A_395, %get3A_391 : vector<16xf32>
            tpu.vector_store_idx %arg10[%add3A_375], %max3A_398 : memref<16512xf32, #tpu.memory_space<vmem>>[vector<16xi32>], vector<16xf32>,
            %slice3A_399 = vector.extract_strided_slice %mul3A_371 {offsets = [1], sizes = [1], strides = [1]} : vector<16xi32> to vector<1xi32>
            %squeeze3A_400 = vector.extract %slice3A_399[0] : i32 from vector<1xi32>
            %add3A_401 = vector.broadcast %squeeze3A_400 : i32 to vector<16xi32>
            %add3A_402 = arith.addi %iota3A, %add3A_401 : vector<16xi32>
            %mul3A_403 = arith.constant 8 : i32
            %mul3A_404 = arith.muli %scan3A_342, %mul3A_403 : i32
            %add3A_405 = arith.constant 0 : i32
            %add3A_406 = arith.addi %mul3A_404, %add3A_405 : i32
            %get3A_407 = arith.index_cast %add3A_406 : i32 to index
            %get3A_408 = arith.constant 64 : index
            %get3A_409 = tpu.vector_load %arg17[%get3A_407, %get3A_408] {strides = array<i32>} : memref<128x128xf32, #tpu.memory_space<vmem>>, vector<16xf32>,
            %get3A_410 = arith.index_cast %add3A_406 : i32 to index
            %get3A_411 = arith.constant 80 : index
            %get3A_412 = tpu.vector_load %arg17[%get3A_410, %get3A_411] {strides = array<i32>} : memref<128x128xf32, #tpu.memory_space<vmem>>, vector<16xf32>,
            %get3A_413 = arith.index_cast %add3A_406 : i32 to index
            %get3A_414 = arith.constant 96 : index
            %get3A_415 = tpu.vector_load %arg17[%get3A_413, %get3A_414] {strides = array<i32>} : memref<128x128xf32, #tpu.memory_space<vmem>>, vector<16xf32>,
            %get3A_416 = arith.index_cast %add3A_406 : i32 to index
            %get3A_417 = arith.constant 112 : index
            %get3A_418 = tpu.vector_load %arg17[%get3A_416, %get3A_417] {strides = array<i32>} : memref<128x128xf32, #tpu.memory_space<vmem>>, vector<16xf32>,
            %gather3A_419 = tpu.vector_load_idx %arg7[%add3A_402] : memref<16512xf32, #tpu.memory_space<vmem>>[vector<16xi32>], vector<16xf32>,
            %gather3A_420 = tpu.vector_load_idx %arg8[%add3A_402] : memref<16512xf32, #tpu.memory_space<vmem>>[vector<16xi32>], vector<16xf32>,
            %gather3A_421 = tpu.vector_load_idx %arg9[%add3A_402] : memref<16512xf32, #tpu.memory_space<vmem>>[vector<16xi32>], vector<16xf32>,
            %gather3A_422 = tpu.vector_load_idx %arg10[%add3A_402] : memref<16512xf32, #tpu.memory_space<vmem>>[vector<16xi32>], vector<16xf32>,
            %max3A_423 = arith.maximumf %gather3A_419, %get3A_409 : vector<16xf32>
            tpu.vector_store_idx %arg7[%add3A_402], %max3A_423 : memref<16512xf32, #tpu.memory_space<vmem>>[vector<16xi32>], vector<16xf32>,
            %max3A_424 = arith.maximumf %gather3A_420, %get3A_412 : vector<16xf32>
            tpu.vector_store_idx %arg8[%add3A_402], %max3A_424 : memref<16512xf32, #tpu.memory_space<vmem>>[vector<16xi32>], vector<16xf32>,
            %max3A_425 = arith.maximumf %gather3A_421, %get3A_415 : vector<16xf32>
            tpu.vector_store_idx %arg9[%add3A_402], %max3A_425 : memref<16512xf32, #tpu.memory_space<vmem>>[vector<16xi32>], vector<16xf32>,
            %max3A_426 = arith.maximumf %gather3A_422, %get3A_418 : vector<16xf32>
            tpu.vector_store_idx %arg10[%add3A_402], %max3A_426 : memref<16512xf32, #tpu.memory_space<vmem>>[vector<16xi32>], vector<16xf32>,
            %slice3A_427 = vector.extract_strided_slice %mul3A_371 {offsets = [2], sizes = [1], strides = [1]} : vector<16xi32> to vector<1xi32>
            %squeeze3A_428 = vector.extract %slice3A_427[0] : i32 from vector<1xi32>
            %add3A_429 = vector.broadcast %squeeze3A_428 : i32 to vector<16xi32>
            %add3A_430 = arith.addi %iota3A, %add3A_429 : vector<16xi32>
            %mul3A_431 = arith.constant 8 : i32
            %mul3A_432 = arith.muli %scan3A_342, %mul3A_431 : i32
            %add3A_433 = arith.constant 1 : i32
            %add3A_434 = arith.addi %mul3A_432, %add3A_433 : i32
            %get3A_435 = arith.index_cast %add3A_434 : i32 to index
            %get3A_436 = arith.constant 0 : index
            %get3A_437 = tpu.vector_load %arg17[%get3A_435, %get3A_436] {strides = array<i32>} : memref<128x128xf32, #tpu.memory_space<vmem>>, vector<16xf32>,
            %get3A_438 = arith.index_cast %add3A_434 : i32 to index
            %get3A_439 = arith.constant 16 : index
            %get3A_440 = tpu.vector_load %arg17[%get3A_438, %get3A_439] {strides = array<i32>} : memref<128x128xf32, #tpu.memory_space<vmem>>, vector<16xf32>,
            %get3A_441 = arith.index_cast %add3A_434 : i32 to index
            %get3A_442 = arith.constant 32 : index
            %get3A_443 = tpu.vector_load %arg17[%get3A_441, %get3A_442] {strides = array<i32>} : memref<128x128xf32, #tpu.memory_space<vmem>>, vector<16xf32>,
            %get3A_444 = arith.index_cast %add3A_434 : i32 to index
            %get3A_445 = arith.constant 48 : index
            %get3A_446 = tpu.vector_load %arg17[%get3A_444, %get3A_445] {strides = array<i32>} : memref<128x128xf32, #tpu.memory_space<vmem>>, vector<16xf32>,
            %gather3A_447 = tpu.vector_load_idx %arg7[%add3A_430] : memref<16512xf32, #tpu.memory_space<vmem>>[vector<16xi32>], vector<16xf32>,
            %gather3A_448 = tpu.vector_load_idx %arg8[%add3A_430] : memref<16512xf32, #tpu.memory_space<vmem>>[vector<16xi32>], vector<16xf32>,
            %gather3A_449 = tpu.vector_load_idx %arg9[%add3A_430] : memref<16512xf32, #tpu.memory_space<vmem>>[vector<16xi32>], vector<16xf32>,
            %gather3A_450 = tpu.vector_load_idx %arg10[%add3A_430] : memref<16512xf32, #tpu.memory_space<vmem>>[vector<16xi32>], vector<16xf32>,
            %max3A_451 = arith.maximumf %gather3A_447, %get3A_437 : vector<16xf32>
            tpu.vector_store_idx %arg7[%add3A_430], %max3A_451 : memref<16512xf32, #tpu.memory_space<vmem>>[vector<16xi32>], vector<16xf32>,
            %max3A_452 = arith.maximumf %gather3A_448, %get3A_440 : vector<16xf32>
            tpu.vector_store_idx %arg8[%add3A_430], %max3A_452 : memref<16512xf32, #tpu.memory_space<vmem>>[vector<16xi32>], vector<16xf32>,
            %max3A_453 = arith.maximumf %gather3A_449, %get3A_443 : vector<16xf32>
            tpu.vector_store_idx %arg9[%add3A_430], %max3A_453 : memref<16512xf32, #tpu.memory_space<vmem>>[vector<16xi32>], vector<16xf32>,
            %max3A_454 = arith.maximumf %gather3A_450, %get3A_446 : vector<16xf32>
            tpu.vector_store_idx %arg10[%add3A_430], %max3A_454 : memref<16512xf32, #tpu.memory_space<vmem>>[vector<16xi32>], vector<16xf32>,
            %slice3A_455 = vector.extract_strided_slice %mul3A_371 {offsets = [3], sizes = [1], strides = [1]} : vector<16xi32> to vector<1xi32>
            %squeeze3A_456 = vector.extract %slice3A_455[0] : i32 from vector<1xi32>
            %add3A_457 = vector.broadcast %squeeze3A_456 : i32 to vector<16xi32>
            %add3A_458 = arith.addi %iota3A, %add3A_457 : vector<16xi32>
            %mul3A_459 = arith.constant 8 : i32
            %mul3A_460 = arith.muli %scan3A_342, %mul3A_459 : i32
            %add3A_461 = arith.constant 1 : i32
            %add3A_462 = arith.addi %mul3A_460, %add3A_461 : i32
            %get3A_463 = arith.index_cast %add3A_462 : i32 to index
            %get3A_464 = arith.constant 64 : index
            %get3A_465 = tpu.vector_load %arg17[%get3A_463, %get3A_464] {strides = array<i32>} : memref<128x128xf32, #tpu.memory_space<vmem>>, vector<16xf32>,
            %get3A_466 = arith.index_cast %add3A_462 : i32 to index
            %get3A_467 = arith.constant 80 : index
            %get3A_468 = tpu.vector_load %arg17[%get3A_466, %get3A_467] {strides = array<i32>} : memref<128x128xf32, #tpu.memory_space<vmem>>, vector<16xf32>,
            %get3A_469 = arith.index_cast %add3A_462 : i32 to index
            %get3A_470 = arith.constant 96 : index
            %get3A_471 = tpu.vector_load %arg17[%get3A_469, %get3A_470] {strides = array<i32>} : memref<128x128xf32, #tpu.memory_space<vmem>>, vector<16xf32>,
            %get3A_472 = arith.index_cast %add3A_462 : i32 to index
            %get3A_473 = arith.constant 112 : index
            %get3A_474 = tpu.vector_load %arg17[%get3A_472, %get3A_473] {strides = array<i32>} : memref<128x128xf32, #tpu.memory_space<vmem>>, vector<16xf32>,
            %gather3A_475 = tpu.vector_load_idx %arg7[%add3A_458] : memref<16512xf32, #tpu.memory_space<vmem>>[vector<16xi32>], vector<16xf32>,
            %gather3A_476 = tpu.vector_load_idx %arg8[%add3A_458] : memref<16512xf32, #tpu.memory_space<vmem>>[vector<16xi32>], vector<16xf32>,
            %gather3A_477 = tpu.vector_load_idx %arg9[%add3A_458] : memref<16512xf32, #tpu.memory_space<vmem>>[vector<16xi32>], vector<16xf32>,
            %gather3A_478 = tpu.vector_load_idx %arg10[%add3A_458] : memref<16512xf32, #tpu.memory_space<vmem>>[vector<16xi32>], vector<16xf32>,
            %max3A_479 = arith.maximumf %gather3A_475, %get3A_465 : vector<16xf32>
            tpu.vector_store_idx %arg7[%add3A_458], %max3A_479 : memref<16512xf32, #tpu.memory_space<vmem>>[vector<16xi32>], vector<16xf32>,
            %max3A_480 = arith.maximumf %gather3A_476, %get3A_468 : vector<16xf32>
            tpu.vector_store_idx %arg8[%add3A_458], %max3A_480 : memref<16512xf32, #tpu.memory_space<vmem>>[vector<16xi32>], vector<16xf32>,
            %max3A_481 = arith.maximumf %gather3A_477, %get3A_471 : vector<16xf32>
            tpu.vector_store_idx %arg9[%add3A_458], %max3A_481 : memref<16512xf32, #tpu.memory_space<vmem>>[vector<16xi32>], vector<16xf32>,
            %max3A_482 = arith.maximumf %gather3A_478, %get3A_474 : vector<16xf32>
            tpu.vector_store_idx %arg10[%add3A_458], %max3A_482 : memref<16512xf32, #tpu.memory_space<vmem>>[vector<16xi32>], vector<16xf32>,
            %slice3A_483 = vector.extract_strided_slice %mul3A_371 {offsets = [4], sizes = [1], strides = [1]} : vector<16xi32> to vector<1xi32>
            %squeeze3A_484 = vector.extract %slice3A_483[0] : i32 from vector<1xi32>
            %add3A_485 = vector.broadcast %squeeze3A_484 : i32 to vector<16xi32>
            %add3A_486 = arith.addi %iota3A, %add3A_485 : vector<16xi32>
            %mul3A_487 = arith.constant 8 : i32
            %mul3A_488 = arith.muli %scan3A_342, %mul3A_487 : i32
            %add3A_489 = arith.constant 2 : i32
            %add3A_490 = arith.addi %mul3A_488, %add3A_489 : i32
            %get3A_491 = arith.index_cast %add3A_490 : i32 to index
            %get3A_492 = arith.constant 0 : index
            %get3A_493 = tpu.vector_load %arg17[%get3A_491, %get3A_492] {strides = array<i32>} : memref<128x128xf32, #tpu.memory_space<vmem>>, vector<16xf32>,
            %get3A_494 = arith.index_cast %add3A_490 : i32 to index
            %get3A_495 = arith.constant 16 : index
            %get3A_496 = tpu.vector_load %arg17[%get3A_494, %get3A_495] {strides = array<i32>} : memref<128x128xf32, #tpu.memory_space<vmem>>, vector<16xf32>,
            %get3A_497 = arith.index_cast %add3A_490 : i32 to index
            %get3A_498 = arith.constant 32 : index
            %get3A_499 = tpu.vector_load %arg17[%get3A_497, %get3A_498] {strides = array<i32>} : memref<128x128xf32, #tpu.memory_space<vmem>>, vector<16xf32>,
            %get3A_500 = arith.index_cast %add3A_490 : i32 to index
            %get3A_501 = arith.constant 48 : index
            %get3A_502 = tpu.vector_load %arg17[%get3A_500, %get3A_501] {strides = array<i32>} : memref<128x128xf32, #tpu.memory_space<vmem>>, vector<16xf32>,
            %gather3A_503 = tpu.vector_load_idx %arg7[%add3A_486] : memref<16512xf32, #tpu.memory_space<vmem>>[vector<16xi32>], vector<16xf32>,
            %gather3A_504 = tpu.vector_load_idx %arg8[%add3A_486] : memref<16512xf32, #tpu.memory_space<vmem>>[vector<16xi32>], vector<16xf32>,
            %gather3A_505 = tpu.vector_load_idx %arg9[%add3A_486] : memref<16512xf32, #tpu.memory_space<vmem>>[vector<16xi32>], vector<16xf32>,
            %gather3A_506 = tpu.vector_load_idx %arg10[%add3A_486] : memref<16512xf32, #tpu.memory_space<vmem>>[vector<16xi32>], vector<16xf32>,
            %max3A_507 = arith.maximumf %gather3A_503, %get3A_493 : vector<16xf32>
            tpu.vector_store_idx %arg7[%add3A_486], %max3A_507 : memref<16512xf32, #tpu.memory_space<vmem>>[vector<16xi32>], vector<16xf32>,
            %max3A_508 = arith.maximumf %gather3A_504, %get3A_496 : vector<16xf32>
            tpu.vector_store_idx %arg8[%add3A_486], %max3A_508 : memref<16512xf32, #tpu.memory_space<vmem>>[vector<16xi32>], vector<16xf32>,
            %max3A_509 = arith.maximumf %gather3A_505, %get3A_499 : vector<16xf32>
            tpu.vector_store_idx %arg9[%add3A_486], %max3A_509 : memref<16512xf32, #tpu.memory_space<vmem>>[vector<16xi32>], vector<16xf32>,
            %max3A_510 = arith.maximumf %gather3A_506, %get3A_502 : vector<16xf32>
            tpu.vector_store_idx %arg10[%add3A_486], %max3A_510 : memref<16512xf32, #tpu.memory_space<vmem>>[vector<16xi32>], vector<16xf32>,
            %slice3A_511 = vector.extract_strided_slice %mul3A_371 {offsets = [5], sizes = [1], strides = [1]} : vector<16xi32> to vector<1xi32>
            %squeeze3A_512 = vector.extract %slice3A_511[0] : i32 from vector<1xi32>
            %add3A_513 = vector.broadcast %squeeze3A_512 : i32 to vector<16xi32>
            %add3A_514 = arith.addi %iota3A, %add3A_513 : vector<16xi32>
            %mul3A_515 = arith.constant 8 : i32
            %mul3A_516 = arith.muli %scan3A_342, %mul3A_515 : i32
            %add3A_517 = arith.constant 2 : i32
            %add3A_518 = arith.addi %mul3A_516, %add3A_517 : i32
            %get3A_519 = arith.index_cast %add3A_518 : i32 to index
            %get3A_520 = arith.constant 64 : index
            %get3A_521 = tpu.vector_load %arg17[%get3A_519, %get3A_520] {strides = array<i32>} : memref<128x128xf32, #tpu.memory_space<vmem>>, vector<16xf32>,
            %get3A_522 = arith.index_cast %add3A_518 : i32 to index
            %get3A_523 = arith.constant 80 : index
            %get3A_524 = tpu.vector_load %arg17[%get3A_522, %get3A_523] {strides = array<i32>} : memref<128x128xf32, #tpu.memory_space<vmem>>, vector<16xf32>,
            %get3A_525 = arith.index_cast %add3A_518 : i32 to index
            %get3A_526 = arith.constant 96 : index
            %get3A_527 = tpu.vector_load %arg17[%get3A_525, %get3A_526] {strides = array<i32>} : memref<128x128xf32, #tpu.memory_space<vmem>>, vector<16xf32>,
            %get3A_528 = arith.index_cast %add3A_518 : i32 to index
            %get3A_529 = arith.constant 112 : index
            %get3A_530 = tpu.vector_load %arg17[%get3A_528, %get3A_529] {strides = array<i32>} : memref<128x128xf32, #tpu.memory_space<vmem>>, vector<16xf32>,
            %gather3A_531 = tpu.vector_load_idx %arg7[%add3A_514] : memref<16512xf32, #tpu.memory_space<vmem>>[vector<16xi32>], vector<16xf32>,
            %gather3A_532 = tpu.vector_load_idx %arg8[%add3A_514] : memref<16512xf32, #tpu.memory_space<vmem>>[vector<16xi32>], vector<16xf32>,
            %gather3A_533 = tpu.vector_load_idx %arg9[%add3A_514] : memref<16512xf32, #tpu.memory_space<vmem>>[vector<16xi32>], vector<16xf32>,
            %gather3A_534 = tpu.vector_load_idx %arg10[%add3A_514] : memref<16512xf32, #tpu.memory_space<vmem>>[vector<16xi32>], vector<16xf32>,
            %max3A_535 = arith.maximumf %gather3A_531, %get3A_521 : vector<16xf32>
            tpu.vector_store_idx %arg7[%add3A_514], %max3A_535 : memref<16512xf32, #tpu.memory_space<vmem>>[vector<16xi32>], vector<16xf32>,
            %max3A_536 = arith.maximumf %gather3A_532, %get3A_524 : vector<16xf32>
            tpu.vector_store_idx %arg8[%add3A_514], %max3A_536 : memref<16512xf32, #tpu.memory_space<vmem>>[vector<16xi32>], vector<16xf32>,
            %max3A_537 = arith.maximumf %gather3A_533, %get3A_527 : vector<16xf32>
            tpu.vector_store_idx %arg9[%add3A_514], %max3A_537 : memref<16512xf32, #tpu.memory_space<vmem>>[vector<16xi32>], vector<16xf32>,
            %max3A_538 = arith.maximumf %gather3A_534, %get3A_530 : vector<16xf32>
            tpu.vector_store_idx %arg10[%add3A_514], %max3A_538 : memref<16512xf32, #tpu.memory_space<vmem>>[vector<16xi32>], vector<16xf32>,
            %slice3A_539 = vector.extract_strided_slice %mul3A_371 {offsets = [6], sizes = [1], strides = [1]} : vector<16xi32> to vector<1xi32>
            %squeeze3A_540 = vector.extract %slice3A_539[0] : i32 from vector<1xi32>
            %add3A_541 = vector.broadcast %squeeze3A_540 : i32 to vector<16xi32>
            %add3A_542 = arith.addi %iota3A, %add3A_541 : vector<16xi32>
            %mul3A_543 = arith.constant 8 : i32
            %mul3A_544 = arith.muli %scan3A_342, %mul3A_543 : i32
            %add3A_545 = arith.constant 3 : i32
            %add3A_546 = arith.addi %mul3A_544, %add3A_545 : i32
            %get3A_547 = arith.index_cast %add3A_546 : i32 to index
            %get3A_548 = arith.constant 0 : index
            %get3A_549 = tpu.vector_load %arg17[%get3A_547, %get3A_548] {strides = array<i32>} : memref<128x128xf32, #tpu.memory_space<vmem>>, vector<16xf32>,
            %get3A_550 = arith.index_cast %add3A_546 : i32 to index
            %get3A_551 = arith.constant 16 : index
            %get3A_552 = tpu.vector_load %arg17[%get3A_550, %get3A_551] {strides = array<i32>} : memref<128x128xf32, #tpu.memory_space<vmem>>, vector<16xf32>,
            %get3A_553 = arith.index_cast %add3A_546 : i32 to index
            %get3A_554 = arith.constant 32 : index
            %get3A_555 = tpu.vector_load %arg17[%get3A_553, %get3A_554] {strides = array<i32>} : memref<128x128xf32, #tpu.memory_space<vmem>>, vector<16xf32>,
            %get3A_556 = arith.index_cast %add3A_546 : i32 to index
            %get3A_557 = arith.constant 48 : index
            %get3A_558 = tpu.vector_load %arg17[%get3A_556, %get3A_557] {strides = array<i32>} : memref<128x128xf32, #tpu.memory_space<vmem>>, vector<16xf32>,
            %gather3A_559 = tpu.vector_load_idx %arg7[%add3A_542] : memref<16512xf32, #tpu.memory_space<vmem>>[vector<16xi32>], vector<16xf32>,
            %gather3A_560 = tpu.vector_load_idx %arg8[%add3A_542] : memref<16512xf32, #tpu.memory_space<vmem>>[vector<16xi32>], vector<16xf32>,
            %gather3A_561 = tpu.vector_load_idx %arg9[%add3A_542] : memref<16512xf32, #tpu.memory_space<vmem>>[vector<16xi32>], vector<16xf32>,
            %gather3A_562 = tpu.vector_load_idx %arg10[%add3A_542] : memref<16512xf32, #tpu.memory_space<vmem>>[vector<16xi32>], vector<16xf32>,
            %max3A_563 = arith.maximumf %gather3A_559, %get3A_549 : vector<16xf32>
            tpu.vector_store_idx %arg7[%add3A_542], %max3A_563 : memref<16512xf32, #tpu.memory_space<vmem>>[vector<16xi32>], vector<16xf32>,
            %max3A_564 = arith.maximumf %gather3A_560, %get3A_552 : vector<16xf32>
            tpu.vector_store_idx %arg8[%add3A_542], %max3A_564 : memref<16512xf32, #tpu.memory_space<vmem>>[vector<16xi32>], vector<16xf32>,
            %max3A_565 = arith.maximumf %gather3A_561, %get3A_555 : vector<16xf32>
            tpu.vector_store_idx %arg9[%add3A_542], %max3A_565 : memref<16512xf32, #tpu.memory_space<vmem>>[vector<16xi32>], vector<16xf32>,
            %max3A_566 = arith.maximumf %gather3A_562, %get3A_558 : vector<16xf32>
            tpu.vector_store_idx %arg10[%add3A_542], %max3A_566 : memref<16512xf32, #tpu.memory_space<vmem>>[vector<16xi32>], vector<16xf32>,
            %slice3A_567 = vector.extract_strided_slice %mul3A_371 {offsets = [7], sizes = [1], strides = [1]} : vector<16xi32> to vector<1xi32>
            %squeeze3A_568 = vector.extract %slice3A_567[0] : i32 from vector<1xi32>
            %add3A_569 = vector.broadcast %squeeze3A_568 : i32 to vector<16xi32>
            %add3A_570 = arith.addi %iota3A, %add3A_569 : vector<16xi32>
            %mul3A_571 = arith.constant 8 : i32
            %mul3A_572 = arith.muli %scan3A_342, %mul3A_571 : i32
            %add3A_573 = arith.constant 3 : i32
            %add3A_574 = arith.addi %mul3A_572, %add3A_573 : i32
            %get3A_575 = arith.index_cast %add3A_574 : i32 to index
            %get3A_576 = arith.constant 64 : index
            %get3A_577 = tpu.vector_load %arg17[%get3A_575, %get3A_576] {strides = array<i32>} : memref<128x128xf32, #tpu.memory_space<vmem>>, vector<16xf32>,
            %get3A_578 = arith.index_cast %add3A_574 : i32 to index
            %get3A_579 = arith.constant 80 : index
            %get3A_580 = tpu.vector_load %arg17[%get3A_578, %get3A_579] {strides = array<i32>} : memref<128x128xf32, #tpu.memory_space<vmem>>, vector<16xf32>,
            %get3A_581 = arith.index_cast %add3A_574 : i32 to index
            %get3A_582 = arith.constant 96 : index
            %get3A_583 = tpu.vector_load %arg17[%get3A_581, %get3A_582] {strides = array<i32>} : memref<128x128xf32, #tpu.memory_space<vmem>>, vector<16xf32>,
            %get3A_584 = arith.index_cast %add3A_574 : i32 to index
            %get3A_585 = arith.constant 112 : index
            %get3A_586 = tpu.vector_load %arg17[%get3A_584, %get3A_585] {strides = array<i32>} : memref<128x128xf32, #tpu.memory_space<vmem>>, vector<16xf32>,
            %gather3A_587 = tpu.vector_load_idx %arg7[%add3A_570] : memref<16512xf32, #tpu.memory_space<vmem>>[vector<16xi32>], vector<16xf32>,
            %gather3A_588 = tpu.vector_load_idx %arg8[%add3A_570] : memref<16512xf32, #tpu.memory_space<vmem>>[vector<16xi32>], vector<16xf32>,
            %gather3A_589 = tpu.vector_load_idx %arg9[%add3A_570] : memref<16512xf32, #tpu.memory_space<vmem>>[vector<16xi32>], vector<16xf32>,
            %gather3A_590 = tpu.vector_load_idx %arg10[%add3A_570] : memref<16512xf32, #tpu.memory_space<vmem>>[vector<16xi32>], vector<16xf32>,
            %max3A_591 = arith.maximumf %gather3A_587, %get3A_577 : vector<16xf32>
            tpu.vector_store_idx %arg7[%add3A_570], %max3A_591 : memref<16512xf32, #tpu.memory_space<vmem>>[vector<16xi32>], vector<16xf32>,
            %max3A_592 = arith.maximumf %gather3A_588, %get3A_580 : vector<16xf32>
            tpu.vector_store_idx %arg8[%add3A_570], %max3A_592 : memref<16512xf32, #tpu.memory_space<vmem>>[vector<16xi32>], vector<16xf32>,
            %max3A_593 = arith.maximumf %gather3A_589, %get3A_583 : vector<16xf32>
            tpu.vector_store_idx %arg9[%add3A_570], %max3A_593 : memref<16512xf32, #tpu.memory_space<vmem>>[vector<16xi32>], vector<16xf32>,
            %max3A_594 = arith.maximumf %gather3A_590, %get3A_586 : vector<16xf32>
            tpu.vector_store_idx %arg10[%add3A_570], %max3A_594 : memref<16512xf32, #tpu.memory_space<vmem>>[vector<16xi32>], vector<16xf32>,
            %slice3A_595 = vector.extract_strided_slice %mul3A_371 {offsets = [8], sizes = [1], strides = [1]} : vector<16xi32> to vector<1xi32>
            %squeeze3A_596 = vector.extract %slice3A_595[0] : i32 from vector<1xi32>
            %add3A_597 = vector.broadcast %squeeze3A_596 : i32 to vector<16xi32>
            %add3A_598 = arith.addi %iota3A, %add3A_597 : vector<16xi32>
            %mul3A_599 = arith.constant 8 : i32
            %mul3A_600 = arith.muli %scan3A_342, %mul3A_599 : i32
            %add3A_601 = arith.constant 4 : i32
            %add3A_602 = arith.addi %mul3A_600, %add3A_601 : i32
            %get3A_603 = arith.index_cast %add3A_602 : i32 to index
            %get3A_604 = arith.constant 0 : index
            %get3A_605 = tpu.vector_load %arg17[%get3A_603, %get3A_604] {strides = array<i32>} : memref<128x128xf32, #tpu.memory_space<vmem>>, vector<16xf32>,
            %get3A_606 = arith.index_cast %add3A_602 : i32 to index
            %get3A_607 = arith.constant 16 : index
            %get3A_608 = tpu.vector_load %arg17[%get3A_606, %get3A_607] {strides = array<i32>} : memref<128x128xf32, #tpu.memory_space<vmem>>, vector<16xf32>,
            %get3A_609 = arith.index_cast %add3A_602 : i32 to index
            %get3A_610 = arith.constant 32 : index
            %get3A_611 = tpu.vector_load %arg17[%get3A_609, %get3A_610] {strides = array<i32>} : memref<128x128xf32, #tpu.memory_space<vmem>>, vector<16xf32>,
            %get3A_612 = arith.index_cast %add3A_602 : i32 to index
            %get3A_613 = arith.constant 48 : index
            %get3A_614 = tpu.vector_load %arg17[%get3A_612, %get3A_613] {strides = array<i32>} : memref<128x128xf32, #tpu.memory_space<vmem>>, vector<16xf32>,
            %gather3A_615 = tpu.vector_load_idx %arg7[%add3A_598] : memref<16512xf32, #tpu.memory_space<vmem>>[vector<16xi32>], vector<16xf32>,
            %gather3A_616 = tpu.vector_load_idx %arg8[%add3A_598] : memref<16512xf32, #tpu.memory_space<vmem>>[vector<16xi32>], vector<16xf32>,
            %gather3A_617 = tpu.vector_load_idx %arg9[%add3A_598] : memref<16512xf32, #tpu.memory_space<vmem>>[vector<16xi32>], vector<16xf32>,
            %gather3A_618 = tpu.vector_load_idx %arg10[%add3A_598] : memref<16512xf32, #tpu.memory_space<vmem>>[vector<16xi32>], vector<16xf32>,
            %max3A_619 = arith.maximumf %gather3A_615, %get3A_605 : vector<16xf32>
            tpu.vector_store_idx %arg7[%add3A_598], %max3A_619 : memref<16512xf32, #tpu.memory_space<vmem>>[vector<16xi32>], vector<16xf32>,
            %max3A_620 = arith.maximumf %gather3A_616, %get3A_608 : vector<16xf32>
            tpu.vector_store_idx %arg8[%add3A_598], %max3A_620 : memref<16512xf32, #tpu.memory_space<vmem>>[vector<16xi32>], vector<16xf32>,
            %max3A_621 = arith.maximumf %gather3A_617, %get3A_611 : vector<16xf32>
            tpu.vector_store_idx %arg9[%add3A_598], %max3A_621 : memref<16512xf32, #tpu.memory_space<vmem>>[vector<16xi32>], vector<16xf32>,
            %max3A_622 = arith.maximumf %gather3A_618, %get3A_614 : vector<16xf32>
            tpu.vector_store_idx %arg10[%add3A_598], %max3A_622 : memref<16512xf32, #tpu.memory_space<vmem>>[vector<16xi32>], vector<16xf32>,
            %slice3A_623 = vector.extract_strided_slice %mul3A_371 {offsets = [9], sizes = [1], strides = [1]} : vector<16xi32> to vector<1xi32>
            %squeeze3A_624 = vector.extract %slice3A_623[0] : i32 from vector<1xi32>
            %add3A_625 = vector.broadcast %squeeze3A_624 : i32 to vector<16xi32>
            %add3A_626 = arith.addi %iota3A, %add3A_625 : vector<16xi32>
            %mul3A_627 = arith.constant 8 : i32
            %mul3A_628 = arith.muli %scan3A_342, %mul3A_627 : i32
            %add3A_629 = arith.constant 4 : i32
            %add3A_630 = arith.addi %mul3A_628, %add3A_629 : i32
            %get3A_631 = arith.index_cast %add3A_630 : i32 to index
            %get3A_632 = arith.constant 64 : index
            %get3A_633 = tpu.vector_load %arg17[%get3A_631, %get3A_632] {strides = array<i32>} : memref<128x128xf32, #tpu.memory_space<vmem>>, vector<16xf32>,
            %get3A_634 = arith.index_cast %add3A_630 : i32 to index
            %get3A_635 = arith.constant 80 : index
            %get3A_636 = tpu.vector_load %arg17[%get3A_634, %get3A_635] {strides = array<i32>} : memref<128x128xf32, #tpu.memory_space<vmem>>, vector<16xf32>,
            %get3A_637 = arith.index_cast %add3A_630 : i32 to index
            %get3A_638 = arith.constant 96 : index
            %get3A_639 = tpu.vector_load %arg17[%get3A_637, %get3A_638] {strides = array<i32>} : memref<128x128xf32, #tpu.memory_space<vmem>>, vector<16xf32>,
            %get3A_640 = arith.index_cast %add3A_630 : i32 to index
            %get3A_641 = arith.constant 112 : index
            %get3A_642 = tpu.vector_load %arg17[%get3A_640, %get3A_641] {strides = array<i32>} : memref<128x128xf32, #tpu.memory_space<vmem>>, vector<16xf32>,
            %gather3A_643 = tpu.vector_load_idx %arg7[%add3A_626] : memref<16512xf32, #tpu.memory_space<vmem>>[vector<16xi32>], vector<16xf32>,
            %gather3A_644 = tpu.vector_load_idx %arg8[%add3A_626] : memref<16512xf32, #tpu.memory_space<vmem>>[vector<16xi32>], vector<16xf32>,
            %gather3A_645 = tpu.vector_load_idx %arg9[%add3A_626] : memref<16512xf32, #tpu.memory_space<vmem>>[vector<16xi32>], vector<16xf32>,
            %gather3A_646 = tpu.vector_load_idx %arg10[%add3A_626] : memref<16512xf32, #tpu.memory_space<vmem>>[vector<16xi32>], vector<16xf32>,
            %max3A_647 = arith.maximumf %gather3A_643, %get3A_633 : vector<16xf32>
            tpu.vector_store_idx %arg7[%add3A_626], %max3A_647 : memref<16512xf32, #tpu.memory_space<vmem>>[vector<16xi32>], vector<16xf32>,
            %max3A_648 = arith.maximumf %gather3A_644, %get3A_636 : vector<16xf32>
            tpu.vector_store_idx %arg8[%add3A_626], %max3A_648 : memref<16512xf32, #tpu.memory_space<vmem>>[vector<16xi32>], vector<16xf32>,
            %max3A_649 = arith.maximumf %gather3A_645, %get3A_639 : vector<16xf32>
            tpu.vector_store_idx %arg9[%add3A_626], %max3A_649 : memref<16512xf32, #tpu.memory_space<vmem>>[vector<16xi32>], vector<16xf32>,
            %max3A_650 = arith.maximumf %gather3A_646, %get3A_642 : vector<16xf32>
            tpu.vector_store_idx %arg10[%add3A_626], %max3A_650 : memref<16512xf32, #tpu.memory_space<vmem>>[vector<16xi32>], vector<16xf32>,
            %slice3A_651 = vector.extract_strided_slice %mul3A_371 {offsets = [10], sizes = [1], strides = [1]} : vector<16xi32> to vector<1xi32>
            %squeeze3A_652 = vector.extract %slice3A_651[0] : i32 from vector<1xi32>
            %add3A_653 = vector.broadcast %squeeze3A_652 : i32 to vector<16xi32>
            %add3A_654 = arith.addi %iota3A, %add3A_653 : vector<16xi32>
            %mul3A_655 = arith.constant 8 : i32
            %mul3A_656 = arith.muli %scan3A_342, %mul3A_655 : i32
            %add3A_657 = arith.constant 5 : i32
            %add3A_658 = arith.addi %mul3A_656, %add3A_657 : i32
            %get3A_659 = arith.index_cast %add3A_658 : i32 to index
            %get3A_660 = arith.constant 0 : index
            %get3A_661 = tpu.vector_load %arg17[%get3A_659, %get3A_660] {strides = array<i32>} : memref<128x128xf32, #tpu.memory_space<vmem>>, vector<16xf32>,
            %get3A_662 = arith.index_cast %add3A_658 : i32 to index
            %get3A_663 = arith.constant 16 : index
            %get3A_664 = tpu.vector_load %arg17[%get3A_662, %get3A_663] {strides = array<i32>} : memref<128x128xf32, #tpu.memory_space<vmem>>, vector<16xf32>,
            %get3A_665 = arith.index_cast %add3A_658 : i32 to index
            %get3A_666 = arith.constant 32 : index
            %get3A_667 = tpu.vector_load %arg17[%get3A_665, %get3A_666] {strides = array<i32>} : memref<128x128xf32, #tpu.memory_space<vmem>>, vector<16xf32>,
            %get3A_668 = arith.index_cast %add3A_658 : i32 to index
            %get3A_669 = arith.constant 48 : index
            %get3A_670 = tpu.vector_load %arg17[%get3A_668, %get3A_669] {strides = array<i32>} : memref<128x128xf32, #tpu.memory_space<vmem>>, vector<16xf32>,
            %gather3A_671 = tpu.vector_load_idx %arg7[%add3A_654] : memref<16512xf32, #tpu.memory_space<vmem>>[vector<16xi32>], vector<16xf32>,
            %gather3A_672 = tpu.vector_load_idx %arg8[%add3A_654] : memref<16512xf32, #tpu.memory_space<vmem>>[vector<16xi32>], vector<16xf32>,
            %gather3A_673 = tpu.vector_load_idx %arg9[%add3A_654] : memref<16512xf32, #tpu.memory_space<vmem>>[vector<16xi32>], vector<16xf32>,
            %gather3A_674 = tpu.vector_load_idx %arg10[%add3A_654] : memref<16512xf32, #tpu.memory_space<vmem>>[vector<16xi32>], vector<16xf32>,
            %max3A_675 = arith.maximumf %gather3A_671, %get3A_661 : vector<16xf32>
            tpu.vector_store_idx %arg7[%add3A_654], %max3A_675 : memref<16512xf32, #tpu.memory_space<vmem>>[vector<16xi32>], vector<16xf32>,
            %max3A_676 = arith.maximumf %gather3A_672, %get3A_664 : vector<16xf32>
            tpu.vector_store_idx %arg8[%add3A_654], %max3A_676 : memref<16512xf32, #tpu.memory_space<vmem>>[vector<16xi32>], vector<16xf32>,
            %max3A_677 = arith.maximumf %gather3A_673, %get3A_667 : vector<16xf32>
            tpu.vector_store_idx %arg9[%add3A_654], %max3A_677 : memref<16512xf32, #tpu.memory_space<vmem>>[vector<16xi32>], vector<16xf32>,
            %max3A_678 = arith.maximumf %gather3A_674, %get3A_670 : vector<16xf32>
            tpu.vector_store_idx %arg10[%add3A_654], %max3A_678 : memref<16512xf32, #tpu.memory_space<vmem>>[vector<16xi32>], vector<16xf32>,
            %slice3A_679 = vector.extract_strided_slice %mul3A_371 {offsets = [11], sizes = [1], strides = [1]} : vector<16xi32> to vector<1xi32>
            %squeeze3A_680 = vector.extract %slice3A_679[0] : i32 from vector<1xi32>
            %add3A_681 = vector.broadcast %squeeze3A_680 : i32 to vector<16xi32>
            %add3A_682 = arith.addi %iota3A, %add3A_681 : vector<16xi32>
            %mul3A_683 = arith.constant 8 : i32
            %mul3A_684 = arith.muli %scan3A_342, %mul3A_683 : i32
            %add3A_685 = arith.constant 5 : i32
            %add3A_686 = arith.addi %mul3A_684, %add3A_685 : i32
            %get3A_687 = arith.index_cast %add3A_686 : i32 to index
            %get3A_688 = arith.constant 64 : index
            %get3A_689 = tpu.vector_load %arg17[%get3A_687, %get3A_688] {strides = array<i32>} : memref<128x128xf32, #tpu.memory_space<vmem>>, vector<16xf32>,
            %get3A_690 = arith.index_cast %add3A_686 : i32 to index
            %get3A_691 = arith.constant 80 : index
            %get3A_692 = tpu.vector_load %arg17[%get3A_690, %get3A_691] {strides = array<i32>} : memref<128x128xf32, #tpu.memory_space<vmem>>, vector<16xf32>,
            %get3A_693 = arith.index_cast %add3A_686 : i32 to index
            %get3A_694 = arith.constant 96 : index
            %get3A_695 = tpu.vector_load %arg17[%get3A_693, %get3A_694] {strides = array<i32>} : memref<128x128xf32, #tpu.memory_space<vmem>>, vector<16xf32>,
            %get3A_696 = arith.index_cast %add3A_686 : i32 to index
            %get3A_697 = arith.constant 112 : index
            %get3A_698 = tpu.vector_load %arg17[%get3A_696, %get3A_697] {strides = array<i32>} : memref<128x128xf32, #tpu.memory_space<vmem>>, vector<16xf32>,
            %gather3A_699 = tpu.vector_load_idx %arg7[%add3A_682] : memref<16512xf32, #tpu.memory_space<vmem>>[vector<16xi32>], vector<16xf32>,
            %gather3A_700 = tpu.vector_load_idx %arg8[%add3A_682] : memref<16512xf32, #tpu.memory_space<vmem>>[vector<16xi32>], vector<16xf32>,
            %gather3A_701 = tpu.vector_load_idx %arg9[%add3A_682] : memref<16512xf32, #tpu.memory_space<vmem>>[vector<16xi32>], vector<16xf32>,
            %gather3A_702 = tpu.vector_load_idx %arg10[%add3A_682] : memref<16512xf32, #tpu.memory_space<vmem>>[vector<16xi32>], vector<16xf32>,
            %max3A_703 = arith.maximumf %gather3A_699, %get3A_689 : vector<16xf32>
            tpu.vector_store_idx %arg7[%add3A_682], %max3A_703 : memref<16512xf32, #tpu.memory_space<vmem>>[vector<16xi32>], vector<16xf32>,
            %max3A_704 = arith.maximumf %gather3A_700, %get3A_692 : vector<16xf32>
            tpu.vector_store_idx %arg8[%add3A_682], %max3A_704 : memref<16512xf32, #tpu.memory_space<vmem>>[vector<16xi32>], vector<16xf32>,
            %max3A_705 = arith.maximumf %gather3A_701, %get3A_695 : vector<16xf32>
            tpu.vector_store_idx %arg9[%add3A_682], %max3A_705 : memref<16512xf32, #tpu.memory_space<vmem>>[vector<16xi32>], vector<16xf32>,
            %max3A_706 = arith.maximumf %gather3A_702, %get3A_698 : vector<16xf32>
            tpu.vector_store_idx %arg10[%add3A_682], %max3A_706 : memref<16512xf32, #tpu.memory_space<vmem>>[vector<16xi32>], vector<16xf32>,
            %slice3A_707 = vector.extract_strided_slice %mul3A_371 {offsets = [12], sizes = [1], strides = [1]} : vector<16xi32> to vector<1xi32>
            %squeeze3A_708 = vector.extract %slice3A_707[0] : i32 from vector<1xi32>
            %add3A_709 = vector.broadcast %squeeze3A_708 : i32 to vector<16xi32>
            %add3A_710 = arith.addi %iota3A, %add3A_709 : vector<16xi32>
            %mul3A_711 = arith.constant 8 : i32
            %mul3A_712 = arith.muli %scan3A_342, %mul3A_711 : i32
            %add3A_713 = arith.constant 6 : i32
            %add3A_714 = arith.addi %mul3A_712, %add3A_713 : i32
            %get3A_715 = arith.index_cast %add3A_714 : i32 to index
            %get3A_716 = arith.constant 0 : index
            %get3A_717 = tpu.vector_load %arg17[%get3A_715, %get3A_716] {strides = array<i32>} : memref<128x128xf32, #tpu.memory_space<vmem>>, vector<16xf32>,
            %get3A_718 = arith.index_cast %add3A_714 : i32 to index
            %get3A_719 = arith.constant 16 : index
            %get3A_720 = tpu.vector_load %arg17[%get3A_718, %get3A_719] {strides = array<i32>} : memref<128x128xf32, #tpu.memory_space<vmem>>, vector<16xf32>,
            %get3A_721 = arith.index_cast %add3A_714 : i32 to index
            %get3A_722 = arith.constant 32 : index
            %get3A_723 = tpu.vector_load %arg17[%get3A_721, %get3A_722] {strides = array<i32>} : memref<128x128xf32, #tpu.memory_space<vmem>>, vector<16xf32>,
            %get3A_724 = arith.index_cast %add3A_714 : i32 to index
            %get3A_725 = arith.constant 48 : index
            %get3A_726 = tpu.vector_load %arg17[%get3A_724, %get3A_725] {strides = array<i32>} : memref<128x128xf32, #tpu.memory_space<vmem>>, vector<16xf32>,
            %gather3A_727 = tpu.vector_load_idx %arg7[%add3A_710] : memref<16512xf32, #tpu.memory_space<vmem>>[vector<16xi32>], vector<16xf32>,
            %gather3A_728 = tpu.vector_load_idx %arg8[%add3A_710] : memref<16512xf32, #tpu.memory_space<vmem>>[vector<16xi32>], vector<16xf32>,
            %gather3A_729 = tpu.vector_load_idx %arg9[%add3A_710] : memref<16512xf32, #tpu.memory_space<vmem>>[vector<16xi32>], vector<16xf32>,
            %gather3A_730 = tpu.vector_load_idx %arg10[%add3A_710] : memref<16512xf32, #tpu.memory_space<vmem>>[vector<16xi32>], vector<16xf32>,
            %max3A_731 = arith.maximumf %gather3A_727, %get3A_717 : vector<16xf32>
            tpu.vector_store_idx %arg7[%add3A_710], %max3A_731 : memref<16512xf32, #tpu.memory_space<vmem>>[vector<16xi32>], vector<16xf32>,
            %max3A_732 = arith.maximumf %gather3A_728, %get3A_720 : vector<16xf32>
            tpu.vector_store_idx %arg8[%add3A_710], %max3A_732 : memref<16512xf32, #tpu.memory_space<vmem>>[vector<16xi32>], vector<16xf32>,
            %max3A_733 = arith.maximumf %gather3A_729, %get3A_723 : vector<16xf32>
            tpu.vector_store_idx %arg9[%add3A_710], %max3A_733 : memref<16512xf32, #tpu.memory_space<vmem>>[vector<16xi32>], vector<16xf32>,
            %max3A_734 = arith.maximumf %gather3A_730, %get3A_726 : vector<16xf32>
            tpu.vector_store_idx %arg10[%add3A_710], %max3A_734 : memref<16512xf32, #tpu.memory_space<vmem>>[vector<16xi32>], vector<16xf32>,
            %slice3A_735 = vector.extract_strided_slice %mul3A_371 {offsets = [13], sizes = [1], strides = [1]} : vector<16xi32> to vector<1xi32>
            %squeeze3A_736 = vector.extract %slice3A_735[0] : i32 from vector<1xi32>
            %add3A_737 = vector.broadcast %squeeze3A_736 : i32 to vector<16xi32>
            %add3A_738 = arith.addi %iota3A, %add3A_737 : vector<16xi32>
            %mul3A_739 = arith.constant 8 : i32
            %mul3A_740 = arith.muli %scan3A_342, %mul3A_739 : i32
            %add3A_741 = arith.constant 6 : i32
            %add3A_742 = arith.addi %mul3A_740, %add3A_741 : i32
            %get3A_743 = arith.index_cast %add3A_742 : i32 to index
            %get3A_744 = arith.constant 64 : index
            %get3A_745 = tpu.vector_load %arg17[%get3A_743, %get3A_744] {strides = array<i32>} : memref<128x128xf32, #tpu.memory_space<vmem>>, vector<16xf32>,
            %get3A_746 = arith.index_cast %add3A_742 : i32 to index
            %get3A_747 = arith.constant 80 : index
            %get3A_748 = tpu.vector_load %arg17[%get3A_746, %get3A_747] {strides = array<i32>} : memref<128x128xf32, #tpu.memory_space<vmem>>, vector<16xf32>,
            %get3A_749 = arith.index_cast %add3A_742 : i32 to index
            %get3A_750 = arith.constant 96 : index
            %get3A_751 = tpu.vector_load %arg17[%get3A_749, %get3A_750] {strides = array<i32>} : memref<128x128xf32, #tpu.memory_space<vmem>>, vector<16xf32>,
            %get3A_752 = arith.index_cast %add3A_742 : i32 to index
            %get3A_753 = arith.constant 112 : index
            %get3A_754 = tpu.vector_load %arg17[%get3A_752, %get3A_753] {strides = array<i32>} : memref<128x128xf32, #tpu.memory_space<vmem>>, vector<16xf32>,
            %gather3A_755 = tpu.vector_load_idx %arg7[%add3A_738] : memref<16512xf32, #tpu.memory_space<vmem>>[vector<16xi32>], vector<16xf32>,
            %gather3A_756 = tpu.vector_load_idx %arg8[%add3A_738] : memref<16512xf32, #tpu.memory_space<vmem>>[vector<16xi32>], vector<16xf32>,
            %gather3A_757 = tpu.vector_load_idx %arg9[%add3A_738] : memref<16512xf32, #tpu.memory_space<vmem>>[vector<16xi32>], vector<16xf32>,
            %gather3A_758 = tpu.vector_load_idx %arg10[%add3A_738] : memref<16512xf32, #tpu.memory_space<vmem>>[vector<16xi32>], vector<16xf32>,
            %max3A_759 = arith.maximumf %gather3A_755, %get3A_745 : vector<16xf32>
            tpu.vector_store_idx %arg7[%add3A_738], %max3A_759 : memref<16512xf32, #tpu.memory_space<vmem>>[vector<16xi32>], vector<16xf32>,
            %max3A_760 = arith.maximumf %gather3A_756, %get3A_748 : vector<16xf32>
            tpu.vector_store_idx %arg8[%add3A_738], %max3A_760 : memref<16512xf32, #tpu.memory_space<vmem>>[vector<16xi32>], vector<16xf32>,
            %max3A_761 = arith.maximumf %gather3A_757, %get3A_751 : vector<16xf32>
            tpu.vector_store_idx %arg9[%add3A_738], %max3A_761 : memref<16512xf32, #tpu.memory_space<vmem>>[vector<16xi32>], vector<16xf32>,
            %max3A_762 = arith.maximumf %gather3A_758, %get3A_754 : vector<16xf32>
            tpu.vector_store_idx %arg10[%add3A_738], %max3A_762 : memref<16512xf32, #tpu.memory_space<vmem>>[vector<16xi32>], vector<16xf32>,
            %slice3A_763 = vector.extract_strided_slice %mul3A_371 {offsets = [14], sizes = [1], strides = [1]} : vector<16xi32> to vector<1xi32>
            %squeeze3A_764 = vector.extract %slice3A_763[0] : i32 from vector<1xi32>
            %add3A_765 = vector.broadcast %squeeze3A_764 : i32 to vector<16xi32>
            %add3A_766 = arith.addi %iota3A, %add3A_765 : vector<16xi32>
            %mul3A_767 = arith.constant 8 : i32
            %mul3A_768 = arith.muli %scan3A_342, %mul3A_767 : i32
            %add3A_769 = arith.constant 7 : i32
            %add3A_770 = arith.addi %mul3A_768, %add3A_769 : i32
            %get3A_771 = arith.index_cast %add3A_770 : i32 to index
            %get3A_772 = arith.constant 0 : index
            %get3A_773 = tpu.vector_load %arg17[%get3A_771, %get3A_772] {strides = array<i32>} : memref<128x128xf32, #tpu.memory_space<vmem>>, vector<16xf32>,
            %get3A_774 = arith.index_cast %add3A_770 : i32 to index
            %get3A_775 = arith.constant 16 : index
            %get3A_776 = tpu.vector_load %arg17[%get3A_774, %get3A_775] {strides = array<i32>} : memref<128x128xf32, #tpu.memory_space<vmem>>, vector<16xf32>,
            %get3A_777 = arith.index_cast %add3A_770 : i32 to index
            %get3A_778 = arith.constant 32 : index
            %get3A_779 = tpu.vector_load %arg17[%get3A_777, %get3A_778] {strides = array<i32>} : memref<128x128xf32, #tpu.memory_space<vmem>>, vector<16xf32>,
            %get3A_780 = arith.index_cast %add3A_770 : i32 to index
            %get3A_781 = arith.constant 48 : index
            %get3A_782 = tpu.vector_load %arg17[%get3A_780, %get3A_781] {strides = array<i32>} : memref<128x128xf32, #tpu.memory_space<vmem>>, vector<16xf32>,
            %gather3A_783 = tpu.vector_load_idx %arg7[%add3A_766] : memref<16512xf32, #tpu.memory_space<vmem>>[vector<16xi32>], vector<16xf32>,
            %gather3A_784 = tpu.vector_load_idx %arg8[%add3A_766] : memref<16512xf32, #tpu.memory_space<vmem>>[vector<16xi32>], vector<16xf32>,
            %gather3A_785 = tpu.vector_load_idx %arg9[%add3A_766] : memref<16512xf32, #tpu.memory_space<vmem>>[vector<16xi32>], vector<16xf32>,
            %gather3A_786 = tpu.vector_load_idx %arg10[%add3A_766] : memref<16512xf32, #tpu.memory_space<vmem>>[vector<16xi32>], vector<16xf32>,
            %max3A_787 = arith.maximumf %gather3A_783, %get3A_773 : vector<16xf32>
            tpu.vector_store_idx %arg7[%add3A_766], %max3A_787 : memref<16512xf32, #tpu.memory_space<vmem>>[vector<16xi32>], vector<16xf32>,
            %max3A_788 = arith.maximumf %gather3A_784, %get3A_776 : vector<16xf32>
            tpu.vector_store_idx %arg8[%add3A_766], %max3A_788 : memref<16512xf32, #tpu.memory_space<vmem>>[vector<16xi32>], vector<16xf32>,
            %max3A_789 = arith.maximumf %gather3A_785, %get3A_779 : vector<16xf32>
            tpu.vector_store_idx %arg9[%add3A_766], %max3A_789 : memref<16512xf32, #tpu.memory_space<vmem>>[vector<16xi32>], vector<16xf32>,
            %max3A_790 = arith.maximumf %gather3A_786, %get3A_782 : vector<16xf32>
            tpu.vector_store_idx %arg10[%add3A_766], %max3A_790 : memref<16512xf32, #tpu.memory_space<vmem>>[vector<16xi32>], vector<16xf32>,
            %slice3A_791 = vector.extract_strided_slice %mul3A_371 {offsets = [15], sizes = [1], strides = [1]} : vector<16xi32> to vector<1xi32>
            %squeeze3A_792 = vector.extract %slice3A_791[0] : i32 from vector<1xi32>
            %add3A_793 = vector.broadcast %squeeze3A_792 : i32 to vector<16xi32>
            %add3A_794 = arith.addi %iota3A, %add3A_793 : vector<16xi32>
            %mul3A_795 = arith.constant 8 : i32
            %mul3A_796 = arith.muli %scan3A_342, %mul3A_795 : i32
            %add3A_797 = arith.constant 7 : i32
            %add3A_798 = arith.addi %mul3A_796, %add3A_797 : i32
            %get3A_799 = arith.index_cast %add3A_798 : i32 to index
            %get3A_800 = arith.constant 64 : index
            %get3A_801 = tpu.vector_load %arg17[%get3A_799, %get3A_800] {strides = array<i32>} : memref<128x128xf32, #tpu.memory_space<vmem>>, vector<16xf32>,
            %get3A_802 = arith.index_cast %add3A_798 : i32 to index
            %get3A_803 = arith.constant 80 : index
            %get3A_804 = tpu.vector_load %arg17[%get3A_802, %get3A_803] {strides = array<i32>} : memref<128x128xf32, #tpu.memory_space<vmem>>, vector<16xf32>,
            %get3A_805 = arith.index_cast %add3A_798 : i32 to index
            %get3A_806 = arith.constant 96 : index
            %get3A_807 = tpu.vector_load %arg17[%get3A_805, %get3A_806] {strides = array<i32>} : memref<128x128xf32, #tpu.memory_space<vmem>>, vector<16xf32>,
            %get3A_808 = arith.index_cast %add3A_798 : i32 to index
            %get3A_809 = arith.constant 112 : index
            %get3A_810 = tpu.vector_load %arg17[%get3A_808, %get3A_809] {strides = array<i32>} : memref<128x128xf32, #tpu.memory_space<vmem>>, vector<16xf32>,
            %gather3A_811 = tpu.vector_load_idx %arg7[%add3A_794] : memref<16512xf32, #tpu.memory_space<vmem>>[vector<16xi32>], vector<16xf32>,
            %gather3A_812 = tpu.vector_load_idx %arg8[%add3A_794] : memref<16512xf32, #tpu.memory_space<vmem>>[vector<16xi32>], vector<16xf32>,
            %gather3A_813 = tpu.vector_load_idx %arg9[%add3A_794] : memref<16512xf32, #tpu.memory_space<vmem>>[vector<16xi32>], vector<16xf32>,
            %gather3A_814 = tpu.vector_load_idx %arg10[%add3A_794] : memref<16512xf32, #tpu.memory_space<vmem>>[vector<16xi32>], vector<16xf32>,
            %max3A_815 = arith.maximumf %gather3A_811, %get3A_801 : vector<16xf32>
            tpu.vector_store_idx %arg7[%add3A_794], %max3A_815 : memref<16512xf32, #tpu.memory_space<vmem>>[vector<16xi32>], vector<16xf32>,
            %max3A_816 = arith.maximumf %gather3A_812, %get3A_804 : vector<16xf32>
            tpu.vector_store_idx %arg8[%add3A_794], %max3A_816 : memref<16512xf32, #tpu.memory_space<vmem>>[vector<16xi32>], vector<16xf32>,
            %max3A_817 = arith.maximumf %gather3A_813, %get3A_807 : vector<16xf32>
            tpu.vector_store_idx %arg9[%add3A_794], %max3A_817 : memref<16512xf32, #tpu.memory_space<vmem>>[vector<16xi32>], vector<16xf32>,
            %max3A_818 = arith.maximumf %gather3A_814, %get3A_810 : vector<16xf32>
            tpu.vector_store_idx %arg10[%add3A_794], %max3A_818 : memref<16512xf32, #tpu.memory_space<vmem>>[vector<16xi32>], vector<16xf32>,
            %scan3A_819 = arith.constant 0 : i32
            scf.yield %scan3A_819 : i32
          }
          %scan3A_334 = arith.constant 16 : i32
          %add3A_335 = arith.constant 1 : i32
          %add3A_336 = arith.addi %mul3A_313, %add3A_335 : i32
          %lt3A_337 = arith.cmpi slt, %add3A_336, %squeeze3A_15 : i32
          %convert_element_type3A_338 = arith.extui %lt3A_337 : i1 to i32
          %cond3A_339 = arith.constant 0 : i32
          %cond3A_340 = arith.cmpi ne, %convert_element_type3A_338, %cond3A_339 : i32
          scf.if %cond3A_340 {
            %add3A_342 = arith.constant 2 : i32
            %add3A_343 = arith.addi %mul3A_313, %add3A_342 : i32
            %lt3A_344 = arith.cmpi slt, %add3A_343, %squeeze3A_15 : i32
            %convert_element_type3A_345 = arith.extui %lt3A_344 : i1 to i32
            %cond3A_346 = arith.constant 0 : i32
            %cond3A_347 = arith.cmpi ne, %convert_element_type3A_345, %cond3A_346 : i32
            scf.if %cond3A_347 {
              %add3A_366 = arith.constant 2 : i32
              %add3A_367 = arith.addi %mul3A_313, %add3A_366 : i32
              %mul3A_368 = arith.constant 128 : i32
              %mul3A_369 = arith.muli %add3A_367, %mul3A_368 : i32
              %add3A_370 = arith.constant 0 : i32
              %add3A_371 = arith.addi %mul3A_369, %add3A_370 : i32
              %add3A_372 = vector.broadcast %add3A_371 : i32 to vector<16xi32>
              %add3A_373 = arith.addi %select_n3A, %add3A_372 : vector<16xi32>
              %gather3A_374 = tpu.vector_load_idx %arg12[%add3A_373] : memref<1792xi32, #tpu.memory_space<vmem>>[vector<16xi32>], vector<16xi32>,
              %mul3A_375 = arith.constant 2 : i32
              %mul3A_376 = vector.broadcast %mul3A_375 : i32 to vector<16xi32>
              %mul3A_377 = arith.muli %gather3A_374, %mul3A_376 : vector<16xi32>
              %add3A_378 = arith.addi %mul3A_377, %select_n3A_85 : vector<16xi32>
              %swap3A_379 = arith.constant 0 : index
              %swap3A_380 = tpu.vector_load %arg13[%swap3A_379] {strides = array<i32>} : memref<256xi32, #tpu.memory_space<vmem>>, vector<16xi32>,
              tpu.vector_store %arg13[%swap3A_379], %add3A_378 {strides = array<i32>} : memref<256xi32, #tpu.memory_space<vmem>>, vector<16xi32>,
              %mul3A_381 = arith.constant 128 : i32
              %mul3A_382 = arith.muli %add3A_367, %mul3A_381 : i32
              %add3A_383 = arith.constant 8 : i32
              %add3A_384 = arith.addi %mul3A_382, %add3A_383 : i32
              %add3A_385 = vector.broadcast %add3A_384 : i32 to vector<16xi32>
              %add3A_386 = arith.addi %select_n3A, %add3A_385 : vector<16xi32>
              %gather3A_387 = tpu.vector_load_idx %arg12[%add3A_386] : memref<1792xi32, #tpu.memory_space<vmem>>[vector<16xi32>], vector<16xi32>,
              %mul3A_388 = arith.constant 2 : i32
              %mul3A_389 = vector.broadcast %mul3A_388 : i32 to vector<16xi32>
              %mul3A_390 = arith.muli %gather3A_387, %mul3A_389 : vector<16xi32>
              %add3A_391 = arith.addi %mul3A_390, %select_n3A_85 : vector<16xi32>
              %swap3A_392 = arith.constant 16 : index
              %swap3A_393 = tpu.vector_load %arg13[%swap3A_392] {strides = array<i32>} : memref<256xi32, #tpu.memory_space<vmem>>, vector<16xi32>,
              tpu.vector_store %arg13[%swap3A_392], %add3A_391 {strides = array<i32>} : memref<256xi32, #tpu.memory_space<vmem>>, vector<16xi32>,
              %mul3A_394 = arith.constant 128 : i32
              %mul3A_395 = arith.muli %add3A_367, %mul3A_394 : i32
              %add3A_396 = arith.constant 16 : i32
              %add3A_397 = arith.addi %mul3A_395, %add3A_396 : i32
              %add3A_398 = vector.broadcast %add3A_397 : i32 to vector<16xi32>
              %add3A_399 = arith.addi %select_n3A, %add3A_398 : vector<16xi32>
              %gather3A_400 = tpu.vector_load_idx %arg12[%add3A_399] : memref<1792xi32, #tpu.memory_space<vmem>>[vector<16xi32>], vector<16xi32>,
              %mul3A_401 = arith.constant 2 : i32
              %mul3A_402 = vector.broadcast %mul3A_401 : i32 to vector<16xi32>
              %mul3A_403 = arith.muli %gather3A_400, %mul3A_402 : vector<16xi32>
              %add3A_404 = arith.addi %mul3A_403, %select_n3A_85 : vector<16xi32>
              %swap3A_405 = arith.constant 32 : index
              %swap3A_406 = tpu.vector_load %arg13[%swap3A_405] {strides = array<i32>} : memref<256xi32, #tpu.memory_space<vmem>>, vector<16xi32>,
              tpu.vector_store %arg13[%swap3A_405], %add3A_404 {strides = array<i32>} : memref<256xi32, #tpu.memory_space<vmem>>, vector<16xi32>,
              %mul3A_407 = arith.constant 128 : i32
              %mul3A_408 = arith.muli %add3A_367, %mul3A_407 : i32
              %add3A_409 = arith.constant 24 : i32
              %add3A_410 = arith.addi %mul3A_408, %add3A_409 : i32
              %add3A_411 = vector.broadcast %add3A_410 : i32 to vector<16xi32>
              %add3A_412 = arith.addi %select_n3A, %add3A_411 : vector<16xi32>
              %gather3A_413 = tpu.vector_load_idx %arg12[%add3A_412] : memref<1792xi32, #tpu.memory_space<vmem>>[vector<16xi32>], vector<16xi32>,
              %mul3A_414 = arith.constant 2 : i32
              %mul3A_415 = vector.broadcast %mul3A_414 : i32 to vector<16xi32>
              %mul3A_416 = arith.muli %gather3A_413, %mul3A_415 : vector<16xi32>
              %add3A_417 = arith.addi %mul3A_416, %select_n3A_85 : vector<16xi32>
              %swap3A_418 = arith.constant 48 : index
              %swap3A_419 = tpu.vector_load %arg13[%swap3A_418] {strides = array<i32>} : memref<256xi32, #tpu.memory_space<vmem>>, vector<16xi32>,
              tpu.vector_store %arg13[%swap3A_418], %add3A_417 {strides = array<i32>} : memref<256xi32, #tpu.memory_space<vmem>>, vector<16xi32>,
              %mul3A_420 = arith.constant 128 : i32
              %mul3A_421 = arith.muli %add3A_367, %mul3A_420 : i32
              %add3A_422 = arith.constant 32 : i32
              %add3A_423 = arith.addi %mul3A_421, %add3A_422 : i32
              %add3A_424 = vector.broadcast %add3A_423 : i32 to vector<16xi32>
              %add3A_425 = arith.addi %select_n3A, %add3A_424 : vector<16xi32>
              %gather3A_426 = tpu.vector_load_idx %arg12[%add3A_425] : memref<1792xi32, #tpu.memory_space<vmem>>[vector<16xi32>], vector<16xi32>,
              %mul3A_427 = arith.constant 2 : i32
              %mul3A_428 = vector.broadcast %mul3A_427 : i32 to vector<16xi32>
              %mul3A_429 = arith.muli %gather3A_426, %mul3A_428 : vector<16xi32>
              %add3A_430 = arith.addi %mul3A_429, %select_n3A_85 : vector<16xi32>
              %swap3A_431 = arith.constant 64 : index
              %swap3A_432 = tpu.vector_load %arg13[%swap3A_431] {strides = array<i32>} : memref<256xi32, #tpu.memory_space<vmem>>, vector<16xi32>,
              tpu.vector_store %arg13[%swap3A_431], %add3A_430 {strides = array<i32>} : memref<256xi32, #tpu.memory_space<vmem>>, vector<16xi32>,
              %mul3A_433 = arith.constant 128 : i32
              %mul3A_434 = arith.muli %add3A_367, %mul3A_433 : i32
              %add3A_435 = arith.constant 40 : i32
              %add3A_436 = arith.addi %mul3A_434, %add3A_435 : i32
              %add3A_437 = vector.broadcast %add3A_436 : i32 to vector<16xi32>
              %add3A_438 = arith.addi %select_n3A, %add3A_437 : vector<16xi32>
              %gather3A_439 = tpu.vector_load_idx %arg12[%add3A_438] : memref<1792xi32, #tpu.memory_space<vmem>>[vector<16xi32>], vector<16xi32>,
              %mul3A_440 = arith.constant 2 : i32
              %mul3A_441 = vector.broadcast %mul3A_440 : i32 to vector<16xi32>
              %mul3A_442 = arith.muli %gather3A_439, %mul3A_441 : vector<16xi32>
              %add3A_443 = arith.addi %mul3A_442, %select_n3A_85 : vector<16xi32>
              %swap3A_444 = arith.constant 80 : index
              %swap3A_445 = tpu.vector_load %arg13[%swap3A_444] {strides = array<i32>} : memref<256xi32, #tpu.memory_space<vmem>>, vector<16xi32>,
              tpu.vector_store %arg13[%swap3A_444], %add3A_443 {strides = array<i32>} : memref<256xi32, #tpu.memory_space<vmem>>, vector<16xi32>,
              %mul3A_446 = arith.constant 128 : i32
              %mul3A_447 = arith.muli %add3A_367, %mul3A_446 : i32
              %add3A_448 = arith.constant 48 : i32
              %add3A_449 = arith.addi %mul3A_447, %add3A_448 : i32
              %add3A_450 = vector.broadcast %add3A_449 : i32 to vector<16xi32>
              %add3A_451 = arith.addi %select_n3A, %add3A_450 : vector<16xi32>
              %gather3A_452 = tpu.vector_load_idx %arg12[%add3A_451] : memref<1792xi32, #tpu.memory_space<vmem>>[vector<16xi32>], vector<16xi32>,
              %mul3A_453 = arith.constant 2 : i32
              %mul3A_454 = vector.broadcast %mul3A_453 : i32 to vector<16xi32>
              %mul3A_455 = arith.muli %gather3A_452, %mul3A_454 : vector<16xi32>
              %add3A_456 = arith.addi %mul3A_455, %select_n3A_85 : vector<16xi32>
              %swap3A_457 = arith.constant 96 : index
              %swap3A_458 = tpu.vector_load %arg13[%swap3A_457] {strides = array<i32>} : memref<256xi32, #tpu.memory_space<vmem>>, vector<16xi32>,
              tpu.vector_store %arg13[%swap3A_457], %add3A_456 {strides = array<i32>} : memref<256xi32, #tpu.memory_space<vmem>>, vector<16xi32>,
              %mul3A_459 = arith.constant 128 : i32
              %mul3A_460 = arith.muli %add3A_367, %mul3A_459 : i32
              %add3A_461 = arith.constant 56 : i32
              %add3A_462 = arith.addi %mul3A_460, %add3A_461 : i32
              %add3A_463 = vector.broadcast %add3A_462 : i32 to vector<16xi32>
              %add3A_464 = arith.addi %select_n3A, %add3A_463 : vector<16xi32>
              %gather3A_465 = tpu.vector_load_idx %arg12[%add3A_464] : memref<1792xi32, #tpu.memory_space<vmem>>[vector<16xi32>], vector<16xi32>,
              %mul3A_466 = arith.constant 2 : i32
              %mul3A_467 = vector.broadcast %mul3A_466 : i32 to vector<16xi32>
              %mul3A_468 = arith.muli %gather3A_465, %mul3A_467 : vector<16xi32>
              %add3A_469 = arith.addi %mul3A_468, %select_n3A_85 : vector<16xi32>
              %swap3A_470 = arith.constant 112 : index
              %swap3A_471 = tpu.vector_load %arg13[%swap3A_470] {strides = array<i32>} : memref<256xi32, #tpu.memory_space<vmem>>, vector<16xi32>,
              tpu.vector_store %arg13[%swap3A_470], %add3A_469 {strides = array<i32>} : memref<256xi32, #tpu.memory_space<vmem>>, vector<16xi32>,
              %mul3A_472 = arith.constant 128 : i32
              %mul3A_473 = arith.muli %add3A_367, %mul3A_472 : i32
              %add3A_474 = arith.constant 64 : i32
              %add3A_475 = arith.addi %mul3A_473, %add3A_474 : i32
              %add3A_476 = vector.broadcast %add3A_475 : i32 to vector<16xi32>
              %add3A_477 = arith.addi %select_n3A, %add3A_476 : vector<16xi32>
              %gather3A_478 = tpu.vector_load_idx %arg12[%add3A_477] : memref<1792xi32, #tpu.memory_space<vmem>>[vector<16xi32>], vector<16xi32>,
              %mul3A_479 = arith.constant 2 : i32
              %mul3A_480 = vector.broadcast %mul3A_479 : i32 to vector<16xi32>
              %mul3A_481 = arith.muli %gather3A_478, %mul3A_480 : vector<16xi32>
              %add3A_482 = arith.addi %mul3A_481, %select_n3A_85 : vector<16xi32>
              %swap3A_483 = arith.constant 128 : index
              %swap3A_484 = tpu.vector_load %arg13[%swap3A_483] {strides = array<i32>} : memref<256xi32, #tpu.memory_space<vmem>>, vector<16xi32>,
              tpu.vector_store %arg13[%swap3A_483], %add3A_482 {strides = array<i32>} : memref<256xi32, #tpu.memory_space<vmem>>, vector<16xi32>,
              %mul3A_485 = arith.constant 128 : i32
              %mul3A_486 = arith.muli %add3A_367, %mul3A_485 : i32
              %add3A_487 = arith.constant 72 : i32
              %add3A_488 = arith.addi %mul3A_486, %add3A_487 : i32
              %add3A_489 = vector.broadcast %add3A_488 : i32 to vector<16xi32>
              %add3A_490 = arith.addi %select_n3A, %add3A_489 : vector<16xi32>
              %gather3A_491 = tpu.vector_load_idx %arg12[%add3A_490] : memref<1792xi32, #tpu.memory_space<vmem>>[vector<16xi32>], vector<16xi32>,
              %mul3A_492 = arith.constant 2 : i32
              %mul3A_493 = vector.broadcast %mul3A_492 : i32 to vector<16xi32>
              %mul3A_494 = arith.muli %gather3A_491, %mul3A_493 : vector<16xi32>
              %add3A_495 = arith.addi %mul3A_494, %select_n3A_85 : vector<16xi32>
              %swap3A_496 = arith.constant 144 : index
              %swap3A_497 = tpu.vector_load %arg13[%swap3A_496] {strides = array<i32>} : memref<256xi32, #tpu.memory_space<vmem>>, vector<16xi32>,
              tpu.vector_store %arg13[%swap3A_496], %add3A_495 {strides = array<i32>} : memref<256xi32, #tpu.memory_space<vmem>>, vector<16xi32>,
              %mul3A_498 = arith.constant 128 : i32
              %mul3A_499 = arith.muli %add3A_367, %mul3A_498 : i32
              %add3A_500 = arith.constant 80 : i32
              %add3A_501 = arith.addi %mul3A_499, %add3A_500 : i32
              %add3A_502 = vector.broadcast %add3A_501 : i32 to vector<16xi32>
              %add3A_503 = arith.addi %select_n3A, %add3A_502 : vector<16xi32>
              %gather3A_504 = tpu.vector_load_idx %arg12[%add3A_503] : memref<1792xi32, #tpu.memory_space<vmem>>[vector<16xi32>], vector<16xi32>,
              %mul3A_505 = arith.constant 2 : i32
              %mul3A_506 = vector.broadcast %mul3A_505 : i32 to vector<16xi32>
              %mul3A_507 = arith.muli %gather3A_504, %mul3A_506 : vector<16xi32>
              %add3A_508 = arith.addi %mul3A_507, %select_n3A_85 : vector<16xi32>
              %swap3A_509 = arith.constant 160 : index
              %swap3A_510 = tpu.vector_load %arg13[%swap3A_509] {strides = array<i32>} : memref<256xi32, #tpu.memory_space<vmem>>, vector<16xi32>,
              tpu.vector_store %arg13[%swap3A_509], %add3A_508 {strides = array<i32>} : memref<256xi32, #tpu.memory_space<vmem>>, vector<16xi32>,
              %mul3A_511 = arith.constant 128 : i32
              %mul3A_512 = arith.muli %add3A_367, %mul3A_511 : i32
              %add3A_513 = arith.constant 88 : i32
              %add3A_514 = arith.addi %mul3A_512, %add3A_513 : i32
              %add3A_515 = vector.broadcast %add3A_514 : i32 to vector<16xi32>
              %add3A_516 = arith.addi %select_n3A, %add3A_515 : vector<16xi32>
              %gather3A_517 = tpu.vector_load_idx %arg12[%add3A_516] : memref<1792xi32, #tpu.memory_space<vmem>>[vector<16xi32>], vector<16xi32>,
              %mul3A_518 = arith.constant 2 : i32
              %mul3A_519 = vector.broadcast %mul3A_518 : i32 to vector<16xi32>
              %mul3A_520 = arith.muli %gather3A_517, %mul3A_519 : vector<16xi32>
              %add3A_521 = arith.addi %mul3A_520, %select_n3A_85 : vector<16xi32>
              %swap3A_522 = arith.constant 176 : index
              %swap3A_523 = tpu.vector_load %arg13[%swap3A_522] {strides = array<i32>} : memref<256xi32, #tpu.memory_space<vmem>>, vector<16xi32>,
              tpu.vector_store %arg13[%swap3A_522], %add3A_521 {strides = array<i32>} : memref<256xi32, #tpu.memory_space<vmem>>, vector<16xi32>,
              %mul3A_524 = arith.constant 128 : i32
              %mul3A_525 = arith.muli %add3A_367, %mul3A_524 : i32
              %add3A_526 = arith.constant 96 : i32
              %add3A_527 = arith.addi %mul3A_525, %add3A_526 : i32
              %add3A_528 = vector.broadcast %add3A_527 : i32 to vector<16xi32>
              %add3A_529 = arith.addi %select_n3A, %add3A_528 : vector<16xi32>
              %gather3A_530 = tpu.vector_load_idx %arg12[%add3A_529] : memref<1792xi32, #tpu.memory_space<vmem>>[vector<16xi32>], vector<16xi32>,
              %mul3A_531 = arith.constant 2 : i32
              %mul3A_532 = vector.broadcast %mul3A_531 : i32 to vector<16xi32>
              %mul3A_533 = arith.muli %gather3A_530, %mul3A_532 : vector<16xi32>
              %add3A_534 = arith.addi %mul3A_533, %select_n3A_85 : vector<16xi32>
              %swap3A_535 = arith.constant 192 : index
              %swap3A_536 = tpu.vector_load %arg13[%swap3A_535] {strides = array<i32>} : memref<256xi32, #tpu.memory_space<vmem>>, vector<16xi32>,
              tpu.vector_store %arg13[%swap3A_535], %add3A_534 {strides = array<i32>} : memref<256xi32, #tpu.memory_space<vmem>>, vector<16xi32>,
              %mul3A_537 = arith.constant 128 : i32
              %mul3A_538 = arith.muli %add3A_367, %mul3A_537 : i32
              %add3A_539 = arith.constant 104 : i32
              %add3A_540 = arith.addi %mul3A_538, %add3A_539 : i32
              %add3A_541 = vector.broadcast %add3A_540 : i32 to vector<16xi32>
              %add3A_542 = arith.addi %select_n3A, %add3A_541 : vector<16xi32>
              %gather3A_543 = tpu.vector_load_idx %arg12[%add3A_542] : memref<1792xi32, #tpu.memory_space<vmem>>[vector<16xi32>], vector<16xi32>,
              %mul3A_544 = arith.constant 2 : i32
              %mul3A_545 = vector.broadcast %mul3A_544 : i32 to vector<16xi32>
              %mul3A_546 = arith.muli %gather3A_543, %mul3A_545 : vector<16xi32>
              %add3A_547 = arith.addi %mul3A_546, %select_n3A_85 : vector<16xi32>
              %swap3A_548 = arith.constant 208 : index
              %swap3A_549 = tpu.vector_load %arg13[%swap3A_548] {strides = array<i32>} : memref<256xi32, #tpu.memory_space<vmem>>, vector<16xi32>,
              tpu.vector_store %arg13[%swap3A_548], %add3A_547 {strides = array<i32>} : memref<256xi32, #tpu.memory_space<vmem>>, vector<16xi32>,
              %mul3A_550 = arith.constant 128 : i32
              %mul3A_551 = arith.muli %add3A_367, %mul3A_550 : i32
              %add3A_552 = arith.constant 112 : i32
              %add3A_553 = arith.addi %mul3A_551, %add3A_552 : i32
              %add3A_554 = vector.broadcast %add3A_553 : i32 to vector<16xi32>
              %add3A_555 = arith.addi %select_n3A, %add3A_554 : vector<16xi32>
              %gather3A_556 = tpu.vector_load_idx %arg12[%add3A_555] : memref<1792xi32, #tpu.memory_space<vmem>>[vector<16xi32>], vector<16xi32>,
              %mul3A_557 = arith.constant 2 : i32
              %mul3A_558 = vector.broadcast %mul3A_557 : i32 to vector<16xi32>
              %mul3A_559 = arith.muli %gather3A_556, %mul3A_558 : vector<16xi32>
              %add3A_560 = arith.addi %mul3A_559, %select_n3A_85 : vector<16xi32>
              %swap3A_561 = arith.constant 224 : index
              %swap3A_562 = tpu.vector_load %arg13[%swap3A_561] {strides = array<i32>} : memref<256xi32, #tpu.memory_space<vmem>>, vector<16xi32>,
              tpu.vector_store %arg13[%swap3A_561], %add3A_560 {strides = array<i32>} : memref<256xi32, #tpu.memory_space<vmem>>, vector<16xi32>,
              %mul3A_563 = arith.constant 128 : i32
              %mul3A_564 = arith.muli %add3A_367, %mul3A_563 : i32
              %add3A_565 = arith.constant 120 : i32
              %add3A_566 = arith.addi %mul3A_564, %add3A_565 : i32
              %add3A_567 = vector.broadcast %add3A_566 : i32 to vector<16xi32>
              %add3A_568 = arith.addi %select_n3A, %add3A_567 : vector<16xi32>
              %gather3A_569 = tpu.vector_load_idx %arg12[%add3A_568] : memref<1792xi32, #tpu.memory_space<vmem>>[vector<16xi32>], vector<16xi32>,
              %mul3A_570 = arith.constant 2 : i32
              %mul3A_571 = vector.broadcast %mul3A_570 : i32 to vector<16xi32>
              %mul3A_572 = arith.muli %gather3A_569, %mul3A_571 : vector<16xi32>
              %add3A_573 = arith.addi %mul3A_572, %select_n3A_85 : vector<16xi32>
              %swap3A_574 = arith.constant 240 : index
              %swap3A_575 = tpu.vector_load %arg13[%swap3A_574] {strides = array<i32>} : memref<256xi32, #tpu.memory_space<vmem>>, vector<16xi32>,
              tpu.vector_store %arg13[%swap3A_574], %add3A_573 {strides = array<i32>} : memref<256xi32, #tpu.memory_space<vmem>>, vector<16xi32>,
              %mul3A_576 = arith.constant 128 : i32
              %mul3A_577 = arith.muli %add3A_367, %mul3A_576 : i32
              %dma_start3A_578 = tpu.memref_slice %arg12[%mul3A_577] : memref<1792xi32, #tpu.memory_space<vmem>> -> memref<128xi32, #tpu.memory_space<vmem>>
              %dma_start3A_579 = arith.constant 0 : i32
              %dma_start3A_580 = arith.constant 0 : i32
              %dma_start3A_581 = tpu.memref_slice %arg2[%dma_start3A_579, %dma_start3A_580] : memref<262144x128xf32, #tpu.memory_space<hbm>> -> memref<262144x128xf32, #tpu.memory_space<hbm>>
              tpu.enqueue_indirect_dma source(%dma_start3A_581 : memref<262144x128xf32, #tpu.memory_space<hbm>>) target(%arg17 : memref<128x128xf32, #tpu.memory_space<vmem>>) offsets(%dma_start3A_578 : memref<128xi32, #tpu.memory_space<vmem>>) semaphore(%arg20 : memref<!tpu.dma_semaphore, #tpu.memory_space<semaphore_mem>>)
              %dma_start3A_582 = arith.constant 0 : i32
              %dma_start3A_583 = tpu.memref_slice %arg15[%dma_start3A_582] : memref<256xi32, #tpu.memory_space<vmem>> -> memref<128xi32, #tpu.memory_space<vmem>>
              %dma_start3A_584 = arith.constant 0 : i32
              %dma_start3A_585 = tpu.memref_slice %arg13[%dma_start3A_584] : memref<256xi32, #tpu.memory_space<vmem>> -> memref<128xi32, #tpu.memory_space<vmem>>
              %dma_start3A_586 = arith.constant 0 : i32
              %dma_start3A_587 = tpu.memref_slice %arg3[%dma_start3A_586] : memref<524288xi32, #tpu.memory_space<hbm>> -> memref<524288xi32, #tpu.memory_space<hbm>>
              tpu.enqueue_indirect_dma source(%dma_start3A_587 : memref<524288xi32, #tpu.memory_space<hbm>>) target(%dma_start3A_583 : memref<128xi32, #tpu.memory_space<vmem>>) offsets(%dma_start3A_585 : memref<128xi32, #tpu.memory_space<vmem>>) semaphore(%arg22 : memref<!tpu.dma_semaphore, #tpu.memory_space<semaphore_mem>>)
              %dma_start3A_588 = arith.constant 128 : i32
              %dma_start3A_589 = tpu.memref_slice %arg15[%dma_start3A_588] : memref<256xi32, #tpu.memory_space<vmem>> -> memref<128xi32, #tpu.memory_space<vmem>>
              %dma_start3A_590 = arith.constant 128 : i32
              %dma_start3A_591 = tpu.memref_slice %arg13[%dma_start3A_590] : memref<256xi32, #tpu.memory_space<vmem>> -> memref<128xi32, #tpu.memory_space<vmem>>
              %dma_start3A_592 = arith.constant 0 : i32
              %dma_start3A_593 = tpu.memref_slice %arg3[%dma_start3A_592] : memref<524288xi32, #tpu.memory_space<hbm>> -> memref<524288xi32, #tpu.memory_space<hbm>>
              tpu.enqueue_indirect_dma source(%dma_start3A_593 : memref<524288xi32, #tpu.memory_space<hbm>>) target(%dma_start3A_589 : memref<128xi32, #tpu.memory_space<vmem>>) offsets(%dma_start3A_591 : memref<128xi32, #tpu.memory_space<vmem>>) semaphore(%arg22 : memref<!tpu.dma_semaphore, #tpu.memory_space<semaphore_mem>>)
            } else {
            }
            %dma_wait3A_348 = arith.constant 0 : i32
            %dma_wait3A_349 = tpu.memref_slice %arg12[%dma_wait3A_348] : memref<1792xi32, #tpu.memory_space<vmem>> -> memref<128xi32, #tpu.memory_space<vmem>>
            %dma_wait3A_350 = arith.constant 0 : i32
            %dma_wait3A_351 = arith.constant 0 : i32
            %dma_wait3A_352 = tpu.memref_slice %arg2[%dma_wait3A_350, %dma_wait3A_351] : memref<262144x128xf32, #tpu.memory_space<hbm>> -> memref<262144x128xf32, #tpu.memory_space<hbm>>
            tpu.wait_indirect_dma semaphore(%arg21 : memref<!tpu.dma_semaphore, #tpu.memory_space<semaphore_mem>>) src(%dma_wait3A_352 : memref<262144x128xf32, #tpu.memory_space<hbm>>) dst(%arg18 : memref<128x128xf32, #tpu.memory_space<vmem>>)
            %dma_wait3A_353 = arith.constant 0 : i32
            %dma_wait3A_354 = tpu.memref_slice %arg3[%dma_wait3A_353] : memref<524288xi32, #tpu.memory_space<hbm>> -> memref<256xi32, #tpu.memory_space<hbm>>
            %dma_wait3A_355 = arith.constant 0 : i32
            %dma_wait3A_356 = tpu.memref_slice %arg3[%dma_wait3A_355] : memref<524288xi32, #tpu.memory_space<hbm>> -> memref<256xi32, #tpu.memory_space<hbm>>
            tpu.wait_dma2 semaphore(%arg23 : memref<!tpu.dma_semaphore, #tpu.memory_space<semaphore_mem>>) src(%dma_wait3A_356 : memref<256xi32, #tpu.memory_space<hbm>>) dst(%arg16 : memref<256xi32, #tpu.memory_space<vmem>>)
            %add3A_357 = arith.constant 1 : i32
            %add3A_358 = arith.addi %mul3A_313, %add3A_357 : i32
            %scan3A_359 = arith.constant 0 : i32
            %scan3A_360 = arith.constant 0 : i32
            %scan3A_361 = arith.constant 16 : i32
            %scan3A_362 = arith.addi %scan3A_360, %scan3A_361 : i32
            %scan3A_363 = arith.constant 1 : i32
            %scan3A_364 = scf.for %scan3A_366 = %scan3A_360 to %scan3A_362 step %scan3A_363 iter_args(%scan3A_367 = %scan3A_359) -> (i32)  : i32 {
              %mul3A_368 = arith.constant 16 : i32
              %mul3A_369 = arith.muli %scan3A_366, %mul3A_368 : i32
              %get3A_370 = arith.index_cast %mul3A_369 : i32 to index
              %get3A_371 = tpu.vector_load %arg16[%get3A_370] {strides = array<i32>} : memref<256xi32, #tpu.memory_space<vmem>>, vector<16xi32>,
              %shift_right_logical3A = arith.constant 11 : i32
              %shift_right_logical3A_372 = vector.broadcast %shift_right_logical3A : i32 to vector<16xi32>
              %shift_right_logical3A_373 = arith.shrui %get3A_371, %shift_right_logical3A_372 : vector<16xi32>
              %and3A_374 = arith.constant 2047 : i32
              %and3A_375 = vector.broadcast %and3A_374 : i32 to vector<16xi32>
              %and3A_376 = arith.andi %get3A_371, %and3A_375 : vector<16xi32>
              %sub3A_377 = vector.broadcast %mul3A_21 : i32 to vector<16xi32>
              %sub3A_378 = arith.subi %and3A_376, %sub3A_377 : vector<16xi32>
              %ge3A_379 = arith.constant 0 : i32
              %ge3A_380 = vector.broadcast %ge3A_379 : i32 to vector<16xi32>
              %ge3A_381 = arith.cmpi sge, %sub3A_378, %ge3A_380 : vector<16xi32>
              %lt3A_382 = arith.constant 16 : i32
              %lt3A_383 = vector.broadcast %lt3A_382 : i32 to vector<16xi32>
              %lt3A_384 = arith.cmpi slt, %sub3A_378, %lt3A_383 : vector<16xi32>
              %and3A_385 = arith.andi %ge3A_381, %lt3A_384 : vector<16xi1>
              %mul3A_386 = arith.constant 16 : i32
              %mul3A_387 = vector.broadcast %mul3A_386 : i32 to vector<16xi32>
              %mul3A_388 = arith.muli %shift_right_logical3A_373, %mul3A_387 : vector<16xi32>
              %add3A_389 = arith.addi %mul3A_388, %sub3A_378 : vector<16xi32>
              %jit3A_390 = arith.constant 1024 : i32
              %broadcast_in_dim3A_391 = vector.broadcast %jit3A_390 : i32 to vector<16xi32>
              %select_n3A_392 = arith.select %and3A_385, %add3A_389, %broadcast_in_dim3A_391 : vector<16xi1>, vector<16xi32>
              %mul3A_393 = arith.constant 16 : i32
              %mul3A_394 = vector.broadcast %mul3A_393 : i32 to vector<16xi32>
              %mul3A_395 = arith.muli %select_n3A_392, %mul3A_394 : vector<16xi32>
              %slice3A_396 = vector.extract_strided_slice %mul3A_395 {offsets = [0], sizes = [1], strides = [1]} : vector<16xi32> to vector<1xi32>
              %squeeze3A_397 = vector.extract %slice3A_396[0] : i32 from vector<1xi32>
              %add3A_398 = vector.broadcast %squeeze3A_397 : i32 to vector<16xi32>
              %add3A_399 = arith.addi %iota3A, %add3A_398 : vector<16xi32>
              %mul3A_400 = arith.constant 8 : i32
              %mul3A_401 = arith.muli %scan3A_366, %mul3A_400 : i32
              %add3A_402 = arith.constant 0 : i32
              %add3A_403 = arith.addi %mul3A_401, %add3A_402 : i32
              %get3A_404 = arith.index_cast %add3A_403 : i32 to index
              %get3A_405 = arith.constant 0 : index
              %get3A_406 = tpu.vector_load %arg18[%get3A_404, %get3A_405] {strides = array<i32>} : memref<128x128xf32, #tpu.memory_space<vmem>>, vector<16xf32>,
              %get3A_407 = arith.index_cast %add3A_403 : i32 to index
              %get3A_408 = arith.constant 16 : index
              %get3A_409 = tpu.vector_load %arg18[%get3A_407, %get3A_408] {strides = array<i32>} : memref<128x128xf32, #tpu.memory_space<vmem>>, vector<16xf32>,
              %get3A_410 = arith.index_cast %add3A_403 : i32 to index
              %get3A_411 = arith.constant 32 : index
              %get3A_412 = tpu.vector_load %arg18[%get3A_410, %get3A_411] {strides = array<i32>} : memref<128x128xf32, #tpu.memory_space<vmem>>, vector<16xf32>,
              %get3A_413 = arith.index_cast %add3A_403 : i32 to index
              %get3A_414 = arith.constant 48 : index
              %get3A_415 = tpu.vector_load %arg18[%get3A_413, %get3A_414] {strides = array<i32>} : memref<128x128xf32, #tpu.memory_space<vmem>>, vector<16xf32>,
              %gather3A_416 = tpu.vector_load_idx %arg7[%add3A_399] : memref<16512xf32, #tpu.memory_space<vmem>>[vector<16xi32>], vector<16xf32>,
              %gather3A_417 = tpu.vector_load_idx %arg8[%add3A_399] : memref<16512xf32, #tpu.memory_space<vmem>>[vector<16xi32>], vector<16xf32>,
              %gather3A_418 = tpu.vector_load_idx %arg9[%add3A_399] : memref<16512xf32, #tpu.memory_space<vmem>>[vector<16xi32>], vector<16xf32>,
              %gather3A_419 = tpu.vector_load_idx %arg10[%add3A_399] : memref<16512xf32, #tpu.memory_space<vmem>>[vector<16xi32>], vector<16xf32>,
              %max3A = arith.maximumf %gather3A_416, %get3A_406 : vector<16xf32>
              tpu.vector_store_idx %arg7[%add3A_399], %max3A : memref<16512xf32, #tpu.memory_space<vmem>>[vector<16xi32>], vector<16xf32>,
              %max3A_420 = arith.maximumf %gather3A_417, %get3A_409 : vector<16xf32>
              tpu.vector_store_idx %arg8[%add3A_399], %max3A_420 : memref<16512xf32, #tpu.memory_space<vmem>>[vector<16xi32>], vector<16xf32>,
              %max3A_421 = arith.maximumf %gather3A_418, %get3A_412 : vector<16xf32>
              tpu.vector_store_idx %arg9[%add3A_399], %max3A_421 : memref<16512xf32, #tpu.memory_space<vmem>>[vector<16xi32>], vector<16xf32>,
              %max3A_422 = arith.maximumf %gather3A_419, %get3A_415 : vector<16xf32>
              tpu.vector_store_idx %arg10[%add3A_399], %max3A_422 : memref<16512xf32, #tpu.memory_space<vmem>>[vector<16xi32>], vector<16xf32>,
              %slice3A_423 = vector.extract_strided_slice %mul3A_395 {offsets = [1], sizes = [1], strides = [1]} : vector<16xi32> to vector<1xi32>
              %squeeze3A_424 = vector.extract %slice3A_423[0] : i32 from vector<1xi32>
              %add3A_425 = vector.broadcast %squeeze3A_424 : i32 to vector<16xi32>
              %add3A_426 = arith.addi %iota3A, %add3A_425 : vector<16xi32>
              %mul3A_427 = arith.constant 8 : i32
              %mul3A_428 = arith.muli %scan3A_366, %mul3A_427 : i32
              %add3A_429 = arith.constant 0 : i32
              %add3A_430 = arith.addi %mul3A_428, %add3A_429 : i32
              %get3A_431 = arith.index_cast %add3A_430 : i32 to index
              %get3A_432 = arith.constant 64 : index
              %get3A_433 = tpu.vector_load %arg18[%get3A_431, %get3A_432] {strides = array<i32>} : memref<128x128xf32, #tpu.memory_space<vmem>>, vector<16xf32>,
              %get3A_434 = arith.index_cast %add3A_430 : i32 to index
              %get3A_435 = arith.constant 80 : index
              %get3A_436 = tpu.vector_load %arg18[%get3A_434, %get3A_435] {strides = array<i32>} : memref<128x128xf32, #tpu.memory_space<vmem>>, vector<16xf32>,
              %get3A_437 = arith.index_cast %add3A_430 : i32 to index
              %get3A_438 = arith.constant 96 : index
              %get3A_439 = tpu.vector_load %arg18[%get3A_437, %get3A_438] {strides = array<i32>} : memref<128x128xf32, #tpu.memory_space<vmem>>, vector<16xf32>,
              %get3A_440 = arith.index_cast %add3A_430 : i32 to index
              %get3A_441 = arith.constant 112 : index
              %get3A_442 = tpu.vector_load %arg18[%get3A_440, %get3A_441] {strides = array<i32>} : memref<128x128xf32, #tpu.memory_space<vmem>>, vector<16xf32>,
              %gather3A_443 = tpu.vector_load_idx %arg7[%add3A_426] : memref<16512xf32, #tpu.memory_space<vmem>>[vector<16xi32>], vector<16xf32>,
              %gather3A_444 = tpu.vector_load_idx %arg8[%add3A_426] : memref<16512xf32, #tpu.memory_space<vmem>>[vector<16xi32>], vector<16xf32>,
              %gather3A_445 = tpu.vector_load_idx %arg9[%add3A_426] : memref<16512xf32, #tpu.memory_space<vmem>>[vector<16xi32>], vector<16xf32>,
              %gather3A_446 = tpu.vector_load_idx %arg10[%add3A_426] : memref<16512xf32, #tpu.memory_space<vmem>>[vector<16xi32>], vector<16xf32>,
              %max3A_447 = arith.maximumf %gather3A_443, %get3A_433 : vector<16xf32>
              tpu.vector_store_idx %arg7[%add3A_426], %max3A_447 : memref<16512xf32, #tpu.memory_space<vmem>>[vector<16xi32>], vector<16xf32>,
              %max3A_448 = arith.maximumf %gather3A_444, %get3A_436 : vector<16xf32>
              tpu.vector_store_idx %arg8[%add3A_426], %max3A_448 : memref<16512xf32, #tpu.memory_space<vmem>>[vector<16xi32>], vector<16xf32>,
              %max3A_449 = arith.maximumf %gather3A_445, %get3A_439 : vector<16xf32>
              tpu.vector_store_idx %arg9[%add3A_426], %max3A_449 : memref<16512xf32, #tpu.memory_space<vmem>>[vector<16xi32>], vector<16xf32>,
              %max3A_450 = arith.maximumf %gather3A_446, %get3A_442 : vector<16xf32>
              tpu.vector_store_idx %arg10[%add3A_426], %max3A_450 : memref<16512xf32, #tpu.memory_space<vmem>>[vector<16xi32>], vector<16xf32>,
              %slice3A_451 = vector.extract_strided_slice %mul3A_395 {offsets = [2], sizes = [1], strides = [1]} : vector<16xi32> to vector<1xi32>
              %squeeze3A_452 = vector.extract %slice3A_451[0] : i32 from vector<1xi32>
              %add3A_453 = vector.broadcast %squeeze3A_452 : i32 to vector<16xi32>
              %add3A_454 = arith.addi %iota3A, %add3A_453 : vector<16xi32>
              %mul3A_455 = arith.constant 8 : i32
              %mul3A_456 = arith.muli %scan3A_366, %mul3A_455 : i32
              %add3A_457 = arith.constant 1 : i32
              %add3A_458 = arith.addi %mul3A_456, %add3A_457 : i32
              %get3A_459 = arith.index_cast %add3A_458 : i32 to index
              %get3A_460 = arith.constant 0 : index
              %get3A_461 = tpu.vector_load %arg18[%get3A_459, %get3A_460] {strides = array<i32>} : memref<128x128xf32, #tpu.memory_space<vmem>>, vector<16xf32>,
              %get3A_462 = arith.index_cast %add3A_458 : i32 to index
              %get3A_463 = arith.constant 16 : index
              %get3A_464 = tpu.vector_load %arg18[%get3A_462, %get3A_463] {strides = array<i32>} : memref<128x128xf32, #tpu.memory_space<vmem>>, vector<16xf32>,
              %get3A_465 = arith.index_cast %add3A_458 : i32 to index
              %get3A_466 = arith.constant 32 : index
              %get3A_467 = tpu.vector_load %arg18[%get3A_465, %get3A_466] {strides = array<i32>} : memref<128x128xf32, #tpu.memory_space<vmem>>, vector<16xf32>,
              %get3A_468 = arith.index_cast %add3A_458 : i32 to index
              %get3A_469 = arith.constant 48 : index
              %get3A_470 = tpu.vector_load %arg18[%get3A_468, %get3A_469] {strides = array<i32>} : memref<128x128xf32, #tpu.memory_space<vmem>>, vector<16xf32>,
              %gather3A_471 = tpu.vector_load_idx %arg7[%add3A_454] : memref<16512xf32, #tpu.memory_space<vmem>>[vector<16xi32>], vector<16xf32>,
              %gather3A_472 = tpu.vector_load_idx %arg8[%add3A_454] : memref<16512xf32, #tpu.memory_space<vmem>>[vector<16xi32>], vector<16xf32>,
              %gather3A_473 = tpu.vector_load_idx %arg9[%add3A_454] : memref<16512xf32, #tpu.memory_space<vmem>>[vector<16xi32>], vector<16xf32>,
              %gather3A_474 = tpu.vector_load_idx %arg10[%add3A_454] : memref<16512xf32, #tpu.memory_space<vmem>>[vector<16xi32>], vector<16xf32>,
              %max3A_475 = arith.maximumf %gather3A_471, %get3A_461 : vector<16xf32>
              tpu.vector_store_idx %arg7[%add3A_454], %max3A_475 : memref<16512xf32, #tpu.memory_space<vmem>>[vector<16xi32>], vector<16xf32>,
              %max3A_476 = arith.maximumf %gather3A_472, %get3A_464 : vector<16xf32>
              tpu.vector_store_idx %arg8[%add3A_454], %max3A_476 : memref<16512xf32, #tpu.memory_space<vmem>>[vector<16xi32>], vector<16xf32>,
              %max3A_477 = arith.maximumf %gather3A_473, %get3A_467 : vector<16xf32>
              tpu.vector_store_idx %arg9[%add3A_454], %max3A_477 : memref<16512xf32, #tpu.memory_space<vmem>>[vector<16xi32>], vector<16xf32>,
              %max3A_478 = arith.maximumf %gather3A_474, %get3A_470 : vector<16xf32>
              tpu.vector_store_idx %arg10[%add3A_454], %max3A_478 : memref<16512xf32, #tpu.memory_space<vmem>>[vector<16xi32>], vector<16xf32>,
              %slice3A_479 = vector.extract_strided_slice %mul3A_395 {offsets = [3], sizes = [1], strides = [1]} : vector<16xi32> to vector<1xi32>
              %squeeze3A_480 = vector.extract %slice3A_479[0] : i32 from vector<1xi32>
              %add3A_481 = vector.broadcast %squeeze3A_480 : i32 to vector<16xi32>
              %add3A_482 = arith.addi %iota3A, %add3A_481 : vector<16xi32>
              %mul3A_483 = arith.constant 8 : i32
              %mul3A_484 = arith.muli %scan3A_366, %mul3A_483 : i32
              %add3A_485 = arith.constant 1 : i32
              %add3A_486 = arith.addi %mul3A_484, %add3A_485 : i32
              %get3A_487 = arith.index_cast %add3A_486 : i32 to index
              %get3A_488 = arith.constant 64 : index
              %get3A_489 = tpu.vector_load %arg18[%get3A_487, %get3A_488] {strides = array<i32>} : memref<128x128xf32, #tpu.memory_space<vmem>>, vector<16xf32>,
              %get3A_490 = arith.index_cast %add3A_486 : i32 to index
              %get3A_491 = arith.constant 80 : index
              %get3A_492 = tpu.vector_load %arg18[%get3A_490, %get3A_491] {strides = array<i32>} : memref<128x128xf32, #tpu.memory_space<vmem>>, vector<16xf32>,
              %get3A_493 = arith.index_cast %add3A_486 : i32 to index
              %get3A_494 = arith.constant 96 : index
              %get3A_495 = tpu.vector_load %arg18[%get3A_493, %get3A_494] {strides = array<i32>} : memref<128x128xf32, #tpu.memory_space<vmem>>, vector<16xf32>,
              %get3A_496 = arith.index_cast %add3A_486 : i32 to index
              %get3A_497 = arith.constant 112 : index
              %get3A_498 = tpu.vector_load %arg18[%get3A_496, %get3A_497] {strides = array<i32>} : memref<128x128xf32, #tpu.memory_space<vmem>>, vector<16xf32>,
              %gather3A_499 = tpu.vector_load_idx %arg7[%add3A_482] : memref<16512xf32, #tpu.memory_space<vmem>>[vector<16xi32>], vector<16xf32>,
              %gather3A_500 = tpu.vector_load_idx %arg8[%add3A_482] : memref<16512xf32, #tpu.memory_space<vmem>>[vector<16xi32>], vector<16xf32>,
              %gather3A_501 = tpu.vector_load_idx %arg9[%add3A_482] : memref<16512xf32, #tpu.memory_space<vmem>>[vector<16xi32>], vector<16xf32>,
              %gather3A_502 = tpu.vector_load_idx %arg10[%add3A_482] : memref<16512xf32, #tpu.memory_space<vmem>>[vector<16xi32>], vector<16xf32>,
              %max3A_503 = arith.maximumf %gather3A_499, %get3A_489 : vector<16xf32>
              tpu.vector_store_idx %arg7[%add3A_482], %max3A_503 : memref<16512xf32, #tpu.memory_space<vmem>>[vector<16xi32>], vector<16xf32>,
              %max3A_504 = arith.maximumf %gather3A_500, %get3A_492 : vector<16xf32>
              tpu.vector_store_idx %arg8[%add3A_482], %max3A_504 : memref<16512xf32, #tpu.memory_space<vmem>>[vector<16xi32>], vector<16xf32>,
              %max3A_505 = arith.maximumf %gather3A_501, %get3A_495 : vector<16xf32>
              tpu.vector_store_idx %arg9[%add3A_482], %max3A_505 : memref<16512xf32, #tpu.memory_space<vmem>>[vector<16xi32>], vector<16xf32>,
              %max3A_506 = arith.maximumf %gather3A_502, %get3A_498 : vector<16xf32>
              tpu.vector_store_idx %arg10[%add3A_482], %max3A_506 : memref<16512xf32, #tpu.memory_space<vmem>>[vector<16xi32>], vector<16xf32>,
              %slice3A_507 = vector.extract_strided_slice %mul3A_395 {offsets = [4], sizes = [1], strides = [1]} : vector<16xi32> to vector<1xi32>
              %squeeze3A_508 = vector.extract %slice3A_507[0] : i32 from vector<1xi32>
              %add3A_509 = vector.broadcast %squeeze3A_508 : i32 to vector<16xi32>
              %add3A_510 = arith.addi %iota3A, %add3A_509 : vector<16xi32>
              %mul3A_511 = arith.constant 8 : i32
              %mul3A_512 = arith.muli %scan3A_366, %mul3A_511 : i32
              %add3A_513 = arith.constant 2 : i32
              %add3A_514 = arith.addi %mul3A_512, %add3A_513 : i32
              %get3A_515 = arith.index_cast %add3A_514 : i32 to index
              %get3A_516 = arith.constant 0 : index
              %get3A_517 = tpu.vector_load %arg18[%get3A_515, %get3A_516] {strides = array<i32>} : memref<128x128xf32, #tpu.memory_space<vmem>>, vector<16xf32>,
              %get3A_518 = arith.index_cast %add3A_514 : i32 to index
              %get3A_519 = arith.constant 16 : index
              %get3A_520 = tpu.vector_load %arg18[%get3A_518, %get3A_519] {strides = array<i32>} : memref<128x128xf32, #tpu.memory_space<vmem>>, vector<16xf32>,
              %get3A_521 = arith.index_cast %add3A_514 : i32 to index
              %get3A_522 = arith.constant 32 : index
              %get3A_523 = tpu.vector_load %arg18[%get3A_521, %get3A_522] {strides = array<i32>} : memref<128x128xf32, #tpu.memory_space<vmem>>, vector<16xf32>,
              %get3A_524 = arith.index_cast %add3A_514 : i32 to index
              %get3A_525 = arith.constant 48 : index
              %get3A_526 = tpu.vector_load %arg18[%get3A_524, %get3A_525] {strides = array<i32>} : memref<128x128xf32, #tpu.memory_space<vmem>>, vector<16xf32>,
              %gather3A_527 = tpu.vector_load_idx %arg7[%add3A_510] : memref<16512xf32, #tpu.memory_space<vmem>>[vector<16xi32>], vector<16xf32>,
              %gather3A_528 = tpu.vector_load_idx %arg8[%add3A_510] : memref<16512xf32, #tpu.memory_space<vmem>>[vector<16xi32>], vector<16xf32>,
              %gather3A_529 = tpu.vector_load_idx %arg9[%add3A_510] : memref<16512xf32, #tpu.memory_space<vmem>>[vector<16xi32>], vector<16xf32>,
              %gather3A_530 = tpu.vector_load_idx %arg10[%add3A_510] : memref<16512xf32, #tpu.memory_space<vmem>>[vector<16xi32>], vector<16xf32>,
              %max3A_531 = arith.maximumf %gather3A_527, %get3A_517 : vector<16xf32>
              tpu.vector_store_idx %arg7[%add3A_510], %max3A_531 : memref<16512xf32, #tpu.memory_space<vmem>>[vector<16xi32>], vector<16xf32>,
              %max3A_532 = arith.maximumf %gather3A_528, %get3A_520 : vector<16xf32>
              tpu.vector_store_idx %arg8[%add3A_510], %max3A_532 : memref<16512xf32, #tpu.memory_space<vmem>>[vector<16xi32>], vector<16xf32>,
              %max3A_533 = arith.maximumf %gather3A_529, %get3A_523 : vector<16xf32>
              tpu.vector_store_idx %arg9[%add3A_510], %max3A_533 : memref<16512xf32, #tpu.memory_space<vmem>>[vector<16xi32>], vector<16xf32>,
              %max3A_534 = arith.maximumf %gather3A_530, %get3A_526 : vector<16xf32>
              tpu.vector_store_idx %arg10[%add3A_510], %max3A_534 : memref<16512xf32, #tpu.memory_space<vmem>>[vector<16xi32>], vector<16xf32>,
              %slice3A_535 = vector.extract_strided_slice %mul3A_395 {offsets = [5], sizes = [1], strides = [1]} : vector<16xi32> to vector<1xi32>
              %squeeze3A_536 = vector.extract %slice3A_535[0] : i32 from vector<1xi32>
              %add3A_537 = vector.broadcast %squeeze3A_536 : i32 to vector<16xi32>
              %add3A_538 = arith.addi %iota3A, %add3A_537 : vector<16xi32>
              %mul3A_539 = arith.constant 8 : i32
              %mul3A_540 = arith.muli %scan3A_366, %mul3A_539 : i32
              %add3A_541 = arith.constant 2 : i32
              %add3A_542 = arith.addi %mul3A_540, %add3A_541 : i32
              %get3A_543 = arith.index_cast %add3A_542 : i32 to index
              %get3A_544 = arith.constant 64 : index
              %get3A_545 = tpu.vector_load %arg18[%get3A_543, %get3A_544] {strides = array<i32>} : memref<128x128xf32, #tpu.memory_space<vmem>>, vector<16xf32>,
              %get3A_546 = arith.index_cast %add3A_542 : i32 to index
              %get3A_547 = arith.constant 80 : index
              %get3A_548 = tpu.vector_load %arg18[%get3A_546, %get3A_547] {strides = array<i32>} : memref<128x128xf32, #tpu.memory_space<vmem>>, vector<16xf32>,
              %get3A_549 = arith.index_cast %add3A_542 : i32 to index
              %get3A_550 = arith.constant 96 : index
              %get3A_551 = tpu.vector_load %arg18[%get3A_549, %get3A_550] {strides = array<i32>} : memref<128x128xf32, #tpu.memory_space<vmem>>, vector<16xf32>,
              %get3A_552 = arith.index_cast %add3A_542 : i32 to index
              %get3A_553 = arith.constant 112 : index
              %get3A_554 = tpu.vector_load %arg18[%get3A_552, %get3A_553] {strides = array<i32>} : memref<128x128xf32, #tpu.memory_space<vmem>>, vector<16xf32>,
              %gather3A_555 = tpu.vector_load_idx %arg7[%add3A_538] : memref<16512xf32, #tpu.memory_space<vmem>>[vector<16xi32>], vector<16xf32>,
              %gather3A_556 = tpu.vector_load_idx %arg8[%add3A_538] : memref<16512xf32, #tpu.memory_space<vmem>>[vector<16xi32>], vector<16xf32>,
              %gather3A_557 = tpu.vector_load_idx %arg9[%add3A_538] : memref<16512xf32, #tpu.memory_space<vmem>>[vector<16xi32>], vector<16xf32>,
              %gather3A_558 = tpu.vector_load_idx %arg10[%add3A_538] : memref<16512xf32, #tpu.memory_space<vmem>>[vector<16xi32>], vector<16xf32>,
              %max3A_559 = arith.maximumf %gather3A_555, %get3A_545 : vector<16xf32>
              tpu.vector_store_idx %arg7[%add3A_538], %max3A_559 : memref<16512xf32, #tpu.memory_space<vmem>>[vector<16xi32>], vector<16xf32>,
              %max3A_560 = arith.maximumf %gather3A_556, %get3A_548 : vector<16xf32>
              tpu.vector_store_idx %arg8[%add3A_538], %max3A_560 : memref<16512xf32, #tpu.memory_space<vmem>>[vector<16xi32>], vector<16xf32>,
              %max3A_561 = arith.maximumf %gather3A_557, %get3A_551 : vector<16xf32>
              tpu.vector_store_idx %arg9[%add3A_538], %max3A_561 : memref<16512xf32, #tpu.memory_space<vmem>>[vector<16xi32>], vector<16xf32>,
              %max3A_562 = arith.maximumf %gather3A_558, %get3A_554 : vector<16xf32>
              tpu.vector_store_idx %arg10[%add3A_538], %max3A_562 : memref<16512xf32, #tpu.memory_space<vmem>>[vector<16xi32>], vector<16xf32>,
              %slice3A_563 = vector.extract_strided_slice %mul3A_395 {offsets = [6], sizes = [1], strides = [1]} : vector<16xi32> to vector<1xi32>
              %squeeze3A_564 = vector.extract %slice3A_563[0] : i32 from vector<1xi32>
              %add3A_565 = vector.broadcast %squeeze3A_564 : i32 to vector<16xi32>
              %add3A_566 = arith.addi %iota3A, %add3A_565 : vector<16xi32>
              %mul3A_567 = arith.constant 8 : i32
              %mul3A_568 = arith.muli %scan3A_366, %mul3A_567 : i32
              %add3A_569 = arith.constant 3 : i32
              %add3A_570 = arith.addi %mul3A_568, %add3A_569 : i32
              %get3A_571 = arith.index_cast %add3A_570 : i32 to index
              %get3A_572 = arith.constant 0 : index
              %get3A_573 = tpu.vector_load %arg18[%get3A_571, %get3A_572] {strides = array<i32>} : memref<128x128xf32, #tpu.memory_space<vmem>>, vector<16xf32>,
              %get3A_574 = arith.index_cast %add3A_570 : i32 to index
              %get3A_575 = arith.constant 16 : index
              %get3A_576 = tpu.vector_load %arg18[%get3A_574, %get3A_575] {strides = array<i32>} : memref<128x128xf32, #tpu.memory_space<vmem>>, vector<16xf32>,
              %get3A_577 = arith.index_cast %add3A_570 : i32 to index
              %get3A_578 = arith.constant 32 : index
              %get3A_579 = tpu.vector_load %arg18[%get3A_577, %get3A_578] {strides = array<i32>} : memref<128x128xf32, #tpu.memory_space<vmem>>, vector<16xf32>,
              %get3A_580 = arith.index_cast %add3A_570 : i32 to index
              %get3A_581 = arith.constant 48 : index
              %get3A_582 = tpu.vector_load %arg18[%get3A_580, %get3A_581] {strides = array<i32>} : memref<128x128xf32, #tpu.memory_space<vmem>>, vector<16xf32>,
              %gather3A_583 = tpu.vector_load_idx %arg7[%add3A_566] : memref<16512xf32, #tpu.memory_space<vmem>>[vector<16xi32>], vector<16xf32>,
              %gather3A_584 = tpu.vector_load_idx %arg8[%add3A_566] : memref<16512xf32, #tpu.memory_space<vmem>>[vector<16xi32>], vector<16xf32>,
              %gather3A_585 = tpu.vector_load_idx %arg9[%add3A_566] : memref<16512xf32, #tpu.memory_space<vmem>>[vector<16xi32>], vector<16xf32>,
              %gather3A_586 = tpu.vector_load_idx %arg10[%add3A_566] : memref<16512xf32, #tpu.memory_space<vmem>>[vector<16xi32>], vector<16xf32>,
              %max3A_587 = arith.maximumf %gather3A_583, %get3A_573 : vector<16xf32>
              tpu.vector_store_idx %arg7[%add3A_566], %max3A_587 : memref<16512xf32, #tpu.memory_space<vmem>>[vector<16xi32>], vector<16xf32>,
              %max3A_588 = arith.maximumf %gather3A_584, %get3A_576 : vector<16xf32>
              tpu.vector_store_idx %arg8[%add3A_566], %max3A_588 : memref<16512xf32, #tpu.memory_space<vmem>>[vector<16xi32>], vector<16xf32>,
              %max3A_589 = arith.maximumf %gather3A_585, %get3A_579 : vector<16xf32>
              tpu.vector_store_idx %arg9[%add3A_566], %max3A_589 : memref<16512xf32, #tpu.memory_space<vmem>>[vector<16xi32>], vector<16xf32>,
              %max3A_590 = arith.maximumf %gather3A_586, %get3A_582 : vector<16xf32>
              tpu.vector_store_idx %arg10[%add3A_566], %max3A_590 : memref<16512xf32, #tpu.memory_space<vmem>>[vector<16xi32>], vector<16xf32>,
              %slice3A_591 = vector.extract_strided_slice %mul3A_395 {offsets = [7], sizes = [1], strides = [1]} : vector<16xi32> to vector<1xi32>
              %squeeze3A_592 = vector.extract %slice3A_591[0] : i32 from vector<1xi32>
              %add3A_593 = vector.broadcast %squeeze3A_592 : i32 to vector<16xi32>
              %add3A_594 = arith.addi %iota3A, %add3A_593 : vector<16xi32>
              %mul3A_595 = arith.constant 8 : i32
              %mul3A_596 = arith.muli %scan3A_366, %mul3A_595 : i32
              %add3A_597 = arith.constant 3 : i32
              %add3A_598 = arith.addi %mul3A_596, %add3A_597 : i32
              %get3A_599 = arith.index_cast %add3A_598 : i32 to index
              %get3A_600 = arith.constant 64 : index
              %get3A_601 = tpu.vector_load %arg18[%get3A_599, %get3A_600] {strides = array<i32>} : memref<128x128xf32, #tpu.memory_space<vmem>>, vector<16xf32>,
              %get3A_602 = arith.index_cast %add3A_598 : i32 to index
              %get3A_603 = arith.constant 80 : index
              %get3A_604 = tpu.vector_load %arg18[%get3A_602, %get3A_603] {strides = array<i32>} : memref<128x128xf32, #tpu.memory_space<vmem>>, vector<16xf32>,
              %get3A_605 = arith.index_cast %add3A_598 : i32 to index
              %get3A_606 = arith.constant 96 : index
              %get3A_607 = tpu.vector_load %arg18[%get3A_605, %get3A_606] {strides = array<i32>} : memref<128x128xf32, #tpu.memory_space<vmem>>, vector<16xf32>,
              %get3A_608 = arith.index_cast %add3A_598 : i32 to index
              %get3A_609 = arith.constant 112 : index
              %get3A_610 = tpu.vector_load %arg18[%get3A_608, %get3A_609] {strides = array<i32>} : memref<128x128xf32, #tpu.memory_space<vmem>>, vector<16xf32>,
              %gather3A_611 = tpu.vector_load_idx %arg7[%add3A_594] : memref<16512xf32, #tpu.memory_space<vmem>>[vector<16xi32>], vector<16xf32>,
              %gather3A_612 = tpu.vector_load_idx %arg8[%add3A_594] : memref<16512xf32, #tpu.memory_space<vmem>>[vector<16xi32>], vector<16xf32>,
              %gather3A_613 = tpu.vector_load_idx %arg9[%add3A_594] : memref<16512xf32, #tpu.memory_space<vmem>>[vector<16xi32>], vector<16xf32>,
              %gather3A_614 = tpu.vector_load_idx %arg10[%add3A_594] : memref<16512xf32, #tpu.memory_space<vmem>>[vector<16xi32>], vector<16xf32>,
              %max3A_615 = arith.maximumf %gather3A_611, %get3A_601 : vector<16xf32>
              tpu.vector_store_idx %arg7[%add3A_594], %max3A_615 : memref<16512xf32, #tpu.memory_space<vmem>>[vector<16xi32>], vector<16xf32>,
              %max3A_616 = arith.maximumf %gather3A_612, %get3A_604 : vector<16xf32>
              tpu.vector_store_idx %arg8[%add3A_594], %max3A_616 : memref<16512xf32, #tpu.memory_space<vmem>>[vector<16xi32>], vector<16xf32>,
              %max3A_617 = arith.maximumf %gather3A_613, %get3A_607 : vector<16xf32>
              tpu.vector_store_idx %arg9[%add3A_594], %max3A_617 : memref<16512xf32, #tpu.memory_space<vmem>>[vector<16xi32>], vector<16xf32>,
              %max3A_618 = arith.maximumf %gather3A_614, %get3A_610 : vector<16xf32>
              tpu.vector_store_idx %arg10[%add3A_594], %max3A_618 : memref<16512xf32, #tpu.memory_space<vmem>>[vector<16xi32>], vector<16xf32>,
              %slice3A_619 = vector.extract_strided_slice %mul3A_395 {offsets = [8], sizes = [1], strides = [1]} : vector<16xi32> to vector<1xi32>
              %squeeze3A_620 = vector.extract %slice3A_619[0] : i32 from vector<1xi32>
              %add3A_621 = vector.broadcast %squeeze3A_620 : i32 to vector<16xi32>
              %add3A_622 = arith.addi %iota3A, %add3A_621 : vector<16xi32>
              %mul3A_623 = arith.constant 8 : i32
              %mul3A_624 = arith.muli %scan3A_366, %mul3A_623 : i32
              %add3A_625 = arith.constant 4 : i32
              %add3A_626 = arith.addi %mul3A_624, %add3A_625 : i32
              %get3A_627 = arith.index_cast %add3A_626 : i32 to index
              %get3A_628 = arith.constant 0 : index
              %get3A_629 = tpu.vector_load %arg18[%get3A_627, %get3A_628] {strides = array<i32>} : memref<128x128xf32, #tpu.memory_space<vmem>>, vector<16xf32>,
              %get3A_630 = arith.index_cast %add3A_626 : i32 to index
              %get3A_631 = arith.constant 16 : index
              %get3A_632 = tpu.vector_load %arg18[%get3A_630, %get3A_631] {strides = array<i32>} : memref<128x128xf32, #tpu.memory_space<vmem>>, vector<16xf32>,
              %get3A_633 = arith.index_cast %add3A_626 : i32 to index
              %get3A_634 = arith.constant 32 : index
              %get3A_635 = tpu.vector_load %arg18[%get3A_633, %get3A_634] {strides = array<i32>} : memref<128x128xf32, #tpu.memory_space<vmem>>, vector<16xf32>,
              %get3A_636 = arith.index_cast %add3A_626 : i32 to index
              %get3A_637 = arith.constant 48 : index
              %get3A_638 = tpu.vector_load %arg18[%get3A_636, %get3A_637] {strides = array<i32>} : memref<128x128xf32, #tpu.memory_space<vmem>>, vector<16xf32>,
              %gather3A_639 = tpu.vector_load_idx %arg7[%add3A_622] : memref<16512xf32, #tpu.memory_space<vmem>>[vector<16xi32>], vector<16xf32>,
              %gather3A_640 = tpu.vector_load_idx %arg8[%add3A_622] : memref<16512xf32, #tpu.memory_space<vmem>>[vector<16xi32>], vector<16xf32>,
              %gather3A_641 = tpu.vector_load_idx %arg9[%add3A_622] : memref<16512xf32, #tpu.memory_space<vmem>>[vector<16xi32>], vector<16xf32>,
              %gather3A_642 = tpu.vector_load_idx %arg10[%add3A_622] : memref<16512xf32, #tpu.memory_space<vmem>>[vector<16xi32>], vector<16xf32>,
              %max3A_643 = arith.maximumf %gather3A_639, %get3A_629 : vector<16xf32>
              tpu.vector_store_idx %arg7[%add3A_622], %max3A_643 : memref<16512xf32, #tpu.memory_space<vmem>>[vector<16xi32>], vector<16xf32>,
              %max3A_644 = arith.maximumf %gather3A_640, %get3A_632 : vector<16xf32>
              tpu.vector_store_idx %arg8[%add3A_622], %max3A_644 : memref<16512xf32, #tpu.memory_space<vmem>>[vector<16xi32>], vector<16xf32>,
              %max3A_645 = arith.maximumf %gather3A_641, %get3A_635 : vector<16xf32>
              tpu.vector_store_idx %arg9[%add3A_622], %max3A_645 : memref<16512xf32, #tpu.memory_space<vmem>>[vector<16xi32>], vector<16xf32>,
              %max3A_646 = arith.maximumf %gather3A_642, %get3A_638 : vector<16xf32>
              tpu.vector_store_idx %arg10[%add3A_622], %max3A_646 : memref<16512xf32, #tpu.memory_space<vmem>>[vector<16xi32>], vector<16xf32>,
              %slice3A_647 = vector.extract_strided_slice %mul3A_395 {offsets = [9], sizes = [1], strides = [1]} : vector<16xi32> to vector<1xi32>
              %squeeze3A_648 = vector.extract %slice3A_647[0] : i32 from vector<1xi32>
              %add3A_649 = vector.broadcast %squeeze3A_648 : i32 to vector<16xi32>
              %add3A_650 = arith.addi %iota3A, %add3A_649 : vector<16xi32>
              %mul3A_651 = arith.constant 8 : i32
              %mul3A_652 = arith.muli %scan3A_366, %mul3A_651 : i32
              %add3A_653 = arith.constant 4 : i32
              %add3A_654 = arith.addi %mul3A_652, %add3A_653 : i32
              %get3A_655 = arith.index_cast %add3A_654 : i32 to index
              %get3A_656 = arith.constant 64 : index
              %get3A_657 = tpu.vector_load %arg18[%get3A_655, %get3A_656] {strides = array<i32>} : memref<128x128xf32, #tpu.memory_space<vmem>>, vector<16xf32>,
              %get3A_658 = arith.index_cast %add3A_654 : i32 to index
              %get3A_659 = arith.constant 80 : index
              %get3A_660 = tpu.vector_load %arg18[%get3A_658, %get3A_659] {strides = array<i32>} : memref<128x128xf32, #tpu.memory_space<vmem>>, vector<16xf32>,
              %get3A_661 = arith.index_cast %add3A_654 : i32 to index
              %get3A_662 = arith.constant 96 : index
              %get3A_663 = tpu.vector_load %arg18[%get3A_661, %get3A_662] {strides = array<i32>} : memref<128x128xf32, #tpu.memory_space<vmem>>, vector<16xf32>,
              %get3A_664 = arith.index_cast %add3A_654 : i32 to index
              %get3A_665 = arith.constant 112 : index
              %get3A_666 = tpu.vector_load %arg18[%get3A_664, %get3A_665] {strides = array<i32>} : memref<128x128xf32, #tpu.memory_space<vmem>>, vector<16xf32>,
              %gather3A_667 = tpu.vector_load_idx %arg7[%add3A_650] : memref<16512xf32, #tpu.memory_space<vmem>>[vector<16xi32>], vector<16xf32>,
              %gather3A_668 = tpu.vector_load_idx %arg8[%add3A_650] : memref<16512xf32, #tpu.memory_space<vmem>>[vector<16xi32>], vector<16xf32>,
              %gather3A_669 = tpu.vector_load_idx %arg9[%add3A_650] : memref<16512xf32, #tpu.memory_space<vmem>>[vector<16xi32>], vector<16xf32>,
              %gather3A_670 = tpu.vector_load_idx %arg10[%add3A_650] : memref<16512xf32, #tpu.memory_space<vmem>>[vector<16xi32>], vector<16xf32>,
              %max3A_671 = arith.maximumf %gather3A_667, %get3A_657 : vector<16xf32>
              tpu.vector_store_idx %arg7[%add3A_650], %max3A_671 : memref<16512xf32, #tpu.memory_space<vmem>>[vector<16xi32>], vector<16xf32>,
              %max3A_672 = arith.maximumf %gather3A_668, %get3A_660 : vector<16xf32>
              tpu.vector_store_idx %arg8[%add3A_650], %max3A_672 : memref<16512xf32, #tpu.memory_space<vmem>>[vector<16xi32>], vector<16xf32>,
              %max3A_673 = arith.maximumf %gather3A_669, %get3A_663 : vector<16xf32>
              tpu.vector_store_idx %arg9[%add3A_650], %max3A_673 : memref<16512xf32, #tpu.memory_space<vmem>>[vector<16xi32>], vector<16xf32>,
              %max3A_674 = arith.maximumf %gather3A_670, %get3A_666 : vector<16xf32>
              tpu.vector_store_idx %arg10[%add3A_650], %max3A_674 : memref<16512xf32, #tpu.memory_space<vmem>>[vector<16xi32>], vector<16xf32>,
              %slice3A_675 = vector.extract_strided_slice %mul3A_395 {offsets = [10], sizes = [1], strides = [1]} : vector<16xi32> to vector<1xi32>
              %squeeze3A_676 = vector.extract %slice3A_675[0] : i32 from vector<1xi32>
              %add3A_677 = vector.broadcast %squeeze3A_676 : i32 to vector<16xi32>
              %add3A_678 = arith.addi %iota3A, %add3A_677 : vector<16xi32>
              %mul3A_679 = arith.constant 8 : i32
              %mul3A_680 = arith.muli %scan3A_366, %mul3A_679 : i32
              %add3A_681 = arith.constant 5 : i32
              %add3A_682 = arith.addi %mul3A_680, %add3A_681 : i32
              %get3A_683 = arith.index_cast %add3A_682 : i32 to index
              %get3A_684 = arith.constant 0 : index
              %get3A_685 = tpu.vector_load %arg18[%get3A_683, %get3A_684] {strides = array<i32>} : memref<128x128xf32, #tpu.memory_space<vmem>>, vector<16xf32>,
              %get3A_686 = arith.index_cast %add3A_682 : i32 to index
              %get3A_687 = arith.constant 16 : index
              %get3A_688 = tpu.vector_load %arg18[%get3A_686, %get3A_687] {strides = array<i32>} : memref<128x128xf32, #tpu.memory_space<vmem>>, vector<16xf32>,
              %get3A_689 = arith.index_cast %add3A_682 : i32 to index
              %get3A_690 = arith.constant 32 : index
              %get3A_691 = tpu.vector_load %arg18[%get3A_689, %get3A_690] {strides = array<i32>} : memref<128x128xf32, #tpu.memory_space<vmem>>, vector<16xf32>,
              %get3A_692 = arith.index_cast %add3A_682 : i32 to index
              %get3A_693 = arith.constant 48 : index
              %get3A_694 = tpu.vector_load %arg18[%get3A_692, %get3A_693] {strides = array<i32>} : memref<128x128xf32, #tpu.memory_space<vmem>>, vector<16xf32>,
              %gather3A_695 = tpu.vector_load_idx %arg7[%add3A_678] : memref<16512xf32, #tpu.memory_space<vmem>>[vector<16xi32>], vector<16xf32>,
              %gather3A_696 = tpu.vector_load_idx %arg8[%add3A_678] : memref<16512xf32, #tpu.memory_space<vmem>>[vector<16xi32>], vector<16xf32>,
              %gather3A_697 = tpu.vector_load_idx %arg9[%add3A_678] : memref<16512xf32, #tpu.memory_space<vmem>>[vector<16xi32>], vector<16xf32>,
              %gather3A_698 = tpu.vector_load_idx %arg10[%add3A_678] : memref<16512xf32, #tpu.memory_space<vmem>>[vector<16xi32>], vector<16xf32>,
              %max3A_699 = arith.maximumf %gather3A_695, %get3A_685 : vector<16xf32>
              tpu.vector_store_idx %arg7[%add3A_678], %max3A_699 : memref<16512xf32, #tpu.memory_space<vmem>>[vector<16xi32>], vector<16xf32>,
              %max3A_700 = arith.maximumf %gather3A_696, %get3A_688 : vector<16xf32>
              tpu.vector_store_idx %arg8[%add3A_678], %max3A_700 : memref<16512xf32, #tpu.memory_space<vmem>>[vector<16xi32>], vector<16xf32>,
              %max3A_701 = arith.maximumf %gather3A_697, %get3A_691 : vector<16xf32>
              tpu.vector_store_idx %arg9[%add3A_678], %max3A_701 : memref<16512xf32, #tpu.memory_space<vmem>>[vector<16xi32>], vector<16xf32>,
              %max3A_702 = arith.maximumf %gather3A_698, %get3A_694 : vector<16xf32>
              tpu.vector_store_idx %arg10[%add3A_678], %max3A_702 : memref<16512xf32, #tpu.memory_space<vmem>>[vector<16xi32>], vector<16xf32>,
              %slice3A_703 = vector.extract_strided_slice %mul3A_395 {offsets = [11], sizes = [1], strides = [1]} : vector<16xi32> to vector<1xi32>
              %squeeze3A_704 = vector.extract %slice3A_703[0] : i32 from vector<1xi32>
              %add3A_705 = vector.broadcast %squeeze3A_704 : i32 to vector<16xi32>
              %add3A_706 = arith.addi %iota3A, %add3A_705 : vector<16xi32>
              %mul3A_707 = arith.constant 8 : i32
              %mul3A_708 = arith.muli %scan3A_366, %mul3A_707 : i32
              %add3A_709 = arith.constant 5 : i32
              %add3A_710 = arith.addi %mul3A_708, %add3A_709 : i32
              %get3A_711 = arith.index_cast %add3A_710 : i32 to index
              %get3A_712 = arith.constant 64 : index
              %get3A_713 = tpu.vector_load %arg18[%get3A_711, %get3A_712] {strides = array<i32>} : memref<128x128xf32, #tpu.memory_space<vmem>>, vector<16xf32>,
              %get3A_714 = arith.index_cast %add3A_710 : i32 to index
              %get3A_715 = arith.constant 80 : index
              %get3A_716 = tpu.vector_load %arg18[%get3A_714, %get3A_715] {strides = array<i32>} : memref<128x128xf32, #tpu.memory_space<vmem>>, vector<16xf32>,
              %get3A_717 = arith.index_cast %add3A_710 : i32 to index
              %get3A_718 = arith.constant 96 : index
              %get3A_719 = tpu.vector_load %arg18[%get3A_717, %get3A_718] {strides = array<i32>} : memref<128x128xf32, #tpu.memory_space<vmem>>, vector<16xf32>,
              %get3A_720 = arith.index_cast %add3A_710 : i32 to index
              %get3A_721 = arith.constant 112 : index
              %get3A_722 = tpu.vector_load %arg18[%get3A_720, %get3A_721] {strides = array<i32>} : memref<128x128xf32, #tpu.memory_space<vmem>>, vector<16xf32>,
              %gather3A_723 = tpu.vector_load_idx %arg7[%add3A_706] : memref<16512xf32, #tpu.memory_space<vmem>>[vector<16xi32>], vector<16xf32>,
              %gather3A_724 = tpu.vector_load_idx %arg8[%add3A_706] : memref<16512xf32, #tpu.memory_space<vmem>>[vector<16xi32>], vector<16xf32>,
              %gather3A_725 = tpu.vector_load_idx %arg9[%add3A_706] : memref<16512xf32, #tpu.memory_space<vmem>>[vector<16xi32>], vector<16xf32>,
              %gather3A_726 = tpu.vector_load_idx %arg10[%add3A_706] : memref<16512xf32, #tpu.memory_space<vmem>>[vector<16xi32>], vector<16xf32>,
              %max3A_727 = arith.maximumf %gather3A_723, %get3A_713 : vector<16xf32>
              tpu.vector_store_idx %arg7[%add3A_706], %max3A_727 : memref<16512xf32, #tpu.memory_space<vmem>>[vector<16xi32>], vector<16xf32>,
              %max3A_728 = arith.maximumf %gather3A_724, %get3A_716 : vector<16xf32>
              tpu.vector_store_idx %arg8[%add3A_706], %max3A_728 : memref<16512xf32, #tpu.memory_space<vmem>>[vector<16xi32>], vector<16xf32>,
              %max3A_729 = arith.maximumf %gather3A_725, %get3A_719 : vector<16xf32>
              tpu.vector_store_idx %arg9[%add3A_706], %max3A_729 : memref<16512xf32, #tpu.memory_space<vmem>>[vector<16xi32>], vector<16xf32>,
              %max3A_730 = arith.maximumf %gather3A_726, %get3A_722 : vector<16xf32>
              tpu.vector_store_idx %arg10[%add3A_706], %max3A_730 : memref<16512xf32, #tpu.memory_space<vmem>>[vector<16xi32>], vector<16xf32>,
              %slice3A_731 = vector.extract_strided_slice %mul3A_395 {offsets = [12], sizes = [1], strides = [1]} : vector<16xi32> to vector<1xi32>
              %squeeze3A_732 = vector.extract %slice3A_731[0] : i32 from vector<1xi32>
              %add3A_733 = vector.broadcast %squeeze3A_732 : i32 to vector<16xi32>
              %add3A_734 = arith.addi %iota3A, %add3A_733 : vector<16xi32>
              %mul3A_735 = arith.constant 8 : i32
              %mul3A_736 = arith.muli %scan3A_366, %mul3A_735 : i32
              %add3A_737 = arith.constant 6 : i32
              %add3A_738 = arith.addi %mul3A_736, %add3A_737 : i32
              %get3A_739 = arith.index_cast %add3A_738 : i32 to index
              %get3A_740 = arith.constant 0 : index
              %get3A_741 = tpu.vector_load %arg18[%get3A_739, %get3A_740] {strides = array<i32>} : memref<128x128xf32, #tpu.memory_space<vmem>>, vector<16xf32>,
              %get3A_742 = arith.index_cast %add3A_738 : i32 to index
              %get3A_743 = arith.constant 16 : index
              %get3A_744 = tpu.vector_load %arg18[%get3A_742, %get3A_743] {strides = array<i32>} : memref<128x128xf32, #tpu.memory_space<vmem>>, vector<16xf32>,
              %get3A_745 = arith.index_cast %add3A_738 : i32 to index
              %get3A_746 = arith.constant 32 : index
              %get3A_747 = tpu.vector_load %arg18[%get3A_745, %get3A_746] {strides = array<i32>} : memref<128x128xf32, #tpu.memory_space<vmem>>, vector<16xf32>,
              %get3A_748 = arith.index_cast %add3A_738 : i32 to index
              %get3A_749 = arith.constant 48 : index
              %get3A_750 = tpu.vector_load %arg18[%get3A_748, %get3A_749] {strides = array<i32>} : memref<128x128xf32, #tpu.memory_space<vmem>>, vector<16xf32>,
              %gather3A_751 = tpu.vector_load_idx %arg7[%add3A_734] : memref<16512xf32, #tpu.memory_space<vmem>>[vector<16xi32>], vector<16xf32>,
              %gather3A_752 = tpu.vector_load_idx %arg8[%add3A_734] : memref<16512xf32, #tpu.memory_space<vmem>>[vector<16xi32>], vector<16xf32>,
              %gather3A_753 = tpu.vector_load_idx %arg9[%add3A_734] : memref<16512xf32, #tpu.memory_space<vmem>>[vector<16xi32>], vector<16xf32>,
              %gather3A_754 = tpu.vector_load_idx %arg10[%add3A_734] : memref<16512xf32, #tpu.memory_space<vmem>>[vector<16xi32>], vector<16xf32>,
              %max3A_755 = arith.maximumf %gather3A_751, %get3A_741 : vector<16xf32>
              tpu.vector_store_idx %arg7[%add3A_734], %max3A_755 : memref<16512xf32, #tpu.memory_space<vmem>>[vector<16xi32>], vector<16xf32>,
              %max3A_756 = arith.maximumf %gather3A_752, %get3A_744 : vector<16xf32>
              tpu.vector_store_idx %arg8[%add3A_734], %max3A_756 : memref<16512xf32, #tpu.memory_space<vmem>>[vector<16xi32>], vector<16xf32>,
              %max3A_757 = arith.maximumf %gather3A_753, %get3A_747 : vector<16xf32>
              tpu.vector_store_idx %arg9[%add3A_734], %max3A_757 : memref<16512xf32, #tpu.memory_space<vmem>>[vector<16xi32>], vector<16xf32>,
              %max3A_758 = arith.maximumf %gather3A_754, %get3A_750 : vector<16xf32>
              tpu.vector_store_idx %arg10[%add3A_734], %max3A_758 : memref<16512xf32, #tpu.memory_space<vmem>>[vector<16xi32>], vector<16xf32>,
              %slice3A_759 = vector.extract_strided_slice %mul3A_395 {offsets = [13], sizes = [1], strides = [1]} : vector<16xi32> to vector<1xi32>
              %squeeze3A_760 = vector.extract %slice3A_759[0] : i32 from vector<1xi32>
              %add3A_761 = vector.broadcast %squeeze3A_760 : i32 to vector<16xi32>
              %add3A_762 = arith.addi %iota3A, %add3A_761 : vector<16xi32>
              %mul3A_763 = arith.constant 8 : i32
              %mul3A_764 = arith.muli %scan3A_366, %mul3A_763 : i32
              %add3A_765 = arith.constant 6 : i32
              %add3A_766 = arith.addi %mul3A_764, %add3A_765 : i32
              %get3A_767 = arith.index_cast %add3A_766 : i32 to index
              %get3A_768 = arith.constant 64 : index
              %get3A_769 = tpu.vector_load %arg18[%get3A_767, %get3A_768] {strides = array<i32>} : memref<128x128xf32, #tpu.memory_space<vmem>>, vector<16xf32>,
              %get3A_770 = arith.index_cast %add3A_766 : i32 to index
              %get3A_771 = arith.constant 80 : index
              %get3A_772 = tpu.vector_load %arg18[%get3A_770, %get3A_771] {strides = array<i32>} : memref<128x128xf32, #tpu.memory_space<vmem>>, vector<16xf32>,
              %get3A_773 = arith.index_cast %add3A_766 : i32 to index
              %get3A_774 = arith.constant 96 : index
              %get3A_775 = tpu.vector_load %arg18[%get3A_773, %get3A_774] {strides = array<i32>} : memref<128x128xf32, #tpu.memory_space<vmem>>, vector<16xf32>,
              %get3A_776 = arith.index_cast %add3A_766 : i32 to index
              %get3A_777 = arith.constant 112 : index
              %get3A_778 = tpu.vector_load %arg18[%get3A_776, %get3A_777] {strides = array<i32>} : memref<128x128xf32, #tpu.memory_space<vmem>>, vector<16xf32>,
              %gather3A_779 = tpu.vector_load_idx %arg7[%add3A_762] : memref<16512xf32, #tpu.memory_space<vmem>>[vector<16xi32>], vector<16xf32>,
              %gather3A_780 = tpu.vector_load_idx %arg8[%add3A_762] : memref<16512xf32, #tpu.memory_space<vmem>>[vector<16xi32>], vector<16xf32>,
              %gather3A_781 = tpu.vector_load_idx %arg9[%add3A_762] : memref<16512xf32, #tpu.memory_space<vmem>>[vector<16xi32>], vector<16xf32>,
              %gather3A_782 = tpu.vector_load_idx %arg10[%add3A_762] : memref<16512xf32, #tpu.memory_space<vmem>>[vector<16xi32>], vector<16xf32>,
              %max3A_783 = arith.maximumf %gather3A_779, %get3A_769 : vector<16xf32>
              tpu.vector_store_idx %arg7[%add3A_762], %max3A_783 : memref<16512xf32, #tpu.memory_space<vmem>>[vector<16xi32>], vector<16xf32>,
              %max3A_784 = arith.maximumf %gather3A_780, %get3A_772 : vector<16xf32>
              tpu.vector_store_idx %arg8[%add3A_762], %max3A_784 : memref<16512xf32, #tpu.memory_space<vmem>>[vector<16xi32>], vector<16xf32>,
              %max3A_785 = arith.maximumf %gather3A_781, %get3A_775 : vector<16xf32>
              tpu.vector_store_idx %arg9[%add3A_762], %max3A_785 : memref<16512xf32, #tpu.memory_space<vmem>>[vector<16xi32>], vector<16xf32>,
              %max3A_786 = arith.maximumf %gather3A_782, %get3A_778 : vector<16xf32>
              tpu.vector_store_idx %arg10[%add3A_762], %max3A_786 : memref<16512xf32, #tpu.memory_space<vmem>>[vector<16xi32>], vector<16xf32>,
              %slice3A_787 = vector.extract_strided_slice %mul3A_395 {offsets = [14], sizes = [1], strides = [1]} : vector<16xi32> to vector<1xi32>
              %squeeze3A_788 = vector.extract %slice3A_787[0] : i32 from vector<1xi32>
              %add3A_789 = vector.broadcast %squeeze3A_788 : i32 to vector<16xi32>
              %add3A_790 = arith.addi %iota3A, %add3A_789 : vector<16xi32>
              %mul3A_791 = arith.constant 8 : i32
              %mul3A_792 = arith.muli %scan3A_366, %mul3A_791 : i32
              %add3A_793 = arith.constant 7 : i32
              %add3A_794 = arith.addi %mul3A_792, %add3A_793 : i32
              %get3A_795 = arith.index_cast %add3A_794 : i32 to index
              %get3A_796 = arith.constant 0 : index
              %get3A_797 = tpu.vector_load %arg18[%get3A_795, %get3A_796] {strides = array<i32>} : memref<128x128xf32, #tpu.memory_space<vmem>>, vector<16xf32>,
              %get3A_798 = arith.index_cast %add3A_794 : i32 to index
              %get3A_799 = arith.constant 16 : index
              %get3A_800 = tpu.vector_load %arg18[%get3A_798, %get3A_799] {strides = array<i32>} : memref<128x128xf32, #tpu.memory_space<vmem>>, vector<16xf32>,
              %get3A_801 = arith.index_cast %add3A_794 : i32 to index
              %get3A_802 = arith.constant 32 : index
              %get3A_803 = tpu.vector_load %arg18[%get3A_801, %get3A_802] {strides = array<i32>} : memref<128x128xf32, #tpu.memory_space<vmem>>, vector<16xf32>,
              %get3A_804 = arith.index_cast %add3A_794 : i32 to index
              %get3A_805 = arith.constant 48 : index
              %get3A_806 = tpu.vector_load %arg18[%get3A_804, %get3A_805] {strides = array<i32>} : memref<128x128xf32, #tpu.memory_space<vmem>>, vector<16xf32>,
              %gather3A_807 = tpu.vector_load_idx %arg7[%add3A_790] : memref<16512xf32, #tpu.memory_space<vmem>>[vector<16xi32>], vector<16xf32>,
              %gather3A_808 = tpu.vector_load_idx %arg8[%add3A_790] : memref<16512xf32, #tpu.memory_space<vmem>>[vector<16xi32>], vector<16xf32>,
              %gather3A_809 = tpu.vector_load_idx %arg9[%add3A_790] : memref<16512xf32, #tpu.memory_space<vmem>>[vector<16xi32>], vector<16xf32>,
              %gather3A_810 = tpu.vector_load_idx %arg10[%add3A_790] : memref<16512xf32, #tpu.memory_space<vmem>>[vector<16xi32>], vector<16xf32>,
              %max3A_811 = arith.maximumf %gather3A_807, %get3A_797 : vector<16xf32>
              tpu.vector_store_idx %arg7[%add3A_790], %max3A_811 : memref<16512xf32, #tpu.memory_space<vmem>>[vector<16xi32>], vector<16xf32>,
              %max3A_812 = arith.maximumf %gather3A_808, %get3A_800 : vector<16xf32>
              tpu.vector_store_idx %arg8[%add3A_790], %max3A_812 : memref<16512xf32, #tpu.memory_space<vmem>>[vector<16xi32>], vector<16xf32>,
              %max3A_813 = arith.maximumf %gather3A_809, %get3A_803 : vector<16xf32>
              tpu.vector_store_idx %arg9[%add3A_790], %max3A_813 : memref<16512xf32, #tpu.memory_space<vmem>>[vector<16xi32>], vector<16xf32>,
              %max3A_814 = arith.maximumf %gather3A_810, %get3A_806 : vector<16xf32>
              tpu.vector_store_idx %arg10[%add3A_790], %max3A_814 : memref<16512xf32, #tpu.memory_space<vmem>>[vector<16xi32>], vector<16xf32>,
              %slice3A_815 = vector.extract_strided_slice %mul3A_395 {offsets = [15], sizes = [1], strides = [1]} : vector<16xi32> to vector<1xi32>
              %squeeze3A_816 = vector.extract %slice3A_815[0] : i32 from vector<1xi32>
              %add3A_817 = vector.broadcast %squeeze3A_816 : i32 to vector<16xi32>
              %add3A_818 = arith.addi %iota3A, %add3A_817 : vector<16xi32>
              %mul3A_819 = arith.constant 8 : i32
              %mul3A_820 = arith.muli %scan3A_366, %mul3A_819 : i32
              %add3A_821 = arith.constant 7 : i32
              %add3A_822 = arith.addi %mul3A_820, %add3A_821 : i32
              %get3A_823 = arith.index_cast %add3A_822 : i32 to index
              %get3A_824 = arith.constant 64 : index
              %get3A_825 = tpu.vector_load %arg18[%get3A_823, %get3A_824] {strides = array<i32>} : memref<128x128xf32, #tpu.memory_space<vmem>>, vector<16xf32>,
              %get3A_826 = arith.index_cast %add3A_822 : i32 to index
              %get3A_827 = arith.constant 80 : index
              %get3A_828 = tpu.vector_load %arg18[%get3A_826, %get3A_827] {strides = array<i32>} : memref<128x128xf32, #tpu.memory_space<vmem>>, vector<16xf32>,
              %get3A_829 = arith.index_cast %add3A_822 : i32 to index
              %get3A_830 = arith.constant 96 : index
              %get3A_831 = tpu.vector_load %arg18[%get3A_829, %get3A_830] {strides = array<i32>} : memref<128x128xf32, #tpu.memory_space<vmem>>, vector<16xf32>,
              %get3A_832 = arith.index_cast %add3A_822 : i32 to index
              %get3A_833 = arith.constant 112 : index
              %get3A_834 = tpu.vector_load %arg18[%get3A_832, %get3A_833] {strides = array<i32>} : memref<128x128xf32, #tpu.memory_space<vmem>>, vector<16xf32>,
              %gather3A_835 = tpu.vector_load_idx %arg7[%add3A_818] : memref<16512xf32, #tpu.memory_space<vmem>>[vector<16xi32>], vector<16xf32>,
              %gather3A_836 = tpu.vector_load_idx %arg8[%add3A_818] : memref<16512xf32, #tpu.memory_space<vmem>>[vector<16xi32>], vector<16xf32>,
              %gather3A_837 = tpu.vector_load_idx %arg9[%add3A_818] : memref<16512xf32, #tpu.memory_space<vmem>>[vector<16xi32>], vector<16xf32>,
              %gather3A_838 = tpu.vector_load_idx %arg10[%add3A_818] : memref<16512xf32, #tpu.memory_space<vmem>>[vector<16xi32>], vector<16xf32>,
              %max3A_839 = arith.maximumf %gather3A_835, %get3A_825 : vector<16xf32>
              tpu.vector_store_idx %arg7[%add3A_818], %max3A_839 : memref<16512xf32, #tpu.memory_space<vmem>>[vector<16xi32>], vector<16xf32>,
              %max3A_840 = arith.maximumf %gather3A_836, %get3A_828 : vector<16xf32>
              tpu.vector_store_idx %arg8[%add3A_818], %max3A_840 : memref<16512xf32, #tpu.memory_space<vmem>>[vector<16xi32>], vector<16xf32>,
              %max3A_841 = arith.maximumf %gather3A_837, %get3A_831 : vector<16xf32>
              tpu.vector_store_idx %arg9[%add3A_818], %max3A_841 : memref<16512xf32, #tpu.memory_space<vmem>>[vector<16xi32>], vector<16xf32>,
              %max3A_842 = arith.maximumf %gather3A_838, %get3A_834 : vector<16xf32>
              tpu.vector_store_idx %arg10[%add3A_818], %max3A_842 : memref<16512xf32, #tpu.memory_space<vmem>>[vector<16xi32>], vector<16xf32>,
              %scan3A_843 = arith.constant 0 : i32
              scf.yield %scan3A_843 : i32
            }
            %scan3A_365 = arith.constant 16 : i32
          } else {
          }
          %while3A_341 = arith.constant 0 : i32
          scf.yield %while3A_341 : i32
        }
        %mul3A_297 = arith.constant 128 : i32
        %mul3A_298 = arith.muli %squeeze3A_19, %mul3A_297 : i32
        %add3A_299 = arith.addi %mul3A_298, %squeeze3A_17 : i32
        %mul3A_300 = arith.constant 65536 : i32
        %mul3A_301 = arith.muli %add3A_299, %mul3A_300 : i32
        %add3A_302 = arith.constant 0 : i32
        %add3A_303 = arith.addi %mul3A_301, %add3A_302 : i32
        "tpu.region"() ({
          %run_scoped3A = tpu.sem_alloc : memref<!tpu.dma_semaphore, #tpu.memory_space<semaphore_mem>>
          %dma_start3A_310 = arith.constant 0 : i32
          %dma_start3A_311 = tpu.memref_slice %arg7[%dma_start3A_310] : memref<16512xf32, #tpu.memory_space<vmem>> -> memref<16384xf32, #tpu.memory_space<vmem>>
          %dma_start3A_312 = tpu.memref_slice %arg6[%add3A_303] : memref<16777216xf32, #tpu.memory_space<hbm>> -> memref<16384xf32, #tpu.memory_space<hbm>>
          %dma_start3A_313 = tpu.memref_slice %arg6[%add3A_303] : memref<16777216xf32, #tpu.memory_space<hbm>> -> memref<16384xf32, #tpu.memory_space<hbm>>
          %dma_start3A_314 = arith.constant 0 : i32
          %dma_start3A_315 = tpu.memref_slice %arg7[%dma_start3A_314] : memref<16512xf32, #tpu.memory_space<vmem>> -> memref<16384xf32, #tpu.memory_space<vmem>>
          tpu.enqueue_dma source(%dma_start3A_315 : memref<16384xf32, #tpu.memory_space<vmem>>) target(%dma_start3A_313 : memref<16384xf32, #tpu.memory_space<hbm>>) target_semaphore(%run_scoped3A : memref<!tpu.dma_semaphore, #tpu.memory_space<semaphore_mem>>)
          %dma_wait3A = arith.constant 0 : i32
          %dma_wait3A_316 = tpu.memref_slice %arg7[%dma_wait3A] : memref<16512xf32, #tpu.memory_space<vmem>> -> memref<16384xf32, #tpu.memory_space<vmem>>
          %dma_wait3A_317 = tpu.memref_slice %arg6[%add3A_303] : memref<16777216xf32, #tpu.memory_space<hbm>> -> memref<16384xf32, #tpu.memory_space<hbm>>
          %dma_wait3A_318 = tpu.memref_slice %arg6[%add3A_303] : memref<16777216xf32, #tpu.memory_space<hbm>> -> memref<16384xf32, #tpu.memory_space<hbm>>
          %dma_wait3A_319 = arith.constant 0 : i32
          %dma_wait3A_320 = tpu.memref_slice %arg7[%dma_wait3A_319] : memref<16512xf32, #tpu.memory_space<vmem>> -> memref<16384xf32, #tpu.memory_space<vmem>>
          tpu.wait_dma2 semaphore(%run_scoped3A : memref<!tpu.dma_semaphore, #tpu.memory_space<semaphore_mem>>) src(%dma_wait3A_320 : memref<16384xf32, #tpu.memory_space<vmem>>) dst(%dma_wait3A_318 : memref<16384xf32, #tpu.memory_space<hbm>>)
          tpu.yield
        }) : () -> ()
        %add3A_304 = arith.constant 16384 : i32
        %add3A_305 = arith.addi %mul3A_301, %add3A_304 : i32
        "tpu.region"() ({
          %run_scoped3A = tpu.sem_alloc : memref<!tpu.dma_semaphore, #tpu.memory_space<semaphore_mem>>
          %dma_start3A_310 = arith.constant 0 : i32
          %dma_start3A_311 = tpu.memref_slice %arg8[%dma_start3A_310] : memref<16512xf32, #tpu.memory_space<vmem>> -> memref<16384xf32, #tpu.memory_space<vmem>>
          %dma_start3A_312 = tpu.memref_slice %arg6[%add3A_305] : memref<16777216xf32, #tpu.memory_space<hbm>> -> memref<16384xf32, #tpu.memory_space<hbm>>
          %dma_start3A_313 = tpu.memref_slice %arg6[%add3A_305] : memref<16777216xf32, #tpu.memory_space<hbm>> -> memref<16384xf32, #tpu.memory_space<hbm>>
          %dma_start3A_314 = arith.constant 0 : i32
          %dma_start3A_315 = tpu.memref_slice %arg8[%dma_start3A_314] : memref<16512xf32, #tpu.memory_space<vmem>> -> memref<16384xf32, #tpu.memory_space<vmem>>
          tpu.enqueue_dma source(%dma_start3A_315 : memref<16384xf32, #tpu.memory_space<vmem>>) target(%dma_start3A_313 : memref<16384xf32, #tpu.memory_space<hbm>>) target_semaphore(%run_scoped3A : memref<!tpu.dma_semaphore, #tpu.memory_space<semaphore_mem>>)
          %dma_wait3A = arith.constant 0 : i32
          %dma_wait3A_316 = tpu.memref_slice %arg8[%dma_wait3A] : memref<16512xf32, #tpu.memory_space<vmem>> -> memref<16384xf32, #tpu.memory_space<vmem>>
          %dma_wait3A_317 = tpu.memref_slice %arg6[%add3A_305] : memref<16777216xf32, #tpu.memory_space<hbm>> -> memref<16384xf32, #tpu.memory_space<hbm>>
          %dma_wait3A_318 = tpu.memref_slice %arg6[%add3A_305] : memref<16777216xf32, #tpu.memory_space<hbm>> -> memref<16384xf32, #tpu.memory_space<hbm>>
          %dma_wait3A_319 = arith.constant 0 : i32
          %dma_wait3A_320 = tpu.memref_slice %arg8[%dma_wait3A_319] : memref<16512xf32, #tpu.memory_space<vmem>> -> memref<16384xf32, #tpu.memory_space<vmem>>
          tpu.wait_dma2 semaphore(%run_scoped3A : memref<!tpu.dma_semaphore, #tpu.memory_space<semaphore_mem>>) src(%dma_wait3A_320 : memref<16384xf32, #tpu.memory_space<vmem>>) dst(%dma_wait3A_318 : memref<16384xf32, #tpu.memory_space<hbm>>)
          tpu.yield
        }) : () -> ()
        %add3A_306 = arith.constant 32768 : i32
        %add3A_307 = arith.addi %mul3A_301, %add3A_306 : i32
        "tpu.region"() ({
          %run_scoped3A = tpu.sem_alloc : memref<!tpu.dma_semaphore, #tpu.memory_space<semaphore_mem>>
          %dma_start3A_310 = arith.constant 0 : i32
          %dma_start3A_311 = tpu.memref_slice %arg9[%dma_start3A_310] : memref<16512xf32, #tpu.memory_space<vmem>> -> memref<16384xf32, #tpu.memory_space<vmem>>
          %dma_start3A_312 = tpu.memref_slice %arg6[%add3A_307] : memref<16777216xf32, #tpu.memory_space<hbm>> -> memref<16384xf32, #tpu.memory_space<hbm>>
          %dma_start3A_313 = tpu.memref_slice %arg6[%add3A_307] : memref<16777216xf32, #tpu.memory_space<hbm>> -> memref<16384xf32, #tpu.memory_space<hbm>>
          %dma_start3A_314 = arith.constant 0 : i32
          %dma_start3A_315 = tpu.memref_slice %arg9[%dma_start3A_314] : memref<16512xf32, #tpu.memory_space<vmem>> -> memref<16384xf32, #tpu.memory_space<vmem>>
          tpu.enqueue_dma source(%dma_start3A_315 : memref<16384xf32, #tpu.memory_space<vmem>>) target(%dma_start3A_313 : memref<16384xf32, #tpu.memory_space<hbm>>) target_semaphore(%run_scoped3A : memref<!tpu.dma_semaphore, #tpu.memory_space<semaphore_mem>>)
          %dma_wait3A = arith.constant 0 : i32
          %dma_wait3A_316 = tpu.memref_slice %arg9[%dma_wait3A] : memref<16512xf32, #tpu.memory_space<vmem>> -> memref<16384xf32, #tpu.memory_space<vmem>>
          %dma_wait3A_317 = tpu.memref_slice %arg6[%add3A_307] : memref<16777216xf32, #tpu.memory_space<hbm>> -> memref<16384xf32, #tpu.memory_space<hbm>>
          %dma_wait3A_318 = tpu.memref_slice %arg6[%add3A_307] : memref<16777216xf32, #tpu.memory_space<hbm>> -> memref<16384xf32, #tpu.memory_space<hbm>>
          %dma_wait3A_319 = arith.constant 0 : i32
          %dma_wait3A_320 = tpu.memref_slice %arg9[%dma_wait3A_319] : memref<16512xf32, #tpu.memory_space<vmem>> -> memref<16384xf32, #tpu.memory_space<vmem>>
          tpu.wait_dma2 semaphore(%run_scoped3A : memref<!tpu.dma_semaphore, #tpu.memory_space<semaphore_mem>>) src(%dma_wait3A_320 : memref<16384xf32, #tpu.memory_space<vmem>>) dst(%dma_wait3A_318 : memref<16384xf32, #tpu.memory_space<hbm>>)
          tpu.yield
        }) : () -> ()
        %add3A_308 = arith.constant 49152 : i32
        %add3A_309 = arith.addi %mul3A_301, %add3A_308 : i32
        "tpu.region"() ({
          %run_scoped3A = tpu.sem_alloc : memref<!tpu.dma_semaphore, #tpu.memory_space<semaphore_mem>>
          %dma_start3A_310 = arith.constant 0 : i32
          %dma_start3A_311 = tpu.memref_slice %arg10[%dma_start3A_310] : memref<16512xf32, #tpu.memory_space<vmem>> -> memref<16384xf32, #tpu.memory_space<vmem>>
          %dma_start3A_312 = tpu.memref_slice %arg6[%add3A_309] : memref<16777216xf32, #tpu.memory_space<hbm>> -> memref<16384xf32, #tpu.memory_space<hbm>>
          %dma_start3A_313 = tpu.memref_slice %arg6[%add3A_309] : memref<16777216xf32, #tpu.memory_space<hbm>> -> memref<16384xf32, #tpu.memory_space<hbm>>
          %dma_start3A_314 = arith.constant 0 : i32
          %dma_start3A_315 = tpu.memref_slice %arg10[%dma_start3A_314] : memref<16512xf32, #tpu.memory_space<vmem>> -> memref<16384xf32, #tpu.memory_space<vmem>>
          tpu.enqueue_dma source(%dma_start3A_315 : memref<16384xf32, #tpu.memory_space<vmem>>) target(%dma_start3A_313 : memref<16384xf32, #tpu.memory_space<hbm>>) target_semaphore(%run_scoped3A : memref<!tpu.dma_semaphore, #tpu.memory_space<semaphore_mem>>)
          %dma_wait3A = arith.constant 0 : i32
          %dma_wait3A_316 = tpu.memref_slice %arg10[%dma_wait3A] : memref<16512xf32, #tpu.memory_space<vmem>> -> memref<16384xf32, #tpu.memory_space<vmem>>
          %dma_wait3A_317 = tpu.memref_slice %arg6[%add3A_309] : memref<16777216xf32, #tpu.memory_space<hbm>> -> memref<16384xf32, #tpu.memory_space<hbm>>
          %dma_wait3A_318 = tpu.memref_slice %arg6[%add3A_309] : memref<16777216xf32, #tpu.memory_space<hbm>> -> memref<16384xf32, #tpu.memory_space<hbm>>
          %dma_wait3A_319 = arith.constant 0 : i32
          %dma_wait3A_320 = tpu.memref_slice %arg10[%dma_wait3A_319] : memref<16512xf32, #tpu.memory_space<vmem>> -> memref<16384xf32, #tpu.memory_space<vmem>>
          tpu.wait_dma2 semaphore(%run_scoped3A : memref<!tpu.dma_semaphore, #tpu.memory_space<semaphore_mem>>) src(%dma_wait3A_320 : memref<16384xf32, #tpu.memory_space<vmem>>) dst(%dma_wait3A_318 : memref<16384xf32, #tpu.memory_space<hbm>>)
          tpu.yield
        }) : () -> ()
      } else {
      }
      %scan3A_24 = arith.constant 0 : i32
      scf.yield %scan3A_24 : i32
    }
    %scan3A_7 = arith.constant 8 : i32
    return
  }
}

module attributes {stable_mosaic.version = 14 : i64} {
  func.func @_idx_body(%arg0: i32, %arg1: memref<16x16384xi32, #tpu.memory_space<vmem>>, %arg2: memref<16x16384xf32, #tpu.memory_space<vmem>>, %arg3: memref<16x16384xi32, #tpu.memory_space<vmem>>, %arg4: memref<16x16384xi32, #tpu.memory_space<vmem>>) attributes {dimension_semantics = [#tpu.dimension_semantics<arbitrary>], iteration_bounds = array<i64: 2>, scalar_prefetch = 0 : i64, scratch_operands = 0 : i64, tpu.core_type = #tpu.core_type<tc>, window_params = [{transform_indices = @transform_0, window_bounds = array<i64: 16, 16384>}, {pipeline_mode = #tpu.pipeline_mode<synchronous>, transform_indices = @transform_1, window_bounds = array<i64: 16, 16384>}, {pipeline_mode = #tpu.pipeline_mode<synchronous>, transform_indices = @transform_2, window_bounds = array<i64: 16, 16384>}, {transform_indices = @transform_3, window_bounds = array<i64: 16, 16384>}]} {
    %get3A = arith.constant 0 : index
    %get3A_0 = arith.constant 0 : index
    %get3A_1 = vector.load %arg1[%get3A, %get3A_0] : memref<16x16384xi32, #tpu.memory_space<vmem>>, vector<16x16384xi32>
    %convert_element_type3A = arith.sitofp %get3A_1 : vector<16x16384xi32> to vector<16x16384xf32>
    %mul3A = arith.constant 2.000000e-01 : f32
    %mul3A_2 = vector.broadcast %mul3A : f32 to vector<16x16384xf32>
    %mul3A_3 = arith.mulf %convert_element_type3A, %mul3A_2 : vector<16x16384xf32>
    %add3A = arith.constant -3.900000e+00 : f32
    %add3A_4 = vector.broadcast %add3A : f32 to vector<16x16384xf32>
    %add3A_5 = arith.addf %mul3A_3, %add3A_4 : vector<16x16384xf32>
    %get3A_6 = arith.constant 0 : index
    %get3A_7 = arith.constant 0 : index
    %get3A_8 = vector.load %arg2[%get3A_6, %get3A_7] : memref<16x16384xf32, #tpu.memory_space<vmem>>, vector<16x16384xf32>
    %atan23A = math.atan2 %add3A_5, %get3A_8 : vector<16x16384xf32>
    %sub3A = arith.constant 0.052359879 : f32
    %sub3A_9 = vector.broadcast %sub3A : f32 to vector<16x16384xf32>
    %sub3A_10 = arith.subf %sub3A_9, %atan23A : vector<16x16384xf32>
    %mul3A_11 = arith.constant 128.915497 : f32
    %mul3A_12 = vector.broadcast %mul3A_11 : f32 to vector<16x16384xf32>
    %mul3A_13 = arith.mulf %sub3A_10, %mul3A_12 : vector<16x16384xf32>
    %round3A = math.roundeven %mul3A_13 : vector<16x16384xf32>
    %jit3A = arith.constant 0 : i32
    %jit3A_14 = arith.constant 63 : i32
    %convert_element_type3A_15 = arith.sitofp %jit3A : i32 to f32
    %max3A = vector.broadcast %convert_element_type3A_15 : f32 to vector<16x16384xf32>
    %max3A_16 = arith.maximumf %max3A, %round3A : vector<16x16384xf32>
    %convert_element_type3A_17 = arith.sitofp %jit3A_14 : i32 to f32
    %min3A = vector.broadcast %convert_element_type3A_17 : f32 to vector<16x16384xf32>
    %min3A_18 = arith.minimumf %min3A, %max3A_16 : vector<16x16384xf32>
    %convert_element_type3A_19 = arith.fptosi %min3A_18 : vector<16x16384xf32> to vector<16x16384xi32>
    %mul3A_20 = arith.constant 2048 : i32
    %mul3A_21 = vector.broadcast %mul3A_20 : i32 to vector<16x16384xi32>
    %mul3A_22 = arith.muli %convert_element_type3A_19, %mul3A_21 : vector<16x16384xi32>
    %get3A_23 = arith.constant 0 : index
    %get3A_24 = arith.constant 0 : index
    %get3A_25 = vector.load %arg3[%get3A_23, %get3A_24] : memref<16x16384xi32, #tpu.memory_space<vmem>>, vector<16x16384xi32>
    %add3A_26 = arith.addi %mul3A_22, %get3A_25 : vector<16x16384xi32>
    %swap3A = arith.constant 0 : index
    %swap3A_27 = arith.constant 0 : index
    %swap3A_28 = vector.load %arg4[%swap3A, %swap3A_27] : memref<16x16384xi32, #tpu.memory_space<vmem>>, vector<16x16384xi32>
    tpu.vector_store %arg4[%swap3A, %swap3A_27], %add3A_26 {strides = array<i32>} : memref<16x16384xi32, #tpu.memory_space<vmem>>, vector<16x16384xi32>,
    return
  }
  func.func @transform_0(%arg0: i32) -> (i32, i32) {
    %c0_i32 = arith.constant 0 : i32
    %c0_i32_0 = arith.constant 0 : i32
    return %arg0, %c0_i32 : i32, i32
  }
  func.func @transform_1(%arg0: i32) -> (i32, i32) {
    %c0_i32 = arith.constant 0 : i32
    %c0_i32_0 = arith.constant 0 : i32
    %c0_i32_1 = arith.constant 0 : i32
    return %c0_i32, %c0_i32_0 : i32, i32
  }
  func.func @transform_2(%arg0: i32) -> (i32, i32) {
    %c0_i32 = arith.constant 0 : i32
    %c0_i32_0 = arith.constant 0 : i32
    %c0_i32_1 = arith.constant 0 : i32
    return %c0_i32, %c0_i32_0 : i32, i32
  }
  func.func @transform_3(%arg0: i32) -> (i32, i32) {
    %c0_i32 = arith.constant 0 : i32
    %c0_i32_0 = arith.constant 0 : i32
    return %arg0, %c0_i32 : i32, i32
  }
}

module attributes {stable_mosaic.version = 14 : i64} {
  func.func @_clean_body(%arg0: i32, %arg1: memref<8x2048xf32, #tpu.memory_space<vmem>>, %arg2: memref<8x2048xf32, #tpu.memory_space<vmem>>) attributes {dimension_semantics = [#tpu.dimension_semantics<arbitrary>], iteration_bounds = array<i64: 1024>, scalar_prefetch = 0 : i64, scratch_operands = 0 : i64, tpu.core_type = #tpu.core_type<tc>, window_params = [{transform_indices = @transform_0, window_bounds = array<i64: 8, 2048>}, {transform_indices = @transform_1, window_bounds = array<i64: 8, 2048>}]} {
    %get3A = arith.constant 0 : index
    %get3A_0 = arith.constant 0 : index
    %get3A_1 = vector.load %arg1[%get3A, %get3A_0] : memref<8x2048xf32, #tpu.memory_space<vmem>>, vector<8x2048xf32>
    %eq3A = arith.constant 0xFF800000 : f32
    %eq3A_2 = vector.broadcast %eq3A : f32 to vector<8x2048xf32>
    %eq3A_3 = arith.cmpf oeq, %get3A_1, %eq3A_2 : vector<8x2048xf32>
    %broadcast_in_dim3A = arith.constant 0.000000e+00 : f32
    %broadcast_in_dim3A_4 = vector.broadcast %broadcast_in_dim3A : f32 to vector<8x2048xf32>
    %select_n3A = arith.select %eq3A_3, %broadcast_in_dim3A_4, %get3A_1 : vector<8x2048xi1>, vector<8x2048xf32>
    %swap3A = arith.constant 0 : index
    %swap3A_5 = arith.constant 0 : index
    %swap3A_6 = vector.load %arg2[%swap3A, %swap3A_5] : memref<8x2048xf32, #tpu.memory_space<vmem>>, vector<8x2048xf32>
    tpu.vector_store %arg2[%swap3A, %swap3A_5], %select_n3A {strides = array<i32>} : memref<8x2048xf32, #tpu.memory_space<vmem>>, vector<8x2048xf32>,
    return
  }
  func.func @transform_0(%arg0: i32) -> (i32, i32) {
    %c0_i32 = arith.constant 0 : i32
    %c0_i32_0 = arith.constant 0 : i32
    return %arg0, %c0_i32 : i32, i32
  }
  func.func @transform_1(%arg0: i32) -> (i32, i32) {
    %c0_i32 = arith.constant 0 : i32
    %c0_i32_0 = arith.constant 0 : i32
    return %arg0, %c0_i32 : i32, i32
  }
}

</mosaic_0001>

<sc_bundles>
// kernel: kernel.5.cloned.1.call-start
scs
__scs_entry_jumppad:
0x0: {  	(pc) =	sbr.rel $0x88, $3  }
0x1: {  	(tag) =	ssettag $0x0;
	lr =	simm.s32 $0x1  }
0x2: {  	[smem:$0x3F9F] =	sst lr;
	_ =	strace $0xD0000000  }
0x3: {  	_ = 	snop  }
0x4: {  	_ = 	snop  }
0x5: {  	_ = 	snop  }
0x6: {  	_ = 	snop  }
0x7: {  	_ = 	snop  }
__scs_overlays_trampoline_lowered:
0x8: {  	[smem:$0x3FAE] =	sst s0  }
0x9: {  	[smem:$0x3FAF] =	sst s1  }
0xa: {  	[smem:$0x3FB0] =	sst s2  }
0xb: {  	[smem:$0x3FB1] =	sst s3  }
0xc: {  	[smem:$0x3FB2] =	sst s4  }
0xd: {  	[smem:$0x3FB3] =	sst s5  }
0xe: {  	[smem:$0x3FB4] =	sst s6  }
0xf: {  	[smem:$0x3FB5] =	sst s7  }
0x10: {  	[smem:$0x3FB6] =	sst s8  }
0x11: {  	[smem:$0x3FB7] =	sst s9;
	s0 =	simm.s32 @!p0 $0x0  }
0x12: {  	s1 =	sld [smem:$0x3F9D];
	s0 =	simm.s32 @p0 $0x1  }
0x13: {  	[smem:$0x3FB8] =	sst s0;
	s0 =	simm.s32 @!p1 $0x0  }
0x14: {  	s2 =	sld [smem:$0x3F9C];
	s0 =	simm.s32 @p1 $0x1  }
0x15: {  	[smem:$0x3FB9] =	sst s0;
	s0 =	simm.s32 @!p2 $0x0  }
0x16: {  	s3 =	sld [smem:$0x3FDB];
	s0 =	simm.s32 @p2 $0x1  }
0x17: {  	s4 =	simm.s32 $0x1BF5;
	[smem:$0x3FBB] =	sst s0  }
0x18: {  	s0 =	sld [smem:$0x3F9E];
	_ =	swait.ge [sflag:s4], $0x0  }
0x19: {  	s7 =	sld [smem:$0x3F9F]  }
0x1a: {  	s8 =	sadd.s32 $0xFFFFE003, lr  }
0x1b: {  	s9 =	sadd.s32 $0xFFFFFEF7, lr;
	s5 =	simm.s32 $0xFFFFFFFF;
	p2 =	slt.u32 s8, $0xFFFFF086  }
0x1c: {  	p1 =	slt.u32 s9, $0xF7A;
	s5 =	simm.s32 @!p2 $0x0  }
0x1d: {  	s5 =	simm.s32 @p1 $0x1;
	p0 =	seq.s32 s7, s2  }
0x1e: {  	s7 =	smul.u32 @!p0 $0xF7A, s2;
	p2 =	seq.s32 @!p0 s5, $0x0  }
0x1f: {  	s9 =	smul.u32 $0xF7A, s1;
	s8 =	simm.s32 @!p0 $0x1BF5;
	p2 =	por !p2, p0  }
0x20: {  	[sflag:s8] =	ssyncset.s32 @!p0 $0xFFFFF086;
	s6 =	sadd.s32 @!p0 s3, s7;
	s7 =	simm.s32 @!p0 $0x108  }
0x21: {  	s3 =	sadd.s32 s3, s9;
	s6 =	sadd.s32 @!p0 $0x88, s6;
	s7 =	simm.s32 @p2 $0x1082  }
0x22: {  	[simem:s7], [sflag:s8] =	dma.local @!p0 [hbm:s6], $0xF7A  }
0x23: {  	s9 =	sor.u32 $0xD0000000, s2;
	s6 =	simm.s32 $0x108;
	_ =	swait.ge @!p0 [sflag:s8], $0x0  }
0x24: {  	s3 =	sadd.s32 $0x88, s3;
	s6 =	simm.s32 @!p1 $0x1082;
	[sflag:s4] =	ssyncset.s32 $0xFFFFF086  }
0x25: {  	[simem:s6], [sflag:s4] =	dma.local [hbm:s3], $0xF7A  }
0x26: {  	[smem:$0x3F9F] =	sst s1;
	(tag) =	ssettag s2;
	_ =	strace s9  }
0x27: {  	s1 =	sld [smem:$0x3FAF]  }
0x28: {  	s2 =	sld [smem:$0x3FB0]  }
0x29: {  	s4 =	sld [smem:$0x3FB2]  }
0x2a: {  	p0 =	seq.s32 s5, $0x0;
	s5 =	sld [smem:$0x3FB3]  }
0x2b: {  	s6 =	sld [smem:$0x3FB4]  }
0x2c: {  	s7 =	sld [smem:$0x3FB5]  }
0x2d: {  	s3 =	simm.s32 $0x108;
	s8 =	sld [smem:$0x3FB6]  }
0x2e: {  	s3 =	simm.s32 @!p0 $0x1082;
	s9 =	sld [smem:$0x3FB7]  }
0x2f: {  	lr =	sadd.s32 s0, s3;
	s0 =	sld [smem:$0x3FAE]  }
0x30: {  	s3 =	sld [smem:$0x3FB1]  }
0x31: {  	[smem:$0x3FBA] =	sst s10  }
0x32: {  	s10 =	sld [smem:$0x3FB8];
	_ =	sdelay $0x3  }
0x33: {  	p0 =	seq.s32 s10, $0x1;
	s10 =	sld [smem:$0x3FBA];
	_ =	sdelay $0x3  }
0x34: {  	[smem:$0x3FBA] =	sst s10  }
0x35: {  	s10 =	sld [smem:$0x3FB9];
	_ =	sdelay $0x3  }
0x36: {  	p1 =	seq.s32 s10, $0x1;
	s10 =	sld [smem:$0x3FBA];
	_ =	sdelay $0x3  }
0x37: {  	[smem:$0x3FBA] =	sst s10  }
0x38: {  	s10 =	sld [smem:$0x3FBB]  }
0x39: {  	_ = 	snop;
	(pc) =	sbr.ind lr, $3  }
0x3a: {  	_ = 	snop  }
0x3b: {  	_ = 	snop  }
0x3c: {  	p2 =	seq.s32 s10, $0x1;
	s10 =	sld [smem:$0x3FBA]  }
0x3d: {  	_ =	shalt  }
0x3e: {  	_ =	shalt  }
0x3f: {  	_ =	shalt  }
0x40: {  	_ =	shalt  }
0x41: {  	_ =	shalt  }
0x42: {  	_ =	shalt  }
0x43: {  	_ =	shalt  }
0x44: {  	_ =	shalt  }
0x45: {  	_ =	shalt  }
0x46: {  	_ =	shalt  }
0x47: {  	_ =	shalt  }
0x48: {  	_ =	shalt  }
0x49: {  	_ =	shalt  }
0x4a: {  	_ =	shalt  }
0x4b: {  	_ =	shalt  }
0x4c: {  	_ =	shalt  }
0x4d: {  	_ =	shalt  }
0x4e: {  	_ =	shalt  }
0x4f: {  	_ =	shalt  }
0x50: {  	_ =	shalt  }
0x51: {  	_ =	shalt  }
0x52: {  	_ =	shalt  }
0x53: {  	_ =	shalt  }
0x54: {  	_ =	shalt  }
0x55: {  	_ =	shalt  }
0x56: {  	_ =	shalt  }
0x57: {  	_ =	shalt  }
0x58: {  	_ =	shalt  }
0x59: {  	_ =	shalt  }
0x5a: {  	_ =	shalt  }
0x5b: {  	_ =	shalt  }
0x5c: {  	_ =	shalt  }
0x5d: {  	_ =	shalt  }
0x5e: {  	_ =	shalt  }
0x5f: {  	_ =	shalt  }
0x60: {  	_ =	shalt  }
0x61: {  	_ =	shalt  }
0x62: {  	_ =	shalt  }
0x63: {  	_ =	shalt  }
0x64: {  	_ =	shalt  }
0x65: {  	_ =	shalt  }
0x66: {  	_ =	shalt  }
0x67: {  	_ =	shalt  }
0x68: {  	_ =	shalt  }
0x69: {  	_ =	shalt  }
0x6a: {  	_ =	shalt  }
0x6b: {  	_ =	shalt  }
0x6c: {  	_ =	shalt  }
0x6d: {  	_ =	shalt  }
0x6e: {  	_ =	shalt  }
0x6f: {  	_ =	shalt  }
0x70: {  	_ =	shalt  }
0x71: {  	_ =	shalt  }
0x72: {  	_ =	shalt  }
0x73: {  	_ =	shalt  }
0x74: {  	_ =	shalt  }
0x75: {  	_ =	shalt  }
0x76: {  	_ =	shalt  }
0x77: {  	_ =	shalt  }
0x78: {  	_ =	shalt  }
0x79: {  	_ =	shalt  }
0x7a: {  	_ =	shalt  }
0x7b: {  	_ =	shalt  }
0x7c: {  	_ =	shalt  }
0x7d: {  	_ =	shalt  }
0x7e: {  	_ =	shalt  }
0x7f: {  	_ =	shalt  }
0x80: {  	_ =	shalt  }
0x81: {  	_ =	shalt  }
0x82: {  	_ =	shalt  }
0x83: {  	_ =	shalt  }
0x84: {  	_ =	shalt  }
0x85: {  	_ =	shalt  }
0x86: {  	_ =	shalt  }
0x87: {  	_ =	shalt  }
.Lfunc_end0:
.L_simem_size_0:
called_computation.3_lowered:
.L_overlay_start_0:
0x88: {  	s2 =	sld [smem:$0x3FD9]  }
0x89: {  	s3 =	sld [smem:$0x3FFE];
	_ =	sdelay $0x1  }
0x8a: {  	s1 =	srdreg.scid  }
0x8b: {  	s0 =	sand.u32 $0x1, s1  }
0x8c: {  	s17 =	sshll.u32 s0, $0xA;
	s2 =	sadd.s32 s3, s2  }
0x8d: {  	s2 =	sadd.s32 s2, s17  }
0x8e: {  	[smem:$0x3FC6] =	sst s2  }
0x8f: {  	_ = 	snop  }
0x90: {  	s2 =	sld [smem:$0x3FD0];
	(tm) =	ssettm $0x1  }
0x91: {  	s18 =	sld [smem:$0x3FFB];
	_ =	sdelay $0x3  }
0x92: {  	_ =	strace s18  }
0x93: {  	s3 =	sld [smem:$0x3FFC];
	_ =	sdelay $0x3  }
0x94: {  	_ =	strace s3  }
0x95: {  	s3 =	sld [smem:$0x3FFD];
	_ =	sdelay $0x3  }
0x96: {  	_ =	strace s3  }
0x97: {  	_ =	strace $0x8FFFFFFF  }
0x98: {  	s19 =	sld [smem:$0x3FDB];
	_ =	sdelay $0x1  }
0x99: {  	s4 =	simm.s32 $_scs_section_size  }
0x9a: {  	s5 =	simm.s32 $_size__tile_overlayer_lowered;
	s6 =	simm.s32 $_tile_overlayer_lowered  }
0x9b: {  	s22 =	simm.s32 $0x1BFF;
	s21 =	sshll.u32 s6, $0x1;
	s3 =	sadd.s32 s4, s19  }
0x9c: {  	s7 =	simm.s32 $0x0;
	s20 =	sshll.u32 s5, $0x1;
	s5 =	sadd.s32 s21, s3  }
0x9d: {  	[timem:s7], [sflag:s22] =	dma.local [hbm:s5], s20  }
0x9e: {  	_ =	swait.ge [sflag:s22], s20  }
0x9f: {  	s4 =	ssub.s32 $0x0, s20;
	[sflag:s22] =	ssyncset.done $0x0  }
0xa0: {  	[sflag:s22] =	ssyncadd.s32 s4;
	_ =	sdelay $0x1  }
0xa1: {  	s23 =	simm.s32 $0x1B8B  }
0xa2: {  	_ =	swait.ge [sflag:s23], $0x1  }
0xa3: {  	[sflag:s23] =	ssyncset.done $0x0  }
0xa4: {  	s25 =	simm.s32 $0x1B8E;
	s24 =	sld [smem:$0x3FFE];
	[sflag:s23] =	ssyncadd.s32 $0xFFFFFFFF  }
0xa5: {  	s26 =	simm.s32 $execute0_lowered;
	[smem:$0x3FD2] =	sst s25  }
0xa6: {  	s5 =	sshll.u32 s26, $0x1;
	_ =	strace $0x80000049;
	[dreg:$0x1] =	wrdreg $0xFFFFFFFF  }
0xa7: {  	s28 =	simm.s32 $_size_execute0_lowered;
	s3 =	sadd.s32 s3, s5;
	[dreg:$0x0] =	wrdreg $0x0  }
0xa8: {  	s5 =	sshll.u32 s28, $0x1;
	[dreg:$0x2] =	wrdreg s3  }
0xa9: {  	[dreg:$0x3] =	wrdreg s5  }
0xaa: {  	[dreg:$0x4] =	wrdreg $0xC0  }
0xab: {  	_ =	task [dreg:s7], $0x5FFFF  }
0xac: {  	[dreg:$0x1] =	wrdreg $0xFFFFFFFF  }
0xad: {  	[dreg:$0x0] =	wrdreg $0x60  }
0xae: {  	[dreg:$0x2] =	wrdreg s24  }
0xaf: {  	[dreg:$0x3] =	wrdreg s2  }
0xb0: {  	[dreg:$0x4] =	wrdreg $0x9  }
0xb1: {  	_ =	task.clear_ibuf [dreg:s7], $0x5FFFF;
	_ =	strace $0x90000049  }
0xb2: {  	s29 =	simm.s32 $0x9;
	_ =	strace $0x8000004B  }
0xb3: {  	_ =	swait.ge [sflag:s29], $0x1  }
0xb4: {  	[sflag:s29] =	ssyncadd.s32 $0xFFFFFFFF  }
0xb5: {  	_ =	strace $0x9000004B  }
0xb6: {  	_ =	sfence  }
0xb7: {  	s30 =	sld [smem:$0x0];
	_ =	sdelay $0x2  }
0xb8: {  	s31 =	sshll.u32 s1, $0xD;
	s1 =	sshrl.u32 s1, $0x2  }
0xb9: {  	s3 =	sand.u32 $0x4000, s31;
	s1 =	sadd.s32 s1, s30  }
0xba: {  	s0 =	sor.u32 s3, s0;
	s1 =	sshll.u32 s1, $0x11  }
0xbb: {  	s0 =	sor.u32 s1, s0  }
0xbc: {  	s0 =	sadd.s32 $0x8F2B, s0  }
0xbd: {  	[sflag:s0] =	ssyncadd.remote.s32 $0x1  }
0xbe: {  	_ =	sfence.sel $0xFFFF  }
0xbf: {  	[dreg:$0x0] =	wrdreg $0xFFFFFFFF;
	(pc) =	sbr.abs _section_cstart, $3  }
0xc0: {  	[dreg:$0x1] =	wrdreg $0xFFFFFFFF  }
0xc1: {  	_ =	task.clear_ibuf [dreg:s7], $0x2FFFF;
	_ =	strace $0x9FFFFFFF  }
0xc2: {  	(tm) =	ssettm $0x7FFFFFFF  }
0xc3: {  	_ =	shalt  }
tec
execute0_lowered:
.L_overlay_start_1:
0x0: {  	(tag) =	ssettag $0x1  }
0x1: {  	s0 =	rddreg [dreg:$0x0]  }
0x2: {  	s1 =	rddreg [dreg:$0x1]  }
0x3: {  	s2 =	simm.s32 $0x0;
	s3 =	srdreg.scid;
	s6 =	stileid.u32  }
0x4: {  	s13 =	simm.s32 $0x6;
	s15 =	simm.s32 $0x10900;
	s16 =	simm.s32 $0x80  }
0x5: {  	s19 =	simm.s32 $0x11200;
	s20 =	simm.s32 $0x11080;
	s28 =	simm.s32 $0x11380  }
0x6: {  	s29 =	simm.s32 $0x3;
	s30 =	simm.s32 $0x4080;
	s31 =	simm.s32 $0x8100  }
0x7: {  	s11 =	simm.s32 $0x4;
	[smem:$0x7FF] =	sst s2;
	s3 =	sand.u32 $0x1, s3  }
0x8: {  	s4 =	sadd.s32 $0x801C00, s0;
	s6 =	sshll.u32 s6, $0x5;
	s7 =	sadd.s32 $0x2C00, s0  }
0x9: {  	s22 =	sadd.s32 $0x7600, s0;
	_ =	strace $0x8000004A;
	[dreg:$0x3] =	wrdreg s7  }
0xa: {  	s24 =	sadd.s32 $0x7E00, s0;
	s25 =	sadd.s32 $0x8600, s0;
	[dreg:$0x4] =	wrdreg s22  }
0xb: {  	s5 =	sshll.u32 s3, $0x4;
	s21 =	sand.u32 $0x180, s6;
	[dreg:$0x6] =	wrdreg s24  }
0xc: {  	s3 =	ssub.s32 $0x2, s3;
	s6 =	sand.u32 $0x60, s6;
	[dreg:$0x7] =	wrdreg s25  }
0xd: {  	v0 =	vlaneseq.u32;
	s22 =	simm.s32 $0x1;
	s24 =	simm.s32 $0x11100;
	s25 =	simm.s32 $0x11300  }
0xe: {  	v1 =	vimm.f32 $-Inf;
	v2 =	vshrl.u32 v0, $0x1;
	v3 =	vand.u32 $0x1, v0;
	s5 =	sadd.s32 s5, s0;
	s23 =	sshrl.u32 s3, $0x1;
	s0 =	sadd.s32 $0x8E00, s0  }
.Ltmp0:
0xf: {  	v4 =	vor.u32 $0x8, v2;
	v5 =	vor.u32 $0x10, v2;
	v6 =	vor.u32 $0x18, v2;
	s5 =	sadd.s32 s21, s5;
	s3 =	ssub.s32 s3, s23;
	(pc) =	sbr.rel .LBB2_1-.Ltmp0, $4  }
0x10: {  	v7 =	vor.u32 $0x20, v2;
	v8 =	vor.u32 $0x28, v2;
	v9 =	vor.u32 $0x30, v2;
	[dreg:$0x8] =	wrdreg s0;
	s21 =	simm.s32 $0x11280;
	s23 =	simm.s32 $0x15400  }
0x11: {  	v10 =	vor.u32 $0x38, v2;
	v11 =	vor.u32 $0x40, v2;
	v12 =	vor.u32 $0x48, v2;
	s0 =	simm.s32 $0xC180;
	s5 =	sadd.s32 s6, s5;
	s26 =	smax.u32 s3, $0x1  }
0x12: {  	v13 =	vor.u32 $0x50, v2;
	v14 =	vor.u32 $0x58, v2;
	v15 =	vor.u32 $0x60, v2;
	s3 =	simm.s32 $0x2;
	s5 =	sadd.s32 $0x1C00, s5;
	[dreg:$0x9] =	wrdreg s26  }
0x13: {  	v16 =	vor.u32 $0x68, v2;
	v17 =	vor.u32 $0x70, v2;
	v18 =	vor.u32 $0x78, v2;
	s6 =	simm.s32 $0x0;
	s26 =	simm.s32 $0x11180;
	[dreg:$0x5] =	wrdreg s5  }
.LBB2_21:
0x14: {  	s6 =	rddreg [dreg:$0xa]  }
0x15: {  	s5 =	rddreg [dreg:$0x9];
	s6 =	sadd.s32 $0x1, s6  }
0x16: {  	p0 =	sne.s32 s6, s5  }
.Ltmp1:
0x17: {  	_ = 	snop;
	(pc) =	sbr.rel @!p0 .LBB2_22-.Ltmp1, $1  }
0x18: {  	_ =	sdelay $0x3  }
.LBB2_1:
.Ltmp2:
0x19: {  	(pc) =	sbr.rel .LBB2_2-.Ltmp2, $2  }
0x1a: {  	_ =	sdelay $0x2  }
0x1b: {  	[dreg:$0xa] =	wrdreg s6;
	s12 =	simm.s32 $0x0  }
.LBB2_19:
0x1c: {  	s6 =	sshll.u32 s8, $0x17;
	s5 =	sshll.u32 s5, $0x10  }
0x1d: {  	s5 =	sadd.s32 s5, s6  }
0x1e: {  	s9 =	rddreg [dreg:$0x4];
	s5 =	sshrl.u32 s5, $0x3  }
0x1f: {  	s6 =	sadd.s32 s9, s5  }
0x20: {  	[hbm4b:s6+s2] =	stream.linear.scatter [tilespmem:s2], [sflag:$0x6], $0x4000, $0x38;
	[tilespmem:$0x19480] =	vst v63  }
0x21: {  	_ =	swait.ge [sflag:s13], $0x4000  }
0x22: {  	[sflag:s13] =	ssyncset.done $0x0;
	s10 =	rddreg [dreg:$0x6]  }
0x23: {  	[sflag:s13] =	ssyncadd.s32 $0xFFFFC000;
	s6 =	sadd.s32 s5, s10  }
0x24: {  	[hbm4b:s6+s2] =	stream.linear.scatter [tilespmem:s30], [sflag:$0x6], $0x4000, $0x38;
	[tilespmem:$0x19480] =	vst v63  }
0x25: {  	_ =	swait.ge [sflag:s13], $0x4000  }
0x26: {  	[sflag:s13] =	ssyncset.done $0x0;
	s14 =	rddreg [dreg:$0x7]  }
0x27: {  	[sflag:s13] =	ssyncadd.s32 $0xFFFFC000;
	s6 =	sadd.s32 s5, s14  }
0x28: {  	[hbm4b:s6+s2] =	stream.linear.scatter [tilespmem:s31], [sflag:$0x6], $0x4000, $0x38;
	[tilespmem:$0x19480] =	vst v63  }
0x29: {  	_ =	swait.ge [sflag:s13], $0x4000  }
0x2a: {  	[sflag:s13] =	ssyncset.done $0x0;
	s17 =	rddreg [dreg:$0x8]  }
0x2b: {  	s18 =	simm.s32 $0x5;
	[sflag:s13] =	ssyncadd.s32 $0xFFFFC000;
	s5 =	sadd.s32 s5, s17  }
0x2c: {  	[hbm4b:s5+s2] =	stream.linear.scatter [tilespmem:s0], [sflag:$0x5], $0x4000, $0x38;
	[tilespmem:$0x19480] =	vst v63  }
0x2d: {  	_ =	swait.ge [sflag:s18], $0x4000  }
0x2e: {  	[sflag:s18] =	ssyncset.done $0x0  }
0x2f: {  	[sflag:s18] =	ssyncadd.s32 $0xFFFFC000  }
.LBB2_20:
0x30: {  	s12 =	sadd.s32 $0x1, s12  }
0x31: {  	p0 =	sne.s32 s12, $0x8  }
.Ltmp3:
0x32: {  	_ = 	snop;
	(pc) =	sbr.rel @!p0 .LBB2_21-.Ltmp3, $1  }
0x33: {  	_ =	sdelay $0x3  }
.LBB2_2:
0x34: {  	s5 =	sshll.u32 s12, $0x9;
	s6 =	rddreg [dreg:$0x5]  }
0x35: {  	s18 =	simm.s32 $0x0;
	s7 =	simm.s32 $0x19400;
	s5 =	sadd.s32 s5, s6  }
0x36: {  	[tilespmem:s7], [sflag:$0x6] =	stream.linear.gather [hbm4b:s5+s18], $0x80, $0x38;
	[tilespmem:$0x19480] =	vst v63  }
0x37: {  	_ =	swait.ge [sflag:s13], $0x80  }
0x38: {  	[sflag:s13] =	ssyncset.done $0x0  }
0x39: {  	[sflag:s13] =	ssyncadd.s32 $0xFFFFFF80  }
0x3a: {  	v19 =	vld [tilespmem:$0x19400];
	_ =	sdelay $0x4  }
0x3b: {  	(v2sf) =	vpush v19, $0x0  }
0x3c: {  	(v2sf) =	vpush v19, $0x1  }
0x3d: {  	(v2sf) =	vpush v19, $0x2;
	_ =	sdelay $0x5  }
0x3e: {  	(v2sf) =	vpush v19, $0x3;
	_ =	sdelay $0x6  }
0x3f: {  	s9 =	spop (v2sf)  }
0x40: {  	s6 =	spop (v2sf)  }
0x41: {  	s5 =	spop (v2sf)  }
0x42: {  	p0 =	slt.s32 s5, $0x0  }
.Ltmp4:
0x43: {  	_ = 	snop;
	(pc) =	sbr.rel @p0 .LBB2_20-.Ltmp4, $2  }
0x44: {  	_ =	sdelay $0x2  }
0x45: {  	s8 =	spop (v2sf)  }
0x46: {  	s7 =	sshll.u32 s5, $0x4;
	s10 =	simm.s32 $0x0;
	s14 =	simm.s32 $0x200  }
.LBB2_4:
0x47: {  	p0 =	sne.s32 s14, $0x10000;
	[tilespmem:s10+$0xC1F0] =	vst v1  }
0x48: {  	[tilespmem:s10+$0x0] =	vst v1  }
0x49: {  	[tilespmem:s10+$0x10] =	vst v1  }
0x4a: {  	[tilespmem:s10+$0x20] =	vst v1  }
0x4b: {  	[tilespmem:s10+$0x30] =	vst v1  }
0x4c: {  	[tilespmem:s10+$0x40] =	vst v1  }
0x4d: {  	[tilespmem:s10+$0x50] =	vst v1  }
0x4e: {  	[tilespmem:s10+$0x60] =	vst v1  }
0x4f: {  	[tilespmem:s10+$0x70] =	vst v1  }
0x50: {  	[tilespmem:s10+$0x4080] =	vst v1  }
0x51: {  	[tilespmem:s10+$0x4090] =	vst v1  }
0x52: {  	[tilespmem:s10+$0x40A0] =	vst v1  }
0x53: {  	[tilespmem:s10+$0x40B0] =	vst v1  }
0x54: {  	[tilespmem:s10+$0x40C0] =	vst v1  }
0x55: {  	[tilespmem:s10+$0x40D0] =	vst v1  }
0x56: {  	[tilespmem:s10+$0x40E0] =	vst v1  }
0x57: {  	[tilespmem:s10+$0x40F0] =	vst v1  }
0x58: {  	[tilespmem:s10+$0x8100] =	vst v1  }
0x59: {  	[tilespmem:s10+$0x8110] =	vst v1  }
0x5a: {  	[tilespmem:s10+$0x8120] =	vst v1  }
0x5b: {  	[tilespmem:s10+$0x8130] =	vst v1  }
0x5c: {  	[tilespmem:s10+$0x8140] =	vst v1  }
0x5d: {  	[tilespmem:s10+$0x8150] =	vst v1  }
0x5e: {  	[tilespmem:s10+$0x8160] =	vst v1  }
0x5f: {  	[tilespmem:s10+$0x8170] =	vst v1  }
0x60: {  	[tilespmem:s10+$0xC180] =	vst v1  }
0x61: {  	[tilespmem:s10+$0xC190] =	vst v1  }
.Ltmp5:
0x62: {  	[tilespmem:s10+$0xC1A0] =	vst v1;
	(pc) =	sbr.rel @p0 .LBB2_4-.Ltmp5, $4  }
0x63: {  	[tilespmem:s10+$0xC1B0] =	vst v1  }
0x64: {  	[tilespmem:s10+$0xC1C0] =	vst v1  }
0x65: {  	[tilespmem:s10+$0xC1D0] =	vst v1  }
0x66: {  	[tilespmem:s10+$0xC1E0] =	vst v1;
	s10 =	sshra.s32 s14, $0x2;
	s14 =	sadd.s32 $0x200, s14  }
0x67: {  	[tilespmem:s10+$0xC1F0] =	vst v1  }
0x68: {  	[tilespmem:s10+$0x0] =	vst v1  }
0x69: {  	[tilespmem:s10+$0x10] =	vst v1  }
0x6a: {  	[tilespmem:s10+$0x20] =	vst v1  }
0x6b: {  	[tilespmem:s10+$0x30] =	vst v1  }
0x6c: {  	[tilespmem:s10+$0x40] =	vst v1  }
0x6d: {  	[tilespmem:s10+$0x50] =	vst v1  }
0x6e: {  	[tilespmem:s10+$0x60] =	vst v1  }
0x6f: {  	[tilespmem:s10+$0x70] =	vst v1  }
0x70: {  	[tilespmem:s10+$0x4080] =	vst v1  }
0x71: {  	[tilespmem:s10+$0x4090] =	vst v1  }
0x72: {  	[tilespmem:s10+$0x40A0] =	vst v1  }
0x73: {  	[tilespmem:s10+$0x40B0] =	vst v1  }
0x74: {  	[tilespmem:s10+$0x40C0] =	vst v1  }
0x75: {  	[tilespmem:s10+$0x40D0] =	vst v1  }
0x76: {  	[tilespmem:s10+$0x40E0] =	vst v1  }
0x77: {  	[tilespmem:s10+$0x40F0] =	vst v1  }
0x78: {  	[tilespmem:s10+$0x8100] =	vst v1  }
0x79: {  	[tilespmem:s10+$0x8110] =	vst v1  }
0x7a: {  	[tilespmem:s10+$0x8120] =	vst v1  }
0x7b: {  	[tilespmem:s10+$0x8130] =	vst v1  }
0x7c: {  	[tilespmem:s10+$0x8140] =	vst v1  }
0x7d: {  	[tilespmem:s10+$0x8150] =	vst v1  }
0x7e: {  	[tilespmem:s10+$0x8160] =	vst v1  }
0x7f: {  	[tilespmem:s10+$0x8170] =	vst v1  }
0x80: {  	[tilespmem:s10+$0xC180] =	vst v1  }
0x81: {  	[tilespmem:s10+$0xC190] =	vst v1  }
0x82: {  	[tilespmem:s10+$0xC1A0] =	vst v1  }
0x83: {  	[tilespmem:s10+$0xC1B0] =	vst v1  }
0x84: {  	[tilespmem:s10+$0xC1C0] =	vst v1;
	s9 =	sshll.u32 s9, $0x4  }
0x85: {  	[tilespmem:s10+$0xC1D0] =	vst v1;
	s14 =	rddreg [dreg:$0x3];
	s9 =	sand.u32 $0x1FFFFFF0, s9  }
0x86: {  	[tilespmem:s10+$0xC1E0] =	vst v1;
	s17 =	simm.s32 $0x0;
	s9 =	sadd.s32 s14, s9;
	s14 =	simm.s32 $0x10200  }
0x87: {  	[tilespmem:s14], [sflag:$0x6] =	stream.linear.gather [hbm4b:s9+s17], $0x700, $0x38;
	[tilespmem:$0x19480] =	vst v63  }
0x88: {  	_ =	swait.ge [sflag:s13], $0x700  }
0x89: {  	[sflag:s13] =	ssyncset.done $0x0  }
0x8a: {  	s18 =	sshll.u32 s8, $0x11;
	s9 =	simm.s32 $0x0;
	[sflag:s13] =	ssyncadd.s32 $0xFFFFF900  }
0x8b: {  	s10 =	simm.s32 $0x40;
	v19 =	vmov s18;
	v20 =	vld [tilespmem:s9+$0x10200]  }
.LBB2_6:
0x8c: {  	p0 =	sne.s32 s10, $0x1BC0  }
.Ltmp6:
0x8d: {  	_ = 	snop;
	(pc) =	sbr.rel @p0 .LBB2_6-.Ltmp6, $3  }
0x8e: {  	_ =	sdelay $0x1  }
0x8f: {  	s14 =	sshra.s32 s10, $0x2;
	s10 =	sadd.s32 $0x40, s10;
	v21 =	vadd.s32 v19, v20  }
0x90: {  	v20 =	vld [tilespmem:s14+$0x10200];
	[tilespmem:s9+$0x10900] =	vst v21;
	s9 =	smov.u32 s14  }
0x91: {  	_ =	sdelay $0x3  }
0x92: {  	v19 =	vadd.s32 v19, v20  }
0x93: {  	[tilespmem:s9+$0x10900] =	vst v19  }
0x94: {  	v19 =	vld.idx.msk [tilespmem:v2+s15+$0x0], $0xffff;
	_ =	sdelay $0x4  }
0x95: {  	v19 =	vshll.u32 v19, $0x1  }
0x96: {  	v19 =	vor.u32 v3, v19  }
0x97: {  	[tilespmem:$0x11000] =	vst v19  }
0x98: {  	v19 =	vld.idx.msk [tilespmem:v4+s15+$0x0], $0xffff;
	_ =	sdelay $0x4  }
0x99: {  	v19 =	vshll.u32 v19, $0x1  }
0x9a: {  	v19 =	vor.u32 v3, v19  }
0x9b: {  	[tilespmem:$0x11010] =	vst v19  }
0x9c: {  	v19 =	vld.idx.msk [tilespmem:v5+s15+$0x0], $0xffff;
	_ =	sdelay $0x4  }
0x9d: {  	v19 =	vshll.u32 v19, $0x1  }
0x9e: {  	v19 =	vor.u32 v3, v19  }
0x9f: {  	[tilespmem:$0x11020] =	vst v19  }
0xa0: {  	v19 =	vld.idx.msk [tilespmem:v6+s15+$0x0], $0xffff;
	_ =	sdelay $0x4  }
0xa1: {  	v19 =	vshll.u32 v19, $0x1  }
0xa2: {  	v19 =	vor.u32 v3, v19  }
0xa3: {  	[tilespmem:$0x11030] =	vst v19  }
0xa4: {  	v19 =	vld.idx.msk [tilespmem:v7+s15+$0x0], $0xffff;
	_ =	sdelay $0x4  }
0xa5: {  	v19 =	vshll.u32 v19, $0x1  }
0xa6: {  	v19 =	vor.u32 v3, v19  }
0xa7: {  	[tilespmem:$0x11040] =	vst v19  }
0xa8: {  	v19 =	vld.idx.msk [tilespmem:v8+s15+$0x0], $0xffff;
	_ =	sdelay $0x4  }
0xa9: {  	v19 =	vshll.u32 v19, $0x1  }
0xaa: {  	v19 =	vor.u32 v3, v19  }
0xab: {  	[tilespmem:$0x11050] =	vst v19  }
0xac: {  	v19 =	vld.idx.msk [tilespmem:v9+s15+$0x0], $0xffff;
	_ =	sdelay $0x4  }
0xad: {  	v19 =	vshll.u32 v19, $0x1  }
0xae: {  	v19 =	vor.u32 v3, v19  }
0xaf: {  	[tilespmem:$0x11060] =	vst v19  }
0xb0: {  	v19 =	vld.idx.msk [tilespmem:v10+s15+$0x0], $0xffff;
	_ =	sdelay $0x4  }
0xb1: {  	v19 =	vshll.u32 v19, $0x1  }
0xb2: {  	v19 =	vor.u32 v3, v19  }
0xb3: {  	[tilespmem:$0x11070] =	vst v19  }
0xb4: {  	v19 =	vld.idx.msk [tilespmem:v11+s15+$0x0], $0xffff;
	_ =	sdelay $0x4  }
0xb5: {  	v19 =	vshll.u32 v19, $0x1  }
0xb6: {  	v19 =	vor.u32 v3, v19  }
0xb7: {  	[tilespmem:$0x11080] =	vst v19  }
0xb8: {  	v19 =	vld.idx.msk [tilespmem:v12+s15+$0x0], $0xffff;
	_ =	sdelay $0x4  }
0xb9: {  	v19 =	vshll.u32 v19, $0x1  }
0xba: {  	v19 =	vor.u32 v3, v19  }
0xbb: {  	[tilespmem:$0x11090] =	vst v19  }
0xbc: {  	v19 =	vld.idx.msk [tilespmem:v13+s15+$0x0], $0xffff;
	_ =	sdelay $0x4  }
0xbd: {  	v19 =	vshll.u32 v19, $0x1  }
0xbe: {  	v19 =	vor.u32 v3, v19  }
0xbf: {  	[tilespmem:$0x110A0] =	vst v19  }
0xc0: {  	v19 =	vld.idx.msk [tilespmem:v14+s15+$0x0], $0xffff;
	_ =	sdelay $0x4  }
0xc1: {  	v19 =	vshll.u32 v19, $0x1  }
0xc2: {  	v19 =	vor.u32 v3, v19  }
0xc3: {  	[tilespmem:$0x110B0] =	vst v19  }
0xc4: {  	v19 =	vld.idx.msk [tilespmem:v15+s15+$0x0], $0xffff;
	_ =	sdelay $0x4  }
0xc5: {  	v19 =	vshll.u32 v19, $0x1  }
0xc6: {  	v19 =	vor.u32 v3, v19  }
0xc7: {  	[tilespmem:$0x110C0] =	vst v19  }
0xc8: {  	v19 =	vld.idx.msk [tilespmem:v16+s15+$0x0], $0xffff;
	_ =	sdelay $0x4  }
0xc9: {  	v19 =	vshll.u32 v19, $0x1  }
0xca: {  	v19 =	vor.u32 v3, v19  }
0xcb: {  	[tilespmem:$0x110D0] =	vst v19  }
0xcc: {  	v19 =	vld.idx.msk [tilespmem:v17+s15+$0x0], $0xffff;
	_ =	sdelay $0x4  }
0xcd: {  	v19 =	vshll.u32 v19, $0x1  }
0xce: {  	v19 =	vor.u32 v3, v19  }
0xcf: {  	[tilespmem:$0x110E0] =	vst v19  }
0xd0: {  	v19 =	vld.idx.msk [tilespmem:v18+s15+$0x0], $0xffff;
	_ =	sdelay $0x4  }
0xd1: {  	v19 =	vshll.u32 v19, $0x1  }
0xd2: {  	v19 =	vor.u32 v3, v19  }
0xd3: {  	s10 =	simm.s32 $0x11400;
	s14 =	simm.s32 $0x11000;
	[tilespmem:$0x110F0] =	vst v19  }
0xd4: {  	[tilespmem:s10], [sflag:$0x1] =	stream.indirect.gather [hbm4b:s4+s16], $0x80, s15, s16, $0xb8;
	[tilespmem:$0x19480] =	vst v63  }
0xd5: {  	p0 =	slt.u32 s6, $0x7FFFFFFF;
	s9 =	sadd.s32 $0x1, s6;
	s10 =	simm.s32 $0x1  }
0xd6: {  	[tilespmem:s19], [sflag:$0x3] =	stream.indirect.gather [hbm4b:s1+s16], $0x1, s14, s16, $0xb8;
	[tilespmem:$0x19480] =	vst v63  }
0xd7: {  	s10 =	simm.s32 @!p0 $0x0;
	s14 =	sshra.s32 s9, $0x1F  }
0xd8: {  	s17 =	sand.u32 $0x1, s9;
	s10 =	sadd.s32 s10, s14  }
0xd9: {  	p1 =	seq.s32 s17, $0x1;
	p6 =	sne.s32 s10, $0x1  }
0xda: {  	s18 =	sshrl.u32 s9, $0x1F;
	p0 =	por !p6, !p1  }
0xdb: {  	s9 =	sadd.s32 s18, s9;
	s10 =	simm.s32 $0x1;
	p0 =	por !p0, !p0  }
0xdc: {  	s9 =	sshra.s32 s9, $0x1;
	s10 =	simm.s32 @!p0 $0x0  }
0xdd: {  	s9 =	ssub.s32 s9, s10  }
0xde: {  	p0 =	slt.s32 s9, $0x1  }
.Ltmp7:
0xdf: {  	_ = 	snop;
	(pc) =	sbr.rel @p0 .LBB2_19-.Ltmp7, $2  }
0xe0: {  	_ =	sdelay $0x2  }
0xe1: {  	[tilespmem:s21], [sflag:$0x3] =	stream.indirect.gather [hbm4b:s1+s16], $0x1, s20, s16, $0xb8;
	[tilespmem:$0x19480] =	vst v63  }
.Ltmp8:
0xe2: {  	(pc) =	sbr.rel .LBB2_9-.Ltmp8, $2  }
0xe3: {  	_ =	sdelay $0x2  }
0xe4: {  	v19 =	vmov s7;
	s10 =	simm.s32 $0x0  }
.LBB2_18:
0xe5: {  	s10 =	sadd.s32 $0x1, s10  }
0xe6: {  	p0 =	sne.s32 s10, s9  }
.Ltmp9:
0xe7: {  	_ = 	snop;
	(pc) =	sbr.rel @!p0 .LBB2_19-.Ltmp9, $1  }
0xe8: {  	_ =	sdelay $0x3  }
.LBB2_9:
0xe9: {  	s7 =	sshllo.u32 s10, $0x1  }
0xea: {  	p0 =	sge.s32 s7, s6  }
.Ltmp10:
0xeb: {  	_ = 	snop;
	(pc) =	sbr.rel @p0 .LBB2_11-.Ltmp10, $1  }
0xec: {  	_ =	sdelay $0x3  }
0xed: {  	s14 =	sshll.u32 s7, $0x7  }
0xee: {  	v20 =	vmov s14  }
0xef: {  	v20 =	vshrl.u32 v20, $0x7  }
0xf0: {  	v20 =	vshll.u32 v20, $0x7  }
0xf1: {  	v20 =	vbroadcast v20, $0x0;
	_ =	sdelay $0x1  }
0xf2: {  	v21 =	vor.u32 v2, v20;
	_ =	sdelay $0x4  }
0xf3: {  	v21 =	vld.idx.msk [tilespmem:v21+s15+$0x0], $0xffff;
	_ =	sdelay $0x2  }
0xf4: {  	v22 =	vor.u32 v4, v20;
	_ =	sdelay $0x1  }
0xf5: {  	v21 =	vshll.u32 v21, $0x1  }
0xf6: {  	v21 =	vor.u32 v3, v21  }
0xf7: {  	[tilespmem:$0x11100] =	vst v21  }
0xf8: {  	v21 =	vld.idx.msk [tilespmem:v22+s15+$0x0], $0xffff;
	_ =	sdelay $0x2  }
0xf9: {  	v51 =	vor.u32 v5, v20;
	_ =	sdelay $0x1  }
0xfa: {  	v21 =	vshll.u32 v21, $0x1  }
0xfb: {  	v21 =	vor.u32 v3, v21  }
0xfc: {  	[tilespmem:$0x11110] =	vst v21  }
0xfd: {  	v21 =	vld.idx.msk [tilespmem:v51+s15+$0x0], $0xffff;
	_ =	sdelay $0x2  }
0xfe: {  	v52 =	vor.u32 v6, v20;
	_ =	sdelay $0x1  }
0xff: {  	v21 =	vshll.u32 v21, $0x1  }
0x100: {  	v21 =	vor.u32 v3, v21  }
0x101: {  	[tilespmem:$0x11120] =	vst v21  }
0x102: {  	v21 =	vld.idx.msk [tilespmem:v52+s15+$0x0], $0xffff;
	_ =	sdelay $0x2  }
0x103: {  	v53 =	vor.u32 v7, v20;
	_ =	sdelay $0x1  }
0x104: {  	v21 =	vshll.u32 v21, $0x1  }
0x105: {  	v21 =	vor.u32 v3, v21  }
0x106: {  	[tilespmem:$0x11130] =	vst v21  }
0x107: {  	v21 =	vld.idx.msk [tilespmem:v53+s15+$0x0], $0xffff;
	_ =	sdelay $0x2  }
0x108: {  	v54 =	vor.u32 v8, v20;
	_ =	sdelay $0x1  }
0x109: {  	v21 =	vshll.u32 v21, $0x1  }
0x10a: {  	v21 =	vor.u32 v3, v21  }
0x10b: {  	[tilespmem:$0x11140] =	vst v21  }
0x10c: {  	v21 =	vld.idx.msk [tilespmem:v54+s15+$0x0], $0xffff;
	_ =	sdelay $0x2  }
0x10d: {  	v55 =	vor.u32 v9, v20;
	_ =	sdelay $0x1  }
0x10e: {  	v21 =	vshll.u32 v21, $0x1  }
0x10f: {  	v21 =	vor.u32 v3, v21  }
0x110: {  	[tilespmem:$0x11150] =	vst v21  }
0x111: {  	v21 =	vld.idx.msk [tilespmem:v55+s15+$0x0], $0xffff;
	_ =	sdelay $0x2  }
0x112: {  	v56 =	vor.u32 v10, v20;
	_ =	sdelay $0x1  }
0x113: {  	v21 =	vshll.u32 v21, $0x1  }
0x114: {  	v21 =	vor.u32 v3, v21  }
0x115: {  	[tilespmem:$0x11160] =	vst v21  }
0x116: {  	v21 =	vld.idx.msk [tilespmem:v56+s15+$0x0], $0xffff;
	_ =	sdelay $0x2  }
0x117: {  	v57 =	vor.u32 v11, v20;
	_ =	sdelay $0x1  }
0x118: {  	v21 =	vshll.u32 v21, $0x1  }
0x119: {  	v21 =	vor.u32 v3, v21  }
0x11a: {  	[tilespmem:$0x11170] =	vst v21  }
0x11b: {  	v21 =	vld.idx.msk [tilespmem:v57+s15+$0x0], $0xffff;
	_ =	sdelay $0x2  }
0x11c: {  	v58 =	vor.u32 v12, v20;
	_ =	sdelay $0x1  }
0x11d: {  	v21 =	vshll.u32 v21, $0x1  }
0x11e: {  	v21 =	vor.u32 v3, v21  }
0x11f: {  	[tilespmem:$0x11180] =	vst v21  }
0x120: {  	v21 =	vld.idx.msk [tilespmem:v58+s15+$0x0], $0xffff;
	_ =	sdelay $0x2  }
0x121: {  	v59 =	vor.u32 v13, v20;
	_ =	sdelay $0x1  }
0x122: {  	v21 =	vshll.u32 v21, $0x1  }
0x123: {  	v21 =	vor.u32 v3, v21  }
0x124: {  	[tilespmem:$0x11190] =	vst v21  }
0x125: {  	v21 =	vld.idx.msk [tilespmem:v59+s15+$0x0], $0xffff;
	_ =	sdelay $0x2  }
0x126: {  	v60 =	vor.u32 v14, v20;
	_ =	sdelay $0x1  }
0x127: {  	v21 =	vshll.u32 v21, $0x1  }
0x128: {  	v21 =	vor.u32 v3, v21  }
0x129: {  	[tilespmem:$0x111A0] =	vst v21  }
0x12a: {  	v21 =	vld.idx.msk [tilespmem:v60+s15+$0x0], $0xffff;
	_ =	sdelay $0x2  }
0x12b: {  	v61 =	vor.u32 v15, v20;
	_ =	sdelay $0x1  }
0x12c: {  	v21 =	vshll.u32 v21, $0x1  }
0x12d: {  	v21 =	vor.u32 v3, v21  }
0x12e: {  	[tilespmem:$0x111B0] =	vst v21  }
0x12f: {  	v21 =	vld.idx.msk [tilespmem:v61+s15+$0x0], $0xffff;
	_ =	sdelay $0x2  }
0x130: {  	v62 =	vor.u32 v16, v20;
	_ =	sdelay $0x1  }
0x131: {  	v21 =	vshll.u32 v21, $0x1  }
0x132: {  	v21 =	vor.u32 v3, v21  }
0x133: {  	[tilespmem:$0x111C0] =	vst v21  }
0x134: {  	v21 =	vld.idx.msk [tilespmem:v62+s15+$0x0], $0xffff;
	_ =	sdelay $0x2  }
0x135: {  	v63 =	vor.u32 v17, v20;
	_ =	sdelay $0x1  }
0x136: {  	v21 =	vshll.u32 v21, $0x1  }
0x137: {  	v21 =	vor.u32 v3, v21  }
0x138: {  	[tilespmem:$0x111D0] =	vst v21  }
0x139: {  	v21 =	vld.idx.msk [tilespmem:v63+s15+$0x0], $0xffff;
	_ =	sdelay $0x2  }
0x13a: {  	v20 =	vor.u32 v18, v20;
	_ =	sdelay $0x1  }
0x13b: {  	v21 =	vshll.u32 v21, $0x1  }
0x13c: {  	v21 =	vor.u32 v3, v21  }
0x13d: {  	[tilespmem:$0x111E0] =	vst v21  }
0x13e: {  	v20 =	vld.idx.msk [tilespmem:v20+s15+$0x0], $0xffff;
	_ =	sdelay $0x4  }
0x13f: {  	s18 =	sshll.u32 s7, $0x9;
	v20 =	vshll.u32 v20, $0x1  }
0x140: {  	s7 =	sshra.s32 s18, $0x2;
	v20 =	vor.u32 v3, v20  }
0x141: {  	s7 =	sadd.s32 $0x10900, s7;
	[tilespmem:$0x111F0] =	vst v20  }
0x142: {  	[tilespmem:s23], [sflag:$0x2] =	stream.indirect.gather [hbm4b:s4+s16], $0x80, s7, s16, $0xb8;
	[tilespmem:$0x19480] =	vst v63  }
0x143: {  	_ = 	snop  }
0x144: {  	[tilespmem:s25], [sflag:$0x4] =	stream.indirect.gather [hbm4b:s1+s16], $0x1, s24, s16, $0xb8;
	[tilespmem:$0x19480] =	vst v63  }
0x145: {  	_ = 	snop  }
0x146: {  	[tilespmem:s28], [sflag:$0x4] =	stream.indirect.gather [hbm4b:s1+s16], $0x1, s26, s16, $0xb8;
	[tilespmem:$0x19480] =	vst v63  }
.LBB2_11:
0x147: {  	_ =	swait.ge [sflag:s22], $0x4000  }
0x148: {  	[sflag:s22] =	ssyncset.done $0x0  }
0x149: {  	[sflag:s22] =	ssyncadd.s32 $0xFFFFC000  }
0x14a: {  	_ =	swait.ge [sflag:s29], $0x100  }
0x14b: {  	s14 =	sshll.u32 s10, $0x1;
	[sflag:s29] =	ssyncset.done $0x0  }
0x14c: {  	s7 =	simm.s32 $0x0;
	s17 =	simm.s32 $0x11600;
	[sflag:s29] =	ssyncadd.s32 $0xFFFFFF00  }
.LBB2_12:
0x14d: {  	s18 =	sshra.s32 s7, $0x2  }
0x14e: {  	v20 =	vld [tilespmem:s18+$0x11200];
	_ =	sdelay $0x4  }
0x14f: {  	v21 =	vand.u32 $0x7FF, v20;
	v20 =	vshrl.u32 v20, $0x7  }
0x150: {  	v21 =	vsub.s32 v21, v19;
	v20 =	vand.u32 $0x1FFFFF0, v20  }
0x151: {  	v20 =	vadd.s32 v21, v20  }
0x152: {  	vm0 =	vlt.u32 v21, $0x10;
	v20 =	vshll.u32 v20, $0x4  }
0x153: {  	v20 =	vnsel vm0, $0x4000, v20  }
0x154: {  	v26 =	vbroadcast v20, $0x0;
	_ =	sdelay $0x1  }
0x155: {  	v21 =	vor.u32 v0, v26  }
0x156: {  	v22 =	vld [tilespmem:s17+$0xFFFFFE00]  }
0x157: {  	v23 =	vld [tilespmem:s17+$0xFFFFFE10]  }
0x158: {  	v24 =	vld [tilespmem:s17+$0xFFFFFE20]  }
0x159: {  	v25 =	vld [tilespmem:s17+$0xFFFFFE30]  }
0x15a: {  	v26 =	vld.idx.msk [tilespmem:v21+s2+$0x0], $0xffff  }
0x15b: {  	v27 =	vld.idx.msk [tilespmem:v21+s30+$0x0], $0xffff  }
0x15c: {  	v28 =	vld.idx.msk [tilespmem:v21+s31+$0x0], $0xffff  }
0x15d: {  	v29 =	vld.idx.msk [tilespmem:v21+s0+$0x0], $0xffff;
	_ =	sdelay $0x1  }
0x15e: {  	v22 =	vmax.f32 v26, v22  }
0x15f: {  	v27 =	vmax.f32 v27, v23;
	[tilespmem:v21+s2+$0x0] =	vst.idx.msk $0xffff, v22  }
0x160: {  	v30 =	vbroadcast v20, $0x1;
	v28 =	vmax.f32 v28, v24;
	[tilespmem:v21+s30+$0x0] =	vst.idx.msk $0xffff, v27  }
0x161: {  	v31 =	vmax.f32 v29, v25;
	[tilespmem:v21+s31+$0x0] =	vst.idx.msk $0xffff, v28  }
0x162: {  	v32 =	vor.u32 v0, v30;
	[tilespmem:v21+s0+$0x0] =	vst.idx.msk $0xffff, v31  }
0x163: {  	v22 =	vld [tilespmem:s17+$0xFFFFFE40]  }
0x164: {  	v33 =	vld [tilespmem:s17+$0xFFFFFE50]  }
0x165: {  	v34 =	vld [tilespmem:s17+$0xFFFFFE60]  }
0x166: {  	v35 =	vld [tilespmem:s17+$0xFFFFFE70]  }
0x167: {  	v36 =	vld.idx.msk [tilespmem:v32+s2+$0x0], $0xffff  }
0x168: {  	v37 =	vld.idx.msk [tilespmem:v32+s30+$0x0], $0xffff  }
0x169: {  	v38 =	vld.idx.msk [tilespmem:v32+s31+$0x0], $0xffff  }
0x16a: {  	v39 =	vld.idx.msk [tilespmem:v32+s0+$0x0], $0xffff;
	_ =	sdelay $0x1  }
0x16b: {  	v22 =	vmax.f32 v36, v22  }
0x16c: {  	v40 =	vmax.f32 v37, v33;
	[tilespmem:v32+s2+$0x0] =	vst.idx.msk $0xffff, v22  }
0x16d: {  	v42 =	vbroadcast v20, $0x2;
	v41 =	vmax.f32 v38, v34;
	[tilespmem:v32+s30+$0x0] =	vst.idx.msk $0xffff, v40  }
0x16e: {  	v43 =	vmax.f32 v39, v35;
	[tilespmem:v32+s31+$0x0] =	vst.idx.msk $0xffff, v41  }
0x16f: {  	v44 =	vor.u32 v0, v42;
	[tilespmem:v32+s0+$0x0] =	vst.idx.msk $0xffff, v43  }
0x170: {  	v22 =	vld [tilespmem:s17+$0xFFFFFE80]  }
0x171: {  	v45 =	vld [tilespmem:s17+$0xFFFFFE90]  }
0x172: {  	v46 =	vld [tilespmem:s17+$0xFFFFFEA0]  }
0x173: {  	v47 =	vld [tilespmem:s17+$0xFFFFFEB0]  }
0x174: {  	v48 =	vld.idx.msk [tilespmem:v44+s2+$0x0], $0xffff  }
0x175: {  	v49 =	vld.idx.msk [tilespmem:v44+s30+$0x0], $0xffff  }
0x176: {  	v50 =	vld.idx.msk [tilespmem:v44+s31+$0x0], $0xffff  }
0x177: {  	v51 =	vld.idx.msk [tilespmem:v44+s0+$0x0], $0xffff;
	_ =	sdelay $0x1  }
0x178: {  	v22 =	vmax.f32 v48, v22  }
0x179: {  	v52 =	vmax.f32 v49, v45;
	[tilespmem:v44+s2+$0x0] =	vst.idx.msk $0xffff, v22  }
0x17a: {  	v54 =	vbroadcast v20, $0x3;
	v53 =	vmax.f32 v50, v46;
	[tilespmem:v44+s30+$0x0] =	vst.idx.msk $0xffff, v52  }
0x17b: {  	v55 =	vmax.f32 v51, v47;
	[tilespmem:v44+s31+$0x0] =	vst.idx.msk $0xffff, v53  }
0x17c: {  	v56 =	vor.u32 v0, v54;
	[tilespmem:v44+s0+$0x0] =	vst.idx.msk $0xffff, v55  }
0x17d: {  	v22 =	vld [tilespmem:s17+$0xFFFFFEC0]  }
0x17e: {  	v57 =	vld [tilespmem:s17+$0xFFFFFED0]  }
0x17f: {  	v58 =	vld [tilespmem:s17+$0xFFFFFEE0]  }
0x180: {  	v59 =	vld [tilespmem:s17+$0xFFFFFEF0]  }
0x181: {  	v60 =	vld.idx.msk [tilespmem:v56+s2+$0x0], $0xffff  }
0x182: {  	v61 =	vld.idx.msk [tilespmem:v56+s30+$0x0], $0xffff  }
0x183: {  	v62 =	vld.idx.msk [tilespmem:v56+s31+$0x0], $0xffff  }
0x184: {  	v63 =	vld.idx.msk [tilespmem:v56+s0+$0x0], $0xffff;
	_ =	sdelay $0x1  }
0x185: {  	v22 =	vmax.f32 v60, v22  }
0x186: {  	v27 =	vmax.f32 v61, v57;
	[tilespmem:v56+s2+$0x0] =	vst.idx.msk $0xffff, v22  }
0x187: {  	v30 =	vbroadcast v20, $0x4;
	v28 =	vmax.f32 v62, v58;
	[tilespmem:v56+s30+$0x0] =	vst.idx.msk $0xffff, v27  }
0x188: {  	v31 =	vmax.f32 v63, v59;
	[tilespmem:v56+s31+$0x0] =	vst.idx.msk $0xffff, v28  }
0x189: {  	v32 =	vor.u32 v0, v30;
	[tilespmem:v56+s0+$0x0] =	vst.idx.msk $0xffff, v31  }
0x18a: {  	v22 =	vld [tilespmem:s17+$0xFFFFFF00]  }
0x18b: {  	v33 =	vld [tilespmem:s17+$0xFFFFFF10]  }
0x18c: {  	v34 =	vld [tilespmem:s17+$0xFFFFFF20]  }
0x18d: {  	v35 =	vld [tilespmem:s17+$0xFFFFFF30]  }
0x18e: {  	v36 =	vld.idx.msk [tilespmem:v32+s2+$0x0], $0xffff  }
0x18f: {  	v37 =	vld.idx.msk [tilespmem:v32+s30+$0x0], $0xffff  }
0x190: {  	v38 =	vld.idx.msk [tilespmem:v32+s31+$0x0], $0xffff  }
0x191: {  	v39 =	vld.idx.msk [tilespmem:v32+s0+$0x0], $0xffff;
	_ =	sdelay $0x1  }
0x192: {  	v22 =	vmax.f32 v36, v22  }
0x193: {  	v40 =	vmax.f32 v37, v33;
	[tilespmem:v32+s2+$0x0] =	vst.idx.msk $0xffff, v22  }
0x194: {  	v42 =	vbroadcast v20, $0x5;
	v41 =	vmax.f32 v38, v34;
	[tilespmem:v32+s30+$0x0] =	vst.idx.msk $0xffff, v40  }
0x195: {  	v43 =	vmax.f32 v39, v35;
	[tilespmem:v32+s31+$0x0] =	vst.idx.msk $0xffff, v41  }
0x196: {  	v44 =	vor.u32 v0, v42;
	[tilespmem:v32+s0+$0x0] =	vst.idx.msk $0xffff, v43  }
0x197: {  	v22 =	vld [tilespmem:s17+$0xFFFFFF40]  }
0x198: {  	v45 =	vld [tilespmem:s17+$0xFFFFFF50]  }
0x199: {  	v46 =	vld [tilespmem:s17+$0xFFFFFF60]  }
0x19a: {  	v47 =	vld [tilespmem:s17+$0xFFFFFF70]  }
0x19b: {  	v48 =	vld.idx.msk [tilespmem:v44+s2+$0x0], $0xffff  }
0x19c: {  	v49 =	vld.idx.msk [tilespmem:v44+s30+$0x0], $0xffff  }
0x19d: {  	v50 =	vld.idx.msk [tilespmem:v44+s31+$0x0], $0xffff  }
0x19e: {  	v51 =	vld.idx.msk [tilespmem:v44+s0+$0x0], $0xffff;
	_ =	sdelay $0x1  }
0x19f: {  	v22 =	vmax.f32 v48, v22  }
0x1a0: {  	v52 =	vmax.f32 v49, v45;
	[tilespmem:v44+s2+$0x0] =	vst.idx.msk $0xffff, v22  }
0x1a1: {  	v54 =	vbroadcast v20, $0x6;
	v53 =	vmax.f32 v50, v46;
	[tilespmem:v44+s30+$0x0] =	vst.idx.msk $0xffff, v52  }
0x1a2: {  	v55 =	vmax.f32 v51, v47;
	[tilespmem:v44+s31+$0x0] =	vst.idx.msk $0xffff, v53  }
0x1a3: {  	v56 =	vor.u32 v0, v54;
	[tilespmem:v44+s0+$0x0] =	vst.idx.msk $0xffff, v55  }
0x1a4: {  	v22 =	vld [tilespmem:s17+$0xFFFFFF80]  }
0x1a5: {  	v57 =	vld [tilespmem:s17+$0xFFFFFF90]  }
0x1a6: {  	v58 =	vld [tilespmem:s17+$0xFFFFFFA0]  }
0x1a7: {  	v59 =	vld [tilespmem:s17+$0xFFFFFFB0]  }
0x1a8: {  	v60 =	vld.idx.msk [tilespmem:v56+s2+$0x0], $0xffff  }
0x1a9: {  	v61 =	vld.idx.msk [tilespmem:v56+s30+$0x0], $0xffff  }
0x1aa: {  	v62 =	vld.idx.msk [tilespmem:v56+s31+$0x0], $0xffff  }
0x1ab: {  	v63 =	vld.idx.msk [tilespmem:v56+s0+$0x0], $0xffff;
	_ =	sdelay $0x1  }
0x1ac: {  	v22 =	vmax.f32 v60, v22  }
0x1ad: {  	v27 =	vmax.f32 v61, v57;
	[tilespmem:v56+s2+$0x0] =	vst.idx.msk $0xffff, v22  }
0x1ae: {  	v30 =	vbroadcast v20, $0x7;
	v28 =	vmax.f32 v62, v58;
	[tilespmem:v56+s30+$0x0] =	vst.idx.msk $0xffff, v27  }
0x1af: {  	v31 =	vmax.f32 v63, v59;
	[tilespmem:v56+s31+$0x0] =	vst.idx.msk $0xffff, v28  }
0x1b0: {  	v32 =	vor.u32 v0, v30;
	[tilespmem:v56+s0+$0x0] =	vst.idx.msk $0xffff, v31  }
0x1b1: {  	v22 =	vld [tilespmem:s17+$0xFFFFFFC0]  }
0x1b2: {  	v33 =	vld [tilespmem:s17+$0xFFFFFFD0]  }
0x1b3: {  	v34 =	vld [tilespmem:s17+$0xFFFFFFE0]  }
0x1b4: {  	v35 =	vld [tilespmem:s17+$0xFFFFFFF0]  }
0x1b5: {  	v36 =	vld.idx.msk [tilespmem:v32+s2+$0x0], $0xffff  }
0x1b6: {  	v37 =	vld.idx.msk [tilespmem:v32+s30+$0x0], $0xffff  }
0x1b7: {  	v38 =	vld.idx.msk [tilespmem:v32+s31+$0x0], $0xffff  }
0x1b8: {  	v39 =	vld.idx.msk [tilespmem:v32+s0+$0x0], $0xffff;
	_ =	sdelay $0x1  }
0x1b9: {  	v22 =	vmax.f32 v36, v22  }
0x1ba: {  	v40 =	vmax.f32 v37, v33;
	[tilespmem:v32+s2+$0x0] =	vst.idx.msk $0xffff, v22  }
0x1bb: {  	v42 =	vbroadcast v20, $0x8;
	v41 =	vmax.f32 v38, v34;
	[tilespmem:v32+s30+$0x0] =	vst.idx.msk $0xffff, v40  }
0x1bc: {  	v43 =	vmax.f32 v39, v35;
	[tilespmem:v32+s31+$0x0] =	vst.idx.msk $0xffff, v41  }
0x1bd: {  	v44 =	vor.u32 v0, v42;
	[tilespmem:v32+s0+$0x0] =	vst.idx.msk $0xffff, v43  }
0x1be: {  	v22 =	vld [tilespmem:s17+$0x0]  }
0x1bf: {  	v45 =	vld [tilespmem:s17+$0x10]  }
0x1c0: {  	v46 =	vld [tilespmem:s17+$0x20]  }
0x1c1: {  	v47 =	vld [tilespmem:s17+$0x30]  }
0x1c2: {  	v48 =	vld.idx.msk [tilespmem:v44+s2+$0x0], $0xffff  }
0x1c3: {  	v49 =	vld.idx.msk [tilespmem:v44+s30+$0x0], $0xffff  }
0x1c4: {  	v50 =	vld.idx.msk [tilespmem:v44+s31+$0x0], $0xffff  }
0x1c5: {  	v51 =	vld.idx.msk [tilespmem:v44+s0+$0x0], $0xffff;
	_ =	sdelay $0x1  }
0x1c6: {  	v22 =	vmax.f32 v48, v22  }
0x1c7: {  	v52 =	vmax.f32 v49, v45;
	[tilespmem:v44+s2+$0x0] =	vst.idx.msk $0xffff, v22  }
0x1c8: {  	v54 =	vbroadcast v20, $0x9;
	v53 =	vmax.f32 v50, v46;
	[tilespmem:v44+s30+$0x0] =	vst.idx.msk $0xffff, v52  }
0x1c9: {  	v55 =	vmax.f32 v51, v47;
	[tilespmem:v44+s31+$0x0] =	vst.idx.msk $0xffff, v53  }
0x1ca: {  	v56 =	vor.u32 v0, v54;
	[tilespmem:v44+s0+$0x0] =	vst.idx.msk $0xffff, v55  }
0x1cb: {  	v22 =	vld [tilespmem:s17+$0x40]  }
0x1cc: {  	v57 =	vld [tilespmem:s17+$0x50]  }
0x1cd: {  	v58 =	vld [tilespmem:s17+$0x60]  }
0x1ce: {  	v59 =	vld [tilespmem:s17+$0x70]  }
0x1cf: {  	v60 =	vld.idx.msk [tilespmem:v56+s2+$0x0], $0xffff  }
0x1d0: {  	v61 =	vld.idx.msk [tilespmem:v56+s30+$0x0], $0xffff  }
0x1d1: {  	v62 =	vld.idx.msk [tilespmem:v56+s31+$0x0], $0xffff  }
0x1d2: {  	v63 =	vld.idx.msk [tilespmem:v56+s0+$0x0], $0xffff;
	_ =	sdelay $0x1  }
0x1d3: {  	v22 =	vmax.f32 v60, v22  }
0x1d4: {  	v27 =	vmax.f32 v61, v57;
	[tilespmem:v56+s2+$0x0] =	vst.idx.msk $0xffff, v22  }
0x1d5: {  	v30 =	vbroadcast v20, $0xA;
	v28 =	vmax.f32 v62, v58;
	[tilespmem:v56+s30+$0x0] =	vst.idx.msk $0xffff, v27  }
0x1d6: {  	v31 =	vmax.f32 v63, v59;
	[tilespmem:v56+s31+$0x0] =	vst.idx.msk $0xffff, v28  }
0x1d7: {  	v32 =	vor.u32 v0, v30;
	[tilespmem:v56+s0+$0x0] =	vst.idx.msk $0xffff, v31  }
0x1d8: {  	v22 =	vld [tilespmem:s17+$0x80]  }
0x1d9: {  	v33 =	vld [tilespmem:s17+$0x90]  }
0x1da: {  	v34 =	vld [tilespmem:s17+$0xA0]  }
0x1db: {  	v35 =	vld [tilespmem:s17+$0xB0]  }
0x1dc: {  	v36 =	vld.idx.msk [tilespmem:v32+s2+$0x0], $0xffff  }
0x1dd: {  	v37 =	vld.idx.msk [tilespmem:v32+s30+$0x0], $0xffff  }
0x1de: {  	v38 =	vld.idx.msk [tilespmem:v32+s31+$0x0], $0xffff  }
0x1df: {  	v39 =	vld.idx.msk [tilespmem:v32+s0+$0x0], $0xffff;
	_ =	sdelay $0x1  }
0x1e0: {  	v22 =	vmax.f32 v36, v22  }
0x1e1: {  	v40 =	vmax.f32 v37, v33;
	[tilespmem:v32+s2+$0x0] =	vst.idx.msk $0xffff, v22  }
0x1e2: {  	v42 =	vbroadcast v20, $0xB;
	v41 =	vmax.f32 v38, v34;
	[tilespmem:v32+s30+$0x0] =	vst.idx.msk $0xffff, v40  }
0x1e3: {  	v43 =	vmax.f32 v39, v35;
	[tilespmem:v32+s31+$0x0] =	vst.idx.msk $0xffff, v41  }
0x1e4: {  	v44 =	vor.u32 v0, v42;
	[tilespmem:v32+s0+$0x0] =	vst.idx.msk $0xffff, v43  }
0x1e5: {  	v22 =	vld [tilespmem:s17+$0xC0]  }
0x1e6: {  	v45 =	vld [tilespmem:s17+$0xD0]  }
0x1e7: {  	v46 =	vld [tilespmem:s17+$0xE0]  }
0x1e8: {  	v47 =	vld [tilespmem:s17+$0xF0]  }
0x1e9: {  	v48 =	vld.idx.msk [tilespmem:v44+s2+$0x0], $0xffff  }
0x1ea: {  	v49 =	vld.idx.msk [tilespmem:v44+s30+$0x0], $0xffff  }
0x1eb: {  	v50 =	vld.idx.msk [tilespmem:v44+s31+$0x0], $0xffff  }
0x1ec: {  	v51 =	vld.idx.msk [tilespmem:v44+s0+$0x0], $0xffff;
	_ =	sdelay $0x1  }
0x1ed: {  	v22 =	vmax.f32 v48, v22  }
0x1ee: {  	v52 =	vmax.f32 v49, v45;
	[tilespmem:v44+s2+$0x0] =	vst.idx.msk $0xffff, v22  }
0x1ef: {  	v54 =	vbroadcast v20, $0xC;
	v53 =	vmax.f32 v50, v46;
	[tilespmem:v44+s30+$0x0] =	vst.idx.msk $0xffff, v52  }
0x1f0: {  	v55 =	vmax.f32 v51, v47;
	[tilespmem:v44+s31+$0x0] =	vst.idx.msk $0xffff, v53  }
0x1f1: {  	v56 =	vor.u32 v0, v54;
	[tilespmem:v44+s0+$0x0] =	vst.idx.msk $0xffff, v55  }
0x1f2: {  	v22 =	vld [tilespmem:s17+$0x100]  }
0x1f3: {  	v57 =	vld [tilespmem:s17+$0x110]  }
0x1f4: {  	v58 =	vld [tilespmem:s17+$0x120]  }
0x1f5: {  	v59 =	vld [tilespmem:s17+$0x130]  }
0x1f6: {  	v60 =	vld.idx.msk [tilespmem:v56+s2+$0x0], $0xffff  }
0x1f7: {  	v61 =	vld.idx.msk [tilespmem:v56+s30+$0x0], $0xffff  }
0x1f8: {  	v62 =	vld.idx.msk [tilespmem:v56+s31+$0x0], $0xffff  }
0x1f9: {  	v63 =	vld.idx.msk [tilespmem:v56+s0+$0x0], $0xffff;
	_ =	sdelay $0x1  }
0x1fa: {  	v22 =	vmax.f32 v60, v22  }
0x1fb: {  	v27 =	vmax.f32 v61, v57;
	[tilespmem:v56+s2+$0x0] =	vst.idx.msk $0xffff, v22  }
0x1fc: {  	v30 =	vbroadcast v20, $0xD;
	v28 =	vmax.f32 v62, v58;
	[tilespmem:v56+s30+$0x0] =	vst.idx.msk $0xffff, v27  }
0x1fd: {  	v31 =	vmax.f32 v63, v59;
	[tilespmem:v56+s31+$0x0] =	vst.idx.msk $0xffff, v28  }
0x1fe: {  	v32 =	vor.u32 v0, v30;
	[tilespmem:v56+s0+$0x0] =	vst.idx.msk $0xffff, v31  }
0x1ff: {  	v22 =	vld [tilespmem:s17+$0x140]  }
0x200: {  	v33 =	vld [tilespmem:s17+$0x150]  }
0x201: {  	v34 =	vld [tilespmem:s17+$0x160]  }
0x202: {  	v35 =	vld [tilespmem:s17+$0x170]  }
0x203: {  	v36 =	vld.idx.msk [tilespmem:v32+s2+$0x0], $0xffff  }
0x204: {  	v37 =	vld.idx.msk [tilespmem:v32+s30+$0x0], $0xffff  }
0x205: {  	v38 =	vld.idx.msk [tilespmem:v32+s31+$0x0], $0xffff  }
0x206: {  	v39 =	vld.idx.msk [tilespmem:v32+s0+$0x0], $0xffff;
	_ =	sdelay $0x1  }
0x207: {  	v22 =	vmax.f32 v36, v22  }
0x208: {  	v40 =	vmax.f32 v37, v33;
	[tilespmem:v32+s2+$0x0] =	vst.idx.msk $0xffff, v22  }
0x209: {  	v42 =	vbroadcast v20, $0xE;
	v41 =	vmax.f32 v38, v34;
	[tilespmem:v32+s30+$0x0] =	vst.idx.msk $0xffff, v40  }
0x20a: {  	v43 =	vmax.f32 v39, v35;
	[tilespmem:v32+s31+$0x0] =	vst.idx.msk $0xffff, v41  }
0x20b: {  	v44 =	vor.u32 v0, v42;
	[tilespmem:v32+s0+$0x0] =	vst.idx.msk $0xffff, v43  }
0x20c: {  	v22 =	vld [tilespmem:s17+$0x180]  }
0x20d: {  	v45 =	vld [tilespmem:s17+$0x190]  }
0x20e: {  	v46 =	vld [tilespmem:s17+$0x1A0]  }
0x20f: {  	v47 =	vld [tilespmem:s17+$0x1B0]  }
0x210: {  	v48 =	vld.idx.msk [tilespmem:v44+s2+$0x0], $0xffff  }
0x211: {  	v49 =	vld.idx.msk [tilespmem:v44+s30+$0x0], $0xffff  }
0x212: {  	v50 =	vld.idx.msk [tilespmem:v44+s31+$0x0], $0xffff  }
0x213: {  	v51 =	vld.idx.msk [tilespmem:v44+s0+$0x0], $0xffff;
	_ =	sdelay $0x1  }
0x214: {  	v22 =	vmax.f32 v48, v22  }
0x215: {  	v52 =	vmax.f32 v49, v45;
	[tilespmem:v44+s2+$0x0] =	vst.idx.msk $0xffff, v22  }
0x216: {  	v20 =	vbroadcast v20, $0xF;
	v53 =	vmax.f32 v50, v46;
	[tilespmem:v44+s30+$0x0] =	vst.idx.msk $0xffff, v52  }
0x217: {  	v54 =	vmax.f32 v51, v47;
	[tilespmem:v44+s31+$0x0] =	vst.idx.msk $0xffff, v53  }
0x218: {  	v20 =	vor.u32 v0, v20;
	[tilespmem:v44+s0+$0x0] =	vst.idx.msk $0xffff, v54  }
0x219: {  	v21 =	vld [tilespmem:s17+$0x1C0]  }
0x21a: {  	v22 =	vld [tilespmem:s17+$0x1D0]  }
0x21b: {  	v55 =	vld [tilespmem:s17+$0x1E0]  }
0x21c: {  	v56 =	vld [tilespmem:s17+$0x1F0]  }
0x21d: {  	v57 =	vld.idx.msk [tilespmem:v20+s2+$0x0], $0xffff  }
0x21e: {  	v58 =	vld.idx.msk [tilespmem:v20+s30+$0x0], $0xffff  }
0x21f: {  	v59 =	vld.idx.msk [tilespmem:v20+s31+$0x0], $0xffff  }
0x220: {  	v60 =	vld.idx.msk [tilespmem:v20+s0+$0x0], $0xffff  }
0x221: {  	p1 =	sne.s32 s7, $0x3C0  }
.Ltmp11:
0x222: {  	v21 =	vmax.f32 v57, v21;
	(pc) =	sbr.rel @p1 .LBB2_12-.Ltmp11, $4  }
0x223: {  	v61 =	vmax.f32 v58, v22;
	[tilespmem:v20+s2+$0x0] =	vst.idx.msk $0xffff, v21  }
0x224: {  	v62 =	vmax.f32 v59, v55;
	[tilespmem:v20+s30+$0x0] =	vst.idx.msk $0xffff, v61  }
0x225: {  	v63 =	vmax.f32 v60, v56;
	[tilespmem:v20+s31+$0x0] =	vst.idx.msk $0xffff, v62  }
0x226: {  	s7 =	sadd.s32 $0x40, s7;
	s17 =	sadd.s32 $0x400, s17;
	[tilespmem:v20+s0+$0x0] =	vst.idx.msk $0xffff, v63  }
.Ltmp12:
0x227: {  	(pc) =	sbr.rel @p0 .LBB2_18-.Ltmp12, $1  }
0x228: {  	_ =	sdelay $0x3  }
0x229: {  	s7 =	sadd.s32 $0x2, s14  }
0x22a: {  	p0 =	sge.s32 s7, s6  }
.Ltmp13:
0x22b: {  	_ = 	snop;
	(pc) =	sbr.rel @p0 .LBB2_16-.Ltmp13, $1  }
0x22c: {  	_ =	sdelay $0x3  }
0x22d: {  	s14 =	sshll.u32 s7, $0x7  }
0x22e: {  	v20 =	vmov s14  }
0x22f: {  	v20 =	vshrl.u32 v20, $0x7  }
0x230: {  	v20 =	vshll.u32 v20, $0x7  }
0x231: {  	v20 =	vbroadcast v20, $0x0;
	_ =	sdelay $0x1  }
0x232: {  	v21 =	vor.u32 v2, v20;
	_ =	sdelay $0x4  }
0x233: {  	v21 =	vld.idx.msk [tilespmem:v21+s15+$0x0], $0xffff;
	_ =	sdelay $0x2  }
0x234: {  	v22 =	vor.u32 v4, v20;
	_ =	sdelay $0x1  }
0x235: {  	v21 =	vshll.u32 v21, $0x1  }
0x236: {  	v21 =	vor.u32 v3, v21  }
0x237: {  	[tilespmem:$0x11000] =	vst v21  }
0x238: {  	v21 =	vld.idx.msk [tilespmem:v22+s15+$0x0], $0xffff;
	_ =	sdelay $0x2  }
0x239: {  	v51 =	vor.u32 v5, v20;
	_ =	sdelay $0x1  }
0x23a: {  	v21 =	vshll.u32 v21, $0x1  }
0x23b: {  	v21 =	vor.u32 v3, v21  }
0x23c: {  	[tilespmem:$0x11010] =	vst v21  }
0x23d: {  	v21 =	vld.idx.msk [tilespmem:v51+s15+$0x0], $0xffff;
	_ =	sdelay $0x2  }
0x23e: {  	v52 =	vor.u32 v6, v20;
	_ =	sdelay $0x1  }
0x23f: {  	v21 =	vshll.u32 v21, $0x1  }
0x240: {  	v21 =	vor.u32 v3, v21  }
0x241: {  	[tilespmem:$0x11020] =	vst v21  }
0x242: {  	v21 =	vld.idx.msk [tilespmem:v52+s15+$0x0], $0xffff;
	_ =	sdelay $0x2  }
0x243: {  	v53 =	vor.u32 v7, v20;
	_ =	sdelay $0x1  }
0x244: {  	v21 =	vshll.u32 v21, $0x1  }
0x245: {  	v21 =	vor.u32 v3, v21  }
0x246: {  	[tilespmem:$0x11030] =	vst v21  }
0x247: {  	v21 =	vld.idx.msk [tilespmem:v53+s15+$0x0], $0xffff;
	_ =	sdelay $0x2  }
0x248: {  	v54 =	vor.u32 v8, v20;
	_ =	sdelay $0x1  }
0x249: {  	v21 =	vshll.u32 v21, $0x1  }
0x24a: {  	v21 =	vor.u32 v3, v21  }
0x24b: {  	[tilespmem:$0x11040] =	vst v21  }
0x24c: {  	v21 =	vld.idx.msk [tilespmem:v54+s15+$0x0], $0xffff;
	_ =	sdelay $0x2  }
0x24d: {  	v55 =	vor.u32 v9, v20;
	_ =	sdelay $0x1  }
0x24e: {  	v21 =	vshll.u32 v21, $0x1  }
0x24f: {  	v21 =	vor.u32 v3, v21  }
0x250: {  	[tilespmem:$0x11050] =	vst v21  }
0x251: {  	v21 =	vld.idx.msk [tilespmem:v55+s15+$0x0], $0xffff;
	_ =	sdelay $0x2  }
0x252: {  	v56 =	vor.u32 v10, v20;
	_ =	sdelay $0x1  }
0x253: {  	v21 =	vshll.u32 v21, $0x1  }
0x254: {  	v21 =	vor.u32 v3, v21  }
0x255: {  	[tilespmem:$0x11060] =	vst v21  }
0x256: {  	v21 =	vld.idx.msk [tilespmem:v56+s15+$0x0], $0xffff;
	_ =	sdelay $0x2  }
0x257: {  	v57 =	vor.u32 v11, v20;
	_ =	sdelay $0x1  }
0x258: {  	v21 =	vshll.u32 v21, $0x1  }
0x259: {  	v21 =	vor.u32 v3, v21  }
0x25a: {  	[tilespmem:$0x11070] =	vst v21  }
0x25b: {  	v21 =	vld.idx.msk [tilespmem:v57+s15+$0x0], $0xffff;
	_ =	sdelay $0x2  }
0x25c: {  	v58 =	vor.u32 v12, v20;
	_ =	sdelay $0x1  }
0x25d: {  	v21 =	vshll.u32 v21, $0x1  }
0x25e: {  	v21 =	vor.u32 v3, v21  }
0x25f: {  	[tilespmem:$0x11080] =	vst v21  }
0x260: {  	v21 =	vld.idx.msk [tilespmem:v58+s15+$0x0], $0xffff;
	_ =	sdelay $0x2  }
0x261: {  	v59 =	vor.u32 v13, v20;
	_ =	sdelay $0x1  }
0x262: {  	v21 =	vshll.u32 v21, $0x1  }
0x263: {  	v21 =	vor.u32 v3, v21  }
0x264: {  	[tilespmem:$0x11090] =	vst v21  }
0x265: {  	v21 =	vld.idx.msk [tilespmem:v59+s15+$0x0], $0xffff;
	_ =	sdelay $0x2  }
0x266: {  	v60 =	vor.u32 v14, v20;
	_ =	sdelay $0x1  }
0x267: {  	v21 =	vshll.u32 v21, $0x1  }
0x268: {  	v21 =	vor.u32 v3, v21  }
0x269: {  	[tilespmem:$0x110A0] =	vst v21  }
0x26a: {  	v21 =	vld.idx.msk [tilespmem:v60+s15+$0x0], $0xffff;
	_ =	sdelay $0x2  }
0x26b: {  	v61 =	vor.u32 v15, v20;
	_ =	sdelay $0x1  }
0x26c: {  	v21 =	vshll.u32 v21, $0x1  }
0x26d: {  	v21 =	vor.u32 v3, v21  }
0x26e: {  	[tilespmem:$0x110B0] =	vst v21  }
0x26f: {  	v21 =	vld.idx.msk [tilespmem:v61+s15+$0x0], $0xffff;
	_ =	sdelay $0x2  }
0x270: {  	v62 =	vor.u32 v16, v20;
	_ =	sdelay $0x1  }
0x271: {  	v21 =	vshll.u32 v21, $0x1  }
0x272: {  	v21 =	vor.u32 v3, v21  }
0x273: {  	[tilespmem:$0x110C0] =	vst v21  }
0x274: {  	v21 =	vld.idx.msk [tilespmem:v62+s15+$0x0], $0xffff;
	_ =	sdelay $0x2  }
0x275: {  	v63 =	vor.u32 v17, v20;
	_ =	sdelay $0x1  }
0x276: {  	v21 =	vshll.u32 v21, $0x1  }
0x277: {  	v21 =	vor.u32 v3, v21  }
0x278: {  	[tilespmem:$0x110D0] =	vst v21  }
0x279: {  	v21 =	vld.idx.msk [tilespmem:v63+s15+$0x0], $0xffff;
	_ =	sdelay $0x2  }
0x27a: {  	v20 =	vor.u32 v18, v20;
	_ =	sdelay $0x1  }
0x27b: {  	v21 =	vshll.u32 v21, $0x1  }
0x27c: {  	v21 =	vor.u32 v3, v21  }
0x27d: {  	[tilespmem:$0x110E0] =	vst v21  }
0x27e: {  	v20 =	vld.idx.msk [tilespmem:v20+s15+$0x0], $0xffff;
	_ =	sdelay $0x4  }
0x27f: {  	s14 =	sshll.u32 s7, $0x9;
	v20 =	vshll.u32 v20, $0x1  }
0x280: {  	s7 =	sshra.s32 s14, $0x2;
	v20 =	vor.u32 v3, v20  }
0x281: {  	s17 =	simm.s32 $0x11400;
	s7 =	sadd.s32 $0x10900, s7;
	[tilespmem:$0x110F0] =	vst v20  }
0x282: {  	[tilespmem:s17], [sflag:$0x1] =	stream.indirect.gather [hbm4b:s4+s16], $0x80, s7, s16, $0xb8;
	[tilespmem:$0x19480] =	vst v63  }
0x283: {  	s18 =	simm.s32 $0x11000  }
0x284: {  	[tilespmem:s19], [sflag:$0x3] =	stream.indirect.gather [hbm4b:s1+s16], $0x1, s18, s16, $0xb8;
	[tilespmem:$0x19480] =	vst v63  }
0x285: {  	_ = 	snop  }
0x286: {  	[tilespmem:s21], [sflag:$0x3] =	stream.indirect.gather [hbm4b:s1+s16], $0x1, s20, s16, $0xb8;
	[tilespmem:$0x19480] =	vst v63  }
.LBB2_16:
0x287: {  	_ =	swait.ge [sflag:s3], $0x4000  }
0x288: {  	[sflag:s3] =	ssyncset.done $0x0  }
0x289: {  	[sflag:s3] =	ssyncadd.s32 $0xFFFFC000  }
0x28a: {  	_ =	swait.ge [sflag:s11], $0x100  }
0x28b: {  	[sflag:s11] =	ssyncset.done $0x0  }
0x28c: {  	s7 =	simm.s32 $0x0;
	s14 =	simm.s32 $0x15600;
	[sflag:s11] =	ssyncadd.s32 $0xFFFFFF00  }
.LBB2_17:
0x28d: {  	s17 =	sshra.s32 s7, $0x2  }
0x28e: {  	v20 =	vld [tilespmem:s17+$0x11300];
	_ =	sdelay $0x4  }
0x28f: {  	v21 =	vand.u32 $0x7FF, v20;
	v20 =	vshrl.u32 v20, $0x7  }
0x290: {  	v21 =	vsub.s32 v21, v19;
	v20 =	vand.u32 $0x1FFFFF0, v20  }
0x291: {  	v20 =	vadd.s32 v21, v20  }
0x292: {  	vm0 =	vlt.u32 v21, $0x10;
	v20 =	vshll.u32 v20, $0x4  }
0x293: {  	v20 =	vnsel vm0, $0x4000, v20  }
0x294: {  	v26 =	vbroadcast v20, $0x0;
	_ =	sdelay $0x1  }
0x295: {  	v21 =	vor.u32 v0, v26  }
0x296: {  	v22 =	vld [tilespmem:s14+$0xFFFFFE00]  }
0x297: {  	v23 =	vld [tilespmem:s14+$0xFFFFFE10]  }
0x298: {  	v24 =	vld [tilespmem:s14+$0xFFFFFE20]  }
0x299: {  	v25 =	vld [tilespmem:s14+$0xFFFFFE30]  }
0x29a: {  	v26 =	vld.idx.msk [tilespmem:v21+s2+$0x0], $0xffff  }
0x29b: {  	v27 =	vld.idx.msk [tilespmem:v21+s30+$0x0], $0xffff  }
0x29c: {  	v28 =	vld.idx.msk [tilespmem:v21+s31+$0x0], $0xffff  }
0x29d: {  	v29 =	vld.idx.msk [tilespmem:v21+s0+$0x0], $0xffff;
	_ =	sdelay $0x1  }
0x29e: {  	v22 =	vmax.f32 v26, v22  }
0x29f: {  	v27 =	vmax.f32 v27, v23;
	[tilespmem:v21+s2+$0x0] =	vst.idx.msk $0xffff, v22  }
0x2a0: {  	v30 =	vbroadcast v20, $0x1;
	v28 =	vmax.f32 v28, v24;
	[tilespmem:v21+s30+$0x0] =	vst.idx.msk $0xffff, v27  }
0x2a1: {  	v31 =	vmax.f32 v29, v25;
	[tilespmem:v21+s31+$0x0] =	vst.idx.msk $0xffff, v28  }
0x2a2: {  	v32 =	vor.u32 v0, v30;
	[tilespmem:v21+s0+$0x0] =	vst.idx.msk $0xffff, v31  }
0x2a3: {  	v22 =	vld [tilespmem:s14+$0xFFFFFE40]  }
0x2a4: {  	v33 =	vld [tilespmem:s14+$0xFFFFFE50]  }
0x2a5: {  	v34 =	vld [tilespmem:s14+$0xFFFFFE60]  }
0x2a6: {  	v35 =	vld [tilespmem:s14+$0xFFFFFE70]  }
0x2a7: {  	v36 =	vld.idx.msk [tilespmem:v32+s2+$0x0], $0xffff  }
0x2a8: {  	v37 =	vld.idx.msk [tilespmem:v32+s30+$0x0], $0xffff  }
0x2a9: {  	v38 =	vld.idx.msk [tilespmem:v32+s31+$0x0], $0xffff  }
0x2aa: {  	v39 =	vld.idx.msk [tilespmem:v32+s0+$0x0], $0xffff;
	_ =	sdelay $0x1  }
0x2ab: {  	v22 =	vmax.f32 v36, v22  }
0x2ac: {  	v40 =	vmax.f32 v37, v33;
	[tilespmem:v32+s2+$0x0] =	vst.idx.msk $0xffff, v22  }
0x2ad: {  	v42 =	vbroadcast v20, $0x2;
	v41 =	vmax.f32 v38, v34;
	[tilespmem:v32+s30+$0x0] =	vst.idx.msk $0xffff, v40  }
0x2ae: {  	v43 =	vmax.f32 v39, v35;
	[tilespmem:v32+s31+$0x0] =	vst.idx.msk $0xffff, v41  }
0x2af: {  	v44 =	vor.u32 v0, v42;
	[tilespmem:v32+s0+$0x0] =	vst.idx.msk $0xffff, v43  }
0x2b0: {  	v22 =	vld [tilespmem:s14+$0xFFFFFE80]  }
0x2b1: {  	v45 =	vld [tilespmem:s14+$0xFFFFFE90]  }
0x2b2: {  	v46 =	vld [tilespmem:s14+$0xFFFFFEA0]  }
0x2b3: {  	v47 =	vld [tilespmem:s14+$0xFFFFFEB0]  }
0x2b4: {  	v48 =	vld.idx.msk [tilespmem:v44+s2+$0x0], $0xffff  }
0x2b5: {  	v49 =	vld.idx.msk [tilespmem:v44+s30+$0x0], $0xffff  }
0x2b6: {  	v50 =	vld.idx.msk [tilespmem:v44+s31+$0x0], $0xffff  }
0x2b7: {  	v51 =	vld.idx.msk [tilespmem:v44+s0+$0x0], $0xffff;
	_ =	sdelay $0x1  }
0x2b8: {  	v22 =	vmax.f32 v48, v22  }
0x2b9: {  	v52 =	vmax.f32 v49, v45;
	[tilespmem:v44+s2+$0x0] =	vst.idx.msk $0xffff, v22  }
0x2ba: {  	v54 =	vbroadcast v20, $0x3;
	v53 =	vmax.f32 v50, v46;
	[tilespmem:v44+s30+$0x0] =	vst.idx.msk $0xffff, v52  }
0x2bb: {  	v55 =	vmax.f32 v51, v47;
	[tilespmem:v44+s31+$0x0] =	vst.idx.msk $0xffff, v53  }
0x2bc: {  	v56 =	vor.u32 v0, v54;
	[tilespmem:v44+s0+$0x0] =	vst.idx.msk $0xffff, v55  }
0x2bd: {  	v22 =	vld [tilespmem:s14+$0xFFFFFEC0]  }
0x2be: {  	v57 =	vld [tilespmem:s14+$0xFFFFFED0]  }
0x2bf: {  	v58 =	vld [tilespmem:s14+$0xFFFFFEE0]  }
0x2c0: {  	v59 =	vld [tilespmem:s14+$0xFFFFFEF0]  }
0x2c1: {  	v60 =	vld.idx.msk [tilespmem:v56+s2+$0x0], $0xffff  }
0x2c2: {  	v61 =	vld.idx.msk [tilespmem:v56+s30+$0x0], $0xffff  }
0x2c3: {  	v62 =	vld.idx.msk [tilespmem:v56+s31+$0x0], $0xffff  }
0x2c4: {  	v63 =	vld.idx.msk [tilespmem:v56+s0+$0x0], $0xffff;
	_ =	sdelay $0x1  }
0x2c5: {  	v22 =	vmax.f32 v60, v22  }
0x2c6: {  	v27 =	vmax.f32 v61, v57;
	[tilespmem:v56+s2+$0x0] =	vst.idx.msk $0xffff, v22  }
0x2c7: {  	v30 =	vbroadcast v20, $0x4;
	v28 =	vmax.f32 v62, v58;
	[tilespmem:v56+s30+$0x0] =	vst.idx.msk $0xffff, v27  }
0x2c8: {  	v31 =	vmax.f32 v63, v59;
	[tilespmem:v56+s31+$0x0] =	vst.idx.msk $0xffff, v28  }
0x2c9: {  	v32 =	vor.u32 v0, v30;
	[tilespmem:v56+s0+$0x0] =	vst.idx.msk $0xffff, v31  }
0x2ca: {  	v22 =	vld [tilespmem:s14+$0xFFFFFF00]  }
0x2cb: {  	v33 =	vld [tilespmem:s14+$0xFFFFFF10]  }
0x2cc: {  	v34 =	vld [tilespmem:s14+$0xFFFFFF20]  }
0x2cd: {  	v35 =	vld [tilespmem:s14+$0xFFFFFF30]  }
0x2ce: {  	v36 =	vld.idx.msk [tilespmem:v32+s2+$0x0], $0xffff  }
0x2cf: {  	v37 =	vld.idx.msk [tilespmem:v32+s30+$0x0], $0xffff  }
0x2d0: {  	v38 =	vld.idx.msk [tilespmem:v32+s31+$0x0], $0xffff  }
0x2d1: {  	v39 =	vld.idx.msk [tilespmem:v32+s0+$0x0], $0xffff;
	_ =	sdelay $0x1  }
0x2d2: {  	v22 =	vmax.f32 v36, v22  }
0x2d3: {  	v40 =	vmax.f32 v37, v33;
	[tilespmem:v32+s2+$0x0] =	vst.idx.msk $0xffff, v22  }
0x2d4: {  	v42 =	vbroadcast v20, $0x5;
	v41 =	vmax.f32 v38, v34;
	[tilespmem:v32+s30+$0x0] =	vst.idx.msk $0xffff, v40  }
0x2d5: {  	v43 =	vmax.f32 v39, v35;
	[tilespmem:v32+s31+$0x0] =	vst.idx.msk $0xffff, v41  }
0x2d6: {  	v44 =	vor.u32 v0, v42;
	[tilespmem:v32+s0+$0x0] =	vst.idx.msk $0xffff, v43  }
0x2d7: {  	v22 =	vld [tilespmem:s14+$0xFFFFFF40]  }
0x2d8: {  	v45 =	vld [tilespmem:s14+$0xFFFFFF50]  }
0x2d9: {  	v46 =	vld [tilespmem:s14+$0xFFFFFF60]  }
0x2da: {  	v47 =	vld [tilespmem:s14+$0xFFFFFF70]  }
0x2db: {  	v48 =	vld.idx.msk [tilespmem:v44+s2+$0x0], $0xffff  }
0x2dc: {  	v49 =	vld.idx.msk [tilespmem:v44+s30+$0x0], $0xffff  }
0x2dd: {  	v50 =	vld.idx.msk [tilespmem:v44+s31+$0x0], $0xffff  }
0x2de: {  	v51 =	vld.idx.msk [tilespmem:v44+s0+$0x0], $0xffff;
	_ =	sdelay $0x1  }
0x2df: {  	v22 =	vmax.f32 v48, v22  }
0x2e0: {  	v52 =	vmax.f32 v49, v45;
	[tilespmem:v44+s2+$0x0] =	vst.idx.msk $0xffff, v22  }
0x2e1: {  	v54 =	vbroadcast v20, $0x6;
	v53 =	vmax.f32 v50, v46;
	[tilespmem:v44+s30+$0x0] =	vst.idx.msk $0xffff, v52  }
0x2e2: {  	v55 =	vmax.f32 v51, v47;
	[tilespmem:v44+s31+$0x0] =	vst.idx.msk $0xffff, v53  }
0x2e3: {  	v56 =	vor.u32 v0, v54;
	[tilespmem:v44+s0+$0x0] =	vst.idx.msk $0xffff, v55  }
0x2e4: {  	v22 =	vld [tilespmem:s14+$0xFFFFFF80]  }
0x2e5: {  	v57 =	vld [tilespmem:s14+$0xFFFFFF90]  }
0x2e6: {  	v58 =	vld [tilespmem:s14+$0xFFFFFFA0]  }
0x2e7: {  	v59 =	vld [tilespmem:s14+$0xFFFFFFB0]  }
0x2e8: {  	v60 =	vld.idx.msk [tilespmem:v56+s2+$0x0], $0xffff  }
0x2e9: {  	v61 =	vld.idx.msk [tilespmem:v56+s30+$0x0], $0xffff  }
0x2ea: {  	v62 =	vld.idx.msk [tilespmem:v56+s31+$0x0], $0xffff  }
0x2eb: {  	v63 =	vld.idx.msk [tilespmem:v56+s0+$0x0], $0xffff;
	_ =	sdelay $0x1  }
0x2ec: {  	v22 =	vmax.f32 v60, v22  }
0x2ed: {  	v27 =	vmax.f32 v61, v57;
	[tilespmem:v56+s2+$0x0] =	vst.idx.msk $0xffff, v22  }
0x2ee: {  	v30 =	vbroadcast v20, $0x7;
	v28 =	vmax.f32 v62, v58;
	[tilespmem:v56+s30+$0x0] =	vst.idx.msk $0xffff, v27  }
0x2ef: {  	v31 =	vmax.f32 v63, v59;
	[tilespmem:v56+s31+$0x0] =	vst.idx.msk $0xffff, v28  }
0x2f0: {  	v32 =	vor.u32 v0, v30;
	[tilespmem:v56+s0+$0x0] =	vst.idx.msk $0xffff, v31  }
0x2f1: {  	v22 =	vld [tilespmem:s14+$0xFFFFFFC0]  }
0x2f2: {  	v33 =	vld [tilespmem:s14+$0xFFFFFFD0]  }
0x2f3: {  	v34 =	vld [tilespmem:s14+$0xFFFFFFE0]  }
0x2f4: {  	v35 =	vld [tilespmem:s14+$0xFFFFFFF0]  }
0x2f5: {  	v36 =	vld.idx.msk [tilespmem:v32+s2+$0x0], $0xffff  }
0x2f6: {  	v37 =	vld.idx.msk [tilespmem:v32+s30+$0x0], $0xffff  }
0x2f7: {  	v38 =	vld.idx.msk [tilespmem:v32+s31+$0x0], $0xffff  }
0x2f8: {  	v39 =	vld.idx.msk [tilespmem:v32+s0+$0x0], $0xffff;
	_ =	sdelay $0x1  }
0x2f9: {  	v22 =	vmax.f32 v36, v22  }
0x2fa: {  	v40 =	vmax.f32 v37, v33;
	[tilespmem:v32+s2+$0x0] =	vst.idx.msk $0xffff, v22  }
0x2fb: {  	v42 =	vbroadcast v20, $0x8;
	v41 =	vmax.f32 v38, v34;
	[tilespmem:v32+s30+$0x0] =	vst.idx.msk $0xffff, v40  }
0x2fc: {  	v43 =	vmax.f32 v39, v35;
	[tilespmem:v32+s31+$0x0] =	vst.idx.msk $0xffff, v41  }
0x2fd: {  	v44 =	vor.u32 v0, v42;
	[tilespmem:v32+s0+$0x0] =	vst.idx.msk $0xffff, v43  }
0x2fe: {  	v22 =	vld [tilespmem:s14+$0x0]  }
0x2ff: {  	v45 =	vld [tilespmem:s14+$0x10]  }
0x300: {  	v46 =	vld [tilespmem:s14+$0x20]  }
0x301: {  	v47 =	vld [tilespmem:s14+$0x30]  }
0x302: {  	v48 =	vld.idx.msk [tilespmem:v44+s2+$0x0], $0xffff  }
0x303: {  	v49 =	vld.idx.msk [tilespmem:v44+s30+$0x0], $0xffff  }
0x304: {  	v50 =	vld.idx.msk [tilespmem:v44+s31+$0x0], $0xffff  }
0x305: {  	v51 =	vld.idx.msk [tilespmem:v44+s0+$0x0], $0xffff;
	_ =	sdelay $0x1  }
0x306: {  	v22 =	vmax.f32 v48, v22  }
0x307: {  	v52 =	vmax.f32 v49, v45;
	[tilespmem:v44+s2+$0x0] =	vst.idx.msk $0xffff, v22  }
0x308: {  	v54 =	vbroadcast v20, $0x9;
	v53 =	vmax.f32 v50, v46;
	[tilespmem:v44+s30+$0x0] =	vst.idx.msk $0xffff, v52  }
0x309: {  	v55 =	vmax.f32 v51, v47;
	[tilespmem:v44+s31+$0x0] =	vst.idx.msk $0xffff, v53  }
0x30a: {  	v56 =	vor.u32 v0, v54;
	[tilespmem:v44+s0+$0x0] =	vst.idx.msk $0xffff, v55  }
0x30b: {  	v22 =	vld [tilespmem:s14+$0x40]  }
0x30c: {  	v57 =	vld [tilespmem:s14+$0x50]  }
0x30d: {  	v58 =	vld [tilespmem:s14+$0x60]  }
0x30e: {  	v59 =	vld [tilespmem:s14+$0x70]  }
0x30f: {  	v60 =	vld.idx.msk [tilespmem:v56+s2+$0x0], $0xffff  }
0x310: {  	v61 =	vld.idx.msk [tilespmem:v56+s30+$0x0], $0xffff  }
0x311: {  	v62 =	vld.idx.msk [tilespmem:v56+s31+$0x0], $0xffff  }
0x312: {  	v63 =	vld.idx.msk [tilespmem:v56+s0+$0x0], $0xffff;
	_ =	sdelay $0x1  }
0x313: {  	v22 =	vmax.f32 v60, v22  }
0x314: {  	v27 =	vmax.f32 v61, v57;
	[tilespmem:v56+s2+$0x0] =	vst.idx.msk $0xffff, v22  }
0x315: {  	v30 =	vbroadcast v20, $0xA;
	v28 =	vmax.f32 v62, v58;
	[tilespmem:v56+s30+$0x0] =	vst.idx.msk $0xffff, v27  }
0x316: {  	v31 =	vmax.f32 v63, v59;
	[tilespmem:v56+s31+$0x0] =	vst.idx.msk $0xffff, v28  }
0x317: {  	v32 =	vor.u32 v0, v30;
	[tilespmem:v56+s0+$0x0] =	vst.idx.msk $0xffff, v31  }
0x318: {  	v22 =	vld [tilespmem:s14+$0x80]  }
0x319: {  	v33 =	vld [tilespmem:s14+$0x90]  }
0x31a: {  	v34 =	vld [tilespmem:s14+$0xA0]  }
0x31b: {  	v35 =	vld [tilespmem:s14+$0xB0]  }
0x31c: {  	v36 =	vld.idx.msk [tilespmem:v32+s2+$0x0], $0xffff  }
0x31d: {  	v37 =	vld.idx.msk [tilespmem:v32+s30+$0x0], $0xffff  }
0x31e: {  	v38 =	vld.idx.msk [tilespmem:v32+s31+$0x0], $0xffff  }
0x31f: {  	v39 =	vld.idx.msk [tilespmem:v32+s0+$0x0], $0xffff;
	_ =	sdelay $0x1  }
0x320: {  	v22 =	vmax.f32 v36, v22  }
0x321: {  	v40 =	vmax.f32 v37, v33;
	[tilespmem:v32+s2+$0x0] =	vst.idx.msk $0xffff, v22  }
0x322: {  	v42 =	vbroadcast v20, $0xB;
	v41 =	vmax.f32 v38, v34;
	[tilespmem:v32+s30+$0x0] =	vst.idx.msk $0xffff, v40  }
0x323: {  	v43 =	vmax.f32 v39, v35;
	[tilespmem:v32+s31+$0x0] =	vst.idx.msk $0xffff, v41  }
0x324: {  	v44 =	vor.u32 v0, v42;
	[tilespmem:v32+s0+$0x0] =	vst.idx.msk $0xffff, v43  }
0x325: {  	v22 =	vld [tilespmem:s14+$0xC0]  }
0x326: {  	v45 =	vld [tilespmem:s14+$0xD0]  }
0x327: {  	v46 =	vld [tilespmem:s14+$0xE0]  }
0x328: {  	v47 =	vld [tilespmem:s14+$0xF0]  }
0x329: {  	v48 =	vld.idx.msk [tilespmem:v44+s2+$0x0], $0xffff  }
0x32a: {  	v49 =	vld.idx.msk [tilespmem:v44+s30+$0x0], $0xffff  }
0x32b: {  	v50 =	vld.idx.msk [tilespmem:v44+s31+$0x0], $0xffff  }
0x32c: {  	v51 =	vld.idx.msk [tilespmem:v44+s0+$0x0], $0xffff;
	_ =	sdelay $0x1  }
0x32d: {  	v22 =	vmax.f32 v48, v22  }
0x32e: {  	v52 =	vmax.f32 v49, v45;
	[tilespmem:v44+s2+$0x0] =	vst.idx.msk $0xffff, v22  }
0x32f: {  	v54 =	vbroadcast v20, $0xC;
	v53 =	vmax.f32 v50, v46;
	[tilespmem:v44+s30+$0x0] =	vst.idx.msk $0xffff, v52  }
0x330: {  	v55 =	vmax.f32 v51, v47;
	[tilespmem:v44+s31+$0x0] =	vst.idx.msk $0xffff, v53  }
0x331: {  	v56 =	vor.u32 v0, v54;
	[tilespmem:v44+s0+$0x0] =	vst.idx.msk $0xffff, v55  }
0x332: {  	v22 =	vld [tilespmem:s14+$0x100]  }
0x333: {  	v57 =	vld [tilespmem:s14+$0x110]  }
0x334: {  	v58 =	vld [tilespmem:s14+$0x120]  }
0x335: {  	v59 =	vld [tilespmem:s14+$0x130]  }
0x336: {  	v60 =	vld.idx.msk [tilespmem:v56+s2+$0x0], $0xffff  }
0x337: {  	v61 =	vld.idx.msk [tilespmem:v56+s30+$0x0], $0xffff  }
0x338: {  	v62 =	vld.idx.msk [tilespmem:v56+s31+$0x0], $0xffff  }
0x339: {  	v63 =	vld.idx.msk [tilespmem:v56+s0+$0x0], $0xffff;
	_ =	sdelay $0x1  }
0x33a: {  	v22 =	vmax.f32 v60, v22  }
0x33b: {  	v27 =	vmax.f32 v61, v57;
	[tilespmem:v56+s2+$0x0] =	vst.idx.msk $0xffff, v22  }
0x33c: {  	v30 =	vbroadcast v20, $0xD;
	v28 =	vmax.f32 v62, v58;
	[tilespmem:v56+s30+$0x0] =	vst.idx.msk $0xffff, v27  }
0x33d: {  	v31 =	vmax.f32 v63, v59;
	[tilespmem:v56+s31+$0x0] =	vst.idx.msk $0xffff, v28  }
0x33e: {  	v32 =	vor.u32 v0, v30;
	[tilespmem:v56+s0+$0x0] =	vst.idx.msk $0xffff, v31  }
0x33f: {  	v22 =	vld [tilespmem:s14+$0x140]  }
0x340: {  	v33 =	vld [tilespmem:s14+$0x150]  }
0x341: {  	v34 =	vld [tilespmem:s14+$0x160]  }
0x342: {  	v35 =	vld [tilespmem:s14+$0x170]  }
0x343: {  	v36 =	vld.idx.msk [tilespmem:v32+s2+$0x0], $0xffff  }
0x344: {  	v37 =	vld.idx.msk [tilespmem:v32+s30+$0x0], $0xffff  }
0x345: {  	v38 =	vld.idx.msk [tilespmem:v32+s31+$0x0], $0xffff  }
0x346: {  	v39 =	vld.idx.msk [tilespmem:v32+s0+$0x0], $0xffff;
	_ =	sdelay $0x1  }
0x347: {  	v22 =	vmax.f32 v36, v22  }
0x348: {  	v40 =	vmax.f32 v37, v33;
	[tilespmem:v32+s2+$0x0] =	vst.idx.msk $0xffff, v22  }
0x349: {  	v42 =	vbroadcast v20, $0xE;
	v41 =	vmax.f32 v38, v34;
	[tilespmem:v32+s30+$0x0] =	vst.idx.msk $0xffff, v40  }
0x34a: {  	v43 =	vmax.f32 v39, v35;
	[tilespmem:v32+s31+$0x0] =	vst.idx.msk $0xffff, v41  }
0x34b: {  	v44 =	vor.u32 v0, v42;
	[tilespmem:v32+s0+$0x0] =	vst.idx.msk $0xffff, v43  }
0x34c: {  	v22 =	vld [tilespmem:s14+$0x180]  }
0x34d: {  	v45 =	vld [tilespmem:s14+$0x190]  }
0x34e: {  	v46 =	vld [tilespmem:s14+$0x1A0]  }
0x34f: {  	v47 =	vld [tilespmem:s14+$0x1B0]  }
0x350: {  	v48 =	vld.idx.msk [tilespmem:v44+s2+$0x0], $0xffff  }
0x351: {  	v49 =	vld.idx.msk [tilespmem:v44+s30+$0x0], $0xffff  }
0x352: {  	v50 =	vld.idx.msk [tilespmem:v44+s31+$0x0], $0xffff  }
0x353: {  	v51 =	vld.idx.msk [tilespmem:v44+s0+$0x0], $0xffff;
	_ =	sdelay $0x1  }
0x354: {  	v22 =	vmax.f32 v48, v22  }
0x355: {  	v52 =	vmax.f32 v49, v45;
	[tilespmem:v44+s2+$0x0] =	vst.idx.msk $0xffff, v22  }
0x356: {  	v20 =	vbroadcast v20, $0xF;
	v53 =	vmax.f32 v50, v46;
	[tilespmem:v44+s30+$0x0] =	vst.idx.msk $0xffff, v52  }
0x357: {  	v54 =	vmax.f32 v51, v47;
	[tilespmem:v44+s31+$0x0] =	vst.idx.msk $0xffff, v53  }
0x358: {  	v20 =	vor.u32 v0, v20;
	[tilespmem:v44+s0+$0x0] =	vst.idx.msk $0xffff, v54  }
0x359: {  	v21 =	vld [tilespmem:s14+$0x1C0]  }
0x35a: {  	v22 =	vld [tilespmem:s14+$0x1D0]  }
0x35b: {  	v55 =	vld [tilespmem:s14+$0x1E0]  }
0x35c: {  	v56 =	vld [tilespmem:s14+$0x1F0]  }
0x35d: {  	v57 =	vld.idx.msk [tilespmem:v20+s2+$0x0], $0xffff  }
0x35e: {  	v58 =	vld.idx.msk [tilespmem:v20+s30+$0x0], $0xffff  }
0x35f: {  	v59 =	vld.idx.msk [tilespmem:v20+s31+$0x0], $0xffff  }
0x360: {  	v60 =	vld.idx.msk [tilespmem:v20+s0+$0x0], $0xffff  }
0x361: {  	p0 =	sne.s32 s7, $0x3C0  }
.Ltmp14:
0x362: {  	v21 =	vmax.f32 v57, v21;
	(pc) =	sbr.rel @p0 .LBB2_17-.Ltmp14, $4  }
0x363: {  	v61 =	vmax.f32 v58, v22;
	[tilespmem:v20+s2+$0x0] =	vst.idx.msk $0xffff, v21  }
0x364: {  	v62 =	vmax.f32 v59, v55;
	[tilespmem:v20+s30+$0x0] =	vst.idx.msk $0xffff, v61  }
0x365: {  	v63 =	vmax.f32 v60, v56;
	[tilespmem:v20+s31+$0x0] =	vst.idx.msk $0xffff, v62  }
0x366: {  	s7 =	sadd.s32 $0x40, s7;
	s14 =	sadd.s32 $0x400, s14;
	[tilespmem:v20+s0+$0x0] =	vst.idx.msk $0xffff, v63  }
.Ltmp15:
0x367: {  	_ = 	snop;
	(pc) =	sbr.rel .LBB2_18-.Ltmp15, $1  }
0x368: {  	_ =	sdelay $0x3  }
.LBB2_22:
0x369: {  	_ =	sfence.sel $0x180000  }
0x36a: {  	[bflag:$0x0] =	sbarrier.arrive $0xFFFF  }
0x36b: {  	_ =	strace $0x9000004A  }
0x36c: {  	s0 =	stileid.u32;
	[bflag:$0x2] =	sbarrier.arrive $0xFFFF  }
0x36d: {  	p0 =	sne.s32 s0, $0x0;
	s0 =	rddreg [dreg:$0x2]  }
0x36e: {  	s0 =	sadd.s32 @!p0 $0x100000, s0  }
0x36f: {  	[sflag:s0] =	ssyncadd.tile.s32 @!p0 $0x1;
	_ =	shalt  }
.Lfunc_end2:
_tile_overlayer_lowered:
.L_overlay_start_2:
0x370: {  	(tag) =	ssettag $0x2  }
0x371: {  	s0 =	rddreg [dreg:$0x0];
	s2 =	stileid.u32  }
0x372: {  	s1 =	rddreg [dreg:$0x1];
	p0 =	sne.s32 s2, $0x0  }
0x373: {  	s3 =	rddreg [dreg:$0x2];
	[bflag:$0x3] =	sbarrier.arrive $0xFFFF;
	s2 =	simm.s32 @!p0 $0x1C05  }
0x374: {  	[timem:s3], [sflag:s2] =	dma.local @!p0 [hbm:s0], s1  }
0x375: {  	s0 =	simm.s32 @!p0 $0x5  }
0x376: {  	_ =	swait.ge @!p0 [sflag:s0], s1  }
0x377: {  	s1 =	ssub.s32 @!p0 $0x0, s1;
	[sflag:s0] =	ssyncset.done @!p0 $0x0  }
0x378: {  	[sflag:s0] =	ssyncadd.s32 @!p0 s1  }
0x379: {  	[bflag:$0x3] =	sbarrier.arrive $0xFFFF  }
0x37a: {  	_ =	shalt  }

// kernel: sparse-core-data-format-call.1.cloned.1.call-start
scs
called_computation.1_lowered:
.L_overlay_start_0:
0x0: {  	s1 =	sld [smem:$0x3FD9]  }
0x1: {  	s2 =	sld [smem:$0x3FFE];
	_ =	sdelay $0x1  }
0x2: {  	s3 =	srdreg.scid  }
0x3: {  	s0 =	sand.u32 $0x1, s3  }
0x4: {  	s17 =	sshll.u32 s0, $0xA;
	s1 =	sadd.s32 s2, s1  }
0x5: {  	s1 =	sadd.s32 s1, s17  }
0x6: {  	[smem:$0x3FC6] =	sst s1  }
0x7: {  	_ = 	snop  }
0x8: {  	(tm) =	ssettm $0x1  }
0x9: {  	s18 =	sld [smem:$0x3FFB];
	_ =	sdelay $0x3  }
0xa: {  	_ =	strace s18  }
0xb: {  	s1 =	sld [smem:$0x3FFC];
	_ =	sdelay $0x3  }
0xc: {  	_ =	strace s1  }
0xd: {  	s1 =	sld [smem:$0x3FFD];
	_ =	sdelay $0x3  }
0xe: {  	_ =	strace s1  }
0xf: {  	_ =	strace $0x8FFFFFFF  }
0x10: {  	s19 =	sld [smem:$0x3FDB];
	_ =	sdelay $0x1  }
0x11: {  	s20 =	simm.s32 $_scs_section_size  }
0x12: {  	s4 =	simm.s32 $_size__tile_overlayer_lowered;
	s5 =	simm.s32 $_tile_overlayer_lowered  }
0x13: {  	s23 =	simm.s32 $0x1BFF;
	s22 =	sshll.u32 s5, $0x1;
	s1 =	sadd.s32 s20, s19  }
0x14: {  	s6 =	simm.s32 $0x0;
	s21 =	sshll.u32 s4, $0x1;
	s4 =	sadd.s32 s22, s1  }
0x15: {  	[timem:s6], [sflag:s23] =	dma.local [hbm:s4], s21  }
0x16: {  	_ =	swait.ge [sflag:s23], s21  }
0x17: {  	s2 =	ssub.s32 $0x0, s21;
	[sflag:s23] =	ssyncset.done $0x0  }
0x18: {  	[sflag:s23] =	ssyncadd.s32 s2;
	_ =	sdelay $0x1  }
0x19: {  	s24 =	simm.s32 $0x1B8B  }
0x1a: {  	_ =	swait.ge [sflag:s24], $0x1  }
0x1b: {  	[sflag:s24] =	ssyncset.done $0x0  }
0x1c: {  	s26 =	simm.s32 $0x1B8E;
	s25 =	sld [smem:$0x3FFE];
	[sflag:s24] =	ssyncadd.s32 $0xFFFFFFFF  }
0x1d: {  	s27 =	simm.s32 $execute0_lowered;
	[smem:$0x3FD2] =	sst s26  }
0x1e: {  	s4 =	sshll.u32 s27, $0x1;
	_ =	strace $0x8000004C;
	[dreg:$0x1] =	wrdreg $0xFFFFFFFF  }
0x1f: {  	s28 =	simm.s32 $_size_execute0_lowered;
	s1 =	sadd.s32 s1, s4;
	[dreg:$0x0] =	wrdreg $0x0  }
0x20: {  	s4 =	sshll.u32 s28, $0x1;
	[dreg:$0x2] =	wrdreg s1  }
0x21: {  	[dreg:$0x3] =	wrdreg s4  }
0x22: {  	[dreg:$0x4] =	wrdreg $0xC0  }
0x23: {  	_ =	task [dreg:s6], $0x5FFFF  }
0x24: {  	[dreg:$0x1] =	wrdreg $0xFFFFFFFF  }
0x25: {  	[dreg:$0x0] =	wrdreg $0x60  }
0x26: {  	[dreg:$0x2] =	wrdreg s25  }
0x27: {  	[dreg:$0x3] =	wrdreg $0x9  }
0x28: {  	_ =	task.clear_ibuf [dreg:s6], $0x4FFFF;
	_ =	strace $0x9000004C  }
0x29: {  	s29 =	simm.s32 $0x9;
	_ =	strace $0x8000004E  }
0x2a: {  	_ =	swait.ge [sflag:s29], $0x1  }
0x2b: {  	[sflag:s29] =	ssyncadd.s32 $0xFFFFFFFF  }
0x2c: {  	_ =	strace $0x9000004E  }
0x2d: {  	_ =	sfence  }
0x2e: {  	s30 =	sld [smem:$0x0];
	_ =	sdelay $0x2  }
0x2f: {  	s31 =	sshll.u32 s3, $0xD;
	s3 =	sshrl.u32 s3, $0x2  }
0x30: {  	s2 =	sand.u32 $0x4000, s31;
	s1 =	sadd.s32 s3, s30  }
0x31: {  	s0 =	sor.u32 s2, s0;
	s1 =	sshll.u32 s1, $0x11  }
0x32: {  	s0 =	sor.u32 s1, s0  }
0x33: {  	s0 =	sadd.s32 $0x8F2B, s0  }
0x34: {  	[sflag:s0] =	ssyncadd.remote.s32 $0x1  }
0x35: {  	_ =	sfence.sel $0xFFFF  }
0x36: {  	[dreg:$0x0] =	wrdreg $0xFFFFFFFF;
	(pc) =	sbr.abs _section_cstart, $3  }
0x37: {  	[dreg:$0x1] =	wrdreg $0xFFFFFFFF  }
0x38: {  	_ =	task.clear_ibuf [dreg:s6], $0x2FFFF;
	_ =	strace $0x9FFFFFFF  }
0x39: {  	(tm) =	ssettm $0x7FFFFFFF  }
tec
execute0_lowered:
.L_overlay_start_1:
0x0: {  	(tag) =	ssettag $0x1  }
0x1: {  	s0 =	rddreg [dreg:$0x0];
	s1 =	srdreg.scid;
	_ =	strace $0x8000004D  }
0x2: {  	s3 =	stileid.u32;
	s21 =	simm.s32 $0x2;
	s2 =	sadd.s32 $0x201C00, s0  }
0x3: {  	s31 =	simm.s32 $0x0;
	s4 =	sadd.s32 $0x1201C00, s0;
	s22 =	sadd.s32 $0x1209C00, s0  }
0x4: {  	s29 =	simm.s32 $0x0;
	s23 =	sadd.s32 $0x1211C00, s0;
	s24 =	sadd.s32 $0x1219C00, s0  }
0x5: {  	s1 =	sshll.u32 s1, $0x4;
	s25 =	sadd.s32 $0x1221C00, s0;
	s11 =	sadd.s32 $0x1229C00, s0  }
0x6: {  	s5 =	sand.u32 $0x1, s3;
	s12 =	sadd.s32 $0x1231C00, s0;
	s13 =	sadd.s32 $0x1239C00, s0  }
0x7: {  	s14 =	sadd.s32 $0x1241C00, s0;
	s15 =	sadd.s32 $0x1249C00, s0;
	[dreg:$0x2] =	wrdreg s4  }
0x8: {  	s16 =	sadd.s32 $0x1251C00, s0;
	s17 =	sadd.s32 $0x1259C00, s0;
	[dreg:$0x3] =	wrdreg s22  }
0x9: {  	s18 =	sadd.s32 $0x1261C00, s0;
	s20 =	sadd.s32 $0x1269C00, s0;
	[dreg:$0x4] =	wrdreg s23  }
0xa: {  	s1 =	sand.u32 $0x10, s1;
	s4 =	simm.s32 $0x1;
	[dreg:$0x5] =	wrdreg s24  }
0xb: {  	[dreg:$0x6] =	wrdreg s25;
	s26 =	ssub.s32 $0x2, s5;
	s22 =	sadd.s32 $0x1279C00, s0  }
0xc: {  	s24 =	simm.s32 $0x40;
	s25 =	simm.s32 $0x80;
	s28 =	smov.u32 s5  }
.Ltmp0:
0xd: {  	s1 =	sor.u32 s3, s1;
	[sflag:s4] =	ssyncpa.u1 $0x0;
	(pc) =	sbr.rel .LBB1_1-.Ltmp0, $4  }
0xe: {  	s30 =	sshrl.u32 s26, $0x1;
	s6 =	sshrl.u32 s1, $0x1;
	s1 =	sand.u32 $0x1, s26  }
0xf: {  	[sflag:s21] =	ssyncpa.u1 $0x0;
	s21 =	sadd.s32 $0x1271C00, s0;
	s1 =	sadd.s32 s1, s30  }
0x10: {  	s0 =	simm.s32 $0x0;
	s26 =	simm.s32 $0x0;
	s19 =	sshll.u32 s1, $0x5  }
0x11: {  	s27 =	smov.u32 s6;
	s1 =	simm.s32 $0x0;
	s23 =	sor.u32 $0x1, s19  }
.LBB1_7:
0x12: {  	s3 =	sadd.s32 $0x1, s26  }
0x13: {  	s0 =	sadd.s32 $0x10, s27;
	s7 =	smov.u32 s27;
	p1 =	sgt.s32 s3, $0x3  }
0x14: {  	s7 =	smov.u32 @p1 s0  }
0x15: {  	s9 =	smov.u32 s28;
	s0 =	sadd.s32 $0x2, s28;
	p2 =	sgt.s32 s7, $0x7F  }
0x16: {  	s9 =	smov.u32 @p2 s0  }
0x17: {  	s3 =	simm.s32 @p1 $0x0;
	p1 =	sgt.s32 s9, $0x1  }
0x18: {  	p0 =	slt.u32 s29, $0x2;
	s9 =	smov.u32 @p1 s5;
	p1 =	sne.s32 s29, s23  }
.Ltmp1:
0x19: {  	s8 =	simm.s32 @!p0 $0x2;
	(pc) =	sbr.rel @!p1 .LBB1_8-.Ltmp1, $4  }
0x1a: {  	s31 =	smov.u32 s26;
	_ =	swait.ge @!p0 [sflag:s8], $0x4000  }
0x1b: {  	s1 =	smov.u32 s28;
	[sflag:s8] =	ssyncset.done @!p0 $0x0;
	s26 =	smov.u32 s3  }
0x1c: {  	s7 =	smov.u32 @p2 s6;
	s0 =	smov.u32 s27;
	[sflag:s8] =	ssyncadd.s32 @!p0 $0xFFFFC000  }
0x1d: {  	s27 =	smov.u32 s7;
	s29 =	sadd.s32 $0x1, s29;
	s28 =	smov.u32 s9  }
.LBB1_1:
0x1e: {  	p0 =	sge.u32 s29, s19  }
0x1f: {  	s30 =	sadd.s32 $0xFFFFFFFF, s29;
	s3 =	sxor.u32 @!p0 $0xFFFFFFFF, s29;
	s7 =	sshll.u32 @!p0 s28, $0x17  }
0x20: {  	s8 =	sshll.u32 @!p0 s27, $0x10;
	s3 =	sshll.u32 @!p0 s3, $0xE;
	s7 =	sadd.s32 @!p0 s2, s7  }
0x21: {  	s9 =	sshll.u32 @!p0 s26, $0xE;
	s3 =	sand.u32 @!p0 $0x4000, s3;
	s7 =	sadd.s32 @!p0 s8, s7  }
0x22: {  	s8 =	simm.s32 @!p0 $0x10;
	s7 =	sadd.s32 @!p0 s9, s7;
	s9 =	simm.s32 @!p0 $0x80  }
0x23: {  	[tilespmem:s3], [sflag:$0x1] =	stream.strided.gather @!p0 [hbm4b:s7+s8], $0x4000, s9, s8, $0x38;
	[tilespmem:$0x10200] =	vst v63  }
0x24: {  	p0 =	sge.u32 s30, s19  }
.Ltmp2:
0x25: {  	_ = 	snop;
	(pc) =	sbr.rel @p0 .LBB1_7-.Ltmp2, $1  }
0x26: {  	_ =	sdelay $0x3  }
0x27: {  	s3 =	sand.u32 $0x1, s29  }
0x28: {  	s7 =	smul.u32 $0x10400, s3  }
0x29: {  	_ =	swait.ge [sflag:s4], $0x4000  }
0x2a: {  	s8 =	simm.s32 $0x0;
	[sflag:s4] =	ssyncset.done $0x0;
	s30 =	sshrl.u32 s7, $0x2  }
0x2b: {  	[sflag:s4] =	ssyncadd.s32 $0xFFFFC000;
	s7 =	sshll.u32 s3, $0xE;
	s3 =	sor.u32 $0x8000, s30  }
.LBB1_3:
0x2c: {  	s9 =	sshll.u32 s8, $0x8  }
0x2d: {  	s9 =	sand.u32 $0x3FFFFF00, s9  }
0x2e: {  	s9 =	sadd.s32 s9, s7  }
0x2f: {  	v0 =	vmov s9;
	_ =	sdelay $0x1  }
0x30: {  	p0 =	por $0x1, $0x1;
	s9 =	simm.s32 $0x0  }
.LBB1_4:
0x31: {  	s10 =	sshll.u32 s9, $0x4  }
0x32: {  	s10 =	sand.u32 $0x3FFFFFF0, s10  }
0x33: {  	s9 =	smul.u32 $0x104, s9;
	v1 =	vld.idx.msk [tilespmem:v0+s10+$0x0 ss:$0x1], $0xffff  }
0x34: {  	v2 =	vld.idx.msk [tilespmem:v0+s10+$0x10 ss:$0x1], $0xffff  }
0x35: {  	s9 =	sshra.s32 s9, $0x2;
	v3 =	vld.idx.msk [tilespmem:v0+s10+$0x20 ss:$0x1], $0xffff  }
0x36: {  	v4 =	vld.idx.msk [tilespmem:v0+s10+$0x30 ss:$0x1], $0xffff;
	s9 =	sadd.s32 s9, s3  }
0x37: {  	v5 =	vld.idx.msk [tilespmem:v0+s10+$0x40 ss:$0x1], $0xffff;
	s9 =	sadd.s32 s8, s9  }
0x38: {  	[tilespmem:s9+$0x0 ss:$0x410] =	vst.msk $0xffff, v1;
	v1 =	vld.idx.msk [tilespmem:v0+s10+$0x50 ss:$0x1], $0xffff  }
0x39: {  	[tilespmem:s9+$0x41 ss:$0x410] =	vst.msk $0xffff, v2;
	v2 =	vld.idx.msk [tilespmem:v0+s10+$0x60 ss:$0x1], $0xffff  }
0x3a: {  	p1 =	por p0, p0;
	[tilespmem:s9+$0x82 ss:$0x410] =	vst.msk $0xffff, v3;
	v3 =	vld.idx.msk [tilespmem:v0+s10+$0x70 ss:$0x1], $0xffff  }
.Ltmp3:
0x3b: {  	[tilespmem:s9+$0xC3 ss:$0x410] =	vst.msk $0xffff, v4;
	(pc) =	sbr.rel @p1 .LBB1_4-.Ltmp3, $4  }
0x3c: {  	[tilespmem:s9+$0x104 ss:$0x410] =	vst.msk $0xffff, v5  }
0x3d: {  	[tilespmem:s9+$0x145 ss:$0x410] =	vst.msk $0xffff, v1  }
0x3e: {  	[tilespmem:s9+$0x186 ss:$0x410] =	vst.msk $0xffff, v2  }
0x3f: {  	p0 =	por $0x0, $0x0;
	[tilespmem:s9+$0x1C7 ss:$0x410] =	vst.msk $0xffff, v3;
	s9 =	simm.s32 $0x8  }
0x40: {  	s8 =	sadd.s32 $0x1, s8  }
0x41: {  	p0 =	sne.s32 s8, $0x40  }
.Ltmp4:
0x42: {  	_ = 	snop;
	(pc) =	sbr.rel @p0 .LBB1_3-.Ltmp4, $1  }
0x43: {  	_ =	sdelay $0x3  }
0x44: {  	s1 =	sshll.u32 s1, $0x15  }
0x45: {  	s7 =	sshll.u32 s31, $0x13;
	s0 =	sshll.u32 s0, $0x8;
	s31 =	rddreg [dreg:$0x2]  }
0x46: {  	s1 =	sadd.s32 s1, s7;
	s7 =	sadd.s32 s31, s0  }
0x47: {  	s8 =	rddreg [dreg:$0x3];
	s7 =	sadd.s32 s1, s7  }
0x48: {  	[hbm4b:s7+s24] =	stream.strided.scatter [tilespmem:s3], [sflag:$0x2], $0x400, s25, s24, $0x18;
	[tilespmem:$0x10200] =	vst v63  }
0x49: {  	s3 =	sadd.s32 s0, s8  }
0x4a: {  	s9 =	sadd.s32 $0x8410, s30;
	s10 =	rddreg [dreg:$0x4];
	s3 =	sadd.s32 s1, s3  }
0x4b: {  	[hbm4b:s3+s24] =	stream.strided.scatter [tilespmem:s9], [sflag:$0x2], $0x400, s25, s24, $0x18;
	[tilespmem:$0x10200] =	vst v63  }
0x4c: {  	s3 =	sadd.s32 s0, s10  }
0x4d: {  	s31 =	sadd.s32 $0x8820, s30;
	s8 =	rddreg [dreg:$0x5];
	s3 =	sadd.s32 s1, s3  }
0x4e: {  	[hbm4b:s3+s24] =	stream.strided.scatter [tilespmem:s31], [sflag:$0x2], $0x400, s25, s24, $0x18;
	[tilespmem:$0x10200] =	vst v63  }
0x4f: {  	s3 =	sadd.s32 s0, s8  }
0x50: {  	s9 =	sadd.s32 $0x8C30, s30;
	s10 =	rddreg [dreg:$0x6];
	s3 =	sadd.s32 s1, s3  }
0x51: {  	[hbm4b:s3+s24] =	stream.strided.scatter [tilespmem:s9], [sflag:$0x2], $0x400, s25, s24, $0x18;
	[tilespmem:$0x10200] =	vst v63  }
0x52: {  	s3 =	sadd.s32 s0, s10  }
0x53: {  	s31 =	sadd.s32 $0x9040, s30;
	s8 =	sadd.s32 s0, s11;
	s3 =	sadd.s32 s1, s3  }
0x54: {  	[hbm4b:s3+s24] =	stream.strided.scatter [tilespmem:s31], [sflag:$0x2], $0x400, s25, s24, $0x18;
	[tilespmem:$0x10200] =	vst v63  }
0x55: {  	s9 =	sadd.s32 $0x9450, s30;
	s10 =	sadd.s32 s0, s12;
	s3 =	sadd.s32 s1, s8  }
0x56: {  	[hbm4b:s3+s24] =	stream.strided.scatter [tilespmem:s9], [sflag:$0x2], $0x400, s25, s24, $0x18;
	[tilespmem:$0x10200] =	vst v63  }
0x57: {  	s31 =	sadd.s32 $0x9860, s30;
	s8 =	sadd.s32 s0, s13;
	s3 =	sadd.s32 s1, s10  }
0x58: {  	[hbm4b:s3+s24] =	stream.strided.scatter [tilespmem:s31], [sflag:$0x2], $0x400, s25, s24, $0x18;
	[tilespmem:$0x10200] =	vst v63  }
0x59: {  	s9 =	sadd.s32 $0x9C70, s30;
	s10 =	sadd.s32 s0, s14;
	s3 =	sadd.s32 s1, s8  }
0x5a: {  	[hbm4b:s3+s24] =	stream.strided.scatter [tilespmem:s9], [sflag:$0x2], $0x400, s25, s24, $0x18;
	[tilespmem:$0x10200] =	vst v63  }
0x5b: {  	s31 =	sadd.s32 $0xA080, s30;
	s8 =	sadd.s32 s0, s15;
	s3 =	sadd.s32 s1, s10  }
0x5c: {  	[hbm4b:s3+s24] =	stream.strided.scatter [tilespmem:s31], [sflag:$0x2], $0x400, s25, s24, $0x18;
	[tilespmem:$0x10200] =	vst v63  }
0x5d: {  	s9 =	sadd.s32 $0xA490, s30;
	s10 =	sadd.s32 s0, s16;
	s3 =	sadd.s32 s1, s8  }
0x5e: {  	[hbm4b:s3+s24] =	stream.strided.scatter [tilespmem:s9], [sflag:$0x2], $0x400, s25, s24, $0x18;
	[tilespmem:$0x10200] =	vst v63  }
0x5f: {  	s31 =	sadd.s32 $0xA8A0, s30;
	s8 =	sadd.s32 s0, s17;
	s3 =	sadd.s32 s1, s10  }
0x60: {  	[hbm4b:s3+s24] =	stream.strided.scatter [tilespmem:s31], [sflag:$0x2], $0x400, s25, s24, $0x18;
	[tilespmem:$0x10200] =	vst v63  }
0x61: {  	s9 =	sadd.s32 $0xACB0, s30;
	s10 =	sadd.s32 s0, s18;
	s3 =	sadd.s32 s1, s8  }
0x62: {  	[hbm4b:s3+s24] =	stream.strided.scatter [tilespmem:s9], [sflag:$0x2], $0x400, s25, s24, $0x18;
	[tilespmem:$0x10200] =	vst v63  }
0x63: {  	s7 =	sadd.s32 s0, s20;
	s31 =	sadd.s32 $0xB0C0, s30;
	s3 =	sadd.s32 s1, s10  }
0x64: {  	[hbm4b:s3+s24] =	stream.strided.scatter [tilespmem:s31], [sflag:$0x2], $0x400, s25, s24, $0x18;
	[tilespmem:$0x10200] =	vst v63  }
0x65: {  	s8 =	sadd.s32 $0xB4D0, s30;
	s3 =	sadd.s32 s1, s7  }
0x66: {  	[hbm4b:s3+s24] =	stream.strided.scatter [tilespmem:s8], [sflag:$0x2], $0x400, s25, s24, $0x18;
	[tilespmem:$0x10200] =	vst v63  }
.Ltmp5:
0x67: {  	s9 =	sadd.s32 s0, s21;
	(pc) =	sbr.rel .LBB1_7-.Ltmp5, $4  }
0x68: {  	s10 =	sadd.s32 $0xB8E0, s30;
	s0 =	sadd.s32 s0, s22;
	s3 =	sadd.s32 s1, s9  }
0x69: {  	[hbm4b:s3+s24] =	stream.strided.scatter [tilespmem:s10], [sflag:$0x2], $0x400, s25, s24, $0x18;
	[tilespmem:$0x10200] =	vst v63  }
0x6a: {  	s0 =	sadd.s32 s1, s0;
	s31 =	sadd.s32 $0xBCF0, s30  }
0x6b: {  	[hbm4b:s0+s24] =	stream.strided.scatter [tilespmem:s31], [sflag:$0x2], $0x400, s25, s24, $0x18;
	[tilespmem:$0x10200] =	vst v63  }
.LBB1_8:
0x6c: {  	_ =	sfence.sel $0x180000  }
0x6d: {  	s0 =	simm.s32 $0x1;
	[bflag:$0x0] =	sbarrier.arrive $0xFFFF  }
0x6e: {  	s30 =	simm.s32 $0x2;
	[sflag:s0] =	ssyncpa.u1 $0x1  }
0x6f: {  	[sflag:s30] =	ssyncpa.u1 $0x1  }
0x70: {  	_ =	strace $0x9000004D  }
0x71: {  	s31 =	stileid.u32;
	[bflag:$0x2] =	sbarrier.arrive $0xFFFF  }
0x72: {  	p0 =	sne.s32 s31, $0x0;
	s0 =	rddreg [dreg:$0x1]  }
0x73: {  	s0 =	sadd.s32 @!p0 $0x100000, s0  }
0x74: {  	[sflag:s0] =	ssyncadd.tile.s32 @!p0 $0x1;
	_ =	shalt  }
.Lfunc_end1:
_tile_overlayer_lowered:
.L_overlay_start_2:
0x75: {  	(tag) =	ssettag $0x2  }
0x76: {  	s0 =	rddreg [dreg:$0x0];
	s2 =	stileid.u32  }
0x77: {  	s1 =	rddreg [dreg:$0x1];
	p0 =	sne.s32 s2, $0x0  }
0x78: {  	s3 =	rddreg [dreg:$0x2];
	[bflag:$0x3] =	sbarrier.arrive $0xFFFF;
	s2 =	simm.s32 @!p0 $0x1C01  }
0x79: {  	[timem:s3], [sflag:s2] =	dma.local @!p0 [hbm:s0], s1  }
0x7a: {  	s0 =	simm.s32 @!p0 $0x1  }
0x7b: {  	_ =	swait.ge @!p0 [sflag:s0], s1  }
0x7c: {  	s1 =	ssub.s32 @!p0 $0x0, s1;
	[sflag:s0] =	ssyncset.done @!p0 $0x0  }
0x7d: {  	[sflag:s0] =	ssyncadd.s32 @!p0 s1  }
0x7e: {  	[bflag:$0x3] =	sbarrier.arrive $0xFFFF  }
0x7f: {  	_ =	shalt  }

// kernel: sparse-core-data-format-call.2.cloned.1.call-start
scs
called_computation.2_lowered:
.L_overlay_start_0:
0x0: {  	s2 =	sld [smem:$0x3FD9]  }
0x1: {  	s3 =	sld [smem:$0x3FFE];
	_ =	sdelay $0x1  }
0x2: {  	s1 =	srdreg.scid  }
0x3: {  	s0 =	sand.u32 $0x1, s1  }
0x4: {  	s18 =	sshll.u32 s0, $0xA;
	s2 =	sadd.s32 s3, s2  }
0x5: {  	s2 =	sadd.s32 s2, s18  }
0x6: {  	[smem:$0x3FC6] =	sst s2  }
0x7: {  	_ = 	snop  }
0x8: {  	s2 =	sld [smem:$0x3FC9];
	(tm) =	ssettm $0x1  }
0x9: {  	s19 =	sld [smem:$0x3FFB];
	_ =	sdelay $0x3  }
0xa: {  	_ =	strace s19  }
0xb: {  	s3 =	sld [smem:$0x3FFC];
	_ =	sdelay $0x3  }
0xc: {  	_ =	strace s3  }
0xd: {  	s3 =	sld [smem:$0x3FFD];
	_ =	sdelay $0x3  }
0xe: {  	_ =	strace s3  }
0xf: {  	_ =	strace $0x8FFFFFFF  }
0x10: {  	s20 =	sld [smem:$0x3FDB];
	_ =	sdelay $0x1  }
0x11: {  	s4 =	simm.s32 $_scs_section_size  }
0x12: {  	s5 =	simm.s32 $_size__tile_overlayer_lowered;
	s6 =	simm.s32 $_tile_overlayer_lowered  }
0x13: {  	s23 =	simm.s32 $0x1BFF;
	s22 =	sshll.u32 s6, $0x1;
	s3 =	sadd.s32 s4, s20  }
0x14: {  	s7 =	simm.s32 $0x0;
	s21 =	sshll.u32 s5, $0x1;
	s5 =	sadd.s32 s22, s3  }
0x15: {  	[timem:s7], [sflag:s23] =	dma.local [hbm:s5], s21  }
0x16: {  	_ =	swait.ge [sflag:s23], s21  }
0x17: {  	s4 =	ssub.s32 $0x0, s21;
	[sflag:s23] =	ssyncset.done $0x0  }
0x18: {  	[sflag:s23] =	ssyncadd.s32 s4;
	_ =	sdelay $0x1  }
0x19: {  	s24 =	simm.s32 $0x1B8B  }
0x1a: {  	_ =	swait.ge [sflag:s24], $0x1  }
0x1b: {  	[sflag:s24] =	ssyncset.done $0x0  }
0x1c: {  	s26 =	simm.s32 $0x1B8E;
	s25 =	sld [smem:$0x3FFE];
	[sflag:s24] =	ssyncadd.s32 $0xFFFFFFFF  }
0x1d: {  	s27 =	simm.s32 $execute0_lowered;
	[smem:$0x3FD2] =	sst s26  }
0x1e: {  	s5 =	sshll.u32 s27, $0x1;
	_ =	strace $0x80000046;
	[dreg:$0x1] =	wrdreg $0xFFFFFFFF  }
0x1f: {  	s28 =	simm.s32 $_size_execute0_lowered;
	s3 =	sadd.s32 s3, s5;
	[dreg:$0x0] =	wrdreg $0x0  }
0x20: {  	s5 =	sshll.u32 s28, $0x1;
	[dreg:$0x2] =	wrdreg s3  }
0x21: {  	[dreg:$0x3] =	wrdreg s5  }
0x22: {  	[dreg:$0x4] =	wrdreg $0xC0  }
0x23: {  	_ =	task [dreg:s7], $0x5FFFF  }
0x24: {  	[dreg:$0x1] =	wrdreg $0xFFFFFFFF  }
0x25: {  	[dreg:$0x0] =	wrdreg $0x60  }
0x26: {  	[dreg:$0x2] =	wrdreg s2  }
0x27: {  	[dreg:$0x3] =	wrdreg s25  }
0x28: {  	[dreg:$0x4] =	wrdreg $0x9  }
0x29: {  	_ =	task.clear_ibuf [dreg:s7], $0x5FFFF;
	_ =	strace $0x90000046  }
0x2a: {  	s29 =	simm.s32 $0x9;
	_ =	strace $0x80000048  }
0x2b: {  	_ =	swait.ge [sflag:s29], $0x1  }
0x2c: {  	[sflag:s29] =	ssyncadd.s32 $0xFFFFFFFF  }
0x2d: {  	_ =	strace $0x90000048  }
0x2e: {  	_ =	sfence  }
0x2f: {  	s30 =	sld [smem:$0x0];
	_ =	sdelay $0x2  }
0x30: {  	s31 =	sshll.u32 s1, $0xD;
	s1 =	sshrl.u32 s1, $0x2  }
0x31: {  	s3 =	sand.u32 $0x4000, s31;
	s1 =	sadd.s32 s1, s30  }
0x32: {  	s0 =	sor.u32 s3, s0;
	s1 =	sshll.u32 s1, $0x11  }
0x33: {  	s0 =	sor.u32 s1, s0  }
0x34: {  	s0 =	sadd.s32 $0x8F2B, s0  }
0x35: {  	[sflag:s0] =	ssyncadd.remote.s32 $0x1  }
0x36: {  	_ =	sfence.sel $0xFFFF  }
0x37: {  	[dreg:$0x0] =	wrdreg $0xFFFFFFFF;
	(pc) =	sbr.abs _section_cstart, $3  }
0x38: {  	[dreg:$0x1] =	wrdreg $0xFFFFFFFF  }
0x39: {  	_ =	task.clear_ibuf [dreg:s7], $0x2FFFF;
	_ =	strace $0x9FFFFFFF  }
0x3a: {  	(tm) =	ssettm $0x7FFFFFFF  }
0x3b: {  	_ =	shalt  }
tec
execute0_lowered:
.L_overlay_start_1:
0x0: {  	(tag) =	ssettag $0x1  }
0x1: {  	s1 =	srdreg.scid;
	s2 =	rddreg [dreg:$0x0]  }
0x2: {  	s0 =	stileid.u32;
	s8 =	rddreg [dreg:$0x1];
	s31 =	simm.s32 $0x2  }
0x3: {  	s18 =	simm.s32 $0x0;
	s10 =	simm.s32 $0x80;
	s1 =	sshll.u32 s1, $0x4  }
0x4: {  	s17 =	simm.s32 $0x0;
	s16 =	simm.s32 $0x0;
	s1 =	sor.u32 s0, s1  }
0x5: {  	s19 =	simm.s32 $0x0;
	s3 =	sand.u32 $0x1, s0;
	s1 =	sand.u32 $0x1E, s1  }
0x6: {  	s11 =	simm.s32 $0x0;
	s5 =	ssub.s32 $0x2, s3;
	s4 =	ssub.s32 $0x200, s1  }
0x7: {  	s13 =	simm.s32 $0x0;
	s7 =	sshrl.u32 s5, $0x1;
	s6 =	sand.u32 $0x1E, s4  }
0x8: {  	s5 =	sand.u32 $0x1, s5;
	p0 =	sne.s32 s6, $0x0;
	s6 =	simm.s32 $0x1  }
0x9: {  	s7 =	sadd.s32 s5, s7;
	s9 =	sshrl.u32 s4, $0x5;
	s6 =	simm.s32 @!p0 $0x0  }
.Ltmp0:
0xa: {  	s5 =	simm.s32 $0x1;
	s6 =	sadd.s32 s6, s9;
	(pc) =	sbr.rel .LBB1_1-.Ltmp0, $4  }
0xb: {  	s4 =	rddreg [dreg:$0x2];
	_ =	strace $0x80000047;
	s7 =	smul.u32 s6, s7  }
0xc: {  	s15 =	simm.s32 $0x0;
	s14 =	smov.u32 s3;
	[sflag:s5] =	ssyncpa.u1 $0x0  }
0xd: {  	s12 =	smov.u32 s1;
	[sflag:s31] =	ssyncpa.u1 $0x0;
	s7 =	sshll.u32 s7, $0x2  }
0xe: {  	s6 =	sadd.s32 $0x1C00, s8;
	s8 =	sadd.s32 $0x3C00, s8;
	s9 =	sor.u32 $0x1, s7  }
.LBB1_7:
0xf: {  	s20 =	sadd.s32 $0x80, s11  }
0x10: {  	s16 =	sadd.s32 $0x20, s12;
	s21 =	smov.u32 s12;
	p1 =	sgt.s32 s20, $0x1FF  }
0x11: {  	s21 =	smov.u32 @p1 s16  }
0x12: {  	s22 =	smov.u32 s13;
	s16 =	sadd.s32 $0x40, s13;
	p2 =	sgt.s32 s21, $0x1FF  }
0x13: {  	s22 =	smov.u32 @p2 s16  }
0x14: {  	s23 =	smov.u32 s14;
	s16 =	sadd.s32 $0x2, s14;
	p3 =	sgt.s32 s22, $0x3F  }
0x15: {  	s23 =	smov.u32 @p3 s16  }
0x16: {  	p0 =	slt.u32 s15, $0x2;
	s20 =	simm.s32 @p1 $0x0;
	p1 =	sgt.s32 s23, $0x1  }
0x17: {  	s24 =	simm.s32 @!p0 $0x2;
	s23 =	smov.u32 @p1 s3;
	p1 =	sne.s32 s15, s9  }
.Ltmp1:
0x18: {  	s18 =	smov.u32 s11;
	_ =	swait.ge @!p0 [sflag:s24], $0x4000;
	(pc) =	sbr.rel @!p1 .LBB1_8-.Ltmp1, $4  }
0x19: {  	s17 =	smov.u32 s12;
	s19 =	smov.u32 s14;
	[sflag:s24] =	ssyncset.done @!p0 $0x0  }
0x1a: {  	s11 =	smov.u32 s20;
	s21 =	smov.u32 @p2 s1;
	[sflag:s24] =	ssyncadd.s32 @!p0 $0xFFFFC000  }
0x1b: {  	s12 =	smov.u32 s21;
	s22 =	simm.s32 @p3 $0x0;
	s16 =	smov.u32 s13  }
0x1c: {  	s13 =	smov.u32 s22;
	s15 =	sadd.s32 $0x1, s15;
	s14 =	smov.u32 s23  }
.LBB1_1:
0x1d: {  	p0 =	sge.u32 s15, s7;
	s31 =	sadd.s32 $0xFFFFFFFF, s15  }
0x1e: {  	s20 =	sxor.u32 @!p0 $0xFFFFFFFF, s15;
	s21 =	sand.u32 @!p0 $0x78, s11;
	s22 =	sshll.u32 @!p0 s12, $0x9  }
0x1f: {  	s23 =	sshll.u32 @!p0 s11, $0x3;
	s24 =	sshll.u32 @!p0 s12, $0x7;
	s20 =	sshll.u32 @!p0 s20, $0xE  }
0x20: {  	s22 =	sand.u32 @!p0 $0x3F000, s22;
	s23 =	sand.u32 @!p0 $0x3FC00, s23;
	s20 =	sand.u32 @!p0 $0x4000, s20  }
0x21: {  	s22 =	sadd.s32 @!p0 s22, s23;
	s23 =	sand.u32 @!p0 $0x200, s24;
	s24 =	sand.u32 @!p0 $0x180, s24  }
0x22: {  	s22 =	sor.u32 @!p0 s23, s22;
	s21 =	sor.u32 @!p0 s21, s24;
	s23 =	sshll.u32 @!p0 s14, $0x15  }
0x23: {  	s24 =	sshll.u32 @!p0 s13, $0xF;
	s22 =	sshrl.u32 @!p0 s22, $0x3;
	s23 =	sadd.s32 @!p0 s2, s23  }
0x24: {  	s21 =	sshrl.u32 @!p0 s21, $0x3;
	s23 =	sadd.s32 @!p0 s24, s23;
	s24 =	sand.u32 @!p0 $0x7, s11  }
0x25: {  	s22 =	sand.u32 @!p0 $0x7FC0, s22;
	s21 =	sadd.s32 @!p0 s21, s23;
	s23 =	sshll.u32 @!p0 s24, $0x12  }
0x26: {  	s21 =	sadd.s32 @!p0 s22, s21;
	s22 =	sor.u32 @!p0 $0x100, s23;
	s23 =	simm.s32 @!p0 $0x40000  }
0x27: {  	[tilespmem:s20], [sflag:$0x1] =	stream.strided.gather @!p0 [hbm4b:s21+s22], $0x4000, s23, s22, $0x38;
	[tilespmem:$0x10200] =	vst v63  }
0x28: {  	p0 =	sge.u32 s31, s7  }
.Ltmp2:
0x29: {  	_ = 	snop;
	(pc) =	sbr.rel @p0 .LBB1_7-.Ltmp2, $1  }
0x2a: {  	_ =	sdelay $0x3  }
0x2b: {  	s21 =	sand.u32 $0x1, s15  }
0x2c: {  	s20 =	smul.u32 $0x10400, s21  }
0x2d: {  	_ =	swait.ge [sflag:s5], $0x4000  }
0x2e: {  	s23 =	simm.s32 $0x0;
	[sflag:s5] =	ssyncset.done $0x0;
	s20 =	sshrl.u32 s20, $0x2  }
0x2f: {  	s22 =	sshll.u32 s21, $0xE;
	[sflag:s5] =	ssyncadd.s32 $0xFFFFC000;
	s21 =	sor.u32 $0x8000, s20  }
.LBB1_3:
0x30: {  	s24 =	sshll.u32 s23, $0x8  }
0x31: {  	s24 =	sand.u32 $0x3FFFFF00, s24  }
0x32: {  	s24 =	sadd.s32 s24, s22  }
0x33: {  	v0 =	vmov s24;
	_ =	sdelay $0x1  }
0x34: {  	p0 =	por $0x1, $0x1;
	s24 =	simm.s32 $0x0  }
.LBB1_4:
0x35: {  	s25 =	sshll.u32 s24, $0x7  }
0x36: {  	s25 =	sand.u32 $0x3FFFFF80, s25  }
0x37: {  	s31 =	smul.u32 $0x8200, s24;
	v1 =	vld.idx.msk [tilespmem:v0+s25+$0x0 ss:$0x1], $0xffff  }
0x38: {  	v2 =	vld.idx.msk [tilespmem:v0+s25+$0x10 ss:$0x1], $0xffff  }
0x39: {  	s24 =	sshra.s32 s31, $0x2;
	v3 =	vld.idx.msk [tilespmem:v0+s25+$0x20 ss:$0x1], $0xffff  }
0x3a: {  	v4 =	vld.idx.msk [tilespmem:v0+s25+$0x30 ss:$0x1], $0xffff;
	s24 =	sadd.s32 s24, s21  }
0x3b: {  	v5 =	vld.idx.msk [tilespmem:v0+s25+$0x40 ss:$0x1], $0xffff;
	s24 =	sadd.s32 s23, s24  }
0x3c: {  	[tilespmem:s24+$0x0 ss:$0x41] =	vst.msk $0xffff, v1;
	v1 =	vld.idx.msk [tilespmem:v0+s25+$0x50 ss:$0x1], $0xffff  }
0x3d: {  	[tilespmem:s24+$0x410 ss:$0x41] =	vst.msk $0xffff, v2;
	v2 =	vld.idx.msk [tilespmem:v0+s25+$0x60 ss:$0x1], $0xffff  }
0x3e: {  	p1 =	por p0, p0;
	[tilespmem:s24+$0x820 ss:$0x41] =	vst.msk $0xffff, v3;
	v3 =	vld.idx.msk [tilespmem:v0+s25+$0x70 ss:$0x1], $0xffff  }
.Ltmp3:
0x3f: {  	[tilespmem:s24+$0xC30 ss:$0x41] =	vst.msk $0xffff, v4;
	(pc) =	sbr.rel @p1 .LBB1_4-.Ltmp3, $4  }
0x40: {  	[tilespmem:s24+$0x1040 ss:$0x41] =	vst.msk $0xffff, v5  }
0x41: {  	[tilespmem:s24+$0x1450 ss:$0x41] =	vst.msk $0xffff, v1  }
0x42: {  	[tilespmem:s24+$0x1860 ss:$0x41] =	vst.msk $0xffff, v2  }
0x43: {  	p0 =	por $0x0, $0x0;
	[tilespmem:s24+$0x1C70 ss:$0x41] =	vst.msk $0xffff, v3;
	s24 =	simm.s32 $0x1  }
0x44: {  	s23 =	sadd.s32 $0x1, s23  }
0x45: {  	p0 =	sne.s32 s23, $0x40  }
.Ltmp4:
0x46: {  	_ = 	snop;
	(pc) =	sbr.rel @p0 .LBB1_3-.Ltmp4, $1  }
0x47: {  	_ =	sdelay $0x3  }
0x48: {  	s18 =	sshll.u32 s18, $0x7;
	s22 =	sshll.u32 s16, $0x3;
	s19 =	sshll.u32 s19, $0x16  }
0x49: {  	s17 =	sshll.u32 s17, $0xD;
	s28 =	sshrl.u32 s16, $0x3;
	s30 =	sand.u32 $0x7, s16  }
0x4a: {  	s23 =	sand.u32 $0xFC00, s18;
	s22 =	sand.u32 $0xFC00, s22;
	s18 =	sand.u32 $0x380, s18  }
0x4b: {  	s29 =	sadd.s32 s19, s17;
	s16 =	sshll.u32 s30, $0x12;
	s22 =	sadd.s32 s22, s23  }
0x4c: {  	s19 =	sadd.s32 s19, s8;
	s23 =	sadd.s32 s6, s29;
	s18 =	sor.u32 s18, s22  }
0x4d: {  	s17 =	sadd.s32 s17, s19;
	s22 =	sand.u32 $0xF, s28;
	s18 =	sshrl.u32 s18, $0x3  }
.Ltmp5:
0x4e: {  	s23 =	sadd.s32 s22, s23;
	s18 =	sand.u32 $0x1FF0, s18;
	(pc) =	sbr.rel .LBB1_7-.Ltmp5, $4  }
0x4f: {  	s16 =	sor.u32 $0x40, s16;
	s17 =	sadd.s32 s22, s17;
	s23 =	sadd.s32 s18, s23  }
0x50: {  	[hbm4b:s23+s16] =	stream.strided.scatter [tilespmem:s21], [sflag:$0x2], $0x2000, s10, s16, $0x18;
	[tilespmem:$0x10200] =	vst v63  }
0x51: {  	s31 =	sadd.s32 $0xA080, s20;
	s17 =	sadd.s32 s18, s17  }
0x52: {  	[hbm4b:s17+s16] =	stream.strided.scatter [tilespmem:s31], [sflag:$0x2], $0x2000, s10, s16, $0x18;
	[tilespmem:$0x10200] =	vst v63  }
.LBB1_8:
0x53: {  	_ =	sfence.sel $0x180000  }
0x54: {  	s1 =	simm.s32 $0x1;
	[bflag:$0x0] =	sbarrier.arrive $0xFFFF  }
0x55: {  	s31 =	simm.s32 $0x2;
	[sflag:s1] =	ssyncpa.u1 $0x1  }
0x56: {  	[sflag:s31] =	ssyncpa.u1 $0x1  }
0x57: {  	p0 =	sne.s32 s0, $0x0;
	_ =	strace $0x90000047  }
0x58: {  	s0 =	sadd.s32 @!p0 $0x100000, s4;
	[bflag:$0x2] =	sbarrier.arrive $0xFFFF  }
0x59: {  	[sflag:s0] =	ssyncadd.tile.s32 @!p0 $0x1;
	_ =	shalt  }
.Lfunc_end1:
_tile_overlayer_lowered:
.L_overlay_start_2:
0x5a: {  	(tag) =	ssettag $0x2  }
0x5b: {  	s0 =	rddreg [dreg:$0x0];
	s2 =	stileid.u32  }
0x5c: {  	s1 =	rddreg [dreg:$0x1];
	p0 =	sne.s32 s2, $0x0  }
0x5d: {  	s3 =	rddreg [dreg:$0x2];
	[bflag:$0x3] =	sbarrier.arrive $0xFFFF;
	s2 =	simm.s32 @!p0 $0x1C01  }
0x5e: {  	[timem:s3], [sflag:s2] =	dma.local @!p0 [hbm:s0], s1  }
0x5f: {  	s0 =	simm.s32 @!p0 $0x1  }
0x60: {  	_ =	swait.ge @!p0 [sflag:s0], s1  }
0x61: {  	s1 =	ssub.s32 @!p0 $0x0, s1;
	[sflag:s0] =	ssyncset.done @!p0 $0x0  }
0x62: {  	[sflag:s0] =	ssyncadd.s32 @!p0 s1  }
0x63: {  	[bflag:$0x3] =	sbarrier.arrive $0xFFFF  }
0x64: {  	_ =	shalt  }

// kernel: sparse-core-data-format-call.cloned.1.call-start
scs
called_computation_lowered:
.L_overlay_start_0:
0x0: {  	s2 =	sld [smem:$0x3FD9]  }
0x1: {  	s3 =	sld [smem:$0x3FFE];
	_ =	sdelay $0x1  }
0x2: {  	s1 =	srdreg.scid  }
0x3: {  	s0 =	sand.u32 $0x1, s1  }
0x4: {  	s18 =	sshll.u32 s0, $0xA;
	s2 =	sadd.s32 s3, s2  }
0x5: {  	s2 =	sadd.s32 s2, s18  }
0x6: {  	[smem:$0x3FC6] =	sst s2  }
0x7: {  	_ = 	snop  }
0x8: {  	s2 =	sld [smem:$0x3FD0];
	(tm) =	ssettm $0x1  }
0x9: {  	s19 =	sld [smem:$0x3FFB];
	_ =	sdelay $0x3  }
0xa: {  	_ =	strace s19  }
0xb: {  	s3 =	sld [smem:$0x3FFC];
	_ =	sdelay $0x3  }
0xc: {  	_ =	strace s3  }
0xd: {  	s3 =	sld [smem:$0x3FFD];
	_ =	sdelay $0x3  }
0xe: {  	_ =	strace s3  }
0xf: {  	_ =	strace $0x8FFFFFFF  }
0x10: {  	s20 =	sld [smem:$0x3FDB];
	_ =	sdelay $0x1  }
0x11: {  	s4 =	simm.s32 $_scs_section_size  }
0x12: {  	s5 =	simm.s32 $_size__tile_overlayer_lowered;
	s6 =	simm.s32 $_tile_overlayer_lowered  }
0x13: {  	s23 =	simm.s32 $0x1BFF;
	s22 =	sshll.u32 s6, $0x1;
	s3 =	sadd.s32 s4, s20  }
0x14: {  	s7 =	simm.s32 $0x0;
	s21 =	sshll.u32 s5, $0x1;
	s5 =	sadd.s32 s22, s3  }
0x15: {  	[timem:s7], [sflag:s23] =	dma.local [hbm:s5], s21  }
0x16: {  	_ =	swait.ge [sflag:s23], s21  }
0x17: {  	s4 =	ssub.s32 $0x0, s21;
	[sflag:s23] =	ssyncset.done $0x0  }
0x18: {  	[sflag:s23] =	ssyncadd.s32 s4;
	_ =	sdelay $0x1  }
0x19: {  	s24 =	simm.s32 $0x1B8B  }
0x1a: {  	_ =	swait.ge [sflag:s24], $0x1  }
0x1b: {  	[sflag:s24] =	ssyncset.done $0x0  }
0x1c: {  	s26 =	simm.s32 $0x1B8E;
	s25 =	sld [smem:$0x3FFE];
	[sflag:s24] =	ssyncadd.s32 $0xFFFFFFFF  }
0x1d: {  	s27 =	simm.s32 $execute0_lowered;
	[smem:$0x3FD2] =	sst s26  }
0x1e: {  	s5 =	sshll.u32 s27, $0x1;
	_ =	strace $0x8000004F;
	[dreg:$0x1] =	wrdreg $0xFFFFFFFF  }
0x1f: {  	s28 =	simm.s32 $_size_execute0_lowered;
	s3 =	sadd.s32 s3, s5;
	[dreg:$0x0] =	wrdreg $0x0  }
0x20: {  	s5 =	sshll.u32 s28, $0x1;
	[dreg:$0x2] =	wrdreg s3  }
0x21: {  	[dreg:$0x3] =	wrdreg s5  }
0x22: {  	[dreg:$0x4] =	wrdreg $0xC0  }
0x23: {  	_ =	task [dreg:s7], $0x5FFFF  }
0x24: {  	[dreg:$0x1] =	wrdreg $0xFFFFFFFF  }
0x25: {  	[dreg:$0x0] =	wrdreg $0x60  }
0x26: {  	[dreg:$0x2] =	wrdreg s25  }
0x27: {  	[dreg:$0x3] =	wrdreg s2  }
0x28: {  	[dreg:$0x4] =	wrdreg $0x9  }
0x29: {  	_ =	task.clear_ibuf [dreg:s7], $0x5FFFF;
	_ =	strace $0x9000004F  }
0x2a: {  	s29 =	simm.s32 $0x9;
	_ =	strace $0x80000051  }
0x2b: {  	_ =	swait.ge [sflag:s29], $0x1  }
0x2c: {  	[sflag:s29] =	ssyncadd.s32 $0xFFFFFFFF  }
0x2d: {  	_ =	strace $0x90000051  }
0x2e: {  	_ =	sfence  }
0x2f: {  	s30 =	sld [smem:$0x0];
	_ =	sdelay $0x2  }
0x30: {  	s31 =	sshll.u32 s1, $0xD;
	s1 =	sshrl.u32 s1, $0x2  }
0x31: {  	s3 =	sand.u32 $0x4000, s31;
	s1 =	sadd.s32 s1, s30  }
0x32: {  	s0 =	sor.u32 s3, s0;
	s1 =	sshll.u32 s1, $0x11  }
0x33: {  	s0 =	sor.u32 s1, s0  }
0x34: {  	s0 =	sadd.s32 $0x8F2B, s0  }
0x35: {  	[sflag:s0] =	ssyncadd.remote.s32 $0x1  }
0x36: {  	_ =	sfence.sel $0xFFFF  }
0x37: {  	[dreg:$0x0] =	wrdreg $0xFFFFFFFF;
	(pc) =	sbr.abs _section_cstart, $3  }
0x38: {  	[dreg:$0x1] =	wrdreg $0xFFFFFFFF  }
0x39: {  	_ =	task.clear_ibuf [dreg:s7], $0x2FFFF;
	_ =	strace $0x9FFFFFFF  }
0x3a: {  	(tm) =	ssettm $0x7FFFFFFF  }
0x3b: {  	_ =	shalt  }
tec
execute0_lowered:
.L_overlay_start_1:
0x0: {  	(tag) =	ssettag $0x1  }
0x1: {  	s1 =	srdreg.scid;
	s8 =	rddreg [dreg:$0x0]  }
0x2: {  	s0 =	stileid.u32;
	s4 =	rddreg [dreg:$0x1]  }
0x3: {  	s31 =	simm.s32 $0x2;
	s15 =	simm.s32 $0x0;
	s1 =	sshll.u32 s1, $0x4  }
0x4: {  	s10 =	simm.s32 $0x4000;
	s16 =	simm.s32 $0x0;
	s1 =	sor.u32 s0, s1  }
0x5: {  	s17 =	simm.s32 $0x0;
	s2 =	sand.u32 $0x1, s0;
	s1 =	sand.u32 $0x1E, s1  }
0x6: {  	s11 =	simm.s32 $0x0;
	s5 =	ssub.s32 $0x2, s2;
	s3 =	ssub.s32 $0x40, s1  }
0x7: {  	s14 =	simm.s32 $0x0;
	s7 =	sshrl.u32 s5, $0x1;
	s6 =	sand.u32 $0x1E, s3  }
0x8: {  	s5 =	sand.u32 $0x1, s5;
	p0 =	sne.s32 s6, $0x0;
	s6 =	simm.s32 $0x1  }
0x9: {  	s7 =	sadd.s32 s5, s7;
	s9 =	sshrl.u32 s3, $0x5;
	s6 =	simm.s32 @!p0 $0x0  }
.Ltmp0:
0xa: {  	s5 =	simm.s32 $0x1;
	s6 =	sadd.s32 s6, s9;
	(pc) =	sbr.rel .LBB1_1-.Ltmp0, $4  }
0xb: {  	s3 =	rddreg [dreg:$0x2];
	_ =	strace $0x80000050;
	s7 =	smul.u32 s6, s7  }
0xc: {  	s13 =	smov.u32 s2;
	s12 =	smov.u32 s1;
	[sflag:s5] =	ssyncpa.u1 $0x0  }
0xd: {  	[sflag:s31] =	ssyncpa.u1 $0x0;
	p0 =	por $0x0, $0x0;
	s7 =	sshll.u32 s7, $0x4  }
0xe: {  	s6 =	sadd.s32 $0x1201C00, s8;
	s8 =	sadd.s32 $0x1209C00, s8;
	s9 =	sor.u32 $0x1, s7  }
.LBB1_7:
0xf: {  	s18 =	sadd.s32 $0x80, s11  }
0x10: {  	s15 =	sadd.s32 $0x20, s12;
	s19 =	smov.u32 s12;
	p2 =	sgt.s32 s18, $0x7FF  }
0x11: {  	s19 =	smov.u32 @p2 s15  }
0x12: {  	s21 =	smov.u32 s13;
	s15 =	sadd.s32 $0x2, s13;
	p3 =	sgt.s32 s19, $0x3F  }
0x13: {  	s21 =	smov.u32 @p3 s15  }
0x14: {  	s18 =	simm.s32 @p2 $0x0;
	p2 =	sgt.s32 s21, $0x1  }
0x15: {  	p1 =	slt.u32 s14, $0x2;
	s21 =	smov.u32 @p2 s2;
	p2 =	sne.s32 s14, s9  }
.Ltmp1:
0x16: {  	s20 =	simm.s32 @!p1 $0x2;
	(pc) =	sbr.rel @!p2 .LBB1_8-.Ltmp1, $4  }
0x17: {  	s16 =	smov.u32 s12;
	s17 =	smov.u32 s13;
	_ =	swait.ge @!p1 [sflag:s20], $0x4000  }
0x18: {  	p0 =	por !p0, !p0;
	[sflag:s20] =	ssyncset.done @!p1 $0x0;
	s19 =	smov.u32 @p3 s1  }
0x19: {  	s15 =	smov.u32 s11;
	[sflag:s20] =	ssyncadd.s32 @!p1 $0xFFFFC000;
	s11 =	smov.u32 s18  }
0x1a: {  	s12 =	smov.u32 s19;
	s14 =	sadd.s32 $0x1, s14;
	s13 =	smov.u32 s21  }
.LBB1_1:
0x1b: {  	p1 =	sge.u32 s14, s7  }
0x1c: {  	s18 =	sxor.u32 @!p1 $0xFFFFFFFF, s14;
	s19 =	sshll.u32 @!p1 s13, $0x15  }
0x1d: {  	s20 =	sshll.u32 @!p1 s12, $0xF;
	s22 =	sshll.u32 @!p1 s11, $0x4;
	s23 =	simm.s32 @!p1 $0x40  }
0x1e: {  	s24 =	simm.s32 @!p1 $0x80;
	s18 =	sshll.u32 @!p1 s18, $0xE;
	s21 =	sadd.s32 @!p1 s19, s20  }
0x1f: {  	s22 =	sand.u32 @!p1 $0x7FF0, s22;
	s19 =	sadd.s32 @!p1 s19, s8;
	s21 =	sadd.s32 @!p1 s6, s21  }
0x20: {  	s18 =	sand.u32 @!p1 $0x4000, s18;
	s19 =	sadd.s32 @!p1 s20, s19;
	s21 =	sadd.s32 @!p1 s22, s21  }
0x21: {  	[tilespmem:s18], [sflag:$0x1] =	stream.strided.gather @!p1 [hbm4b:s21+s23], $0x2000, s24, s23, $0x38;
	[tilespmem:$0x10100] =	vst v63  }
0x22: {  	s31 =	sadd.s32 $0xFFFFFFFF, s14;
	s19 =	sadd.s32 @!p1 s22, s19;
	s18 =	sor.u32 @!p1 $0x2000, s18  }
0x23: {  	[tilespmem:s18], [sflag:$0x1] =	stream.strided.gather @!p1 [hbm4b:s19+s23], $0x2000, s24, s23, $0x38;
	[tilespmem:$0x10100] =	vst v63  }
0x24: {  	p1 =	sge.u32 s31, s7  }
.Ltmp2:
0x25: {  	_ = 	snop;
	(pc) =	sbr.rel @p1 .LBB1_7-.Ltmp2, $1  }
0x26: {  	_ =	sdelay $0x3  }
0x27: {  	s18 =	simm.s32 $0x1;
	s20 =	sand.u32 $0x1, s14  }
0x28: {  	_ =	swait.ge [sflag:s5], $0x4000;
	s18 =	simm.s32 @!p0 $0x0;
	s20 =	smul.u32 $0x10200, s20  }
0x29: {  	p2 =	por $0x1, $0x1;
	[sflag:s5] =	ssyncset.done $0x0;
	s19 =	smul.u32 $0x10200, s18  }
0x2a: {  	s21 =	sshll.u32 s18, $0x10;
	[sflag:s5] =	ssyncadd.s32 $0xFFFFC000;
	s30 =	sshrl.u32 s20, $0x2  }
0x2b: {  	s31 =	sshrl.u32 s21, $0x2;
	s21 =	simm.s32 $0x0;
	s19 =	sshrl.u32 s19, $0x2  }
0x2c: {  	s18 =	sor.u32 $0x8000, s30;
	s20 =	sadd.s32 $0x20, s31;
	s19 =	sor.u32 $0x8000, s19  }
.LBB1_3:
0x2d: {  	s22 =	sshll.u32 s21, $0xD  }
0x2e: {  	s22 =	sand.u32 $0x3FFFE000, s22  }
0x2f: {  	s24 =	sadd.s32 s22, s20  }
0x30: {  	s31 =	smul.u32 $0x8100, s21;
	v3 =	vld [tilespmem:s24+$0x10]  }
0x31: {  	v1 =	vld [tilespmem:s24+$0xFFFFFFF0]  }
0x32: {  	s21 =	sshra.s32 s31, $0x2;
	v0 =	vld [tilespmem:s24+$0x0]  }
0x33: {  	s21 =	sadd.s32 s21, s19;
	v2 =	vld [tilespmem:s24+$0xFFFFFFE0]  }
0x34: {  	s22 =	sadd.s32 $0x0, s21  }
0x35: {  	p1 =	por p2, p2;
	s23 =	simm.s32 $0x4;
	s24 =	sadd.s32 $0x40, s24;
	[tilespmem:s22+$0x1830 ss:$0x81] =	vst.msk $0xffff, v3  }
.LBB1_4:
0x36: {  	v3 =	vld [tilespmem:s24+$0x10];
	p2 =	sne.s32 s23, $0x1FC;
	[tilespmem:s22+$0x810 ss:$0x81] =	vst.msk $0xffff, v1;
	s25 =	smov.u32 s23;
	s23 =	sadd.s32 $0x4, s23  }
.Ltmp3:
0x37: {  	v1 =	vld [tilespmem:s24+$0xFFFFFFF0];
	[tilespmem:s22+$0x1020 ss:$0x81] =	vst.msk $0xffff, v0;
	(pc) =	sbr.rel @p2 .LBB1_4-.Ltmp3, $4  }
0x38: {  	v0 =	vld [tilespmem:s24+$0x0];
	[tilespmem:s22+$0x0 ss:$0x81] =	vst.msk $0xffff, v2  }
0x39: {  	s22 =	sshra.s32 s25, $0x2;
	v2 =	vld [tilespmem:s24+$0xFFFFFFE0]  }
0x3a: {  	s22 =	sadd.s32 s22, s21  }
0x3b: {  	s24 =	sadd.s32 $0x40, s24;
	[tilespmem:s22+$0x1830 ss:$0x81] =	vst.msk $0xffff, v3  }
.Ltmp4:
0x3c: {  	(pc) =	sbr.rel @p1 .LBB1_3-.Ltmp4, $4  }
0x3d: {  	_ = 	snop  }
0x3e: {  	[tilespmem:s22+$0x810 ss:$0x81] =	vst.msk $0xffff, v1  }
0x3f: {  	[tilespmem:s22+$0x1020 ss:$0x81] =	vst.msk $0xffff, v0  }
0x40: {  	s21 =	simm.s32 $0x1;
	p2 =	por $0x0, $0x0;
	[tilespmem:s22+$0x0 ss:$0x81] =	vst.msk $0xffff, v2  }
0x41: {  	s19 =	sshll.u32 s15, $0x3;
	s20 =	sand.u32 $0x78, s15  }
0x42: {  	s17 =	sshll.u32 s17, $0x14;
	s16 =	sshll.u32 s16, $0xE;
	s29 =	sand.u32 $0x3F00, s15  }
.Ltmp5:
0x43: {  	s19 =	sand.u32 $0x400, s19;
	s17 =	sadd.s32 s4, s17;
	(pc) =	sbr.rel .LBB1_7-.Ltmp5, $4  }
0x44: {  	s30 =	sand.u32 $0x7, s15;
	s19 =	sor.u32 s20, s19;
	s16 =	sadd.s32 s16, s17  }
0x45: {  	s15 =	sshll.u32 s30, $0x12;
	s31 =	sshrl.u32 s19, $0x3;
	s16 =	sadd.s32 s29, s16  }
0x46: {  	s15 =	sor.u32 $0x400, s15;
	s16 =	sadd.s32 s31, s16  }
0x47: {  	[hbm4b:s16+s15] =	stream.strided.scatter [tilespmem:s18], [sflag:$0x2], $0x4000, s10, s15, $0x20;
	[tilespmem:$0x10100] =	vst v63  }
.LBB1_8:
0x48: {  	_ =	sfence.sel $0x180000  }
0x49: {  	s1 =	simm.s32 $0x1;
	[bflag:$0x0] =	sbarrier.arrive $0xFFFF  }
0x4a: {  	s31 =	simm.s32 $0x2;
	[sflag:s1] =	ssyncpa.u1 $0x1  }
0x4b: {  	[sflag:s31] =	ssyncpa.u1 $0x1  }
0x4c: {  	p0 =	sne.s32 s0, $0x0;
	_ =	strace $0x90000050  }
0x4d: {  	s0 =	sadd.s32 @!p0 $0x100000, s3;
	[bflag:$0x2] =	sbarrier.arrive $0xFFFF  }
0x4e: {  	[sflag:s0] =	ssyncadd.tile.s32 @!p0 $0x1;
	_ =	shalt  }
.Lfunc_end1:
_tile_overlayer_lowered:
.L_overlay_start_2:
0x4f: {  	(tag) =	ssettag $0x2  }
0x50: {  	s0 =	rddreg [dreg:$0x0];
	s2 =	stileid.u32  }
0x51: {  	s1 =	rddreg [dreg:$0x1];
	p0 =	sne.s32 s2, $0x0  }
0x52: {  	s3 =	rddreg [dreg:$0x2];
	[bflag:$0x3] =	sbarrier.arrive $0xFFFF;
	s2 =	simm.s32 @!p0 $0x1C01  }
0x53: {  	[timem:s3], [sflag:s2] =	dma.local @!p0 [hbm:s0], s1  }
0x54: {  	s0 =	simm.s32 @!p0 $0x1  }
0x55: {  	_ =	swait.ge @!p0 [sflag:s0], s1  }
0x56: {  	s1 =	ssub.s32 @!p0 $0x0, s1;
	[sflag:s0] =	ssyncset.done @!p0 $0x0  }
0x57: {  	[sflag:s0] =	ssyncadd.s32 @!p0 s1  }
0x58: {  	[bflag:$0x3] =	sbarrier.arrive $0xFFFF  }
0x59: {  	_ =	shalt  }

</sc_bundles>
